<compile_context>
chip_gen: v7x
topology: tpu7x:2x2x1
jax: 0.10.2.dev20260603
libtpu: 0.0.44.dev20260713+nightly
codegen_flags: <defaults>
</compile_context>

<pallas_src>
import functools

import jax
import jax.numpy as jnp
from jax import lax
from jax.experimental import pallas as pl
from jax.experimental.pallas import tpu as pltpu
from jax.experimental.pallas import tpu_sc as plsc

N = 10000
E = 320000
D_IN = 128
DH = 16
NC = 2
NS = 16
NW = NC * NS
CHUNK = 128
CH_T = 80
EP = NW * CH_T * CHUNK
NACC = 10112
ZR = NACC // NS
NB = 8
HW = 16
PR = NACC // 8
CA = 80
CB = 80
CHMAX = max(CA, CB)

_MESH = plsc.VectorSubcoreMesh(core_axis_name="c", subcore_axis_name="s")
_SC_PARAMS = pltpu.CompilerParams(use_tc_tiling_on_sc=False)


HCH = E // CHUNK
HA = 78
HB0 = 79
HB1 = 78


def _sc_hist(dst2d):

    @functools.partial(
        pl.kernel,
        out_type=jax.ShapeDtypeStruct((NC * NACC, HW), jnp.float32),
        mesh=_MESH,
        compiler_params=_SC_PARAMS,
        scratch_types=[
            pltpu.VMEM((CHMAX, CHUNK), jnp.int32),
            pltpu.VMEM((CHUNK, HW), jnp.float32),
            pltpu.VMEM((ZR, HW), jnp.float32),
            pltpu.VMEM_SHARED((NACC, HW), jnp.float32),
            pltpu.SemaphoreType.DMA,
        ],
    )
    def k(dst_hbm, out_hbm, dstv, ones_v, zbuf, acc, hsem):
        cid = lax.axis_index("c")
        sid = lax.axis_index("s")

        @pl.loop(0, ZR)
        def _(i):
            zbuf.at[pl.ds(i, 1), pl.ds(0, HW)][...] = jnp.zeros((1, HW), jnp.float32)

        @pl.loop(0, CHUNK)
        def _(i):
            ones_v.at[pl.ds(i, 1), pl.ds(0, HW)][...] = jnp.ones((1, HW), jnp.float32)

        pltpu.sync_copy(zbuf, acc.at[pl.ds(sid * ZR, ZR)])
        plsc.subcore_barrier()

        def run(cnt, base):
            pltpu.sync_copy(dst_hbm.at[1, pl.ds(base, cnt)], dstv.at[pl.ds(0, cnt)])

            @pl.loop(0, cnt)
            def _(j):
                pltpu.async_copy(ones_v, acc.at[dstv.at[j]], hsem, add=True)

            @pl.loop(0, cnt)
            def _(j):
                pltpu.make_async_copy(ones_v, acc.at[dstv.at[j]], hsem).wait()

        @pl.when(cid == 0)
        def _():
            run(HA, sid * HA)

        @pl.when(jnp.logical_and(cid == 1, sid < 4))
        def _():
            run(HB0, NS * HA + sid * HB0)

        @pl.when(jnp.logical_and(cid == 1, sid >= 4))
        def _():
            run(HB1, NS * HA + 4 * HB0 + (sid - 4) * HB1)

        plsc.subcore_barrier()
        pltpu.sync_copy(
            acc.at[pl.ds(sid * ZR, ZR)],
            out_hbm.at[pl.ds(cid * NACC + sid * ZR, ZR)],
        )

    return k(dst2d)


def _sc_agg(src2d, dst2d, y):

    @functools.partial(
        pl.kernel,
        out_type=jax.ShapeDtypeStruct((NC * NACC, DH), jnp.float32),
        mesh=_MESH,
        compiler_params=_SC_PARAMS,
        scratch_types=[
            pltpu.VMEM((CHMAX, CHUNK), jnp.int32),
            pltpu.VMEM((CHMAX, CHUNK), jnp.int32),
            [pltpu.VMEM((CHUNK, DH), jnp.float32)] * NB,
            pltpu.VMEM((ZR, DH), jnp.float32),
            pltpu.VMEM_SHARED((NACC, DH), jnp.float32),
            pltpu.VMEM_SHARED((NACC, DH), jnp.float32),
            [pltpu.SemaphoreType.DMA] * NB,
            [pltpu.SemaphoreType.DMA] * NB,
        ],
    )
    def k(src_hbm, dst_hbm, y_hbm, out_hbm, srcv, dstv, rows, zbuf, acc, ysh, gs, ss):
        cid = lax.axis_index("c")
        sid = lax.axis_index("s")

        @pl.loop(0, ZR)
        def _(i):
            zbuf.at[pl.ds(i, 1), pl.ds(0, DH)][...] = jnp.zeros((1, DH), jnp.float32)

        pltpu.sync_copy(zbuf, acc.at[pl.ds(sid * ZR, ZR)])
        pltpu.sync_copy(y_hbm.at[pl.ds(sid * ZR, ZR)], ysh.at[pl.ds(sid * ZR, ZR)])
        plsc.subcore_barrier()

        def run(cnt, base):
            pltpu.sync_copy(src_hbm.at[pl.ds(base, cnt)], srcv.at[pl.ds(0, cnt)])
            pltpu.sync_copy(dst_hbm.at[pl.ds(base, cnt)], dstv.at[pl.ds(0, cnt)])

            for b in range(NB):
                pltpu.async_copy(ysh.at[srcv.at[b]], rows[b], gs[b])

            @pl.loop(0, cnt - NB, step=NB)
            def _(j):
                for b in range(NB):
                    pltpu.make_async_copy(ysh.at[srcv.at[j + b]], rows[b], gs[b]).wait()
                    pltpu.async_copy(rows[b], acc.at[dstv.at[j + b]], ss[b], add=True)
                for b in range(NB):
                    pltpu.make_async_copy(rows[b], acc.at[dstv.at[j + b]], ss[b]).wait()
                    pltpu.async_copy(ysh.at[srcv.at[j + NB + b]], rows[b], gs[b])

            j0 = cnt - NB
            for b in range(NB):
                pltpu.make_async_copy(ysh.at[srcv.at[j0 + b]], rows[b], gs[b]).wait()
                pltpu.async_copy(rows[b], acc.at[dstv.at[j0 + b]], ss[b], add=True)
            for b in range(NB):
                pltpu.make_async_copy(rows[b], acc.at[dstv.at[j0 + b]], ss[b]).wait()

        @pl.when(cid == 0)
        def _():
            run(CA, sid * CA)

        @pl.when(cid == 1)
        def _():
            run(CB, NS * CA + sid * CB)

        plsc.subcore_barrier()
        pltpu.sync_copy(
            acc.at[pl.ds(sid * ZR, ZR)],
            out_hbm.at[pl.ds(cid * NACC + sid * ZR, ZR)],
        )

    return k(src2d, dst2d, y)


def _tc_xw(xp, W1):

    def body(x_ref, w_ref, o_ref):
        x3 = x_ref[...]
        w = w_ref[...]
        o_ref[...] = jnp.concatenate(
            [jnp.dot(x3[:, j, :], w, preferred_element_type=jnp.float32)
             for j in range(8)], axis=1)

    return pl.pallas_call(
        body,
        out_shape=jax.ShapeDtypeStruct((PR, 128), jnp.float32),
    )(xp.reshape(PR, 8, D_IN), W1)


def _tc_scale(histp, xw):

    def body(h_ref, x_ref, y_ref, d_ref):
        hp = h_ref[...]
        cnt = hp[:PR] + hp[PR:]
        dinv = lax.rsqrt(cnt + 1.0)
        y_ref[...] = x_ref[...] * dinv
        d_ref[...] = dinv

    return pl.pallas_call(
        body,
        out_shape=[
            jax.ShapeDtypeStruct((PR, 128), jnp.float32),
            jax.ShapeDtypeStruct((PR, 128), jnp.float32),
        ],
    )(histp, xw)


def _blockdiag(w):
    wt = jnp.tile(w, (8, 8))
    i = lax.broadcasted_iota(jnp.int32, (128, 128), 0) // DH
    j = lax.broadcasted_iota(jnp.int32, (128, 128), 1) // DH
    return jnp.where(i == j, wt, 0.0)


def _tc_mid(aggp, y1, dinv, W2, b1):

    def body(a_ref, y_ref, d_ref, w_ref, b_ref, o_ref):
        ap = a_ref[...]
        d = d_ref[...]
        z = (ap[:PR] + ap[PR:] + y_ref[...]) * d + jnp.tile(b_ref[...], (1, 8))
        h = jnp.maximum(z, 0.0)
        o_ref[...] = jnp.dot(h, _blockdiag(w_ref[...]),
                             preferred_element_type=jnp.float32) * d

    return pl.pallas_call(
        body,
        out_shape=jax.ShapeDtypeStruct((PR, 128), jnp.float32),
    )(aggp, y1, dinv, W2, b1)


def _tc_last(aggp, y2, dinv, b2):

    def body(a_ref, y_ref, d_ref, b_ref, o_ref):
        ap = a_ref[...]
        zp = (ap[:PR] + ap[PR:] + y_ref[...]) * d_ref[...] + jnp.tile(b_ref[...], (1, 8))
        m = jnp.max(zp, axis=1, keepdims=True)
        sp = zp - m
        e = jnp.exp(sp)
        i = lax.broadcasted_iota(jnp.int32, (128, 128), 0) // DH
        j = lax.broadcasted_iota(jnp.int32, (128, 128), 1) // DH
        ones_blk = jnp.where(i == j, 1.0, 0.0)
        gsum = jnp.dot(e, ones_blk, preferred_element_type=jnp.float32)
        o_ref[...] = sp - jnp.log(gsum)

    return pl.pallas_call(
        body,
        out_shape=jax.ShapeDtypeStruct((PR, 128), jnp.float32),
    )(aggp, y2, dinv, b2)


def kernel(x, edge_index, W1, b1, W2, b2):
    src = edge_index[0]
    dst = edge_index[1]
    pad = jnp.full((EP - E,), N, jnp.int32)
    src2d = jnp.concatenate([src, pad]).reshape(NW * CH_T, CHUNK)
    dst2d = jnp.concatenate([dst, pad]).reshape(NW * CH_T, CHUNK)
    xp = jnp.zeros((NACC, D_IN), jnp.float32).at[:N].set(x)

    histp = _sc_hist(edge_index.reshape(2, HCH, CHUNK)).reshape(NC * PR, 128)
    xw = _tc_xw(xp, W1)
    y1, dinv = _tc_scale(histp, xw)
    agg1 = _sc_agg(src2d, dst2d, y1.reshape(NACC, DH)).reshape(NC * PR, 128)
    y2 = _tc_mid(agg1, y1, dinv, W2, b1.reshape(1, DH))
    agg2 = _sc_agg(src2d, dst2d, y2.reshape(NACC, DH)).reshape(NC * PR, 128)
    out = _tc_last(agg2, y2, dinv, b2.reshape(1, DH))
    return out.reshape(NACC, DH)[:N]

# --- scband reference (transcript-rebuilt; emitter-appended) ---
"""Pipeline reference for scband-gcn-29618094473880 (READ-ONLY COPY).

The authoritative reference and input builder live on the scoring server;
editing this copy changes nothing except your own understanding.
"""

import jax, jax.numpy as jnp
import numpy as np

N = 10000
E = 320000
D_IN = 128
D_HID = 16
D_OUT = 16


def setup_inputs(seed: int = 0) -> dict:
    key = jax.random.key(seed)
    k1, k2, k3, k4 = jax.random.split(key, 4)
    x = jax.random.normal(k1, (N, D_IN), dtype=jnp.float32)
    edge_index = jax.random.randint(k2, (2, E), 0, N, dtype=jnp.int32)
    W1 = jax.random.normal(k3, (D_IN, D_HID), dtype=jnp.float32) * (1.0 / np.sqrt(D_IN))
    b1 = jnp.zeros((D_HID,), dtype=jnp.float32)
    W2 = jax.random.normal(k4, (D_HID, D_OUT), dtype=jnp.float32) * (1.0 / np.sqrt(D_HID))
    b2 = jnp.zeros((D_OUT,), dtype=jnp.float32)
    return {"x": x, "edge_index": edge_index, "W1": W1, "b1": b1, "W2": W2, "b2": b2}


def _gcn_conv(x, edge_index, W, b, n_nodes):
    # GCNConv: x' = D^{-1/2} (A + I) D^{-1/2} X W + b
    src = edge_index[0]
    dst = edge_index[1]
    self_loops = jnp.arange(n_nodes, dtype=src.dtype)
    src = jnp.concatenate([src, self_loops])
    dst = jnp.concatenate([dst, self_loops])
    ones = jnp.ones(dst.shape[0], dtype=x.dtype)
    deg = jax.ops.segment_sum(ones, dst, num_segments=n_nodes)
    deg_inv_sqrt = jnp.where(deg > 0, deg ** -0.5, 0.0)
    norm = deg_inv_sqrt[src] * deg_inv_sqrt[dst]
    xw = x @ W
    msgs = xw[src] * norm[:, None]
    out = jax.ops.segment_sum(msgs, dst, num_segments=n_nodes)
    return out + b


def reference(x, edge_index, W1, b1, W2, b2):
    h = _gcn_conv(x, edge_index, W1, b1, N)
    h = jax.nn.relu(h)
    # dropout treated as identity (inference mode; randomness is non-reproducible across frameworks)
    h = _gcn_conv(h, edge_index, W2, b2, N)
    return jax.nn.log_softmax(h, axis=1)

if __name__ == "__main__":
    import jax
    _d = setup_inputs()
    print(jax.jit(kernel)(*tuple(_d.values())))

</pallas_src>

<mosaic_0001>
#map = affine_map<(d0, d1) -> (0, 0, 0)>
#map1 = affine_map<(d0, d1) -> (0, 0)>
module attributes {stable_mosaic.version = 14 : i64} {
  func.func @k(%arg0: i32, %arg1: i32, %arg2: memref<2x2500x128xi32, #tpu.memory_space<hbm>>, %arg3: memref<20224x16xf32, #tpu.memory_space<hbm>>, %arg4: memref<80x128xi32, #tpu.memory_space<vmem>>, %arg5: memref<128x16xf32, #tpu.memory_space<vmem>>, %arg6: memref<632x16xf32, #tpu.memory_space<vmem>>, %arg7: memref<10112x16xf32, #tpu.memory_space<vmem_shared>>, %arg8: memref<!tpu.dma_semaphore, #tpu.memory_space<semaphore_mem>>) attributes {dimension_semantics = [#tpu.dimension_semantics<core_parallel>, #tpu.dimension_semantics<subcore_parallel>], iteration_bounds = array<i64: 2, 16>, scalar_prefetch = 0 : i64, scratch_operands = 5 : i64, tpu.core_type = #tpu.core_type<sc_vector_subcore>, window_params = [{transform_indices = #map}, {transform_indices = #map1}]} {
    %scan3A = arith.constant 0 : i32
    %scan3A_0 = arith.constant 632 : i32
    %scan3A_1 = arith.addi %scan3A, %scan3A_0 : i32
    %scan3A_2 = arith.constant 1 : i32
    scf.for %scan3A_32 = %scan3A to %scan3A_1 step %scan3A_2  : i32 {
      %mul3A_33 = arith.constant 1 : i32
      %mul3A_34 = arith.muli %scan3A_32, %mul3A_33 : i32
      %add3A_35 = arith.constant 0 : i32
      %add3A_36 = arith.addi %add3A_35, %mul3A_34 : i32
      %broadcast_in_dim3A = arith.constant 0.000000e+00 : f32
      %broadcast_in_dim3A_37 = vector.broadcast %broadcast_in_dim3A : f32 to vector<1x16xf32>
      %swap3A = arith.index_cast %add3A_36 : i32 to index
      %swap3A_38 = arith.constant 0 : index
      %swap3A_39 = tpu.vector_load %arg6[%swap3A, %swap3A_38] {strides = array<i32>} : memref<632x16xf32, #tpu.memory_space<vmem>>, vector<1x16xf32>,
      %swap3A_40 = vector.shape_cast %swap3A_39 : vector<1x16xf32> to vector<1x16xf32>
      %swap3A_41 = vector.shape_cast %broadcast_in_dim3A_37 : vector<1x16xf32> to vector<1x16xf32>
      tpu.vector_store %arg6[%swap3A, %swap3A_38], %swap3A_41 {strides = array<i32>} : memref<632x16xf32, #tpu.memory_space<vmem>>, vector<1x16xf32>,
    }
    %scan3A_3 = arith.constant 632 : i32
    %scan3A_4 = arith.constant 0 : i32
    %scan3A_5 = arith.constant 128 : i32
    %scan3A_6 = arith.addi %scan3A_4, %scan3A_5 : i32
    %scan3A_7 = arith.constant 1 : i32
    scf.for %scan3A_32 = %scan3A_4 to %scan3A_6 step %scan3A_7  : i32 {
      %mul3A_33 = arith.constant 1 : i32
      %mul3A_34 = arith.muli %scan3A_32, %mul3A_33 : i32
      %add3A_35 = arith.constant 0 : i32
      %add3A_36 = arith.addi %add3A_35, %mul3A_34 : i32
      %broadcast_in_dim3A = arith.constant 1.000000e+00 : f32
      %broadcast_in_dim3A_37 = vector.broadcast %broadcast_in_dim3A : f32 to vector<1x16xf32>
      %swap3A = arith.index_cast %add3A_36 : i32 to index
      %swap3A_38 = arith.constant 0 : index
      %swap3A_39 = tpu.vector_load %arg5[%swap3A, %swap3A_38] {strides = array<i32>} : memref<128x16xf32, #tpu.memory_space<vmem>>, vector<1x16xf32>,
      %swap3A_40 = vector.shape_cast %swap3A_39 : vector<1x16xf32> to vector<1x16xf32>
      %swap3A_41 = vector.shape_cast %broadcast_in_dim3A_37 : vector<1x16xf32> to vector<1x16xf32>
      tpu.vector_store %arg5[%swap3A, %swap3A_38], %swap3A_41 {strides = array<i32>} : memref<128x16xf32, #tpu.memory_space<vmem>>, vector<1x16xf32>,
    }
    %scan3A_8 = arith.constant 128 : i32
    %mul3A = arith.constant 632 : i32
    %mul3A_9 = arith.muli %arg1, %mul3A : i32
    "tpu.region"() ({
      %run_scoped3A = tpu.sem_alloc : memref<!tpu.dma_semaphore, #tpu.memory_space<semaphore_mem>>
      %dma_start3A = arith.constant 0 : i32
      %dma_start3A_32 = tpu.memref_slice %arg7[%mul3A_9, %dma_start3A] : memref<10112x16xf32, #tpu.memory_space<vmem_shared>> -> memref<632x16xf32, #tpu.memory_space<vmem_shared>>
      %dma_start3A_33 = arith.constant 0 : i32
      %dma_start3A_34 = tpu.memref_slice %arg7[%mul3A_9, %dma_start3A_33] : memref<10112x16xf32, #tpu.memory_space<vmem_shared>> -> memref<632x16xf32, #tpu.memory_space<vmem_shared>>
      tpu.enqueue_dma source(%arg6 : memref<632x16xf32, #tpu.memory_space<vmem>>) target(%dma_start3A_34 : memref<632x16xf32, #tpu.memory_space<vmem_shared>>) target_semaphore(%run_scoped3A : memref<!tpu.dma_semaphore, #tpu.memory_space<semaphore_mem>>)
      %dma_wait3A = arith.constant 0 : i32
      %dma_wait3A_35 = tpu.memref_slice %arg7[%mul3A_9, %dma_wait3A] : memref<10112x16xf32, #tpu.memory_space<vmem_shared>> -> memref<632x16xf32, #tpu.memory_space<vmem_shared>>
      %dma_wait3A_36 = arith.constant 0 : i32
      %dma_wait3A_37 = tpu.memref_slice %arg7[%mul3A_9, %dma_wait3A_36] : memref<10112x16xf32, #tpu.memory_space<vmem_shared>> -> memref<632x16xf32, #tpu.memory_space<vmem_shared>>
      tpu.wait_dma2 semaphore(%run_scoped3A : memref<!tpu.dma_semaphore, #tpu.memory_space<semaphore_mem>>) src(%arg6 : memref<632x16xf32, #tpu.memory_space<vmem>>) dst(%dma_wait3A_37 : memref<632x16xf32, #tpu.memory_space<vmem_shared>>)
      tpu.yield
    }) : () -> ()
    %barrier3A = arith.constant 0 : index
    tpu.barrier barrier_id(%barrier3A)
    %eq3A = arith.constant 0 : i32
    %eq3A_10 = arith.cmpi eq, %arg0, %eq3A : i32
    %convert_element_type3A = arith.extui %eq3A_10 : i1 to i32
    %cond3A = arith.constant 0 : i32
    %cond3A_11 = arith.cmpi ne, %convert_element_type3A, %cond3A : i32
    scf.if %cond3A_11 {
      %mul3A_32 = arith.constant 78 : i32
      %mul3A_33 = arith.muli %arg1, %mul3A_32 : i32
      %run_scoped3A = arith.constant 1 : i32
      "tpu.region"() ({
        %run_scoped3A_44 = tpu.sem_alloc : memref<!tpu.dma_semaphore, #tpu.memory_space<semaphore_mem>>
        %dma_start3A = arith.constant 0 : i32
        %dma_start3A_45 = arith.constant 0 : i32
        %dma_start3A_46 = tpu.memref_slice %arg4[%dma_start3A, %dma_start3A_45] : memref<80x128xi32, #tpu.memory_space<vmem>> -> memref<78x128xi32, #tpu.memory_space<vmem>>
        %dma_start3A_47 = arith.constant 0 : i32
        %dma_start3A_48 = tpu.memref_slice %arg2[%run_scoped3A, %mul3A_33, %dma_start3A_47] : memref<2x2500x128xi32, #tpu.memory_space<hbm>> -> memref<1x78x128xi32, #tpu.memory_space<hbm>>
        %dma_start3A_49 = tpu.memref_squeeze %dma_start3A_48 : memref<1x78x128xi32, #tpu.memory_space<hbm>> -> memref<78x128xi32, #tpu.memory_space<hbm>>
        %dma_start3A_50 = arith.constant 0 : i32
        %dma_start3A_51 = arith.constant 0 : i32
        %dma_start3A_52 = tpu.memref_slice %arg4[%dma_start3A_50, %dma_start3A_51] : memref<80x128xi32, #tpu.memory_space<vmem>> -> memref<78x128xi32, #tpu.memory_space<vmem>>
        %dma_start3A_53 = arith.constant 0 : i32
        %dma_start3A_54 = tpu.memref_slice %arg2[%run_scoped3A, %mul3A_33, %dma_start3A_53] : memref<2x2500x128xi32, #tpu.memory_space<hbm>> -> memref<1x78x128xi32, #tpu.memory_space<hbm>>
        %dma_start3A_55 = tpu.memref_squeeze %dma_start3A_54 : memref<1x78x128xi32, #tpu.memory_space<hbm>> -> memref<78x128xi32, #tpu.memory_space<hbm>>
        tpu.enqueue_dma source(%dma_start3A_55 : memref<78x128xi32, #tpu.memory_space<hbm>>) target(%dma_start3A_52 : memref<78x128xi32, #tpu.memory_space<vmem>>) target_semaphore(%run_scoped3A_44 : memref<!tpu.dma_semaphore, #tpu.memory_space<semaphore_mem>>)
        %dma_wait3A = arith.constant 0 : i32
        %dma_wait3A_56 = arith.constant 0 : i32
        %dma_wait3A_57 = tpu.memref_slice %arg4[%dma_wait3A, %dma_wait3A_56] : memref<80x128xi32, #tpu.memory_space<vmem>> -> memref<78x128xi32, #tpu.memory_space<vmem>>
        %dma_wait3A_58 = arith.constant 0 : i32
        %dma_wait3A_59 = tpu.memref_slice %arg2[%run_scoped3A, %mul3A_33, %dma_wait3A_58] : memref<2x2500x128xi32, #tpu.memory_space<hbm>> -> memref<1x78x128xi32, #tpu.memory_space<hbm>>
        %dma_wait3A_60 = tpu.memref_squeeze %dma_wait3A_59 : memref<1x78x128xi32, #tpu.memory_space<hbm>> -> memref<78x128xi32, #tpu.memory_space<hbm>>
        %dma_wait3A_61 = arith.constant 0 : i32
        %dma_wait3A_62 = arith.constant 0 : i32
        %dma_wait3A_63 = tpu.memref_slice %arg4[%dma_wait3A_61, %dma_wait3A_62] : memref<80x128xi32, #tpu.memory_space<vmem>> -> memref<78x128xi32, #tpu.memory_space<vmem>>
        %dma_wait3A_64 = arith.constant 0 : i32
        %dma_wait3A_65 = tpu.memref_slice %arg2[%run_scoped3A, %mul3A_33, %dma_wait3A_64] : memref<2x2500x128xi32, #tpu.memory_space<hbm>> -> memref<1x78x128xi32, #tpu.memory_space<hbm>>
        %dma_wait3A_66 = tpu.memref_squeeze %dma_wait3A_65 : memref<1x78x128xi32, #tpu.memory_space<hbm>> -> memref<78x128xi32, #tpu.memory_space<hbm>>
        tpu.wait_dma2 semaphore(%run_scoped3A_44 : memref<!tpu.dma_semaphore, #tpu.memory_space<semaphore_mem>>) src(%dma_wait3A_66 : memref<78x128xi32, #tpu.memory_space<hbm>>) dst(%dma_wait3A_63 : memref<78x128xi32, #tpu.memory_space<vmem>>)
        tpu.yield
      }) : () -> ()
      %scan3A_34 = arith.constant 0 : i32
      %scan3A_35 = arith.constant 78 : i32
      %scan3A_36 = arith.addi %scan3A_34, %scan3A_35 : i32
      %scan3A_37 = arith.constant 1 : i32
      scf.for %scan3A_44 = %scan3A_34 to %scan3A_36 step %scan3A_37  : i32 {
        %mul3A_45 = arith.constant 1 : i32
        %mul3A_46 = arith.muli %scan3A_44, %mul3A_45 : i32
        %add3A_47 = arith.constant 0 : i32
        %add3A_48 = arith.addi %add3A_47, %mul3A_46 : i32
        %dma_start3A = arith.constant 0 : i32
        %dma_start3A_49 = tpu.memref_slice %arg4[%add3A_48, %dma_start3A] : memref<80x128xi32, #tpu.memory_space<vmem>> -> memref<1x128xi32, #tpu.memory_space<vmem>>
        %dma_start3A_50 = tpu.memref_squeeze %dma_start3A_49 : memref<1x128xi32, #tpu.memory_space<vmem>> -> memref<128xi32, #tpu.memory_space<vmem>>
        %dma_start3A_51 = arith.constant 0 : i32
        %dma_start3A_52 = arith.constant 0 : i32
        %dma_start3A_53 = tpu.memref_slice %arg7[%dma_start3A_51, %dma_start3A_52] : memref<10112x16xf32, #tpu.memory_space<vmem_shared>> -> memref<10112x16xf32, #tpu.memory_space<vmem_shared>>
        tpu.enqueue_indirect_dma source(%arg5 : memref<128x16xf32, #tpu.memory_space<vmem>>) target(%dma_start3A_53 : memref<10112x16xf32, #tpu.memory_space<vmem_shared>>) offsets(%dma_start3A_50 : memref<128xi32, #tpu.memory_space<vmem>>) semaphore(%arg8 : memref<!tpu.dma_semaphore, #tpu.memory_space<semaphore_mem>>) {add = true}
      }
      %scan3A_38 = arith.constant 78 : i32
      %scan3A_39 = arith.constant 0 : i32
      %scan3A_40 = arith.constant 78 : i32
      %scan3A_41 = arith.addi %scan3A_39, %scan3A_40 : i32
      %scan3A_42 = arith.constant 1 : i32
      scf.for %scan3A_44 = %scan3A_39 to %scan3A_41 step %scan3A_42  : i32 {
        %mul3A_45 = arith.constant 1 : i32
        %mul3A_46 = arith.muli %scan3A_44, %mul3A_45 : i32
        %add3A_47 = arith.constant 0 : i32
        %add3A_48 = arith.addi %add3A_47, %mul3A_46 : i32
        %dma_wait3A = arith.constant 0 : i32
        %dma_wait3A_49 = tpu.memref_slice %arg4[%add3A_48, %dma_wait3A] : memref<80x128xi32, #tpu.memory_space<vmem>> -> memref<1x128xi32, #tpu.memory_space<vmem>>
        %dma_wait3A_50 = tpu.memref_squeeze %dma_wait3A_49 : memref<1x128xi32, #tpu.memory_space<vmem>> -> memref<128xi32, #tpu.memory_space<vmem>>
        %dma_wait3A_51 = arith.constant 0 : i32
        %dma_wait3A_52 = arith.constant 0 : i32
        %dma_wait3A_53 = tpu.memref_slice %arg7[%dma_wait3A_51, %dma_wait3A_52] : memref<10112x16xf32, #tpu.memory_space<vmem_shared>> -> memref<10112x16xf32, #tpu.memory_space<vmem_shared>>
        tpu.wait_indirect_dma semaphore(%arg8 : memref<!tpu.dma_semaphore, #tpu.memory_space<semaphore_mem>>) src(%arg5 : memref<128x16xf32, #tpu.memory_space<vmem>>) dst(%dma_wait3A_53 : memref<10112x16xf32, #tpu.memory_space<vmem_shared>>)
      }
      %scan3A_43 = arith.constant 78 : i32
    } else {
    }
    %eq3A_12 = arith.constant 1 : i32
    %eq3A_13 = arith.cmpi eq, %arg0, %eq3A_12 : i32
    %lt3A = arith.constant 4 : i32
    %lt3A_14 = arith.cmpi slt, %arg1, %lt3A : i32
    %and3A = arith.andi %eq3A_13, %lt3A_14 : i1
    %convert_element_type3A_15 = arith.extui %and3A : i1 to i32
    %cond3A_16 = arith.constant 0 : i32
    %cond3A_17 = arith.cmpi ne, %convert_element_type3A_15, %cond3A_16 : i32
    scf.if %cond3A_17 {
      %mul3A_32 = arith.constant 79 : i32
      %mul3A_33 = arith.muli %arg1, %mul3A_32 : i32
      %add3A_34 = arith.constant 1248 : i32
      %add3A_35 = arith.addi %add3A_34, %mul3A_33 : i32
      %run_scoped3A = arith.constant 1 : i32
      "tpu.region"() ({
        %run_scoped3A_46 = tpu.sem_alloc : memref<!tpu.dma_semaphore, #tpu.memory_space<semaphore_mem>>
        %dma_start3A = arith.constant 0 : i32
        %dma_start3A_47 = arith.constant 0 : i32
        %dma_start3A_48 = tpu.memref_slice %arg4[%dma_start3A, %dma_start3A_47] : memref<80x128xi32, #tpu.memory_space<vmem>> -> memref<79x128xi32, #tpu.memory_space<vmem>>
        %dma_start3A_49 = arith.constant 0 : i32
        %dma_start3A_50 = tpu.memref_slice %arg2[%run_scoped3A, %add3A_35, %dma_start3A_49] : memref<2x2500x128xi32, #tpu.memory_space<hbm>> -> memref<1x79x128xi32, #tpu.memory_space<hbm>>
        %dma_start3A_51 = tpu.memref_squeeze %dma_start3A_50 : memref<1x79x128xi32, #tpu.memory_space<hbm>> -> memref<79x128xi32, #tpu.memory_space<hbm>>
        %dma_start3A_52 = arith.constant 0 : i32
        %dma_start3A_53 = arith.constant 0 : i32
        %dma_start3A_54 = tpu.memref_slice %arg4[%dma_start3A_52, %dma_start3A_53] : memref<80x128xi32, #tpu.memory_space<vmem>> -> memref<79x128xi32, #tpu.memory_space<vmem>>
        %dma_start3A_55 = arith.constant 0 : i32
        %dma_start3A_56 = tpu.memref_slice %arg2[%run_scoped3A, %add3A_35, %dma_start3A_55] : memref<2x2500x128xi32, #tpu.memory_space<hbm>> -> memref<1x79x128xi32, #tpu.memory_space<hbm>>
        %dma_start3A_57 = tpu.memref_squeeze %dma_start3A_56 : memref<1x79x128xi32, #tpu.memory_space<hbm>> -> memref<79x128xi32, #tpu.memory_space<hbm>>
        tpu.enqueue_dma source(%dma_start3A_57 : memref<79x128xi32, #tpu.memory_space<hbm>>) target(%dma_start3A_54 : memref<79x128xi32, #tpu.memory_space<vmem>>) target_semaphore(%run_scoped3A_46 : memref<!tpu.dma_semaphore, #tpu.memory_space<semaphore_mem>>)
        %dma_wait3A = arith.constant 0 : i32
        %dma_wait3A_58 = arith.constant 0 : i32
        %dma_wait3A_59 = tpu.memref_slice %arg4[%dma_wait3A, %dma_wait3A_58] : memref<80x128xi32, #tpu.memory_space<vmem>> -> memref<79x128xi32, #tpu.memory_space<vmem>>
        %dma_wait3A_60 = arith.constant 0 : i32
        %dma_wait3A_61 = tpu.memref_slice %arg2[%run_scoped3A, %add3A_35, %dma_wait3A_60] : memref<2x2500x128xi32, #tpu.memory_space<hbm>> -> memref<1x79x128xi32, #tpu.memory_space<hbm>>
        %dma_wait3A_62 = tpu.memref_squeeze %dma_wait3A_61 : memref<1x79x128xi32, #tpu.memory_space<hbm>> -> memref<79x128xi32, #tpu.memory_space<hbm>>
        %dma_wait3A_63 = arith.constant 0 : i32
        %dma_wait3A_64 = arith.constant 0 : i32
        %dma_wait3A_65 = tpu.memref_slice %arg4[%dma_wait3A_63, %dma_wait3A_64] : memref<80x128xi32, #tpu.memory_space<vmem>> -> memref<79x128xi32, #tpu.memory_space<vmem>>
        %dma_wait3A_66 = arith.constant 0 : i32
        %dma_wait3A_67 = tpu.memref_slice %arg2[%run_scoped3A, %add3A_35, %dma_wait3A_66] : memref<2x2500x128xi32, #tpu.memory_space<hbm>> -> memref<1x79x128xi32, #tpu.memory_space<hbm>>
        %dma_wait3A_68 = tpu.memref_squeeze %dma_wait3A_67 : memref<1x79x128xi32, #tpu.memory_space<hbm>> -> memref<79x128xi32, #tpu.memory_space<hbm>>
        tpu.wait_dma2 semaphore(%run_scoped3A_46 : memref<!tpu.dma_semaphore, #tpu.memory_space<semaphore_mem>>) src(%dma_wait3A_68 : memref<79x128xi32, #tpu.memory_space<hbm>>) dst(%dma_wait3A_65 : memref<79x128xi32, #tpu.memory_space<vmem>>)
        tpu.yield
      }) : () -> ()
      %scan3A_36 = arith.constant 0 : i32
      %scan3A_37 = arith.constant 79 : i32
      %scan3A_38 = arith.addi %scan3A_36, %scan3A_37 : i32
      %scan3A_39 = arith.constant 1 : i32
      scf.for %scan3A_46 = %scan3A_36 to %scan3A_38 step %scan3A_39  : i32 {
        %mul3A_47 = arith.constant 1 : i32
        %mul3A_48 = arith.muli %scan3A_46, %mul3A_47 : i32
        %add3A_49 = arith.constant 0 : i32
        %add3A_50 = arith.addi %add3A_49, %mul3A_48 : i32
        %dma_start3A = arith.constant 0 : i32
        %dma_start3A_51 = tpu.memref_slice %arg4[%add3A_50, %dma_start3A] : memref<80x128xi32, #tpu.memory_space<vmem>> -> memref<1x128xi32, #tpu.memory_space<vmem>>
        %dma_start3A_52 = tpu.memref_squeeze %dma_start3A_51 : memref<1x128xi32, #tpu.memory_space<vmem>> -> memref<128xi32, #tpu.memory_space<vmem>>
        %dma_start3A_53 = arith.constant 0 : i32
        %dma_start3A_54 = arith.constant 0 : i32
        %dma_start3A_55 = tpu.memref_slice %arg7[%dma_start3A_53, %dma_start3A_54] : memref<10112x16xf32, #tpu.memory_space<vmem_shared>> -> memref<10112x16xf32, #tpu.memory_space<vmem_shared>>
        tpu.enqueue_indirect_dma source(%arg5 : memref<128x16xf32, #tpu.memory_space<vmem>>) target(%dma_start3A_55 : memref<10112x16xf32, #tpu.memory_space<vmem_shared>>) offsets(%dma_start3A_52 : memref<128xi32, #tpu.memory_space<vmem>>) semaphore(%arg8 : memref<!tpu.dma_semaphore, #tpu.memory_space<semaphore_mem>>) {add = true}
      }
      %scan3A_40 = arith.constant 79 : i32
      %scan3A_41 = arith.constant 0 : i32
      %scan3A_42 = arith.constant 79 : i32
      %scan3A_43 = arith.addi %scan3A_41, %scan3A_42 : i32
      %scan3A_44 = arith.constant 1 : i32
      scf.for %scan3A_46 = %scan3A_41 to %scan3A_43 step %scan3A_44  : i32 {
        %mul3A_47 = arith.constant 1 : i32
        %mul3A_48 = arith.muli %scan3A_46, %mul3A_47 : i32
        %add3A_49 = arith.constant 0 : i32
        %add3A_50 = arith.addi %add3A_49, %mul3A_48 : i32
        %dma_wait3A = arith.constant 0 : i32
        %dma_wait3A_51 = tpu.memref_slice %arg4[%add3A_50, %dma_wait3A] : memref<80x128xi32, #tpu.memory_space<vmem>> -> memref<1x128xi32, #tpu.memory_space<vmem>>
        %dma_wait3A_52 = tpu.memref_squeeze %dma_wait3A_51 : memref<1x128xi32, #tpu.memory_space<vmem>> -> memref<128xi32, #tpu.memory_space<vmem>>
        %dma_wait3A_53 = arith.constant 0 : i32
        %dma_wait3A_54 = arith.constant 0 : i32
        %dma_wait3A_55 = tpu.memref_slice %arg7[%dma_wait3A_53, %dma_wait3A_54] : memref<10112x16xf32, #tpu.memory_space<vmem_shared>> -> memref<10112x16xf32, #tpu.memory_space<vmem_shared>>
        tpu.wait_indirect_dma semaphore(%arg8 : memref<!tpu.dma_semaphore, #tpu.memory_space<semaphore_mem>>) src(%arg5 : memref<128x16xf32, #tpu.memory_space<vmem>>) dst(%dma_wait3A_55 : memref<10112x16xf32, #tpu.memory_space<vmem_shared>>)
      }
      %scan3A_45 = arith.constant 79 : i32
    } else {
    }
    %eq3A_18 = arith.constant 1 : i32
    %eq3A_19 = arith.cmpi eq, %arg0, %eq3A_18 : i32
    %ge3A = arith.constant 4 : i32
    %ge3A_20 = arith.cmpi sge, %arg1, %ge3A : i32
    %and3A_21 = arith.andi %eq3A_19, %ge3A_20 : i1
    %convert_element_type3A_22 = arith.extui %and3A_21 : i1 to i32
    %cond3A_23 = arith.constant 0 : i32
    %cond3A_24 = arith.cmpi ne, %convert_element_type3A_22, %cond3A_23 : i32
    scf.if %cond3A_24 {
      %sub3A = arith.constant 4 : i32
      %sub3A_32 = arith.subi %arg1, %sub3A : i32
      %mul3A_33 = arith.constant 78 : i32
      %mul3A_34 = arith.muli %sub3A_32, %mul3A_33 : i32
      %add3A_35 = arith.constant 1564 : i32
      %add3A_36 = arith.addi %add3A_35, %mul3A_34 : i32
      %run_scoped3A = arith.constant 1 : i32
      "tpu.region"() ({
        %run_scoped3A_47 = tpu.sem_alloc : memref<!tpu.dma_semaphore, #tpu.memory_space<semaphore_mem>>
        %dma_start3A = arith.constant 0 : i32
        %dma_start3A_48 = arith.constant 0 : i32
        %dma_start3A_49 = tpu.memref_slice %arg4[%dma_start3A, %dma_start3A_48] : memref<80x128xi32, #tpu.memory_space<vmem>> -> memref<78x128xi32, #tpu.memory_space<vmem>>
        %dma_start3A_50 = arith.constant 0 : i32
        %dma_start3A_51 = tpu.memref_slice %arg2[%run_scoped3A, %add3A_36, %dma_start3A_50] : memref<2x2500x128xi32, #tpu.memory_space<hbm>> -> memref<1x78x128xi32, #tpu.memory_space<hbm>>
        %dma_start3A_52 = tpu.memref_squeeze %dma_start3A_51 : memref<1x78x128xi32, #tpu.memory_space<hbm>> -> memref<78x128xi32, #tpu.memory_space<hbm>>
        %dma_start3A_53 = arith.constant 0 : i32
        %dma_start3A_54 = arith.constant 0 : i32
        %dma_start3A_55 = tpu.memref_slice %arg4[%dma_start3A_53, %dma_start3A_54] : memref<80x128xi32, #tpu.memory_space<vmem>> -> memref<78x128xi32, #tpu.memory_space<vmem>>
        %dma_start3A_56 = arith.constant 0 : i32
        %dma_start3A_57 = tpu.memref_slice %arg2[%run_scoped3A, %add3A_36, %dma_start3A_56] : memref<2x2500x128xi32, #tpu.memory_space<hbm>> -> memref<1x78x128xi32, #tpu.memory_space<hbm>>
        %dma_start3A_58 = tpu.memref_squeeze %dma_start3A_57 : memref<1x78x128xi32, #tpu.memory_space<hbm>> -> memref<78x128xi32, #tpu.memory_space<hbm>>
        tpu.enqueue_dma source(%dma_start3A_58 : memref<78x128xi32, #tpu.memory_space<hbm>>) target(%dma_start3A_55 : memref<78x128xi32, #tpu.memory_space<vmem>>) target_semaphore(%run_scoped3A_47 : memref<!tpu.dma_semaphore, #tpu.memory_space<semaphore_mem>>)
        %dma_wait3A = arith.constant 0 : i32
        %dma_wait3A_59 = arith.constant 0 : i32
        %dma_wait3A_60 = tpu.memref_slice %arg4[%dma_wait3A, %dma_wait3A_59] : memref<80x128xi32, #tpu.memory_space<vmem>> -> memref<78x128xi32, #tpu.memory_space<vmem>>
        %dma_wait3A_61 = arith.constant 0 : i32
        %dma_wait3A_62 = tpu.memref_slice %arg2[%run_scoped3A, %add3A_36, %dma_wait3A_61] : memref<2x2500x128xi32, #tpu.memory_space<hbm>> -> memref<1x78x128xi32, #tpu.memory_space<hbm>>
        %dma_wait3A_63 = tpu.memref_squeeze %dma_wait3A_62 : memref<1x78x128xi32, #tpu.memory_space<hbm>> -> memref<78x128xi32, #tpu.memory_space<hbm>>
        %dma_wait3A_64 = arith.constant 0 : i32
        %dma_wait3A_65 = arith.constant 0 : i32
        %dma_wait3A_66 = tpu.memref_slice %arg4[%dma_wait3A_64, %dma_wait3A_65] : memref<80x128xi32, #tpu.memory_space<vmem>> -> memref<78x128xi32, #tpu.memory_space<vmem>>
        %dma_wait3A_67 = arith.constant 0 : i32
        %dma_wait3A_68 = tpu.memref_slice %arg2[%run_scoped3A, %add3A_36, %dma_wait3A_67] : memref<2x2500x128xi32, #tpu.memory_space<hbm>> -> memref<1x78x128xi32, #tpu.memory_space<hbm>>
        %dma_wait3A_69 = tpu.memref_squeeze %dma_wait3A_68 : memref<1x78x128xi32, #tpu.memory_space<hbm>> -> memref<78x128xi32, #tpu.memory_space<hbm>>
        tpu.wait_dma2 semaphore(%run_scoped3A_47 : memref<!tpu.dma_semaphore, #tpu.memory_space<semaphore_mem>>) src(%dma_wait3A_69 : memref<78x128xi32, #tpu.memory_space<hbm>>) dst(%dma_wait3A_66 : memref<78x128xi32, #tpu.memory_space<vmem>>)
        tpu.yield
      }) : () -> ()
      %scan3A_37 = arith.constant 0 : i32
      %scan3A_38 = arith.constant 78 : i32
      %scan3A_39 = arith.addi %scan3A_37, %scan3A_38 : i32
      %scan3A_40 = arith.constant 1 : i32
      scf.for %scan3A_47 = %scan3A_37 to %scan3A_39 step %scan3A_40  : i32 {
        %mul3A_48 = arith.constant 1 : i32
        %mul3A_49 = arith.muli %scan3A_47, %mul3A_48 : i32
        %add3A_50 = arith.constant 0 : i32
        %add3A_51 = arith.addi %add3A_50, %mul3A_49 : i32
        %dma_start3A = arith.constant 0 : i32
        %dma_start3A_52 = tpu.memref_slice %arg4[%add3A_51, %dma_start3A] : memref<80x128xi32, #tpu.memory_space<vmem>> -> memref<1x128xi32, #tpu.memory_space<vmem>>
        %dma_start3A_53 = tpu.memref_squeeze %dma_start3A_52 : memref<1x128xi32, #tpu.memory_space<vmem>> -> memref<128xi32, #tpu.memory_space<vmem>>
        %dma_start3A_54 = arith.constant 0 : i32
        %dma_start3A_55 = arith.constant 0 : i32
        %dma_start3A_56 = tpu.memref_slice %arg7[%dma_start3A_54, %dma_start3A_55] : memref<10112x16xf32, #tpu.memory_space<vmem_shared>> -> memref<10112x16xf32, #tpu.memory_space<vmem_shared>>
        tpu.enqueue_indirect_dma source(%arg5 : memref<128x16xf32, #tpu.memory_space<vmem>>) target(%dma_start3A_56 : memref<10112x16xf32, #tpu.memory_space<vmem_shared>>) offsets(%dma_start3A_53 : memref<128xi32, #tpu.memory_space<vmem>>) semaphore(%arg8 : memref<!tpu.dma_semaphore, #tpu.memory_space<semaphore_mem>>) {add = true}
      }
      %scan3A_41 = arith.constant 78 : i32
      %scan3A_42 = arith.constant 0 : i32
      %scan3A_43 = arith.constant 78 : i32
      %scan3A_44 = arith.addi %scan3A_42, %scan3A_43 : i32
      %scan3A_45 = arith.constant 1 : i32
      scf.for %scan3A_47 = %scan3A_42 to %scan3A_44 step %scan3A_45  : i32 {
        %mul3A_48 = arith.constant 1 : i32
        %mul3A_49 = arith.muli %scan3A_47, %mul3A_48 : i32
        %add3A_50 = arith.constant 0 : i32
        %add3A_51 = arith.addi %add3A_50, %mul3A_49 : i32
        %dma_wait3A = arith.constant 0 : i32
        %dma_wait3A_52 = tpu.memref_slice %arg4[%add3A_51, %dma_wait3A] : memref<80x128xi32, #tpu.memory_space<vmem>> -> memref<1x128xi32, #tpu.memory_space<vmem>>
        %dma_wait3A_53 = tpu.memref_squeeze %dma_wait3A_52 : memref<1x128xi32, #tpu.memory_space<vmem>> -> memref<128xi32, #tpu.memory_space<vmem>>
        %dma_wait3A_54 = arith.constant 0 : i32
        %dma_wait3A_55 = arith.constant 0 : i32
        %dma_wait3A_56 = tpu.memref_slice %arg7[%dma_wait3A_54, %dma_wait3A_55] : memref<10112x16xf32, #tpu.memory_space<vmem_shared>> -> memref<10112x16xf32, #tpu.memory_space<vmem_shared>>
        tpu.wait_indirect_dma semaphore(%arg8 : memref<!tpu.dma_semaphore, #tpu.memory_space<semaphore_mem>>) src(%arg5 : memref<128x16xf32, #tpu.memory_space<vmem>>) dst(%dma_wait3A_56 : memref<10112x16xf32, #tpu.memory_space<vmem_shared>>)
      }
      %scan3A_46 = arith.constant 78 : i32
    } else {
    }
    %barrier3A_25 = arith.constant 0 : index
    tpu.barrier barrier_id(%barrier3A_25)
    %mul3A_26 = arith.constant 632 : i32
    %mul3A_27 = arith.muli %arg1, %mul3A_26 : i32
    %mul3A_28 = arith.constant 10112 : i32
    %mul3A_29 = arith.muli %arg0, %mul3A_28 : i32
    %mul3A_30 = arith.constant 632 : i32
    %mul3A_31 = arith.muli %arg1, %mul3A_30 : i32
    %add3A = arith.addi %mul3A_29, %mul3A_31 : i32
    "tpu.region"() ({
      %run_scoped3A = tpu.sem_alloc : memref<!tpu.dma_semaphore, #tpu.memory_space<semaphore_mem>>
      %dma_start3A = arith.constant 0 : i32
      %dma_start3A_32 = tpu.memref_slice %arg3[%add3A, %dma_start3A] : memref<20224x16xf32, #tpu.memory_space<hbm>> -> memref<632x16xf32, #tpu.memory_space<hbm>>
      %dma_start3A_33 = arith.constant 0 : i32
      %dma_start3A_34 = tpu.memref_slice %arg7[%mul3A_27, %dma_start3A_33] : memref<10112x16xf32, #tpu.memory_space<vmem_shared>> -> memref<632x16xf32, #tpu.memory_space<vmem_shared>>
      tpu.enqueue_dma source(%dma_start3A_34 : memref<632x16xf32, #tpu.memory_space<vmem_shared>>) target(%dma_start3A_32 : memref<632x16xf32, #tpu.memory_space<hbm>>) target_semaphore(%run_scoped3A : memref<!tpu.dma_semaphore, #tpu.memory_space<semaphore_mem>>)
      %dma_wait3A = arith.constant 0 : i32
      %dma_wait3A_35 = tpu.memref_slice %arg3[%add3A, %dma_wait3A] : memref<20224x16xf32, #tpu.memory_space<hbm>> -> memref<632x16xf32, #tpu.memory_space<hbm>>
      %dma_wait3A_36 = arith.constant 0 : i32
      %dma_wait3A_37 = tpu.memref_slice %arg7[%mul3A_27, %dma_wait3A_36] : memref<10112x16xf32, #tpu.memory_space<vmem_shared>> -> memref<632x16xf32, #tpu.memory_space<vmem_shared>>
      tpu.wait_dma2 semaphore(%run_scoped3A : memref<!tpu.dma_semaphore, #tpu.memory_space<semaphore_mem>>) src(%dma_wait3A_37 : memref<632x16xf32, #tpu.memory_space<vmem_shared>>) dst(%dma_wait3A_35 : memref<632x16xf32, #tpu.memory_space<hbm>>)
      tpu.yield
    }) : () -> ()
    return
  }
}

#map = affine_map<(d0, d1) -> (0, 0)>
module attributes {stable_mosaic.version = 14 : i64} {
  func.func @k(%arg0: i32, %arg1: i32, %arg2: memref<2560x128xi32, #tpu.memory_space<hbm>>, %arg3: memref<2560x128xi32, #tpu.memory_space<hbm>>, %arg4: memref<10112x16xf32, #tpu.memory_space<hbm>>, %arg5: memref<20224x16xf32, #tpu.memory_space<hbm>>, %arg6: memref<80x128xi32, #tpu.memory_space<vmem>>, %arg7: memref<80x128xi32, #tpu.memory_space<vmem>>, %arg8: memref<128x16xf32, #tpu.memory_space<vmem>>, %arg9: memref<128x16xf32, #tpu.memory_space<vmem>>, %arg10: memref<128x16xf32, #tpu.memory_space<vmem>>, %arg11: memref<128x16xf32, #tpu.memory_space<vmem>>, %arg12: memref<128x16xf32, #tpu.memory_space<vmem>>, %arg13: memref<128x16xf32, #tpu.memory_space<vmem>>, %arg14: memref<128x16xf32, #tpu.memory_space<vmem>>, %arg15: memref<128x16xf32, #tpu.memory_space<vmem>>, %arg16: memref<632x16xf32, #tpu.memory_space<vmem>>, %arg17: memref<10112x16xf32, #tpu.memory_space<vmem_shared>>, %arg18: memref<10112x16xf32, #tpu.memory_space<vmem_shared>>, %arg19: memref<!tpu.dma_semaphore, #tpu.memory_space<semaphore_mem>>, %arg20: memref<!tpu.dma_semaphore, #tpu.memory_space<semaphore_mem>>, %arg21: memref<!tpu.dma_semaphore, #tpu.memory_space<semaphore_mem>>, %arg22: memref<!tpu.dma_semaphore, #tpu.memory_space<semaphore_mem>>, %arg23: memref<!tpu.dma_semaphore, #tpu.memory_space<semaphore_mem>>, %arg24: memref<!tpu.dma_semaphore, #tpu.memory_space<semaphore_mem>>, %arg25: memref<!tpu.dma_semaphore, #tpu.memory_space<semaphore_mem>>, %arg26: memref<!tpu.dma_semaphore, #tpu.memory_space<semaphore_mem>>, %arg27: memref<!tpu.dma_semaphore, #tpu.memory_space<semaphore_mem>>, %arg28: memref<!tpu.dma_semaphore, #tpu.memory_space<semaphore_mem>>, %arg29: memref<!tpu.dma_semaphore, #tpu.memory_space<semaphore_mem>>, %arg30: memref<!tpu.dma_semaphore, #tpu.memory_space<semaphore_mem>>, %arg31: memref<!tpu.dma_semaphore, #tpu.memory_space<semaphore_mem>>, %arg32: memref<!tpu.dma_semaphore, #tpu.memory_space<semaphore_mem>>, %arg33: memref<!tpu.dma_semaphore, #tpu.memory_space<semaphore_mem>>, %arg34: memref<!tpu.dma_semaphore, #tpu.memory_space<semaphore_mem>>) attributes {dimension_semantics = [#tpu.dimension_semantics<core_parallel>, #tpu.dimension_semantics<subcore_parallel>], iteration_bounds = array<i64: 2, 16>, scalar_prefetch = 0 : i64, scratch_operands = 29 : i64, tpu.core_type = #tpu.core_type<sc_vector_subcore>, window_params = [{transform_indices = #map}, {transform_indices = #map}, {transform_indices = #map}, {transform_indices = #map}]} {
    %scan3A = arith.constant 0 : i32
    %scan3A_0 = arith.constant 632 : i32
    %scan3A_1 = arith.addi %scan3A, %scan3A_0 : i32
    %scan3A_2 = arith.constant 1 : i32
    scf.for %scan3A_23 = %scan3A to %scan3A_1 step %scan3A_2  : i32 {
      %mul3A_24 = arith.constant 1 : i32
      %mul3A_25 = arith.muli %scan3A_23, %mul3A_24 : i32
      %add3A_26 = arith.constant 0 : i32
      %add3A_27 = arith.addi %add3A_26, %mul3A_25 : i32
      %broadcast_in_dim3A = arith.constant 0.000000e+00 : f32
      %broadcast_in_dim3A_28 = vector.broadcast %broadcast_in_dim3A : f32 to vector<1x16xf32>
      %swap3A = arith.index_cast %add3A_27 : i32 to index
      %swap3A_29 = arith.constant 0 : index
      %swap3A_30 = tpu.vector_load %arg16[%swap3A, %swap3A_29] {strides = array<i32>} : memref<632x16xf32, #tpu.memory_space<vmem>>, vector<1x16xf32>,
      %swap3A_31 = vector.shape_cast %swap3A_30 : vector<1x16xf32> to vector<1x16xf32>
      %swap3A_32 = vector.shape_cast %broadcast_in_dim3A_28 : vector<1x16xf32> to vector<1x16xf32>
      tpu.vector_store %arg16[%swap3A, %swap3A_29], %swap3A_32 {strides = array<i32>} : memref<632x16xf32, #tpu.memory_space<vmem>>, vector<1x16xf32>,
    }
    %scan3A_3 = arith.constant 632 : i32
    %mul3A = arith.constant 632 : i32
    %mul3A_4 = arith.muli %arg1, %mul3A : i32
    "tpu.region"() ({
      %run_scoped3A = tpu.sem_alloc : memref<!tpu.dma_semaphore, #tpu.memory_space<semaphore_mem>>
      %dma_start3A = arith.constant 0 : i32
      %dma_start3A_23 = tpu.memref_slice %arg17[%mul3A_4, %dma_start3A] : memref<10112x16xf32, #tpu.memory_space<vmem_shared>> -> memref<632x16xf32, #tpu.memory_space<vmem_shared>>
      %dma_start3A_24 = arith.constant 0 : i32
      %dma_start3A_25 = tpu.memref_slice %arg17[%mul3A_4, %dma_start3A_24] : memref<10112x16xf32, #tpu.memory_space<vmem_shared>> -> memref<632x16xf32, #tpu.memory_space<vmem_shared>>
      tpu.enqueue_dma source(%arg16 : memref<632x16xf32, #tpu.memory_space<vmem>>) target(%dma_start3A_25 : memref<632x16xf32, #tpu.memory_space<vmem_shared>>) target_semaphore(%run_scoped3A : memref<!tpu.dma_semaphore, #tpu.memory_space<semaphore_mem>>)
      %dma_wait3A = arith.constant 0 : i32
      %dma_wait3A_26 = tpu.memref_slice %arg17[%mul3A_4, %dma_wait3A] : memref<10112x16xf32, #tpu.memory_space<vmem_shared>> -> memref<632x16xf32, #tpu.memory_space<vmem_shared>>
      %dma_wait3A_27 = arith.constant 0 : i32
      %dma_wait3A_28 = tpu.memref_slice %arg17[%mul3A_4, %dma_wait3A_27] : memref<10112x16xf32, #tpu.memory_space<vmem_shared>> -> memref<632x16xf32, #tpu.memory_space<vmem_shared>>
      tpu.wait_dma2 semaphore(%run_scoped3A : memref<!tpu.dma_semaphore, #tpu.memory_space<semaphore_mem>>) src(%arg16 : memref<632x16xf32, #tpu.memory_space<vmem>>) dst(%dma_wait3A_28 : memref<632x16xf32, #tpu.memory_space<vmem_shared>>)
      tpu.yield
    }) : () -> ()
    %mul3A_5 = arith.constant 632 : i32
    %mul3A_6 = arith.muli %arg1, %mul3A_5 : i32
    %mul3A_7 = arith.constant 632 : i32
    %mul3A_8 = arith.muli %arg1, %mul3A_7 : i32
    "tpu.region"() ({
      %run_scoped3A = tpu.sem_alloc : memref<!tpu.dma_semaphore, #tpu.memory_space<semaphore_mem>>
      %dma_start3A = arith.constant 0 : i32
      %dma_start3A_23 = tpu.memref_slice %arg18[%mul3A_8, %dma_start3A] : memref<10112x16xf32, #tpu.memory_space<vmem_shared>> -> memref<632x16xf32, #tpu.memory_space<vmem_shared>>
      %dma_start3A_24 = arith.constant 0 : i32
      %dma_start3A_25 = tpu.memref_slice %arg4[%mul3A_6, %dma_start3A_24] : memref<10112x16xf32, #tpu.memory_space<hbm>> -> memref<632x16xf32, #tpu.memory_space<hbm>>
      tpu.enqueue_dma source(%dma_start3A_25 : memref<632x16xf32, #tpu.memory_space<hbm>>) target(%dma_start3A_23 : memref<632x16xf32, #tpu.memory_space<vmem_shared>>) target_semaphore(%run_scoped3A : memref<!tpu.dma_semaphore, #tpu.memory_space<semaphore_mem>>)
      %dma_wait3A = arith.constant 0 : i32
      %dma_wait3A_26 = tpu.memref_slice %arg18[%mul3A_8, %dma_wait3A] : memref<10112x16xf32, #tpu.memory_space<vmem_shared>> -> memref<632x16xf32, #tpu.memory_space<vmem_shared>>
      %dma_wait3A_27 = arith.constant 0 : i32
      %dma_wait3A_28 = tpu.memref_slice %arg4[%mul3A_6, %dma_wait3A_27] : memref<10112x16xf32, #tpu.memory_space<hbm>> -> memref<632x16xf32, #tpu.memory_space<hbm>>
      tpu.wait_dma2 semaphore(%run_scoped3A : memref<!tpu.dma_semaphore, #tpu.memory_space<semaphore_mem>>) src(%dma_wait3A_28 : memref<632x16xf32, #tpu.memory_space<hbm>>) dst(%dma_wait3A_26 : memref<632x16xf32, #tpu.memory_space<vmem_shared>>)
      tpu.yield
    }) : () -> ()
    %barrier3A = arith.constant 0 : index
    tpu.barrier barrier_id(%barrier3A)
    %eq3A = arith.constant 0 : i32
    %eq3A_9 = arith.cmpi eq, %arg0, %eq3A : i32
    %convert_element_type3A = arith.extui %eq3A_9 : i1 to i32
    %cond3A = arith.constant 0 : i32
    %cond3A_10 = arith.cmpi ne, %convert_element_type3A, %cond3A : i32
    scf.if %cond3A_10 {
      %mul3A_23 = arith.constant 80 : i32
      %mul3A_24 = arith.muli %arg1, %mul3A_23 : i32
      "tpu.region"() ({
        %run_scoped3A = tpu.sem_alloc : memref<!tpu.dma_semaphore, #tpu.memory_space<semaphore_mem>>
        %dma_start3A_252 = arith.constant 0 : i32
        %dma_start3A_253 = arith.constant 0 : i32
        %dma_start3A_254 = tpu.memref_slice %arg6[%dma_start3A_252, %dma_start3A_253] : memref<80x128xi32, #tpu.memory_space<vmem>> -> memref<80x128xi32, #tpu.memory_space<vmem>>
        %dma_start3A_255 = arith.constant 0 : i32
        %dma_start3A_256 = tpu.memref_slice %arg2[%mul3A_24, %dma_start3A_255] : memref<2560x128xi32, #tpu.memory_space<hbm>> -> memref<80x128xi32, #tpu.memory_space<hbm>>
        %dma_start3A_257 = arith.constant 0 : i32
        %dma_start3A_258 = arith.constant 0 : i32
        %dma_start3A_259 = tpu.memref_slice %arg6[%dma_start3A_257, %dma_start3A_258] : memref<80x128xi32, #tpu.memory_space<vmem>> -> memref<80x128xi32, #tpu.memory_space<vmem>>
        %dma_start3A_260 = arith.constant 0 : i32
        %dma_start3A_261 = tpu.memref_slice %arg2[%mul3A_24, %dma_start3A_260] : memref<2560x128xi32, #tpu.memory_space<hbm>> -> memref<80x128xi32, #tpu.memory_space<hbm>>
        tpu.enqueue_dma source(%dma_start3A_261 : memref<80x128xi32, #tpu.memory_space<hbm>>) target(%dma_start3A_259 : memref<80x128xi32, #tpu.memory_space<vmem>>) target_semaphore(%run_scoped3A : memref<!tpu.dma_semaphore, #tpu.memory_space<semaphore_mem>>)
        %dma_wait3A_262 = arith.constant 0 : i32
        %dma_wait3A_263 = arith.constant 0 : i32
        %dma_wait3A_264 = tpu.memref_slice %arg6[%dma_wait3A_262, %dma_wait3A_263] : memref<80x128xi32, #tpu.memory_space<vmem>> -> memref<80x128xi32, #tpu.memory_space<vmem>>
        %dma_wait3A_265 = arith.constant 0 : i32
        %dma_wait3A_266 = tpu.memref_slice %arg2[%mul3A_24, %dma_wait3A_265] : memref<2560x128xi32, #tpu.memory_space<hbm>> -> memref<80x128xi32, #tpu.memory_space<hbm>>
        %dma_wait3A_267 = arith.constant 0 : i32
        %dma_wait3A_268 = arith.constant 0 : i32
        %dma_wait3A_269 = tpu.memref_slice %arg6[%dma_wait3A_267, %dma_wait3A_268] : memref<80x128xi32, #tpu.memory_space<vmem>> -> memref<80x128xi32, #tpu.memory_space<vmem>>
        %dma_wait3A_270 = arith.constant 0 : i32
        %dma_wait3A_271 = tpu.memref_slice %arg2[%mul3A_24, %dma_wait3A_270] : memref<2560x128xi32, #tpu.memory_space<hbm>> -> memref<80x128xi32, #tpu.memory_space<hbm>>
        tpu.wait_dma2 semaphore(%run_scoped3A : memref<!tpu.dma_semaphore, #tpu.memory_space<semaphore_mem>>) src(%dma_wait3A_271 : memref<80x128xi32, #tpu.memory_space<hbm>>) dst(%dma_wait3A_269 : memref<80x128xi32, #tpu.memory_space<vmem>>)
        tpu.yield
      }) : () -> ()
      "tpu.region"() ({
        %run_scoped3A = tpu.sem_alloc : memref<!tpu.dma_semaphore, #tpu.memory_space<semaphore_mem>>
        %dma_start3A_252 = arith.constant 0 : i32
        %dma_start3A_253 = arith.constant 0 : i32
        %dma_start3A_254 = tpu.memref_slice %arg7[%dma_start3A_252, %dma_start3A_253] : memref<80x128xi32, #tpu.memory_space<vmem>> -> memref<80x128xi32, #tpu.memory_space<vmem>>
        %dma_start3A_255 = arith.constant 0 : i32
        %dma_start3A_256 = tpu.memref_slice %arg3[%mul3A_24, %dma_start3A_255] : memref<2560x128xi32, #tpu.memory_space<hbm>> -> memref<80x128xi32, #tpu.memory_space<hbm>>
        %dma_start3A_257 = arith.constant 0 : i32
        %dma_start3A_258 = arith.constant 0 : i32
        %dma_start3A_259 = tpu.memref_slice %arg7[%dma_start3A_257, %dma_start3A_258] : memref<80x128xi32, #tpu.memory_space<vmem>> -> memref<80x128xi32, #tpu.memory_space<vmem>>
        %dma_start3A_260 = arith.constant 0 : i32
        %dma_start3A_261 = tpu.memref_slice %arg3[%mul3A_24, %dma_start3A_260] : memref<2560x128xi32, #tpu.memory_space<hbm>> -> memref<80x128xi32, #tpu.memory_space<hbm>>
        tpu.enqueue_dma source(%dma_start3A_261 : memref<80x128xi32, #tpu.memory_space<hbm>>) target(%dma_start3A_259 : memref<80x128xi32, #tpu.memory_space<vmem>>) target_semaphore(%run_scoped3A : memref<!tpu.dma_semaphore, #tpu.memory_space<semaphore_mem>>)
        %dma_wait3A_262 = arith.constant 0 : i32
        %dma_wait3A_263 = arith.constant 0 : i32
        %dma_wait3A_264 = tpu.memref_slice %arg7[%dma_wait3A_262, %dma_wait3A_263] : memref<80x128xi32, #tpu.memory_space<vmem>> -> memref<80x128xi32, #tpu.memory_space<vmem>>
        %dma_wait3A_265 = arith.constant 0 : i32
        %dma_wait3A_266 = tpu.memref_slice %arg3[%mul3A_24, %dma_wait3A_265] : memref<2560x128xi32, #tpu.memory_space<hbm>> -> memref<80x128xi32, #tpu.memory_space<hbm>>
        %dma_wait3A_267 = arith.constant 0 : i32
        %dma_wait3A_268 = arith.constant 0 : i32
        %dma_wait3A_269 = tpu.memref_slice %arg7[%dma_wait3A_267, %dma_wait3A_268] : memref<80x128xi32, #tpu.memory_space<vmem>> -> memref<80x128xi32, #tpu.memory_space<vmem>>
        %dma_wait3A_270 = arith.constant 0 : i32
        %dma_wait3A_271 = tpu.memref_slice %arg3[%mul3A_24, %dma_wait3A_270] : memref<2560x128xi32, #tpu.memory_space<hbm>> -> memref<80x128xi32, #tpu.memory_space<hbm>>
        tpu.wait_dma2 semaphore(%run_scoped3A : memref<!tpu.dma_semaphore, #tpu.memory_space<semaphore_mem>>) src(%dma_wait3A_271 : memref<80x128xi32, #tpu.memory_space<hbm>>) dst(%dma_wait3A_269 : memref<80x128xi32, #tpu.memory_space<vmem>>)
        tpu.yield
      }) : () -> ()
      %dma_start3A = arith.constant 0 : i32
      %dma_start3A_25 = arith.constant 0 : i32
      %dma_start3A_26 = tpu.memref_slice %arg6[%dma_start3A, %dma_start3A_25] : memref<80x128xi32, #tpu.memory_space<vmem>> -> memref<1x128xi32, #tpu.memory_space<vmem>>
      %dma_start3A_27 = tpu.memref_squeeze %dma_start3A_26 : memref<1x128xi32, #tpu.memory_space<vmem>> -> memref<128xi32, #tpu.memory_space<vmem>>
      %dma_start3A_28 = arith.constant 0 : i32
      %dma_start3A_29 = arith.constant 0 : i32
      %dma_start3A_30 = tpu.memref_slice %arg18[%dma_start3A_28, %dma_start3A_29] : memref<10112x16xf32, #tpu.memory_space<vmem_shared>> -> memref<10112x16xf32, #tpu.memory_space<vmem_shared>>
      tpu.enqueue_indirect_dma source(%dma_start3A_30 : memref<10112x16xf32, #tpu.memory_space<vmem_shared>>) target(%arg8 : memref<128x16xf32, #tpu.memory_space<vmem>>) offsets(%dma_start3A_27 : memref<128xi32, #tpu.memory_space<vmem>>) semaphore(%arg19 : memref<!tpu.dma_semaphore, #tpu.memory_space<semaphore_mem>>)
      %dma_start3A_31 = arith.constant 1 : i32
      %dma_start3A_32 = arith.constant 0 : i32
      %dma_start3A_33 = tpu.memref_slice %arg6[%dma_start3A_31, %dma_start3A_32] : memref<80x128xi32, #tpu.memory_space<vmem>> -> memref<1x128xi32, #tpu.memory_space<vmem>>
      %dma_start3A_34 = tpu.memref_squeeze %dma_start3A_33 : memref<1x128xi32, #tpu.memory_space<vmem>> -> memref<128xi32, #tpu.memory_space<vmem>>
      %dma_start3A_35 = arith.constant 0 : i32
      %dma_start3A_36 = arith.constant 0 : i32
      %dma_start3A_37 = tpu.memref_slice %arg18[%dma_start3A_35, %dma_start3A_36] : memref<10112x16xf32, #tpu.memory_space<vmem_shared>> -> memref<10112x16xf32, #tpu.memory_space<vmem_shared>>
      tpu.enqueue_indirect_dma source(%dma_start3A_37 : memref<10112x16xf32, #tpu.memory_space<vmem_shared>>) target(%arg9 : memref<128x16xf32, #tpu.memory_space<vmem>>) offsets(%dma_start3A_34 : memref<128xi32, #tpu.memory_space<vmem>>) semaphore(%arg20 : memref<!tpu.dma_semaphore, #tpu.memory_space<semaphore_mem>>)
      %dma_start3A_38 = arith.constant 2 : i32
      %dma_start3A_39 = arith.constant 0 : i32
      %dma_start3A_40 = tpu.memref_slice %arg6[%dma_start3A_38, %dma_start3A_39] : memref<80x128xi32, #tpu.memory_space<vmem>> -> memref<1x128xi32, #tpu.memory_space<vmem>>
      %dma_start3A_41 = tpu.memref_squeeze %dma_start3A_40 : memref<1x128xi32, #tpu.memory_space<vmem>> -> memref<128xi32, #tpu.memory_space<vmem>>
      %dma_start3A_42 = arith.constant 0 : i32
      %dma_start3A_43 = arith.constant 0 : i32
      %dma_start3A_44 = tpu.memref_slice %arg18[%dma_start3A_42, %dma_start3A_43] : memref<10112x16xf32, #tpu.memory_space<vmem_shared>> -> memref<10112x16xf32, #tpu.memory_space<vmem_shared>>
      tpu.enqueue_indirect_dma source(%dma_start3A_44 : memref<10112x16xf32, #tpu.memory_space<vmem_shared>>) target(%arg10 : memref<128x16xf32, #tpu.memory_space<vmem>>) offsets(%dma_start3A_41 : memref<128xi32, #tpu.memory_space<vmem>>) semaphore(%arg21 : memref<!tpu.dma_semaphore, #tpu.memory_space<semaphore_mem>>)
      %dma_start3A_45 = arith.constant 3 : i32
      %dma_start3A_46 = arith.constant 0 : i32
      %dma_start3A_47 = tpu.memref_slice %arg6[%dma_start3A_45, %dma_start3A_46] : memref<80x128xi32, #tpu.memory_space<vmem>> -> memref<1x128xi32, #tpu.memory_space<vmem>>
      %dma_start3A_48 = tpu.memref_squeeze %dma_start3A_47 : memref<1x128xi32, #tpu.memory_space<vmem>> -> memref<128xi32, #tpu.memory_space<vmem>>
      %dma_start3A_49 = arith.constant 0 : i32
      %dma_start3A_50 = arith.constant 0 : i32
      %dma_start3A_51 = tpu.memref_slice %arg18[%dma_start3A_49, %dma_start3A_50] : memref<10112x16xf32, #tpu.memory_space<vmem_shared>> -> memref<10112x16xf32, #tpu.memory_space<vmem_shared>>
      tpu.enqueue_indirect_dma source(%dma_start3A_51 : memref<10112x16xf32, #tpu.memory_space<vmem_shared>>) target(%arg11 : memref<128x16xf32, #tpu.memory_space<vmem>>) offsets(%dma_start3A_48 : memref<128xi32, #tpu.memory_space<vmem>>) semaphore(%arg22 : memref<!tpu.dma_semaphore, #tpu.memory_space<semaphore_mem>>)
      %dma_start3A_52 = arith.constant 4 : i32
      %dma_start3A_53 = arith.constant 0 : i32
      %dma_start3A_54 = tpu.memref_slice %arg6[%dma_start3A_52, %dma_start3A_53] : memref<80x128xi32, #tpu.memory_space<vmem>> -> memref<1x128xi32, #tpu.memory_space<vmem>>
      %dma_start3A_55 = tpu.memref_squeeze %dma_start3A_54 : memref<1x128xi32, #tpu.memory_space<vmem>> -> memref<128xi32, #tpu.memory_space<vmem>>
      %dma_start3A_56 = arith.constant 0 : i32
      %dma_start3A_57 = arith.constant 0 : i32
      %dma_start3A_58 = tpu.memref_slice %arg18[%dma_start3A_56, %dma_start3A_57] : memref<10112x16xf32, #tpu.memory_space<vmem_shared>> -> memref<10112x16xf32, #tpu.memory_space<vmem_shared>>
      tpu.enqueue_indirect_dma source(%dma_start3A_58 : memref<10112x16xf32, #tpu.memory_space<vmem_shared>>) target(%arg12 : memref<128x16xf32, #tpu.memory_space<vmem>>) offsets(%dma_start3A_55 : memref<128xi32, #tpu.memory_space<vmem>>) semaphore(%arg23 : memref<!tpu.dma_semaphore, #tpu.memory_space<semaphore_mem>>)
      %dma_start3A_59 = arith.constant 5 : i32
      %dma_start3A_60 = arith.constant 0 : i32
      %dma_start3A_61 = tpu.memref_slice %arg6[%dma_start3A_59, %dma_start3A_60] : memref<80x128xi32, #tpu.memory_space<vmem>> -> memref<1x128xi32, #tpu.memory_space<vmem>>
      %dma_start3A_62 = tpu.memref_squeeze %dma_start3A_61 : memref<1x128xi32, #tpu.memory_space<vmem>> -> memref<128xi32, #tpu.memory_space<vmem>>
      %dma_start3A_63 = arith.constant 0 : i32
      %dma_start3A_64 = arith.constant 0 : i32
      %dma_start3A_65 = tpu.memref_slice %arg18[%dma_start3A_63, %dma_start3A_64] : memref<10112x16xf32, #tpu.memory_space<vmem_shared>> -> memref<10112x16xf32, #tpu.memory_space<vmem_shared>>
      tpu.enqueue_indirect_dma source(%dma_start3A_65 : memref<10112x16xf32, #tpu.memory_space<vmem_shared>>) target(%arg13 : memref<128x16xf32, #tpu.memory_space<vmem>>) offsets(%dma_start3A_62 : memref<128xi32, #tpu.memory_space<vmem>>) semaphore(%arg24 : memref<!tpu.dma_semaphore, #tpu.memory_space<semaphore_mem>>)
      %dma_start3A_66 = arith.constant 6 : i32
      %dma_start3A_67 = arith.constant 0 : i32
      %dma_start3A_68 = tpu.memref_slice %arg6[%dma_start3A_66, %dma_start3A_67] : memref<80x128xi32, #tpu.memory_space<vmem>> -> memref<1x128xi32, #tpu.memory_space<vmem>>
      %dma_start3A_69 = tpu.memref_squeeze %dma_start3A_68 : memref<1x128xi32, #tpu.memory_space<vmem>> -> memref<128xi32, #tpu.memory_space<vmem>>
      %dma_start3A_70 = arith.constant 0 : i32
      %dma_start3A_71 = arith.constant 0 : i32
      %dma_start3A_72 = tpu.memref_slice %arg18[%dma_start3A_70, %dma_start3A_71] : memref<10112x16xf32, #tpu.memory_space<vmem_shared>> -> memref<10112x16xf32, #tpu.memory_space<vmem_shared>>
      tpu.enqueue_indirect_dma source(%dma_start3A_72 : memref<10112x16xf32, #tpu.memory_space<vmem_shared>>) target(%arg14 : memref<128x16xf32, #tpu.memory_space<vmem>>) offsets(%dma_start3A_69 : memref<128xi32, #tpu.memory_space<vmem>>) semaphore(%arg25 : memref<!tpu.dma_semaphore, #tpu.memory_space<semaphore_mem>>)
      %dma_start3A_73 = arith.constant 7 : i32
      %dma_start3A_74 = arith.constant 0 : i32
      %dma_start3A_75 = tpu.memref_slice %arg6[%dma_start3A_73, %dma_start3A_74] : memref<80x128xi32, #tpu.memory_space<vmem>> -> memref<1x128xi32, #tpu.memory_space<vmem>>
      %dma_start3A_76 = tpu.memref_squeeze %dma_start3A_75 : memref<1x128xi32, #tpu.memory_space<vmem>> -> memref<128xi32, #tpu.memory_space<vmem>>
      %dma_start3A_77 = arith.constant 0 : i32
      %dma_start3A_78 = arith.constant 0 : i32
      %dma_start3A_79 = tpu.memref_slice %arg18[%dma_start3A_77, %dma_start3A_78] : memref<10112x16xf32, #tpu.memory_space<vmem_shared>> -> memref<10112x16xf32, #tpu.memory_space<vmem_shared>>
      tpu.enqueue_indirect_dma source(%dma_start3A_79 : memref<10112x16xf32, #tpu.memory_space<vmem_shared>>) target(%arg15 : memref<128x16xf32, #tpu.memory_space<vmem>>) offsets(%dma_start3A_76 : memref<128xi32, #tpu.memory_space<vmem>>) semaphore(%arg26 : memref<!tpu.dma_semaphore, #tpu.memory_space<semaphore_mem>>)
      %scan3A_80 = arith.constant 0 : i32
      %scan3A_81 = arith.constant 9 : i32
      %scan3A_82 = arith.addi %scan3A_80, %scan3A_81 : i32
      %scan3A_83 = arith.constant 1 : i32
      scf.for %scan3A_252 = %scan3A_80 to %scan3A_82 step %scan3A_83  : i32 {
        %mul3A_253 = arith.constant 8 : i32
        %mul3A_254 = arith.muli %scan3A_252, %mul3A_253 : i32
        %add3A_255 = arith.constant 0 : i32
        %add3A_256 = arith.addi %add3A_255, %mul3A_254 : i32
        %add3A_257 = arith.constant 0 : i32
        %add3A_258 = arith.addi %add3A_256, %add3A_257 : i32
        %dma_wait3A_259 = arith.constant 0 : i32
        %dma_wait3A_260 = tpu.memref_slice %arg6[%add3A_258, %dma_wait3A_259] : memref<80x128xi32, #tpu.memory_space<vmem>> -> memref<1x128xi32, #tpu.memory_space<vmem>>
        %dma_wait3A_261 = tpu.memref_squeeze %dma_wait3A_260 : memref<1x128xi32, #tpu.memory_space<vmem>> -> memref<128xi32, #tpu.memory_space<vmem>>
        %dma_wait3A_262 = arith.constant 0 : i32
        %dma_wait3A_263 = arith.constant 0 : i32
        %dma_wait3A_264 = tpu.memref_slice %arg18[%dma_wait3A_262, %dma_wait3A_263] : memref<10112x16xf32, #tpu.memory_space<vmem_shared>> -> memref<10112x16xf32, #tpu.memory_space<vmem_shared>>
        tpu.wait_indirect_dma semaphore(%arg19 : memref<!tpu.dma_semaphore, #tpu.memory_space<semaphore_mem>>) src(%dma_wait3A_264 : memref<10112x16xf32, #tpu.memory_space<vmem_shared>>) dst(%arg8 : memref<128x16xf32, #tpu.memory_space<vmem>>)
        %add3A_265 = arith.constant 0 : i32
        %add3A_266 = arith.addi %add3A_256, %add3A_265 : i32
        %dma_start3A_267 = arith.constant 0 : i32
        %dma_start3A_268 = tpu.memref_slice %arg7[%add3A_266, %dma_start3A_267] : memref<80x128xi32, #tpu.memory_space<vmem>> -> memref<1x128xi32, #tpu.memory_space<vmem>>
        %dma_start3A_269 = tpu.memref_squeeze %dma_start3A_268 : memref<1x128xi32, #tpu.memory_space<vmem>> -> memref<128xi32, #tpu.memory_space<vmem>>
        %dma_start3A_270 = arith.constant 0 : i32
        %dma_start3A_271 = arith.constant 0 : i32
        %dma_start3A_272 = tpu.memref_slice %arg17[%dma_start3A_270, %dma_start3A_271] : memref<10112x16xf32, #tpu.memory_space<vmem_shared>> -> memref<10112x16xf32, #tpu.memory_space<vmem_shared>>
        tpu.enqueue_indirect_dma source(%arg8 : memref<128x16xf32, #tpu.memory_space<vmem>>) target(%dma_start3A_272 : memref<10112x16xf32, #tpu.memory_space<vmem_shared>>) offsets(%dma_start3A_269 : memref<128xi32, #tpu.memory_space<vmem>>) semaphore(%arg27 : memref<!tpu.dma_semaphore, #tpu.memory_space<semaphore_mem>>) {add = true}
        %add3A_273 = arith.constant 1 : i32
        %add3A_274 = arith.addi %add3A_256, %add3A_273 : i32
        %dma_wait3A_275 = arith.constant 0 : i32
        %dma_wait3A_276 = tpu.memref_slice %arg6[%add3A_274, %dma_wait3A_275] : memref<80x128xi32, #tpu.memory_space<vmem>> -> memref<1x128xi32, #tpu.memory_space<vmem>>
        %dma_wait3A_277 = tpu.memref_squeeze %dma_wait3A_276 : memref<1x128xi32, #tpu.memory_space<vmem>> -> memref<128xi32, #tpu.memory_space<vmem>>
        %dma_wait3A_278 = arith.constant 0 : i32
        %dma_wait3A_279 = arith.constant 0 : i32
        %dma_wait3A_280 = tpu.memref_slice %arg18[%dma_wait3A_278, %dma_wait3A_279] : memref<10112x16xf32, #tpu.memory_space<vmem_shared>> -> memref<10112x16xf32, #tpu.memory_space<vmem_shared>>
        tpu.wait_indirect_dma semaphore(%arg20 : memref<!tpu.dma_semaphore, #tpu.memory_space<semaphore_mem>>) src(%dma_wait3A_280 : memref<10112x16xf32, #tpu.memory_space<vmem_shared>>) dst(%arg9 : memref<128x16xf32, #tpu.memory_space<vmem>>)
        %add3A_281 = arith.constant 1 : i32
        %add3A_282 = arith.addi %add3A_256, %add3A_281 : i32
        %dma_start3A_283 = arith.constant 0 : i32
        %dma_start3A_284 = tpu.memref_slice %arg7[%add3A_282, %dma_start3A_283] : memref<80x128xi32, #tpu.memory_space<vmem>> -> memref<1x128xi32, #tpu.memory_space<vmem>>
        %dma_start3A_285 = tpu.memref_squeeze %dma_start3A_284 : memref<1x128xi32, #tpu.memory_space<vmem>> -> memref<128xi32, #tpu.memory_space<vmem>>
        %dma_start3A_286 = arith.constant 0 : i32
        %dma_start3A_287 = arith.constant 0 : i32
        %dma_start3A_288 = tpu.memref_slice %arg17[%dma_start3A_286, %dma_start3A_287] : memref<10112x16xf32, #tpu.memory_space<vmem_shared>> -> memref<10112x16xf32, #tpu.memory_space<vmem_shared>>
        tpu.enqueue_indirect_dma source(%arg9 : memref<128x16xf32, #tpu.memory_space<vmem>>) target(%dma_start3A_288 : memref<10112x16xf32, #tpu.memory_space<vmem_shared>>) offsets(%dma_start3A_285 : memref<128xi32, #tpu.memory_space<vmem>>) semaphore(%arg28 : memref<!tpu.dma_semaphore, #tpu.memory_space<semaphore_mem>>) {add = true}
        %add3A_289 = arith.constant 2 : i32
        %add3A_290 = arith.addi %add3A_256, %add3A_289 : i32
        %dma_wait3A_291 = arith.constant 0 : i32
        %dma_wait3A_292 = tpu.memref_slice %arg6[%add3A_290, %dma_wait3A_291] : memref<80x128xi32, #tpu.memory_space<vmem>> -> memref<1x128xi32, #tpu.memory_space<vmem>>
        %dma_wait3A_293 = tpu.memref_squeeze %dma_wait3A_292 : memref<1x128xi32, #tpu.memory_space<vmem>> -> memref<128xi32, #tpu.memory_space<vmem>>
        %dma_wait3A_294 = arith.constant 0 : i32
        %dma_wait3A_295 = arith.constant 0 : i32
        %dma_wait3A_296 = tpu.memref_slice %arg18[%dma_wait3A_294, %dma_wait3A_295] : memref<10112x16xf32, #tpu.memory_space<vmem_shared>> -> memref<10112x16xf32, #tpu.memory_space<vmem_shared>>
        tpu.wait_indirect_dma semaphore(%arg21 : memref<!tpu.dma_semaphore, #tpu.memory_space<semaphore_mem>>) src(%dma_wait3A_296 : memref<10112x16xf32, #tpu.memory_space<vmem_shared>>) dst(%arg10 : memref<128x16xf32, #tpu.memory_space<vmem>>)
        %add3A_297 = arith.constant 2 : i32
        %add3A_298 = arith.addi %add3A_256, %add3A_297 : i32
        %dma_start3A_299 = arith.constant 0 : i32
        %dma_start3A_300 = tpu.memref_slice %arg7[%add3A_298, %dma_start3A_299] : memref<80x128xi32, #tpu.memory_space<vmem>> -> memref<1x128xi32, #tpu.memory_space<vmem>>
        %dma_start3A_301 = tpu.memref_squeeze %dma_start3A_300 : memref<1x128xi32, #tpu.memory_space<vmem>> -> memref<128xi32, #tpu.memory_space<vmem>>
        %dma_start3A_302 = arith.constant 0 : i32
        %dma_start3A_303 = arith.constant 0 : i32
        %dma_start3A_304 = tpu.memref_slice %arg17[%dma_start3A_302, %dma_start3A_303] : memref<10112x16xf32, #tpu.memory_space<vmem_shared>> -> memref<10112x16xf32, #tpu.memory_space<vmem_shared>>
        tpu.enqueue_indirect_dma source(%arg10 : memref<128x16xf32, #tpu.memory_space<vmem>>) target(%dma_start3A_304 : memref<10112x16xf32, #tpu.memory_space<vmem_shared>>) offsets(%dma_start3A_301 : memref<128xi32, #tpu.memory_space<vmem>>) semaphore(%arg29 : memref<!tpu.dma_semaphore, #tpu.memory_space<semaphore_mem>>) {add = true}
        %add3A_305 = arith.constant 3 : i32
        %add3A_306 = arith.addi %add3A_256, %add3A_305 : i32
        %dma_wait3A_307 = arith.constant 0 : i32
        %dma_wait3A_308 = tpu.memref_slice %arg6[%add3A_306, %dma_wait3A_307] : memref<80x128xi32, #tpu.memory_space<vmem>> -> memref<1x128xi32, #tpu.memory_space<vmem>>
        %dma_wait3A_309 = tpu.memref_squeeze %dma_wait3A_308 : memref<1x128xi32, #tpu.memory_space<vmem>> -> memref<128xi32, #tpu.memory_space<vmem>>
        %dma_wait3A_310 = arith.constant 0 : i32
        %dma_wait3A_311 = arith.constant 0 : i32
        %dma_wait3A_312 = tpu.memref_slice %arg18[%dma_wait3A_310, %dma_wait3A_311] : memref<10112x16xf32, #tpu.memory_space<vmem_shared>> -> memref<10112x16xf32, #tpu.memory_space<vmem_shared>>
        tpu.wait_indirect_dma semaphore(%arg22 : memref<!tpu.dma_semaphore, #tpu.memory_space<semaphore_mem>>) src(%dma_wait3A_312 : memref<10112x16xf32, #tpu.memory_space<vmem_shared>>) dst(%arg11 : memref<128x16xf32, #tpu.memory_space<vmem>>)
        %add3A_313 = arith.constant 3 : i32
        %add3A_314 = arith.addi %add3A_256, %add3A_313 : i32
        %dma_start3A_315 = arith.constant 0 : i32
        %dma_start3A_316 = tpu.memref_slice %arg7[%add3A_314, %dma_start3A_315] : memref<80x128xi32, #tpu.memory_space<vmem>> -> memref<1x128xi32, #tpu.memory_space<vmem>>
        %dma_start3A_317 = tpu.memref_squeeze %dma_start3A_316 : memref<1x128xi32, #tpu.memory_space<vmem>> -> memref<128xi32, #tpu.memory_space<vmem>>
        %dma_start3A_318 = arith.constant 0 : i32
        %dma_start3A_319 = arith.constant 0 : i32
        %dma_start3A_320 = tpu.memref_slice %arg17[%dma_start3A_318, %dma_start3A_319] : memref<10112x16xf32, #tpu.memory_space<vmem_shared>> -> memref<10112x16xf32, #tpu.memory_space<vmem_shared>>
        tpu.enqueue_indirect_dma source(%arg11 : memref<128x16xf32, #tpu.memory_space<vmem>>) target(%dma_start3A_320 : memref<10112x16xf32, #tpu.memory_space<vmem_shared>>) offsets(%dma_start3A_317 : memref<128xi32, #tpu.memory_space<vmem>>) semaphore(%arg30 : memref<!tpu.dma_semaphore, #tpu.memory_space<semaphore_mem>>) {add = true}
        %add3A_321 = arith.constant 4 : i32
        %add3A_322 = arith.addi %add3A_256, %add3A_321 : i32
        %dma_wait3A_323 = arith.constant 0 : i32
        %dma_wait3A_324 = tpu.memref_slice %arg6[%add3A_322, %dma_wait3A_323] : memref<80x128xi32, #tpu.memory_space<vmem>> -> memref<1x128xi32, #tpu.memory_space<vmem>>
        %dma_wait3A_325 = tpu.memref_squeeze %dma_wait3A_324 : memref<1x128xi32, #tpu.memory_space<vmem>> -> memref<128xi32, #tpu.memory_space<vmem>>
        %dma_wait3A_326 = arith.constant 0 : i32
        %dma_wait3A_327 = arith.constant 0 : i32
        %dma_wait3A_328 = tpu.memref_slice %arg18[%dma_wait3A_326, %dma_wait3A_327] : memref<10112x16xf32, #tpu.memory_space<vmem_shared>> -> memref<10112x16xf32, #tpu.memory_space<vmem_shared>>
        tpu.wait_indirect_dma semaphore(%arg23 : memref<!tpu.dma_semaphore, #tpu.memory_space<semaphore_mem>>) src(%dma_wait3A_328 : memref<10112x16xf32, #tpu.memory_space<vmem_shared>>) dst(%arg12 : memref<128x16xf32, #tpu.memory_space<vmem>>)
        %add3A_329 = arith.constant 4 : i32
        %add3A_330 = arith.addi %add3A_256, %add3A_329 : i32
        %dma_start3A_331 = arith.constant 0 : i32
        %dma_start3A_332 = tpu.memref_slice %arg7[%add3A_330, %dma_start3A_331] : memref<80x128xi32, #tpu.memory_space<vmem>> -> memref<1x128xi32, #tpu.memory_space<vmem>>
        %dma_start3A_333 = tpu.memref_squeeze %dma_start3A_332 : memref<1x128xi32, #tpu.memory_space<vmem>> -> memref<128xi32, #tpu.memory_space<vmem>>
        %dma_start3A_334 = arith.constant 0 : i32
        %dma_start3A_335 = arith.constant 0 : i32
        %dma_start3A_336 = tpu.memref_slice %arg17[%dma_start3A_334, %dma_start3A_335] : memref<10112x16xf32, #tpu.memory_space<vmem_shared>> -> memref<10112x16xf32, #tpu.memory_space<vmem_shared>>
        tpu.enqueue_indirect_dma source(%arg12 : memref<128x16xf32, #tpu.memory_space<vmem>>) target(%dma_start3A_336 : memref<10112x16xf32, #tpu.memory_space<vmem_shared>>) offsets(%dma_start3A_333 : memref<128xi32, #tpu.memory_space<vmem>>) semaphore(%arg31 : memref<!tpu.dma_semaphore, #tpu.memory_space<semaphore_mem>>) {add = true}
        %add3A_337 = arith.constant 5 : i32
        %add3A_338 = arith.addi %add3A_256, %add3A_337 : i32
        %dma_wait3A_339 = arith.constant 0 : i32
        %dma_wait3A_340 = tpu.memref_slice %arg6[%add3A_338, %dma_wait3A_339] : memref<80x128xi32, #tpu.memory_space<vmem>> -> memref<1x128xi32, #tpu.memory_space<vmem>>
        %dma_wait3A_341 = tpu.memref_squeeze %dma_wait3A_340 : memref<1x128xi32, #tpu.memory_space<vmem>> -> memref<128xi32, #tpu.memory_space<vmem>>
        %dma_wait3A_342 = arith.constant 0 : i32
        %dma_wait3A_343 = arith.constant 0 : i32
        %dma_wait3A_344 = tpu.memref_slice %arg18[%dma_wait3A_342, %dma_wait3A_343] : memref<10112x16xf32, #tpu.memory_space<vmem_shared>> -> memref<10112x16xf32, #tpu.memory_space<vmem_shared>>
        tpu.wait_indirect_dma semaphore(%arg24 : memref<!tpu.dma_semaphore, #tpu.memory_space<semaphore_mem>>) src(%dma_wait3A_344 : memref<10112x16xf32, #tpu.memory_space<vmem_shared>>) dst(%arg13 : memref<128x16xf32, #tpu.memory_space<vmem>>)
        %add3A_345 = arith.constant 5 : i32
        %add3A_346 = arith.addi %add3A_256, %add3A_345 : i32
        %dma_start3A_347 = arith.constant 0 : i32
        %dma_start3A_348 = tpu.memref_slice %arg7[%add3A_346, %dma_start3A_347] : memref<80x128xi32, #tpu.memory_space<vmem>> -> memref<1x128xi32, #tpu.memory_space<vmem>>
        %dma_start3A_349 = tpu.memref_squeeze %dma_start3A_348 : memref<1x128xi32, #tpu.memory_space<vmem>> -> memref<128xi32, #tpu.memory_space<vmem>>
        %dma_start3A_350 = arith.constant 0 : i32
        %dma_start3A_351 = arith.constant 0 : i32
        %dma_start3A_352 = tpu.memref_slice %arg17[%dma_start3A_350, %dma_start3A_351] : memref<10112x16xf32, #tpu.memory_space<vmem_shared>> -> memref<10112x16xf32, #tpu.memory_space<vmem_shared>>
        tpu.enqueue_indirect_dma source(%arg13 : memref<128x16xf32, #tpu.memory_space<vmem>>) target(%dma_start3A_352 : memref<10112x16xf32, #tpu.memory_space<vmem_shared>>) offsets(%dma_start3A_349 : memref<128xi32, #tpu.memory_space<vmem>>) semaphore(%arg32 : memref<!tpu.dma_semaphore, #tpu.memory_space<semaphore_mem>>) {add = true}
        %add3A_353 = arith.constant 6 : i32
        %add3A_354 = arith.addi %add3A_256, %add3A_353 : i32
        %dma_wait3A_355 = arith.constant 0 : i32
        %dma_wait3A_356 = tpu.memref_slice %arg6[%add3A_354, %dma_wait3A_355] : memref<80x128xi32, #tpu.memory_space<vmem>> -> memref<1x128xi32, #tpu.memory_space<vmem>>
        %dma_wait3A_357 = tpu.memref_squeeze %dma_wait3A_356 : memref<1x128xi32, #tpu.memory_space<vmem>> -> memref<128xi32, #tpu.memory_space<vmem>>
        %dma_wait3A_358 = arith.constant 0 : i32
        %dma_wait3A_359 = arith.constant 0 : i32
        %dma_wait3A_360 = tpu.memref_slice %arg18[%dma_wait3A_358, %dma_wait3A_359] : memref<10112x16xf32, #tpu.memory_space<vmem_shared>> -> memref<10112x16xf32, #tpu.memory_space<vmem_shared>>
        tpu.wait_indirect_dma semaphore(%arg25 : memref<!tpu.dma_semaphore, #tpu.memory_space<semaphore_mem>>) src(%dma_wait3A_360 : memref<10112x16xf32, #tpu.memory_space<vmem_shared>>) dst(%arg14 : memref<128x16xf32, #tpu.memory_space<vmem>>)
        %add3A_361 = arith.constant 6 : i32
        %add3A_362 = arith.addi %add3A_256, %add3A_361 : i32
        %dma_start3A_363 = arith.constant 0 : i32
        %dma_start3A_364 = tpu.memref_slice %arg7[%add3A_362, %dma_start3A_363] : memref<80x128xi32, #tpu.memory_space<vmem>> -> memref<1x128xi32, #tpu.memory_space<vmem>>
        %dma_start3A_365 = tpu.memref_squeeze %dma_start3A_364 : memref<1x128xi32, #tpu.memory_space<vmem>> -> memref<128xi32, #tpu.memory_space<vmem>>
        %dma_start3A_366 = arith.constant 0 : i32
        %dma_start3A_367 = arith.constant 0 : i32
        %dma_start3A_368 = tpu.memref_slice %arg17[%dma_start3A_366, %dma_start3A_367] : memref<10112x16xf32, #tpu.memory_space<vmem_shared>> -> memref<10112x16xf32, #tpu.memory_space<vmem_shared>>
        tpu.enqueue_indirect_dma source(%arg14 : memref<128x16xf32, #tpu.memory_space<vmem>>) target(%dma_start3A_368 : memref<10112x16xf32, #tpu.memory_space<vmem_shared>>) offsets(%dma_start3A_365 : memref<128xi32, #tpu.memory_space<vmem>>) semaphore(%arg33 : memref<!tpu.dma_semaphore, #tpu.memory_space<semaphore_mem>>) {add = true}
        %add3A_369 = arith.constant 7 : i32
        %add3A_370 = arith.addi %add3A_256, %add3A_369 : i32
        %dma_wait3A_371 = arith.constant 0 : i32
        %dma_wait3A_372 = tpu.memref_slice %arg6[%add3A_370, %dma_wait3A_371] : memref<80x128xi32, #tpu.memory_space<vmem>> -> memref<1x128xi32, #tpu.memory_space<vmem>>
        %dma_wait3A_373 = tpu.memref_squeeze %dma_wait3A_372 : memref<1x128xi32, #tpu.memory_space<vmem>> -> memref<128xi32, #tpu.memory_space<vmem>>
        %dma_wait3A_374 = arith.constant 0 : i32
        %dma_wait3A_375 = arith.constant 0 : i32
        %dma_wait3A_376 = tpu.memref_slice %arg18[%dma_wait3A_374, %dma_wait3A_375] : memref<10112x16xf32, #tpu.memory_space<vmem_shared>> -> memref<10112x16xf32, #tpu.memory_space<vmem_shared>>
        tpu.wait_indirect_dma semaphore(%arg26 : memref<!tpu.dma_semaphore, #tpu.memory_space<semaphore_mem>>) src(%dma_wait3A_376 : memref<10112x16xf32, #tpu.memory_space<vmem_shared>>) dst(%arg15 : memref<128x16xf32, #tpu.memory_space<vmem>>)
        %add3A_377 = arith.constant 7 : i32
        %add3A_378 = arith.addi %add3A_256, %add3A_377 : i32
        %dma_start3A_379 = arith.constant 0 : i32
        %dma_start3A_380 = tpu.memref_slice %arg7[%add3A_378, %dma_start3A_379] : memref<80x128xi32, #tpu.memory_space<vmem>> -> memref<1x128xi32, #tpu.memory_space<vmem>>
        %dma_start3A_381 = tpu.memref_squeeze %dma_start3A_380 : memref<1x128xi32, #tpu.memory_space<vmem>> -> memref<128xi32, #tpu.memory_space<vmem>>
        %dma_start3A_382 = arith.constant 0 : i32
        %dma_start3A_383 = arith.constant 0 : i32
        %dma_start3A_384 = tpu.memref_slice %arg17[%dma_start3A_382, %dma_start3A_383] : memref<10112x16xf32, #tpu.memory_space<vmem_shared>> -> memref<10112x16xf32, #tpu.memory_space<vmem_shared>>
        tpu.enqueue_indirect_dma source(%arg15 : memref<128x16xf32, #tpu.memory_space<vmem>>) target(%dma_start3A_384 : memref<10112x16xf32, #tpu.memory_space<vmem_shared>>) offsets(%dma_start3A_381 : memref<128xi32, #tpu.memory_space<vmem>>) semaphore(%arg34 : memref<!tpu.dma_semaphore, #tpu.memory_space<semaphore_mem>>) {add = true}
        %add3A_385 = arith.constant 0 : i32
        %add3A_386 = arith.addi %add3A_256, %add3A_385 : i32
        %dma_wait3A_387 = arith.constant 0 : i32
        %dma_wait3A_388 = tpu.memref_slice %arg7[%add3A_386, %dma_wait3A_387] : memref<80x128xi32, #tpu.memory_space<vmem>> -> memref<1x128xi32, #tpu.memory_space<vmem>>
        %dma_wait3A_389 = tpu.memref_squeeze %dma_wait3A_388 : memref<1x128xi32, #tpu.memory_space<vmem>> -> memref<128xi32, #tpu.memory_space<vmem>>
        %dma_wait3A_390 = arith.constant 0 : i32
        %dma_wait3A_391 = arith.constant 0 : i32
        %dma_wait3A_392 = tpu.memref_slice %arg17[%dma_wait3A_390, %dma_wait3A_391] : memref<10112x16xf32, #tpu.memory_space<vmem_shared>> -> memref<10112x16xf32, #tpu.memory_space<vmem_shared>>
        tpu.wait_indirect_dma semaphore(%arg27 : memref<!tpu.dma_semaphore, #tpu.memory_space<semaphore_mem>>) src(%arg8 : memref<128x16xf32, #tpu.memory_space<vmem>>) dst(%dma_wait3A_392 : memref<10112x16xf32, #tpu.memory_space<vmem_shared>>)
        %add3A_393 = arith.constant 8 : i32
        %add3A_394 = arith.addi %add3A_256, %add3A_393 : i32
        %add3A_395 = arith.constant 0 : i32
        %add3A_396 = arith.addi %add3A_394, %add3A_395 : i32
        %dma_start3A_397 = arith.constant 0 : i32
        %dma_start3A_398 = tpu.memref_slice %arg6[%add3A_396, %dma_start3A_397] : memref<80x128xi32, #tpu.memory_space<vmem>> -> memref<1x128xi32, #tpu.memory_space<vmem>>
        %dma_start3A_399 = tpu.memref_squeeze %dma_start3A_398 : memref<1x128xi32, #tpu.memory_space<vmem>> -> memref<128xi32, #tpu.memory_space<vmem>>
        %dma_start3A_400 = arith.constant 0 : i32
        %dma_start3A_401 = arith.constant 0 : i32
        %dma_start3A_402 = tpu.memref_slice %arg18[%dma_start3A_400, %dma_start3A_401] : memref<10112x16xf32, #tpu.memory_space<vmem_shared>> -> memref<10112x16xf32, #tpu.memory_space<vmem_shared>>
        tpu.enqueue_indirect_dma source(%dma_start3A_402 : memref<10112x16xf32, #tpu.memory_space<vmem_shared>>) target(%arg8 : memref<128x16xf32, #tpu.memory_space<vmem>>) offsets(%dma_start3A_399 : memref<128xi32, #tpu.memory_space<vmem>>) semaphore(%arg19 : memref<!tpu.dma_semaphore, #tpu.memory_space<semaphore_mem>>)
        %add3A_403 = arith.constant 1 : i32
        %add3A_404 = arith.addi %add3A_256, %add3A_403 : i32
        %dma_wait3A_405 = arith.constant 0 : i32
        %dma_wait3A_406 = tpu.memref_slice %arg7[%add3A_404, %dma_wait3A_405] : memref<80x128xi32, #tpu.memory_space<vmem>> -> memref<1x128xi32, #tpu.memory_space<vmem>>
        %dma_wait3A_407 = tpu.memref_squeeze %dma_wait3A_406 : memref<1x128xi32, #tpu.memory_space<vmem>> -> memref<128xi32, #tpu.memory_space<vmem>>
        %dma_wait3A_408 = arith.constant 0 : i32
        %dma_wait3A_409 = arith.constant 0 : i32
        %dma_wait3A_410 = tpu.memref_slice %arg17[%dma_wait3A_408, %dma_wait3A_409] : memref<10112x16xf32, #tpu.memory_space<vmem_shared>> -> memref<10112x16xf32, #tpu.memory_space<vmem_shared>>
        tpu.wait_indirect_dma semaphore(%arg28 : memref<!tpu.dma_semaphore, #tpu.memory_space<semaphore_mem>>) src(%arg9 : memref<128x16xf32, #tpu.memory_space<vmem>>) dst(%dma_wait3A_410 : memref<10112x16xf32, #tpu.memory_space<vmem_shared>>)
        %add3A_411 = arith.constant 8 : i32
        %add3A_412 = arith.addi %add3A_256, %add3A_411 : i32
        %add3A_413 = arith.constant 1 : i32
        %add3A_414 = arith.addi %add3A_412, %add3A_413 : i32
        %dma_start3A_415 = arith.constant 0 : i32
        %dma_start3A_416 = tpu.memref_slice %arg6[%add3A_414, %dma_start3A_415] : memref<80x128xi32, #tpu.memory_space<vmem>> -> memref<1x128xi32, #tpu.memory_space<vmem>>
        %dma_start3A_417 = tpu.memref_squeeze %dma_start3A_416 : memref<1x128xi32, #tpu.memory_space<vmem>> -> memref<128xi32, #tpu.memory_space<vmem>>
        %dma_start3A_418 = arith.constant 0 : i32
        %dma_start3A_419 = arith.constant 0 : i32
        %dma_start3A_420 = tpu.memref_slice %arg18[%dma_start3A_418, %dma_start3A_419] : memref<10112x16xf32, #tpu.memory_space<vmem_shared>> -> memref<10112x16xf32, #tpu.memory_space<vmem_shared>>
        tpu.enqueue_indirect_dma source(%dma_start3A_420 : memref<10112x16xf32, #tpu.memory_space<vmem_shared>>) target(%arg9 : memref<128x16xf32, #tpu.memory_space<vmem>>) offsets(%dma_start3A_417 : memref<128xi32, #tpu.memory_space<vmem>>) semaphore(%arg20 : memref<!tpu.dma_semaphore, #tpu.memory_space<semaphore_mem>>)
        %add3A_421 = arith.constant 2 : i32
        %add3A_422 = arith.addi %add3A_256, %add3A_421 : i32
        %dma_wait3A_423 = arith.constant 0 : i32
        %dma_wait3A_424 = tpu.memref_slice %arg7[%add3A_422, %dma_wait3A_423] : memref<80x128xi32, #tpu.memory_space<vmem>> -> memref<1x128xi32, #tpu.memory_space<vmem>>
        %dma_wait3A_425 = tpu.memref_squeeze %dma_wait3A_424 : memref<1x128xi32, #tpu.memory_space<vmem>> -> memref<128xi32, #tpu.memory_space<vmem>>
        %dma_wait3A_426 = arith.constant 0 : i32
        %dma_wait3A_427 = arith.constant 0 : i32
        %dma_wait3A_428 = tpu.memref_slice %arg17[%dma_wait3A_426, %dma_wait3A_427] : memref<10112x16xf32, #tpu.memory_space<vmem_shared>> -> memref<10112x16xf32, #tpu.memory_space<vmem_shared>>
        tpu.wait_indirect_dma semaphore(%arg29 : memref<!tpu.dma_semaphore, #tpu.memory_space<semaphore_mem>>) src(%arg10 : memref<128x16xf32, #tpu.memory_space<vmem>>) dst(%dma_wait3A_428 : memref<10112x16xf32, #tpu.memory_space<vmem_shared>>)
        %add3A_429 = arith.constant 8 : i32
        %add3A_430 = arith.addi %add3A_256, %add3A_429 : i32
        %add3A_431 = arith.constant 2 : i32
        %add3A_432 = arith.addi %add3A_430, %add3A_431 : i32
        %dma_start3A_433 = arith.constant 0 : i32
        %dma_start3A_434 = tpu.memref_slice %arg6[%add3A_432, %dma_start3A_433] : memref<80x128xi32, #tpu.memory_space<vmem>> -> memref<1x128xi32, #tpu.memory_space<vmem>>
        %dma_start3A_435 = tpu.memref_squeeze %dma_start3A_434 : memref<1x128xi32, #tpu.memory_space<vmem>> -> memref<128xi32, #tpu.memory_space<vmem>>
        %dma_start3A_436 = arith.constant 0 : i32
        %dma_start3A_437 = arith.constant 0 : i32
        %dma_start3A_438 = tpu.memref_slice %arg18[%dma_start3A_436, %dma_start3A_437] : memref<10112x16xf32, #tpu.memory_space<vmem_shared>> -> memref<10112x16xf32, #tpu.memory_space<vmem_shared>>
        tpu.enqueue_indirect_dma source(%dma_start3A_438 : memref<10112x16xf32, #tpu.memory_space<vmem_shared>>) target(%arg10 : memref<128x16xf32, #tpu.memory_space<vmem>>) offsets(%dma_start3A_435 : memref<128xi32, #tpu.memory_space<vmem>>) semaphore(%arg21 : memref<!tpu.dma_semaphore, #tpu.memory_space<semaphore_mem>>)
        %add3A_439 = arith.constant 3 : i32
        %add3A_440 = arith.addi %add3A_256, %add3A_439 : i32
        %dma_wait3A_441 = arith.constant 0 : i32
        %dma_wait3A_442 = tpu.memref_slice %arg7[%add3A_440, %dma_wait3A_441] : memref<80x128xi32, #tpu.memory_space<vmem>> -> memref<1x128xi32, #tpu.memory_space<vmem>>
        %dma_wait3A_443 = tpu.memref_squeeze %dma_wait3A_442 : memref<1x128xi32, #tpu.memory_space<vmem>> -> memref<128xi32, #tpu.memory_space<vmem>>
        %dma_wait3A_444 = arith.constant 0 : i32
        %dma_wait3A_445 = arith.constant 0 : i32
        %dma_wait3A_446 = tpu.memref_slice %arg17[%dma_wait3A_444, %dma_wait3A_445] : memref<10112x16xf32, #tpu.memory_space<vmem_shared>> -> memref<10112x16xf32, #tpu.memory_space<vmem_shared>>
        tpu.wait_indirect_dma semaphore(%arg30 : memref<!tpu.dma_semaphore, #tpu.memory_space<semaphore_mem>>) src(%arg11 : memref<128x16xf32, #tpu.memory_space<vmem>>) dst(%dma_wait3A_446 : memref<10112x16xf32, #tpu.memory_space<vmem_shared>>)
        %add3A_447 = arith.constant 8 : i32
        %add3A_448 = arith.addi %add3A_256, %add3A_447 : i32
        %add3A_449 = arith.constant 3 : i32
        %add3A_450 = arith.addi %add3A_448, %add3A_449 : i32
        %dma_start3A_451 = arith.constant 0 : i32
        %dma_start3A_452 = tpu.memref_slice %arg6[%add3A_450, %dma_start3A_451] : memref<80x128xi32, #tpu.memory_space<vmem>> -> memref<1x128xi32, #tpu.memory_space<vmem>>
        %dma_start3A_453 = tpu.memref_squeeze %dma_start3A_452 : memref<1x128xi32, #tpu.memory_space<vmem>> -> memref<128xi32, #tpu.memory_space<vmem>>
        %dma_start3A_454 = arith.constant 0 : i32
        %dma_start3A_455 = arith.constant 0 : i32
        %dma_start3A_456 = tpu.memref_slice %arg18[%dma_start3A_454, %dma_start3A_455] : memref<10112x16xf32, #tpu.memory_space<vmem_shared>> -> memref<10112x16xf32, #tpu.memory_space<vmem_shared>>
        tpu.enqueue_indirect_dma source(%dma_start3A_456 : memref<10112x16xf32, #tpu.memory_space<vmem_shared>>) target(%arg11 : memref<128x16xf32, #tpu.memory_space<vmem>>) offsets(%dma_start3A_453 : memref<128xi32, #tpu.memory_space<vmem>>) semaphore(%arg22 : memref<!tpu.dma_semaphore, #tpu.memory_space<semaphore_mem>>)
        %add3A_457 = arith.constant 4 : i32
        %add3A_458 = arith.addi %add3A_256, %add3A_457 : i32
        %dma_wait3A_459 = arith.constant 0 : i32
        %dma_wait3A_460 = tpu.memref_slice %arg7[%add3A_458, %dma_wait3A_459] : memref<80x128xi32, #tpu.memory_space<vmem>> -> memref<1x128xi32, #tpu.memory_space<vmem>>
        %dma_wait3A_461 = tpu.memref_squeeze %dma_wait3A_460 : memref<1x128xi32, #tpu.memory_space<vmem>> -> memref<128xi32, #tpu.memory_space<vmem>>
        %dma_wait3A_462 = arith.constant 0 : i32
        %dma_wait3A_463 = arith.constant 0 : i32
        %dma_wait3A_464 = tpu.memref_slice %arg17[%dma_wait3A_462, %dma_wait3A_463] : memref<10112x16xf32, #tpu.memory_space<vmem_shared>> -> memref<10112x16xf32, #tpu.memory_space<vmem_shared>>
        tpu.wait_indirect_dma semaphore(%arg31 : memref<!tpu.dma_semaphore, #tpu.memory_space<semaphore_mem>>) src(%arg12 : memref<128x16xf32, #tpu.memory_space<vmem>>) dst(%dma_wait3A_464 : memref<10112x16xf32, #tpu.memory_space<vmem_shared>>)
        %add3A_465 = arith.constant 8 : i32
        %add3A_466 = arith.addi %add3A_256, %add3A_465 : i32
        %add3A_467 = arith.constant 4 : i32
        %add3A_468 = arith.addi %add3A_466, %add3A_467 : i32
        %dma_start3A_469 = arith.constant 0 : i32
        %dma_start3A_470 = tpu.memref_slice %arg6[%add3A_468, %dma_start3A_469] : memref<80x128xi32, #tpu.memory_space<vmem>> -> memref<1x128xi32, #tpu.memory_space<vmem>>
        %dma_start3A_471 = tpu.memref_squeeze %dma_start3A_470 : memref<1x128xi32, #tpu.memory_space<vmem>> -> memref<128xi32, #tpu.memory_space<vmem>>
        %dma_start3A_472 = arith.constant 0 : i32
        %dma_start3A_473 = arith.constant 0 : i32
        %dma_start3A_474 = tpu.memref_slice %arg18[%dma_start3A_472, %dma_start3A_473] : memref<10112x16xf32, #tpu.memory_space<vmem_shared>> -> memref<10112x16xf32, #tpu.memory_space<vmem_shared>>
        tpu.enqueue_indirect_dma source(%dma_start3A_474 : memref<10112x16xf32, #tpu.memory_space<vmem_shared>>) target(%arg12 : memref<128x16xf32, #tpu.memory_space<vmem>>) offsets(%dma_start3A_471 : memref<128xi32, #tpu.memory_space<vmem>>) semaphore(%arg23 : memref<!tpu.dma_semaphore, #tpu.memory_space<semaphore_mem>>)
        %add3A_475 = arith.constant 5 : i32
        %add3A_476 = arith.addi %add3A_256, %add3A_475 : i32
        %dma_wait3A_477 = arith.constant 0 : i32
        %dma_wait3A_478 = tpu.memref_slice %arg7[%add3A_476, %dma_wait3A_477] : memref<80x128xi32, #tpu.memory_space<vmem>> -> memref<1x128xi32, #tpu.memory_space<vmem>>
        %dma_wait3A_479 = tpu.memref_squeeze %dma_wait3A_478 : memref<1x128xi32, #tpu.memory_space<vmem>> -> memref<128xi32, #tpu.memory_space<vmem>>
        %dma_wait3A_480 = arith.constant 0 : i32
        %dma_wait3A_481 = arith.constant 0 : i32
        %dma_wait3A_482 = tpu.memref_slice %arg17[%dma_wait3A_480, %dma_wait3A_481] : memref<10112x16xf32, #tpu.memory_space<vmem_shared>> -> memref<10112x16xf32, #tpu.memory_space<vmem_shared>>
        tpu.wait_indirect_dma semaphore(%arg32 : memref<!tpu.dma_semaphore, #tpu.memory_space<semaphore_mem>>) src(%arg13 : memref<128x16xf32, #tpu.memory_space<vmem>>) dst(%dma_wait3A_482 : memref<10112x16xf32, #tpu.memory_space<vmem_shared>>)
        %add3A_483 = arith.constant 8 : i32
        %add3A_484 = arith.addi %add3A_256, %add3A_483 : i32
        %add3A_485 = arith.constant 5 : i32
        %add3A_486 = arith.addi %add3A_484, %add3A_485 : i32
        %dma_start3A_487 = arith.constant 0 : i32
        %dma_start3A_488 = tpu.memref_slice %arg6[%add3A_486, %dma_start3A_487] : memref<80x128xi32, #tpu.memory_space<vmem>> -> memref<1x128xi32, #tpu.memory_space<vmem>>
        %dma_start3A_489 = tpu.memref_squeeze %dma_start3A_488 : memref<1x128xi32, #tpu.memory_space<vmem>> -> memref<128xi32, #tpu.memory_space<vmem>>
        %dma_start3A_490 = arith.constant 0 : i32
        %dma_start3A_491 = arith.constant 0 : i32
        %dma_start3A_492 = tpu.memref_slice %arg18[%dma_start3A_490, %dma_start3A_491] : memref<10112x16xf32, #tpu.memory_space<vmem_shared>> -> memref<10112x16xf32, #tpu.memory_space<vmem_shared>>
        tpu.enqueue_indirect_dma source(%dma_start3A_492 : memref<10112x16xf32, #tpu.memory_space<vmem_shared>>) target(%arg13 : memref<128x16xf32, #tpu.memory_space<vmem>>) offsets(%dma_start3A_489 : memref<128xi32, #tpu.memory_space<vmem>>) semaphore(%arg24 : memref<!tpu.dma_semaphore, #tpu.memory_space<semaphore_mem>>)
        %add3A_493 = arith.constant 6 : i32
        %add3A_494 = arith.addi %add3A_256, %add3A_493 : i32
        %dma_wait3A_495 = arith.constant 0 : i32
        %dma_wait3A_496 = tpu.memref_slice %arg7[%add3A_494, %dma_wait3A_495] : memref<80x128xi32, #tpu.memory_space<vmem>> -> memref<1x128xi32, #tpu.memory_space<vmem>>
        %dma_wait3A_497 = tpu.memref_squeeze %dma_wait3A_496 : memref<1x128xi32, #tpu.memory_space<vmem>> -> memref<128xi32, #tpu.memory_space<vmem>>
        %dma_wait3A_498 = arith.constant 0 : i32
        %dma_wait3A_499 = arith.constant 0 : i32
        %dma_wait3A_500 = tpu.memref_slice %arg17[%dma_wait3A_498, %dma_wait3A_499] : memref<10112x16xf32, #tpu.memory_space<vmem_shared>> -> memref<10112x16xf32, #tpu.memory_space<vmem_shared>>
        tpu.wait_indirect_dma semaphore(%arg33 : memref<!tpu.dma_semaphore, #tpu.memory_space<semaphore_mem>>) src(%arg14 : memref<128x16xf32, #tpu.memory_space<vmem>>) dst(%dma_wait3A_500 : memref<10112x16xf32, #tpu.memory_space<vmem_shared>>)
        %add3A_501 = arith.constant 8 : i32
        %add3A_502 = arith.addi %add3A_256, %add3A_501 : i32
        %add3A_503 = arith.constant 6 : i32
        %add3A_504 = arith.addi %add3A_502, %add3A_503 : i32
        %dma_start3A_505 = arith.constant 0 : i32
        %dma_start3A_506 = tpu.memref_slice %arg6[%add3A_504, %dma_start3A_505] : memref<80x128xi32, #tpu.memory_space<vmem>> -> memref<1x128xi32, #tpu.memory_space<vmem>>
        %dma_start3A_507 = tpu.memref_squeeze %dma_start3A_506 : memref<1x128xi32, #tpu.memory_space<vmem>> -> memref<128xi32, #tpu.memory_space<vmem>>
        %dma_start3A_508 = arith.constant 0 : i32
        %dma_start3A_509 = arith.constant 0 : i32
        %dma_start3A_510 = tpu.memref_slice %arg18[%dma_start3A_508, %dma_start3A_509] : memref<10112x16xf32, #tpu.memory_space<vmem_shared>> -> memref<10112x16xf32, #tpu.memory_space<vmem_shared>>
        tpu.enqueue_indirect_dma source(%dma_start3A_510 : memref<10112x16xf32, #tpu.memory_space<vmem_shared>>) target(%arg14 : memref<128x16xf32, #tpu.memory_space<vmem>>) offsets(%dma_start3A_507 : memref<128xi32, #tpu.memory_space<vmem>>) semaphore(%arg25 : memref<!tpu.dma_semaphore, #tpu.memory_space<semaphore_mem>>)
        %add3A_511 = arith.constant 7 : i32
        %add3A_512 = arith.addi %add3A_256, %add3A_511 : i32
        %dma_wait3A_513 = arith.constant 0 : i32
        %dma_wait3A_514 = tpu.memref_slice %arg7[%add3A_512, %dma_wait3A_513] : memref<80x128xi32, #tpu.memory_space<vmem>> -> memref<1x128xi32, #tpu.memory_space<vmem>>
        %dma_wait3A_515 = tpu.memref_squeeze %dma_wait3A_514 : memref<1x128xi32, #tpu.memory_space<vmem>> -> memref<128xi32, #tpu.memory_space<vmem>>
        %dma_wait3A_516 = arith.constant 0 : i32
        %dma_wait3A_517 = arith.constant 0 : i32
        %dma_wait3A_518 = tpu.memref_slice %arg17[%dma_wait3A_516, %dma_wait3A_517] : memref<10112x16xf32, #tpu.memory_space<vmem_shared>> -> memref<10112x16xf32, #tpu.memory_space<vmem_shared>>
        tpu.wait_indirect_dma semaphore(%arg34 : memref<!tpu.dma_semaphore, #tpu.memory_space<semaphore_mem>>) src(%arg15 : memref<128x16xf32, #tpu.memory_space<vmem>>) dst(%dma_wait3A_518 : memref<10112x16xf32, #tpu.memory_space<vmem_shared>>)
        %add3A_519 = arith.constant 8 : i32
        %add3A_520 = arith.addi %add3A_256, %add3A_519 : i32
        %add3A_521 = arith.constant 7 : i32
        %add3A_522 = arith.addi %add3A_520, %add3A_521 : i32
        %dma_start3A_523 = arith.constant 0 : i32
        %dma_start3A_524 = tpu.memref_slice %arg6[%add3A_522, %dma_start3A_523] : memref<80x128xi32, #tpu.memory_space<vmem>> -> memref<1x128xi32, #tpu.memory_space<vmem>>
        %dma_start3A_525 = tpu.memref_squeeze %dma_start3A_524 : memref<1x128xi32, #tpu.memory_space<vmem>> -> memref<128xi32, #tpu.memory_space<vmem>>
        %dma_start3A_526 = arith.constant 0 : i32
        %dma_start3A_527 = arith.constant 0 : i32
        %dma_start3A_528 = tpu.memref_slice %arg18[%dma_start3A_526, %dma_start3A_527] : memref<10112x16xf32, #tpu.memory_space<vmem_shared>> -> memref<10112x16xf32, #tpu.memory_space<vmem_shared>>
        tpu.enqueue_indirect_dma source(%dma_start3A_528 : memref<10112x16xf32, #tpu.memory_space<vmem_shared>>) target(%arg15 : memref<128x16xf32, #tpu.memory_space<vmem>>) offsets(%dma_start3A_525 : memref<128xi32, #tpu.memory_space<vmem>>) semaphore(%arg26 : memref<!tpu.dma_semaphore, #tpu.memory_space<semaphore_mem>>)
      }
      %scan3A_84 = arith.constant 9 : i32
      %dma_wait3A = arith.constant 72 : i32
      %dma_wait3A_85 = arith.constant 0 : i32
      %dma_wait3A_86 = tpu.memref_slice %arg6[%dma_wait3A, %dma_wait3A_85] : memref<80x128xi32, #tpu.memory_space<vmem>> -> memref<1x128xi32, #tpu.memory_space<vmem>>
      %dma_wait3A_87 = tpu.memref_squeeze %dma_wait3A_86 : memref<1x128xi32, #tpu.memory_space<vmem>> -> memref<128xi32, #tpu.memory_space<vmem>>
      %dma_wait3A_88 = arith.constant 0 : i32
      %dma_wait3A_89 = arith.constant 0 : i32
      %dma_wait3A_90 = tpu.memref_slice %arg18[%dma_wait3A_88, %dma_wait3A_89] : memref<10112x16xf32, #tpu.memory_space<vmem_shared>> -> memref<10112x16xf32, #tpu.memory_space<vmem_shared>>
      tpu.wait_indirect_dma semaphore(%arg19 : memref<!tpu.dma_semaphore, #tpu.memory_space<semaphore_mem>>) src(%dma_wait3A_90 : memref<10112x16xf32, #tpu.memory_space<vmem_shared>>) dst(%arg8 : memref<128x16xf32, #tpu.memory_space<vmem>>)
      %dma_start3A_91 = arith.constant 72 : i32
      %dma_start3A_92 = arith.constant 0 : i32
      %dma_start3A_93 = tpu.memref_slice %arg7[%dma_start3A_91, %dma_start3A_92] : memref<80x128xi32, #tpu.memory_space<vmem>> -> memref<1x128xi32, #tpu.memory_space<vmem>>
      %dma_start3A_94 = tpu.memref_squeeze %dma_start3A_93 : memref<1x128xi32, #tpu.memory_space<vmem>> -> memref<128xi32, #tpu.memory_space<vmem>>
      %dma_start3A_95 = arith.constant 0 : i32
      %dma_start3A_96 = arith.constant 0 : i32
      %dma_start3A_97 = tpu.memref_slice %arg17[%dma_start3A_95, %dma_start3A_96] : memref<10112x16xf32, #tpu.memory_space<vmem_shared>> -> memref<10112x16xf32, #tpu.memory_space<vmem_shared>>
      tpu.enqueue_indirect_dma source(%arg8 : memref<128x16xf32, #tpu.memory_space<vmem>>) target(%dma_start3A_97 : memref<10112x16xf32, #tpu.memory_space<vmem_shared>>) offsets(%dma_start3A_94 : memref<128xi32, #tpu.memory_space<vmem>>) semaphore(%arg27 : memref<!tpu.dma_semaphore, #tpu.memory_space<semaphore_mem>>) {add = true}
      %dma_wait3A_98 = arith.constant 73 : i32
      %dma_wait3A_99 = arith.constant 0 : i32
      %dma_wait3A_100 = tpu.memref_slice %arg6[%dma_wait3A_98, %dma_wait3A_99] : memref<80x128xi32, #tpu.memory_space<vmem>> -> memref<1x128xi32, #tpu.memory_space<vmem>>
      %dma_wait3A_101 = tpu.memref_squeeze %dma_wait3A_100 : memref<1x128xi32, #tpu.memory_space<vmem>> -> memref<128xi32, #tpu.memory_space<vmem>>
      %dma_wait3A_102 = arith.constant 0 : i32
      %dma_wait3A_103 = arith.constant 0 : i32
      %dma_wait3A_104 = tpu.memref_slice %arg18[%dma_wait3A_102, %dma_wait3A_103] : memref<10112x16xf32, #tpu.memory_space<vmem_shared>> -> memref<10112x16xf32, #tpu.memory_space<vmem_shared>>
      tpu.wait_indirect_dma semaphore(%arg20 : memref<!tpu.dma_semaphore, #tpu.memory_space<semaphore_mem>>) src(%dma_wait3A_104 : memref<10112x16xf32, #tpu.memory_space<vmem_shared>>) dst(%arg9 : memref<128x16xf32, #tpu.memory_space<vmem>>)
      %dma_start3A_105 = arith.constant 73 : i32
      %dma_start3A_106 = arith.constant 0 : i32
      %dma_start3A_107 = tpu.memref_slice %arg7[%dma_start3A_105, %dma_start3A_106] : memref<80x128xi32, #tpu.memory_space<vmem>> -> memref<1x128xi32, #tpu.memory_space<vmem>>
      %dma_start3A_108 = tpu.memref_squeeze %dma_start3A_107 : memref<1x128xi32, #tpu.memory_space<vmem>> -> memref<128xi32, #tpu.memory_space<vmem>>
      %dma_start3A_109 = arith.constant 0 : i32
      %dma_start3A_110 = arith.constant 0 : i32
      %dma_start3A_111 = tpu.memref_slice %arg17[%dma_start3A_109, %dma_start3A_110] : memref<10112x16xf32, #tpu.memory_space<vmem_shared>> -> memref<10112x16xf32, #tpu.memory_space<vmem_shared>>
      tpu.enqueue_indirect_dma source(%arg9 : memref<128x16xf32, #tpu.memory_space<vmem>>) target(%dma_start3A_111 : memref<10112x16xf32, #tpu.memory_space<vmem_shared>>) offsets(%dma_start3A_108 : memref<128xi32, #tpu.memory_space<vmem>>) semaphore(%arg28 : memref<!tpu.dma_semaphore, #tpu.memory_space<semaphore_mem>>) {add = true}
      %dma_wait3A_112 = arith.constant 74 : i32
      %dma_wait3A_113 = arith.constant 0 : i32
      %dma_wait3A_114 = tpu.memref_slice %arg6[%dma_wait3A_112, %dma_wait3A_113] : memref<80x128xi32, #tpu.memory_space<vmem>> -> memref<1x128xi32, #tpu.memory_space<vmem>>
      %dma_wait3A_115 = tpu.memref_squeeze %dma_wait3A_114 : memref<1x128xi32, #tpu.memory_space<vmem>> -> memref<128xi32, #tpu.memory_space<vmem>>
      %dma_wait3A_116 = arith.constant 0 : i32
      %dma_wait3A_117 = arith.constant 0 : i32
      %dma_wait3A_118 = tpu.memref_slice %arg18[%dma_wait3A_116, %dma_wait3A_117] : memref<10112x16xf32, #tpu.memory_space<vmem_shared>> -> memref<10112x16xf32, #tpu.memory_space<vmem_shared>>
      tpu.wait_indirect_dma semaphore(%arg21 : memref<!tpu.dma_semaphore, #tpu.memory_space<semaphore_mem>>) src(%dma_wait3A_118 : memref<10112x16xf32, #tpu.memory_space<vmem_shared>>) dst(%arg10 : memref<128x16xf32, #tpu.memory_space<vmem>>)
      %dma_start3A_119 = arith.constant 74 : i32
      %dma_start3A_120 = arith.constant 0 : i32
      %dma_start3A_121 = tpu.memref_slice %arg7[%dma_start3A_119, %dma_start3A_120] : memref<80x128xi32, #tpu.memory_space<vmem>> -> memref<1x128xi32, #tpu.memory_space<vmem>>
      %dma_start3A_122 = tpu.memref_squeeze %dma_start3A_121 : memref<1x128xi32, #tpu.memory_space<vmem>> -> memref<128xi32, #tpu.memory_space<vmem>>
      %dma_start3A_123 = arith.constant 0 : i32
      %dma_start3A_124 = arith.constant 0 : i32
      %dma_start3A_125 = tpu.memref_slice %arg17[%dma_start3A_123, %dma_start3A_124] : memref<10112x16xf32, #tpu.memory_space<vmem_shared>> -> memref<10112x16xf32, #tpu.memory_space<vmem_shared>>
      tpu.enqueue_indirect_dma source(%arg10 : memref<128x16xf32, #tpu.memory_space<vmem>>) target(%dma_start3A_125 : memref<10112x16xf32, #tpu.memory_space<vmem_shared>>) offsets(%dma_start3A_122 : memref<128xi32, #tpu.memory_space<vmem>>) semaphore(%arg29 : memref<!tpu.dma_semaphore, #tpu.memory_space<semaphore_mem>>) {add = true}
      %dma_wait3A_126 = arith.constant 75 : i32
      %dma_wait3A_127 = arith.constant 0 : i32
      %dma_wait3A_128 = tpu.memref_slice %arg6[%dma_wait3A_126, %dma_wait3A_127] : memref<80x128xi32, #tpu.memory_space<vmem>> -> memref<1x128xi32, #tpu.memory_space<vmem>>
      %dma_wait3A_129 = tpu.memref_squeeze %dma_wait3A_128 : memref<1x128xi32, #tpu.memory_space<vmem>> -> memref<128xi32, #tpu.memory_space<vmem>>
      %dma_wait3A_130 = arith.constant 0 : i32
      %dma_wait3A_131 = arith.constant 0 : i32
      %dma_wait3A_132 = tpu.memref_slice %arg18[%dma_wait3A_130, %dma_wait3A_131] : memref<10112x16xf32, #tpu.memory_space<vmem_shared>> -> memref<10112x16xf32, #tpu.memory_space<vmem_shared>>
      tpu.wait_indirect_dma semaphore(%arg22 : memref<!tpu.dma_semaphore, #tpu.memory_space<semaphore_mem>>) src(%dma_wait3A_132 : memref<10112x16xf32, #tpu.memory_space<vmem_shared>>) dst(%arg11 : memref<128x16xf32, #tpu.memory_space<vmem>>)
      %dma_start3A_133 = arith.constant 75 : i32
      %dma_start3A_134 = arith.constant 0 : i32
      %dma_start3A_135 = tpu.memref_slice %arg7[%dma_start3A_133, %dma_start3A_134] : memref<80x128xi32, #tpu.memory_space<vmem>> -> memref<1x128xi32, #tpu.memory_space<vmem>>
      %dma_start3A_136 = tpu.memref_squeeze %dma_start3A_135 : memref<1x128xi32, #tpu.memory_space<vmem>> -> memref<128xi32, #tpu.memory_space<vmem>>
      %dma_start3A_137 = arith.constant 0 : i32
      %dma_start3A_138 = arith.constant 0 : i32
      %dma_start3A_139 = tpu.memref_slice %arg17[%dma_start3A_137, %dma_start3A_138] : memref<10112x16xf32, #tpu.memory_space<vmem_shared>> -> memref<10112x16xf32, #tpu.memory_space<vmem_shared>>
      tpu.enqueue_indirect_dma source(%arg11 : memref<128x16xf32, #tpu.memory_space<vmem>>) target(%dma_start3A_139 : memref<10112x16xf32, #tpu.memory_space<vmem_shared>>) offsets(%dma_start3A_136 : memref<128xi32, #tpu.memory_space<vmem>>) semaphore(%arg30 : memref<!tpu.dma_semaphore, #tpu.memory_space<semaphore_mem>>) {add = true}
      %dma_wait3A_140 = arith.constant 76 : i32
      %dma_wait3A_141 = arith.constant 0 : i32
      %dma_wait3A_142 = tpu.memref_slice %arg6[%dma_wait3A_140, %dma_wait3A_141] : memref<80x128xi32, #tpu.memory_space<vmem>> -> memref<1x128xi32, #tpu.memory_space<vmem>>
      %dma_wait3A_143 = tpu.memref_squeeze %dma_wait3A_142 : memref<1x128xi32, #tpu.memory_space<vmem>> -> memref<128xi32, #tpu.memory_space<vmem>>
      %dma_wait3A_144 = arith.constant 0 : i32
      %dma_wait3A_145 = arith.constant 0 : i32
      %dma_wait3A_146 = tpu.memref_slice %arg18[%dma_wait3A_144, %dma_wait3A_145] : memref<10112x16xf32, #tpu.memory_space<vmem_shared>> -> memref<10112x16xf32, #tpu.memory_space<vmem_shared>>
      tpu.wait_indirect_dma semaphore(%arg23 : memref<!tpu.dma_semaphore, #tpu.memory_space<semaphore_mem>>) src(%dma_wait3A_146 : memref<10112x16xf32, #tpu.memory_space<vmem_shared>>) dst(%arg12 : memref<128x16xf32, #tpu.memory_space<vmem>>)
      %dma_start3A_147 = arith.constant 76 : i32
      %dma_start3A_148 = arith.constant 0 : i32
      %dma_start3A_149 = tpu.memref_slice %arg7[%dma_start3A_147, %dma_start3A_148] : memref<80x128xi32, #tpu.memory_space<vmem>> -> memref<1x128xi32, #tpu.memory_space<vmem>>
      %dma_start3A_150 = tpu.memref_squeeze %dma_start3A_149 : memref<1x128xi32, #tpu.memory_space<vmem>> -> memref<128xi32, #tpu.memory_space<vmem>>
      %dma_start3A_151 = arith.constant 0 : i32
      %dma_start3A_152 = arith.constant 0 : i32
      %dma_start3A_153 = tpu.memref_slice %arg17[%dma_start3A_151, %dma_start3A_152] : memref<10112x16xf32, #tpu.memory_space<vmem_shared>> -> memref<10112x16xf32, #tpu.memory_space<vmem_shared>>
      tpu.enqueue_indirect_dma source(%arg12 : memref<128x16xf32, #tpu.memory_space<vmem>>) target(%dma_start3A_153 : memref<10112x16xf32, #tpu.memory_space<vmem_shared>>) offsets(%dma_start3A_150 : memref<128xi32, #tpu.memory_space<vmem>>) semaphore(%arg31 : memref<!tpu.dma_semaphore, #tpu.memory_space<semaphore_mem>>) {add = true}
      %dma_wait3A_154 = arith.constant 77 : i32
      %dma_wait3A_155 = arith.constant 0 : i32
      %dma_wait3A_156 = tpu.memref_slice %arg6[%dma_wait3A_154, %dma_wait3A_155] : memref<80x128xi32, #tpu.memory_space<vmem>> -> memref<1x128xi32, #tpu.memory_space<vmem>>
      %dma_wait3A_157 = tpu.memref_squeeze %dma_wait3A_156 : memref<1x128xi32, #tpu.memory_space<vmem>> -> memref<128xi32, #tpu.memory_space<vmem>>
      %dma_wait3A_158 = arith.constant 0 : i32
      %dma_wait3A_159 = arith.constant 0 : i32
      %dma_wait3A_160 = tpu.memref_slice %arg18[%dma_wait3A_158, %dma_wait3A_159] : memref<10112x16xf32, #tpu.memory_space<vmem_shared>> -> memref<10112x16xf32, #tpu.memory_space<vmem_shared>>
      tpu.wait_indirect_dma semaphore(%arg24 : memref<!tpu.dma_semaphore, #tpu.memory_space<semaphore_mem>>) src(%dma_wait3A_160 : memref<10112x16xf32, #tpu.memory_space<vmem_shared>>) dst(%arg13 : memref<128x16xf32, #tpu.memory_space<vmem>>)
      %dma_start3A_161 = arith.constant 77 : i32
      %dma_start3A_162 = arith.constant 0 : i32
      %dma_start3A_163 = tpu.memref_slice %arg7[%dma_start3A_161, %dma_start3A_162] : memref<80x128xi32, #tpu.memory_space<vmem>> -> memref<1x128xi32, #tpu.memory_space<vmem>>
      %dma_start3A_164 = tpu.memref_squeeze %dma_start3A_163 : memref<1x128xi32, #tpu.memory_space<vmem>> -> memref<128xi32, #tpu.memory_space<vmem>>
      %dma_start3A_165 = arith.constant 0 : i32
      %dma_start3A_166 = arith.constant 0 : i32
      %dma_start3A_167 = tpu.memref_slice %arg17[%dma_start3A_165, %dma_start3A_166] : memref<10112x16xf32, #tpu.memory_space<vmem_shared>> -> memref<10112x16xf32, #tpu.memory_space<vmem_shared>>
      tpu.enqueue_indirect_dma source(%arg13 : memref<128x16xf32, #tpu.memory_space<vmem>>) target(%dma_start3A_167 : memref<10112x16xf32, #tpu.memory_space<vmem_shared>>) offsets(%dma_start3A_164 : memref<128xi32, #tpu.memory_space<vmem>>) semaphore(%arg32 : memref<!tpu.dma_semaphore, #tpu.memory_space<semaphore_mem>>) {add = true}
      %dma_wait3A_168 = arith.constant 78 : i32
      %dma_wait3A_169 = arith.constant 0 : i32
      %dma_wait3A_170 = tpu.memref_slice %arg6[%dma_wait3A_168, %dma_wait3A_169] : memref<80x128xi32, #tpu.memory_space<vmem>> -> memref<1x128xi32, #tpu.memory_space<vmem>>
      %dma_wait3A_171 = tpu.memref_squeeze %dma_wait3A_170 : memref<1x128xi32, #tpu.memory_space<vmem>> -> memref<128xi32, #tpu.memory_space<vmem>>
      %dma_wait3A_172 = arith.constant 0 : i32
      %dma_wait3A_173 = arith.constant 0 : i32
      %dma_wait3A_174 = tpu.memref_slice %arg18[%dma_wait3A_172, %dma_wait3A_173] : memref<10112x16xf32, #tpu.memory_space<vmem_shared>> -> memref<10112x16xf32, #tpu.memory_space<vmem_shared>>
      tpu.wait_indirect_dma semaphore(%arg25 : memref<!tpu.dma_semaphore, #tpu.memory_space<semaphore_mem>>) src(%dma_wait3A_174 : memref<10112x16xf32, #tpu.memory_space<vmem_shared>>) dst(%arg14 : memref<128x16xf32, #tpu.memory_space<vmem>>)
      %dma_start3A_175 = arith.constant 78 : i32
      %dma_start3A_176 = arith.constant 0 : i32
      %dma_start3A_177 = tpu.memref_slice %arg7[%dma_start3A_175, %dma_start3A_176] : memref<80x128xi32, #tpu.memory_space<vmem>> -> memref<1x128xi32, #tpu.memory_space<vmem>>
      %dma_start3A_178 = tpu.memref_squeeze %dma_start3A_177 : memref<1x128xi32, #tpu.memory_space<vmem>> -> memref<128xi32, #tpu.memory_space<vmem>>
      %dma_start3A_179 = arith.constant 0 : i32
      %dma_start3A_180 = arith.constant 0 : i32
      %dma_start3A_181 = tpu.memref_slice %arg17[%dma_start3A_179, %dma_start3A_180] : memref<10112x16xf32, #tpu.memory_space<vmem_shared>> -> memref<10112x16xf32, #tpu.memory_space<vmem_shared>>
      tpu.enqueue_indirect_dma source(%arg14 : memref<128x16xf32, #tpu.memory_space<vmem>>) target(%dma_start3A_181 : memref<10112x16xf32, #tpu.memory_space<vmem_shared>>) offsets(%dma_start3A_178 : memref<128xi32, #tpu.memory_space<vmem>>) semaphore(%arg33 : memref<!tpu.dma_semaphore, #tpu.memory_space<semaphore_mem>>) {add = true}
      %dma_wait3A_182 = arith.constant 79 : i32
      %dma_wait3A_183 = arith.constant 0 : i32
      %dma_wait3A_184 = tpu.memref_slice %arg6[%dma_wait3A_182, %dma_wait3A_183] : memref<80x128xi32, #tpu.memory_space<vmem>> -> memref<1x128xi32, #tpu.memory_space<vmem>>
      %dma_wait3A_185 = tpu.memref_squeeze %dma_wait3A_184 : memref<1x128xi32, #tpu.memory_space<vmem>> -> memref<128xi32, #tpu.memory_space<vmem>>
      %dma_wait3A_186 = arith.constant 0 : i32
      %dma_wait3A_187 = arith.constant 0 : i32
      %dma_wait3A_188 = tpu.memref_slice %arg18[%dma_wait3A_186, %dma_wait3A_187] : memref<10112x16xf32, #tpu.memory_space<vmem_shared>> -> memref<10112x16xf32, #tpu.memory_space<vmem_shared>>
      tpu.wait_indirect_dma semaphore(%arg26 : memref<!tpu.dma_semaphore, #tpu.memory_space<semaphore_mem>>) src(%dma_wait3A_188 : memref<10112x16xf32, #tpu.memory_space<vmem_shared>>) dst(%arg15 : memref<128x16xf32, #tpu.memory_space<vmem>>)
      %dma_start3A_189 = arith.constant 79 : i32
      %dma_start3A_190 = arith.constant 0 : i32
      %dma_start3A_191 = tpu.memref_slice %arg7[%dma_start3A_189, %dma_start3A_190] : memref<80x128xi32, #tpu.memory_space<vmem>> -> memref<1x128xi32, #tpu.memory_space<vmem>>
      %dma_start3A_192 = tpu.memref_squeeze %dma_start3A_191 : memref<1x128xi32, #tpu.memory_space<vmem>> -> memref<128xi32, #tpu.memory_space<vmem>>
      %dma_start3A_193 = arith.constant 0 : i32
      %dma_start3A_194 = arith.constant 0 : i32
      %dma_start3A_195 = tpu.memref_slice %arg17[%dma_start3A_193, %dma_start3A_194] : memref<10112x16xf32, #tpu.memory_space<vmem_shared>> -> memref<10112x16xf32, #tpu.memory_space<vmem_shared>>
      tpu.enqueue_indirect_dma source(%arg15 : memref<128x16xf32, #tpu.memory_space<vmem>>) target(%dma_start3A_195 : memref<10112x16xf32, #tpu.memory_space<vmem_shared>>) offsets(%dma_start3A_192 : memref<128xi32, #tpu.memory_space<vmem>>) semaphore(%arg34 : memref<!tpu.dma_semaphore, #tpu.memory_space<semaphore_mem>>) {add = true}
      %dma_wait3A_196 = arith.constant 72 : i32
      %dma_wait3A_197 = arith.constant 0 : i32
      %dma_wait3A_198 = tpu.memref_slice %arg7[%dma_wait3A_196, %dma_wait3A_197] : memref<80x128xi32, #tpu.memory_space<vmem>> -> memref<1x128xi32, #tpu.memory_space<vmem>>
      %dma_wait3A_199 = tpu.memref_squeeze %dma_wait3A_198 : memref<1x128xi32, #tpu.memory_space<vmem>> -> memref<128xi32, #tpu.memory_space<vmem>>
      %dma_wait3A_200 = arith.constant 0 : i32
      %dma_wait3A_201 = arith.constant 0 : i32
      %dma_wait3A_202 = tpu.memref_slice %arg17[%dma_wait3A_200, %dma_wait3A_201] : memref<10112x16xf32, #tpu.memory_space<vmem_shared>> -> memref<10112x16xf32, #tpu.memory_space<vmem_shared>>
      tpu.wait_indirect_dma semaphore(%arg27 : memref<!tpu.dma_semaphore, #tpu.memory_space<semaphore_mem>>) src(%arg8 : memref<128x16xf32, #tpu.memory_space<vmem>>) dst(%dma_wait3A_202 : memref<10112x16xf32, #tpu.memory_space<vmem_shared>>)
      %dma_wait3A_203 = arith.constant 73 : i32
      %dma_wait3A_204 = arith.constant 0 : i32
      %dma_wait3A_205 = tpu.memref_slice %arg7[%dma_wait3A_203, %dma_wait3A_204] : memref<80x128xi32, #tpu.memory_space<vmem>> -> memref<1x128xi32, #tpu.memory_space<vmem>>
      %dma_wait3A_206 = tpu.memref_squeeze %dma_wait3A_205 : memref<1x128xi32, #tpu.memory_space<vmem>> -> memref<128xi32, #tpu.memory_space<vmem>>
      %dma_wait3A_207 = arith.constant 0 : i32
      %dma_wait3A_208 = arith.constant 0 : i32
      %dma_wait3A_209 = tpu.memref_slice %arg17[%dma_wait3A_207, %dma_wait3A_208] : memref<10112x16xf32, #tpu.memory_space<vmem_shared>> -> memref<10112x16xf32, #tpu.memory_space<vmem_shared>>
      tpu.wait_indirect_dma semaphore(%arg28 : memref<!tpu.dma_semaphore, #tpu.memory_space<semaphore_mem>>) src(%arg9 : memref<128x16xf32, #tpu.memory_space<vmem>>) dst(%dma_wait3A_209 : memref<10112x16xf32, #tpu.memory_space<vmem_shared>>)
      %dma_wait3A_210 = arith.constant 74 : i32
      %dma_wait3A_211 = arith.constant 0 : i32
      %dma_wait3A_212 = tpu.memref_slice %arg7[%dma_wait3A_210, %dma_wait3A_211] : memref<80x128xi32, #tpu.memory_space<vmem>> -> memref<1x128xi32, #tpu.memory_space<vmem>>
      %dma_wait3A_213 = tpu.memref_squeeze %dma_wait3A_212 : memref<1x128xi32, #tpu.memory_space<vmem>> -> memref<128xi32, #tpu.memory_space<vmem>>
      %dma_wait3A_214 = arith.constant 0 : i32
      %dma_wait3A_215 = arith.constant 0 : i32
      %dma_wait3A_216 = tpu.memref_slice %arg17[%dma_wait3A_214, %dma_wait3A_215] : memref<10112x16xf32, #tpu.memory_space<vmem_shared>> -> memref<10112x16xf32, #tpu.memory_space<vmem_shared>>
      tpu.wait_indirect_dma semaphore(%arg29 : memref<!tpu.dma_semaphore, #tpu.memory_space<semaphore_mem>>) src(%arg10 : memref<128x16xf32, #tpu.memory_space<vmem>>) dst(%dma_wait3A_216 : memref<10112x16xf32, #tpu.memory_space<vmem_shared>>)
      %dma_wait3A_217 = arith.constant 75 : i32
      %dma_wait3A_218 = arith.constant 0 : i32
      %dma_wait3A_219 = tpu.memref_slice %arg7[%dma_wait3A_217, %dma_wait3A_218] : memref<80x128xi32, #tpu.memory_space<vmem>> -> memref<1x128xi32, #tpu.memory_space<vmem>>
      %dma_wait3A_220 = tpu.memref_squeeze %dma_wait3A_219 : memref<1x128xi32, #tpu.memory_space<vmem>> -> memref<128xi32, #tpu.memory_space<vmem>>
      %dma_wait3A_221 = arith.constant 0 : i32
      %dma_wait3A_222 = arith.constant 0 : i32
      %dma_wait3A_223 = tpu.memref_slice %arg17[%dma_wait3A_221, %dma_wait3A_222] : memref<10112x16xf32, #tpu.memory_space<vmem_shared>> -> memref<10112x16xf32, #tpu.memory_space<vmem_shared>>
      tpu.wait_indirect_dma semaphore(%arg30 : memref<!tpu.dma_semaphore, #tpu.memory_space<semaphore_mem>>) src(%arg11 : memref<128x16xf32, #tpu.memory_space<vmem>>) dst(%dma_wait3A_223 : memref<10112x16xf32, #tpu.memory_space<vmem_shared>>)
      %dma_wait3A_224 = arith.constant 76 : i32
      %dma_wait3A_225 = arith.constant 0 : i32
      %dma_wait3A_226 = tpu.memref_slice %arg7[%dma_wait3A_224, %dma_wait3A_225] : memref<80x128xi32, #tpu.memory_space<vmem>> -> memref<1x128xi32, #tpu.memory_space<vmem>>
      %dma_wait3A_227 = tpu.memref_squeeze %dma_wait3A_226 : memref<1x128xi32, #tpu.memory_space<vmem>> -> memref<128xi32, #tpu.memory_space<vmem>>
      %dma_wait3A_228 = arith.constant 0 : i32
      %dma_wait3A_229 = arith.constant 0 : i32
      %dma_wait3A_230 = tpu.memref_slice %arg17[%dma_wait3A_228, %dma_wait3A_229] : memref<10112x16xf32, #tpu.memory_space<vmem_shared>> -> memref<10112x16xf32, #tpu.memory_space<vmem_shared>>
      tpu.wait_indirect_dma semaphore(%arg31 : memref<!tpu.dma_semaphore, #tpu.memory_space<semaphore_mem>>) src(%arg12 : memref<128x16xf32, #tpu.memory_space<vmem>>) dst(%dma_wait3A_230 : memref<10112x16xf32, #tpu.memory_space<vmem_shared>>)
      %dma_wait3A_231 = arith.constant 77 : i32
      %dma_wait3A_232 = arith.constant 0 : i32
      %dma_wait3A_233 = tpu.memref_slice %arg7[%dma_wait3A_231, %dma_wait3A_232] : memref<80x128xi32, #tpu.memory_space<vmem>> -> memref<1x128xi32, #tpu.memory_space<vmem>>
      %dma_wait3A_234 = tpu.memref_squeeze %dma_wait3A_233 : memref<1x128xi32, #tpu.memory_space<vmem>> -> memref<128xi32, #tpu.memory_space<vmem>>
      %dma_wait3A_235 = arith.constant 0 : i32
      %dma_wait3A_236 = arith.constant 0 : i32
      %dma_wait3A_237 = tpu.memref_slice %arg17[%dma_wait3A_235, %dma_wait3A_236] : memref<10112x16xf32, #tpu.memory_space<vmem_shared>> -> memref<10112x16xf32, #tpu.memory_space<vmem_shared>>
      tpu.wait_indirect_dma semaphore(%arg32 : memref<!tpu.dma_semaphore, #tpu.memory_space<semaphore_mem>>) src(%arg13 : memref<128x16xf32, #tpu.memory_space<vmem>>) dst(%dma_wait3A_237 : memref<10112x16xf32, #tpu.memory_space<vmem_shared>>)
      %dma_wait3A_238 = arith.constant 78 : i32
      %dma_wait3A_239 = arith.constant 0 : i32
      %dma_wait3A_240 = tpu.memref_slice %arg7[%dma_wait3A_238, %dma_wait3A_239] : memref<80x128xi32, #tpu.memory_space<vmem>> -> memref<1x128xi32, #tpu.memory_space<vmem>>
      %dma_wait3A_241 = tpu.memref_squeeze %dma_wait3A_240 : memref<1x128xi32, #tpu.memory_space<vmem>> -> memref<128xi32, #tpu.memory_space<vmem>>
      %dma_wait3A_242 = arith.constant 0 : i32
      %dma_wait3A_243 = arith.constant 0 : i32
      %dma_wait3A_244 = tpu.memref_slice %arg17[%dma_wait3A_242, %dma_wait3A_243] : memref<10112x16xf32, #tpu.memory_space<vmem_shared>> -> memref<10112x16xf32, #tpu.memory_space<vmem_shared>>
      tpu.wait_indirect_dma semaphore(%arg33 : memref<!tpu.dma_semaphore, #tpu.memory_space<semaphore_mem>>) src(%arg14 : memref<128x16xf32, #tpu.memory_space<vmem>>) dst(%dma_wait3A_244 : memref<10112x16xf32, #tpu.memory_space<vmem_shared>>)
      %dma_wait3A_245 = arith.constant 79 : i32
      %dma_wait3A_246 = arith.constant 0 : i32
      %dma_wait3A_247 = tpu.memref_slice %arg7[%dma_wait3A_245, %dma_wait3A_246] : memref<80x128xi32, #tpu.memory_space<vmem>> -> memref<1x128xi32, #tpu.memory_space<vmem>>
      %dma_wait3A_248 = tpu.memref_squeeze %dma_wait3A_247 : memref<1x128xi32, #tpu.memory_space<vmem>> -> memref<128xi32, #tpu.memory_space<vmem>>
      %dma_wait3A_249 = arith.constant 0 : i32
      %dma_wait3A_250 = arith.constant 0 : i32
      %dma_wait3A_251 = tpu.memref_slice %arg17[%dma_wait3A_249, %dma_wait3A_250] : memref<10112x16xf32, #tpu.memory_space<vmem_shared>> -> memref<10112x16xf32, #tpu.memory_space<vmem_shared>>
      tpu.wait_indirect_dma semaphore(%arg34 : memref<!tpu.dma_semaphore, #tpu.memory_space<semaphore_mem>>) src(%arg15 : memref<128x16xf32, #tpu.memory_space<vmem>>) dst(%dma_wait3A_251 : memref<10112x16xf32, #tpu.memory_space<vmem_shared>>)
    } else {
    }
    %eq3A_11 = arith.constant 1 : i32
    %eq3A_12 = arith.cmpi eq, %arg0, %eq3A_11 : i32
    %convert_element_type3A_13 = arith.extui %eq3A_12 : i1 to i32
    %cond3A_14 = arith.constant 0 : i32
    %cond3A_15 = arith.cmpi ne, %convert_element_type3A_13, %cond3A_14 : i32
    scf.if %cond3A_15 {
      %mul3A_23 = arith.constant 80 : i32
      %mul3A_24 = arith.muli %arg1, %mul3A_23 : i32
      %add3A_25 = arith.constant 1280 : i32
      %add3A_26 = arith.addi %add3A_25, %mul3A_24 : i32
      "tpu.region"() ({
        %run_scoped3A = tpu.sem_alloc : memref<!tpu.dma_semaphore, #tpu.memory_space<semaphore_mem>>
        %dma_start3A_254 = arith.constant 0 : i32
        %dma_start3A_255 = arith.constant 0 : i32
        %dma_start3A_256 = tpu.memref_slice %arg6[%dma_start3A_254, %dma_start3A_255] : memref<80x128xi32, #tpu.memory_space<vmem>> -> memref<80x128xi32, #tpu.memory_space<vmem>>
        %dma_start3A_257 = arith.constant 0 : i32
        %dma_start3A_258 = tpu.memref_slice %arg2[%add3A_26, %dma_start3A_257] : memref<2560x128xi32, #tpu.memory_space<hbm>> -> memref<80x128xi32, #tpu.memory_space<hbm>>
        %dma_start3A_259 = arith.constant 0 : i32
        %dma_start3A_260 = arith.constant 0 : i32
        %dma_start3A_261 = tpu.memref_slice %arg6[%dma_start3A_259, %dma_start3A_260] : memref<80x128xi32, #tpu.memory_space<vmem>> -> memref<80x128xi32, #tpu.memory_space<vmem>>
        %dma_start3A_262 = arith.constant 0 : i32
        %dma_start3A_263 = tpu.memref_slice %arg2[%add3A_26, %dma_start3A_262] : memref<2560x128xi32, #tpu.memory_space<hbm>> -> memref<80x128xi32, #tpu.memory_space<hbm>>
        tpu.enqueue_dma source(%dma_start3A_263 : memref<80x128xi32, #tpu.memory_space<hbm>>) target(%dma_start3A_261 : memref<80x128xi32, #tpu.memory_space<vmem>>) target_semaphore(%run_scoped3A : memref<!tpu.dma_semaphore, #tpu.memory_space<semaphore_mem>>)
        %dma_wait3A_264 = arith.constant 0 : i32
        %dma_wait3A_265 = arith.constant 0 : i32
        %dma_wait3A_266 = tpu.memref_slice %arg6[%dma_wait3A_264, %dma_wait3A_265] : memref<80x128xi32, #tpu.memory_space<vmem>> -> memref<80x128xi32, #tpu.memory_space<vmem>>
        %dma_wait3A_267 = arith.constant 0 : i32
        %dma_wait3A_268 = tpu.memref_slice %arg2[%add3A_26, %dma_wait3A_267] : memref<2560x128xi32, #tpu.memory_space<hbm>> -> memref<80x128xi32, #tpu.memory_space<hbm>>
        %dma_wait3A_269 = arith.constant 0 : i32
        %dma_wait3A_270 = arith.constant 0 : i32
        %dma_wait3A_271 = tpu.memref_slice %arg6[%dma_wait3A_269, %dma_wait3A_270] : memref<80x128xi32, #tpu.memory_space<vmem>> -> memref<80x128xi32, #tpu.memory_space<vmem>>
        %dma_wait3A_272 = arith.constant 0 : i32
        %dma_wait3A_273 = tpu.memref_slice %arg2[%add3A_26, %dma_wait3A_272] : memref<2560x128xi32, #tpu.memory_space<hbm>> -> memref<80x128xi32, #tpu.memory_space<hbm>>
        tpu.wait_dma2 semaphore(%run_scoped3A : memref<!tpu.dma_semaphore, #tpu.memory_space<semaphore_mem>>) src(%dma_wait3A_273 : memref<80x128xi32, #tpu.memory_space<hbm>>) dst(%dma_wait3A_271 : memref<80x128xi32, #tpu.memory_space<vmem>>)
        tpu.yield
      }) : () -> ()
      "tpu.region"() ({
        %run_scoped3A = tpu.sem_alloc : memref<!tpu.dma_semaphore, #tpu.memory_space<semaphore_mem>>
        %dma_start3A_254 = arith.constant 0 : i32
        %dma_start3A_255 = arith.constant 0 : i32
        %dma_start3A_256 = tpu.memref_slice %arg7[%dma_start3A_254, %dma_start3A_255] : memref<80x128xi32, #tpu.memory_space<vmem>> -> memref<80x128xi32, #tpu.memory_space<vmem>>
        %dma_start3A_257 = arith.constant 0 : i32
        %dma_start3A_258 = tpu.memref_slice %arg3[%add3A_26, %dma_start3A_257] : memref<2560x128xi32, #tpu.memory_space<hbm>> -> memref<80x128xi32, #tpu.memory_space<hbm>>
        %dma_start3A_259 = arith.constant 0 : i32
        %dma_start3A_260 = arith.constant 0 : i32
        %dma_start3A_261 = tpu.memref_slice %arg7[%dma_start3A_259, %dma_start3A_260] : memref<80x128xi32, #tpu.memory_space<vmem>> -> memref<80x128xi32, #tpu.memory_space<vmem>>
        %dma_start3A_262 = arith.constant 0 : i32
        %dma_start3A_263 = tpu.memref_slice %arg3[%add3A_26, %dma_start3A_262] : memref<2560x128xi32, #tpu.memory_space<hbm>> -> memref<80x128xi32, #tpu.memory_space<hbm>>
        tpu.enqueue_dma source(%dma_start3A_263 : memref<80x128xi32, #tpu.memory_space<hbm>>) target(%dma_start3A_261 : memref<80x128xi32, #tpu.memory_space<vmem>>) target_semaphore(%run_scoped3A : memref<!tpu.dma_semaphore, #tpu.memory_space<semaphore_mem>>)
        %dma_wait3A_264 = arith.constant 0 : i32
        %dma_wait3A_265 = arith.constant 0 : i32
        %dma_wait3A_266 = tpu.memref_slice %arg7[%dma_wait3A_264, %dma_wait3A_265] : memref<80x128xi32, #tpu.memory_space<vmem>> -> memref<80x128xi32, #tpu.memory_space<vmem>>
        %dma_wait3A_267 = arith.constant 0 : i32
        %dma_wait3A_268 = tpu.memref_slice %arg3[%add3A_26, %dma_wait3A_267] : memref<2560x128xi32, #tpu.memory_space<hbm>> -> memref<80x128xi32, #tpu.memory_space<hbm>>
        %dma_wait3A_269 = arith.constant 0 : i32
        %dma_wait3A_270 = arith.constant 0 : i32
        %dma_wait3A_271 = tpu.memref_slice %arg7[%dma_wait3A_269, %dma_wait3A_270] : memref<80x128xi32, #tpu.memory_space<vmem>> -> memref<80x128xi32, #tpu.memory_space<vmem>>
        %dma_wait3A_272 = arith.constant 0 : i32
        %dma_wait3A_273 = tpu.memref_slice %arg3[%add3A_26, %dma_wait3A_272] : memref<2560x128xi32, #tpu.memory_space<hbm>> -> memref<80x128xi32, #tpu.memory_space<hbm>>
        tpu.wait_dma2 semaphore(%run_scoped3A : memref<!tpu.dma_semaphore, #tpu.memory_space<semaphore_mem>>) src(%dma_wait3A_273 : memref<80x128xi32, #tpu.memory_space<hbm>>) dst(%dma_wait3A_271 : memref<80x128xi32, #tpu.memory_space<vmem>>)
        tpu.yield
      }) : () -> ()
      %dma_start3A = arith.constant 0 : i32
      %dma_start3A_27 = arith.constant 0 : i32
      %dma_start3A_28 = tpu.memref_slice %arg6[%dma_start3A, %dma_start3A_27] : memref<80x128xi32, #tpu.memory_space<vmem>> -> memref<1x128xi32, #tpu.memory_space<vmem>>
      %dma_start3A_29 = tpu.memref_squeeze %dma_start3A_28 : memref<1x128xi32, #tpu.memory_space<vmem>> -> memref<128xi32, #tpu.memory_space<vmem>>
      %dma_start3A_30 = arith.constant 0 : i32
      %dma_start3A_31 = arith.constant 0 : i32
      %dma_start3A_32 = tpu.memref_slice %arg18[%dma_start3A_30, %dma_start3A_31] : memref<10112x16xf32, #tpu.memory_space<vmem_shared>> -> memref<10112x16xf32, #tpu.memory_space<vmem_shared>>
      tpu.enqueue_indirect_dma source(%dma_start3A_32 : memref<10112x16xf32, #tpu.memory_space<vmem_shared>>) target(%arg8 : memref<128x16xf32, #tpu.memory_space<vmem>>) offsets(%dma_start3A_29 : memref<128xi32, #tpu.memory_space<vmem>>) semaphore(%arg19 : memref<!tpu.dma_semaphore, #tpu.memory_space<semaphore_mem>>)
      %dma_start3A_33 = arith.constant 1 : i32
      %dma_start3A_34 = arith.constant 0 : i32
      %dma_start3A_35 = tpu.memref_slice %arg6[%dma_start3A_33, %dma_start3A_34] : memref<80x128xi32, #tpu.memory_space<vmem>> -> memref<1x128xi32, #tpu.memory_space<vmem>>
      %dma_start3A_36 = tpu.memref_squeeze %dma_start3A_35 : memref<1x128xi32, #tpu.memory_space<vmem>> -> memref<128xi32, #tpu.memory_space<vmem>>
      %dma_start3A_37 = arith.constant 0 : i32
      %dma_start3A_38 = arith.constant 0 : i32
      %dma_start3A_39 = tpu.memref_slice %arg18[%dma_start3A_37, %dma_start3A_38] : memref<10112x16xf32, #tpu.memory_space<vmem_shared>> -> memref<10112x16xf32, #tpu.memory_space<vmem_shared>>
      tpu.enqueue_indirect_dma source(%dma_start3A_39 : memref<10112x16xf32, #tpu.memory_space<vmem_shared>>) target(%arg9 : memref<128x16xf32, #tpu.memory_space<vmem>>) offsets(%dma_start3A_36 : memref<128xi32, #tpu.memory_space<vmem>>) semaphore(%arg20 : memref<!tpu.dma_semaphore, #tpu.memory_space<semaphore_mem>>)
      %dma_start3A_40 = arith.constant 2 : i32
      %dma_start3A_41 = arith.constant 0 : i32
      %dma_start3A_42 = tpu.memref_slice %arg6[%dma_start3A_40, %dma_start3A_41] : memref<80x128xi32, #tpu.memory_space<vmem>> -> memref<1x128xi32, #tpu.memory_space<vmem>>
      %dma_start3A_43 = tpu.memref_squeeze %dma_start3A_42 : memref<1x128xi32, #tpu.memory_space<vmem>> -> memref<128xi32, #tpu.memory_space<vmem>>
      %dma_start3A_44 = arith.constant 0 : i32
      %dma_start3A_45 = arith.constant 0 : i32
      %dma_start3A_46 = tpu.memref_slice %arg18[%dma_start3A_44, %dma_start3A_45] : memref<10112x16xf32, #tpu.memory_space<vmem_shared>> -> memref<10112x16xf32, #tpu.memory_space<vmem_shared>>
      tpu.enqueue_indirect_dma source(%dma_start3A_46 : memref<10112x16xf32, #tpu.memory_space<vmem_shared>>) target(%arg10 : memref<128x16xf32, #tpu.memory_space<vmem>>) offsets(%dma_start3A_43 : memref<128xi32, #tpu.memory_space<vmem>>) semaphore(%arg21 : memref<!tpu.dma_semaphore, #tpu.memory_space<semaphore_mem>>)
      %dma_start3A_47 = arith.constant 3 : i32
      %dma_start3A_48 = arith.constant 0 : i32
      %dma_start3A_49 = tpu.memref_slice %arg6[%dma_start3A_47, %dma_start3A_48] : memref<80x128xi32, #tpu.memory_space<vmem>> -> memref<1x128xi32, #tpu.memory_space<vmem>>
      %dma_start3A_50 = tpu.memref_squeeze %dma_start3A_49 : memref<1x128xi32, #tpu.memory_space<vmem>> -> memref<128xi32, #tpu.memory_space<vmem>>
      %dma_start3A_51 = arith.constant 0 : i32
      %dma_start3A_52 = arith.constant 0 : i32
      %dma_start3A_53 = tpu.memref_slice %arg18[%dma_start3A_51, %dma_start3A_52] : memref<10112x16xf32, #tpu.memory_space<vmem_shared>> -> memref<10112x16xf32, #tpu.memory_space<vmem_shared>>
      tpu.enqueue_indirect_dma source(%dma_start3A_53 : memref<10112x16xf32, #tpu.memory_space<vmem_shared>>) target(%arg11 : memref<128x16xf32, #tpu.memory_space<vmem>>) offsets(%dma_start3A_50 : memref<128xi32, #tpu.memory_space<vmem>>) semaphore(%arg22 : memref<!tpu.dma_semaphore, #tpu.memory_space<semaphore_mem>>)
      %dma_start3A_54 = arith.constant 4 : i32
      %dma_start3A_55 = arith.constant 0 : i32
      %dma_start3A_56 = tpu.memref_slice %arg6[%dma_start3A_54, %dma_start3A_55] : memref<80x128xi32, #tpu.memory_space<vmem>> -> memref<1x128xi32, #tpu.memory_space<vmem>>
      %dma_start3A_57 = tpu.memref_squeeze %dma_start3A_56 : memref<1x128xi32, #tpu.memory_space<vmem>> -> memref<128xi32, #tpu.memory_space<vmem>>
      %dma_start3A_58 = arith.constant 0 : i32
      %dma_start3A_59 = arith.constant 0 : i32
      %dma_start3A_60 = tpu.memref_slice %arg18[%dma_start3A_58, %dma_start3A_59] : memref<10112x16xf32, #tpu.memory_space<vmem_shared>> -> memref<10112x16xf32, #tpu.memory_space<vmem_shared>>
      tpu.enqueue_indirect_dma source(%dma_start3A_60 : memref<10112x16xf32, #tpu.memory_space<vmem_shared>>) target(%arg12 : memref<128x16xf32, #tpu.memory_space<vmem>>) offsets(%dma_start3A_57 : memref<128xi32, #tpu.memory_space<vmem>>) semaphore(%arg23 : memref<!tpu.dma_semaphore, #tpu.memory_space<semaphore_mem>>)
      %dma_start3A_61 = arith.constant 5 : i32
      %dma_start3A_62 = arith.constant 0 : i32
      %dma_start3A_63 = tpu.memref_slice %arg6[%dma_start3A_61, %dma_start3A_62] : memref<80x128xi32, #tpu.memory_space<vmem>> -> memref<1x128xi32, #tpu.memory_space<vmem>>
      %dma_start3A_64 = tpu.memref_squeeze %dma_start3A_63 : memref<1x128xi32, #tpu.memory_space<vmem>> -> memref<128xi32, #tpu.memory_space<vmem>>
      %dma_start3A_65 = arith.constant 0 : i32
      %dma_start3A_66 = arith.constant 0 : i32
      %dma_start3A_67 = tpu.memref_slice %arg18[%dma_start3A_65, %dma_start3A_66] : memref<10112x16xf32, #tpu.memory_space<vmem_shared>> -> memref<10112x16xf32, #tpu.memory_space<vmem_shared>>
      tpu.enqueue_indirect_dma source(%dma_start3A_67 : memref<10112x16xf32, #tpu.memory_space<vmem_shared>>) target(%arg13 : memref<128x16xf32, #tpu.memory_space<vmem>>) offsets(%dma_start3A_64 : memref<128xi32, #tpu.memory_space<vmem>>) semaphore(%arg24 : memref<!tpu.dma_semaphore, #tpu.memory_space<semaphore_mem>>)
      %dma_start3A_68 = arith.constant 6 : i32
      %dma_start3A_69 = arith.constant 0 : i32
      %dma_start3A_70 = tpu.memref_slice %arg6[%dma_start3A_68, %dma_start3A_69] : memref<80x128xi32, #tpu.memory_space<vmem>> -> memref<1x128xi32, #tpu.memory_space<vmem>>
      %dma_start3A_71 = tpu.memref_squeeze %dma_start3A_70 : memref<1x128xi32, #tpu.memory_space<vmem>> -> memref<128xi32, #tpu.memory_space<vmem>>
      %dma_start3A_72 = arith.constant 0 : i32
      %dma_start3A_73 = arith.constant 0 : i32
      %dma_start3A_74 = tpu.memref_slice %arg18[%dma_start3A_72, %dma_start3A_73] : memref<10112x16xf32, #tpu.memory_space<vmem_shared>> -> memref<10112x16xf32, #tpu.memory_space<vmem_shared>>
      tpu.enqueue_indirect_dma source(%dma_start3A_74 : memref<10112x16xf32, #tpu.memory_space<vmem_shared>>) target(%arg14 : memref<128x16xf32, #tpu.memory_space<vmem>>) offsets(%dma_start3A_71 : memref<128xi32, #tpu.memory_space<vmem>>) semaphore(%arg25 : memref<!tpu.dma_semaphore, #tpu.memory_space<semaphore_mem>>)
      %dma_start3A_75 = arith.constant 7 : i32
      %dma_start3A_76 = arith.constant 0 : i32
      %dma_start3A_77 = tpu.memref_slice %arg6[%dma_start3A_75, %dma_start3A_76] : memref<80x128xi32, #tpu.memory_space<vmem>> -> memref<1x128xi32, #tpu.memory_space<vmem>>
      %dma_start3A_78 = tpu.memref_squeeze %dma_start3A_77 : memref<1x128xi32, #tpu.memory_space<vmem>> -> memref<128xi32, #tpu.memory_space<vmem>>
      %dma_start3A_79 = arith.constant 0 : i32
      %dma_start3A_80 = arith.constant 0 : i32
      %dma_start3A_81 = tpu.memref_slice %arg18[%dma_start3A_79, %dma_start3A_80] : memref<10112x16xf32, #tpu.memory_space<vmem_shared>> -> memref<10112x16xf32, #tpu.memory_space<vmem_shared>>
      tpu.enqueue_indirect_dma source(%dma_start3A_81 : memref<10112x16xf32, #tpu.memory_space<vmem_shared>>) target(%arg15 : memref<128x16xf32, #tpu.memory_space<vmem>>) offsets(%dma_start3A_78 : memref<128xi32, #tpu.memory_space<vmem>>) semaphore(%arg26 : memref<!tpu.dma_semaphore, #tpu.memory_space<semaphore_mem>>)
      %scan3A_82 = arith.constant 0 : i32
      %scan3A_83 = arith.constant 9 : i32
      %scan3A_84 = arith.addi %scan3A_82, %scan3A_83 : i32
      %scan3A_85 = arith.constant 1 : i32
      scf.for %scan3A_254 = %scan3A_82 to %scan3A_84 step %scan3A_85  : i32 {
        %mul3A_255 = arith.constant 8 : i32
        %mul3A_256 = arith.muli %scan3A_254, %mul3A_255 : i32
        %add3A_257 = arith.constant 0 : i32
        %add3A_258 = arith.addi %add3A_257, %mul3A_256 : i32
        %add3A_259 = arith.constant 0 : i32
        %add3A_260 = arith.addi %add3A_258, %add3A_259 : i32
        %dma_wait3A_261 = arith.constant 0 : i32
        %dma_wait3A_262 = tpu.memref_slice %arg6[%add3A_260, %dma_wait3A_261] : memref<80x128xi32, #tpu.memory_space<vmem>> -> memref<1x128xi32, #tpu.memory_space<vmem>>
        %dma_wait3A_263 = tpu.memref_squeeze %dma_wait3A_262 : memref<1x128xi32, #tpu.memory_space<vmem>> -> memref<128xi32, #tpu.memory_space<vmem>>
        %dma_wait3A_264 = arith.constant 0 : i32
        %dma_wait3A_265 = arith.constant 0 : i32
        %dma_wait3A_266 = tpu.memref_slice %arg18[%dma_wait3A_264, %dma_wait3A_265] : memref<10112x16xf32, #tpu.memory_space<vmem_shared>> -> memref<10112x16xf32, #tpu.memory_space<vmem_shared>>
        tpu.wait_indirect_dma semaphore(%arg19 : memref<!tpu.dma_semaphore, #tpu.memory_space<semaphore_mem>>) src(%dma_wait3A_266 : memref<10112x16xf32, #tpu.memory_space<vmem_shared>>) dst(%arg8 : memref<128x16xf32, #tpu.memory_space<vmem>>)
        %add3A_267 = arith.constant 0 : i32
        %add3A_268 = arith.addi %add3A_258, %add3A_267 : i32
        %dma_start3A_269 = arith.constant 0 : i32
        %dma_start3A_270 = tpu.memref_slice %arg7[%add3A_268, %dma_start3A_269] : memref<80x128xi32, #tpu.memory_space<vmem>> -> memref<1x128xi32, #tpu.memory_space<vmem>>
        %dma_start3A_271 = tpu.memref_squeeze %dma_start3A_270 : memref<1x128xi32, #tpu.memory_space<vmem>> -> memref<128xi32, #tpu.memory_space<vmem>>
        %dma_start3A_272 = arith.constant 0 : i32
        %dma_start3A_273 = arith.constant 0 : i32
        %dma_start3A_274 = tpu.memref_slice %arg17[%dma_start3A_272, %dma_start3A_273] : memref<10112x16xf32, #tpu.memory_space<vmem_shared>> -> memref<10112x16xf32, #tpu.memory_space<vmem_shared>>
        tpu.enqueue_indirect_dma source(%arg8 : memref<128x16xf32, #tpu.memory_space<vmem>>) target(%dma_start3A_274 : memref<10112x16xf32, #tpu.memory_space<vmem_shared>>) offsets(%dma_start3A_271 : memref<128xi32, #tpu.memory_space<vmem>>) semaphore(%arg27 : memref<!tpu.dma_semaphore, #tpu.memory_space<semaphore_mem>>) {add = true}
        %add3A_275 = arith.constant 1 : i32
        %add3A_276 = arith.addi %add3A_258, %add3A_275 : i32
        %dma_wait3A_277 = arith.constant 0 : i32
        %dma_wait3A_278 = tpu.memref_slice %arg6[%add3A_276, %dma_wait3A_277] : memref<80x128xi32, #tpu.memory_space<vmem>> -> memref<1x128xi32, #tpu.memory_space<vmem>>
        %dma_wait3A_279 = tpu.memref_squeeze %dma_wait3A_278 : memref<1x128xi32, #tpu.memory_space<vmem>> -> memref<128xi32, #tpu.memory_space<vmem>>
        %dma_wait3A_280 = arith.constant 0 : i32
        %dma_wait3A_281 = arith.constant 0 : i32
        %dma_wait3A_282 = tpu.memref_slice %arg18[%dma_wait3A_280, %dma_wait3A_281] : memref<10112x16xf32, #tpu.memory_space<vmem_shared>> -> memref<10112x16xf32, #tpu.memory_space<vmem_shared>>
        tpu.wait_indirect_dma semaphore(%arg20 : memref<!tpu.dma_semaphore, #tpu.memory_space<semaphore_mem>>) src(%dma_wait3A_282 : memref<10112x16xf32, #tpu.memory_space<vmem_shared>>) dst(%arg9 : memref<128x16xf32, #tpu.memory_space<vmem>>)
        %add3A_283 = arith.constant 1 : i32
        %add3A_284 = arith.addi %add3A_258, %add3A_283 : i32
        %dma_start3A_285 = arith.constant 0 : i32
        %dma_start3A_286 = tpu.memref_slice %arg7[%add3A_284, %dma_start3A_285] : memref<80x128xi32, #tpu.memory_space<vmem>> -> memref<1x128xi32, #tpu.memory_space<vmem>>
        %dma_start3A_287 = tpu.memref_squeeze %dma_start3A_286 : memref<1x128xi32, #tpu.memory_space<vmem>> -> memref<128xi32, #tpu.memory_space<vmem>>
        %dma_start3A_288 = arith.constant 0 : i32
        %dma_start3A_289 = arith.constant 0 : i32
        %dma_start3A_290 = tpu.memref_slice %arg17[%dma_start3A_288, %dma_start3A_289] : memref<10112x16xf32, #tpu.memory_space<vmem_shared>> -> memref<10112x16xf32, #tpu.memory_space<vmem_shared>>
        tpu.enqueue_indirect_dma source(%arg9 : memref<128x16xf32, #tpu.memory_space<vmem>>) target(%dma_start3A_290 : memref<10112x16xf32, #tpu.memory_space<vmem_shared>>) offsets(%dma_start3A_287 : memref<128xi32, #tpu.memory_space<vmem>>) semaphore(%arg28 : memref<!tpu.dma_semaphore, #tpu.memory_space<semaphore_mem>>) {add = true}
        %add3A_291 = arith.constant 2 : i32
        %add3A_292 = arith.addi %add3A_258, %add3A_291 : i32
        %dma_wait3A_293 = arith.constant 0 : i32
        %dma_wait3A_294 = tpu.memref_slice %arg6[%add3A_292, %dma_wait3A_293] : memref<80x128xi32, #tpu.memory_space<vmem>> -> memref<1x128xi32, #tpu.memory_space<vmem>>
        %dma_wait3A_295 = tpu.memref_squeeze %dma_wait3A_294 : memref<1x128xi32, #tpu.memory_space<vmem>> -> memref<128xi32, #tpu.memory_space<vmem>>
        %dma_wait3A_296 = arith.constant 0 : i32
        %dma_wait3A_297 = arith.constant 0 : i32
        %dma_wait3A_298 = tpu.memref_slice %arg18[%dma_wait3A_296, %dma_wait3A_297] : memref<10112x16xf32, #tpu.memory_space<vmem_shared>> -> memref<10112x16xf32, #tpu.memory_space<vmem_shared>>
        tpu.wait_indirect_dma semaphore(%arg21 : memref<!tpu.dma_semaphore, #tpu.memory_space<semaphore_mem>>) src(%dma_wait3A_298 : memref<10112x16xf32, #tpu.memory_space<vmem_shared>>) dst(%arg10 : memref<128x16xf32, #tpu.memory_space<vmem>>)
        %add3A_299 = arith.constant 2 : i32
        %add3A_300 = arith.addi %add3A_258, %add3A_299 : i32
        %dma_start3A_301 = arith.constant 0 : i32
        %dma_start3A_302 = tpu.memref_slice %arg7[%add3A_300, %dma_start3A_301] : memref<80x128xi32, #tpu.memory_space<vmem>> -> memref<1x128xi32, #tpu.memory_space<vmem>>
        %dma_start3A_303 = tpu.memref_squeeze %dma_start3A_302 : memref<1x128xi32, #tpu.memory_space<vmem>> -> memref<128xi32, #tpu.memory_space<vmem>>
        %dma_start3A_304 = arith.constant 0 : i32
        %dma_start3A_305 = arith.constant 0 : i32
        %dma_start3A_306 = tpu.memref_slice %arg17[%dma_start3A_304, %dma_start3A_305] : memref<10112x16xf32, #tpu.memory_space<vmem_shared>> -> memref<10112x16xf32, #tpu.memory_space<vmem_shared>>
        tpu.enqueue_indirect_dma source(%arg10 : memref<128x16xf32, #tpu.memory_space<vmem>>) target(%dma_start3A_306 : memref<10112x16xf32, #tpu.memory_space<vmem_shared>>) offsets(%dma_start3A_303 : memref<128xi32, #tpu.memory_space<vmem>>) semaphore(%arg29 : memref<!tpu.dma_semaphore, #tpu.memory_space<semaphore_mem>>) {add = true}
        %add3A_307 = arith.constant 3 : i32
        %add3A_308 = arith.addi %add3A_258, %add3A_307 : i32
        %dma_wait3A_309 = arith.constant 0 : i32
        %dma_wait3A_310 = tpu.memref_slice %arg6[%add3A_308, %dma_wait3A_309] : memref<80x128xi32, #tpu.memory_space<vmem>> -> memref<1x128xi32, #tpu.memory_space<vmem>>
        %dma_wait3A_311 = tpu.memref_squeeze %dma_wait3A_310 : memref<1x128xi32, #tpu.memory_space<vmem>> -> memref<128xi32, #tpu.memory_space<vmem>>
        %dma_wait3A_312 = arith.constant 0 : i32
        %dma_wait3A_313 = arith.constant 0 : i32
        %dma_wait3A_314 = tpu.memref_slice %arg18[%dma_wait3A_312, %dma_wait3A_313] : memref<10112x16xf32, #tpu.memory_space<vmem_shared>> -> memref<10112x16xf32, #tpu.memory_space<vmem_shared>>
        tpu.wait_indirect_dma semaphore(%arg22 : memref<!tpu.dma_semaphore, #tpu.memory_space<semaphore_mem>>) src(%dma_wait3A_314 : memref<10112x16xf32, #tpu.memory_space<vmem_shared>>) dst(%arg11 : memref<128x16xf32, #tpu.memory_space<vmem>>)
        %add3A_315 = arith.constant 3 : i32
        %add3A_316 = arith.addi %add3A_258, %add3A_315 : i32
        %dma_start3A_317 = arith.constant 0 : i32
        %dma_start3A_318 = tpu.memref_slice %arg7[%add3A_316, %dma_start3A_317] : memref<80x128xi32, #tpu.memory_space<vmem>> -> memref<1x128xi32, #tpu.memory_space<vmem>>
        %dma_start3A_319 = tpu.memref_squeeze %dma_start3A_318 : memref<1x128xi32, #tpu.memory_space<vmem>> -> memref<128xi32, #tpu.memory_space<vmem>>
        %dma_start3A_320 = arith.constant 0 : i32
        %dma_start3A_321 = arith.constant 0 : i32
        %dma_start3A_322 = tpu.memref_slice %arg17[%dma_start3A_320, %dma_start3A_321] : memref<10112x16xf32, #tpu.memory_space<vmem_shared>> -> memref<10112x16xf32, #tpu.memory_space<vmem_shared>>
        tpu.enqueue_indirect_dma source(%arg11 : memref<128x16xf32, #tpu.memory_space<vmem>>) target(%dma_start3A_322 : memref<10112x16xf32, #tpu.memory_space<vmem_shared>>) offsets(%dma_start3A_319 : memref<128xi32, #tpu.memory_space<vmem>>) semaphore(%arg30 : memref<!tpu.dma_semaphore, #tpu.memory_space<semaphore_mem>>) {add = true}
        %add3A_323 = arith.constant 4 : i32
        %add3A_324 = arith.addi %add3A_258, %add3A_323 : i32
        %dma_wait3A_325 = arith.constant 0 : i32
        %dma_wait3A_326 = tpu.memref_slice %arg6[%add3A_324, %dma_wait3A_325] : memref<80x128xi32, #tpu.memory_space<vmem>> -> memref<1x128xi32, #tpu.memory_space<vmem>>
        %dma_wait3A_327 = tpu.memref_squeeze %dma_wait3A_326 : memref<1x128xi32, #tpu.memory_space<vmem>> -> memref<128xi32, #tpu.memory_space<vmem>>
        %dma_wait3A_328 = arith.constant 0 : i32
        %dma_wait3A_329 = arith.constant 0 : i32
        %dma_wait3A_330 = tpu.memref_slice %arg18[%dma_wait3A_328, %dma_wait3A_329] : memref<10112x16xf32, #tpu.memory_space<vmem_shared>> -> memref<10112x16xf32, #tpu.memory_space<vmem_shared>>
        tpu.wait_indirect_dma semaphore(%arg23 : memref<!tpu.dma_semaphore, #tpu.memory_space<semaphore_mem>>) src(%dma_wait3A_330 : memref<10112x16xf32, #tpu.memory_space<vmem_shared>>) dst(%arg12 : memref<128x16xf32, #tpu.memory_space<vmem>>)
        %add3A_331 = arith.constant 4 : i32
        %add3A_332 = arith.addi %add3A_258, %add3A_331 : i32
        %dma_start3A_333 = arith.constant 0 : i32
        %dma_start3A_334 = tpu.memref_slice %arg7[%add3A_332, %dma_start3A_333] : memref<80x128xi32, #tpu.memory_space<vmem>> -> memref<1x128xi32, #tpu.memory_space<vmem>>
        %dma_start3A_335 = tpu.memref_squeeze %dma_start3A_334 : memref<1x128xi32, #tpu.memory_space<vmem>> -> memref<128xi32, #tpu.memory_space<vmem>>
        %dma_start3A_336 = arith.constant 0 : i32
        %dma_start3A_337 = arith.constant 0 : i32
        %dma_start3A_338 = tpu.memref_slice %arg17[%dma_start3A_336, %dma_start3A_337] : memref<10112x16xf32, #tpu.memory_space<vmem_shared>> -> memref<10112x16xf32, #tpu.memory_space<vmem_shared>>
        tpu.enqueue_indirect_dma source(%arg12 : memref<128x16xf32, #tpu.memory_space<vmem>>) target(%dma_start3A_338 : memref<10112x16xf32, #tpu.memory_space<vmem_shared>>) offsets(%dma_start3A_335 : memref<128xi32, #tpu.memory_space<vmem>>) semaphore(%arg31 : memref<!tpu.dma_semaphore, #tpu.memory_space<semaphore_mem>>) {add = true}
        %add3A_339 = arith.constant 5 : i32
        %add3A_340 = arith.addi %add3A_258, %add3A_339 : i32
        %dma_wait3A_341 = arith.constant 0 : i32
        %dma_wait3A_342 = tpu.memref_slice %arg6[%add3A_340, %dma_wait3A_341] : memref<80x128xi32, #tpu.memory_space<vmem>> -> memref<1x128xi32, #tpu.memory_space<vmem>>
        %dma_wait3A_343 = tpu.memref_squeeze %dma_wait3A_342 : memref<1x128xi32, #tpu.memory_space<vmem>> -> memref<128xi32, #tpu.memory_space<vmem>>
        %dma_wait3A_344 = arith.constant 0 : i32
        %dma_wait3A_345 = arith.constant 0 : i32
        %dma_wait3A_346 = tpu.memref_slice %arg18[%dma_wait3A_344, %dma_wait3A_345] : memref<10112x16xf32, #tpu.memory_space<vmem_shared>> -> memref<10112x16xf32, #tpu.memory_space<vmem_shared>>
        tpu.wait_indirect_dma semaphore(%arg24 : memref<!tpu.dma_semaphore, #tpu.memory_space<semaphore_mem>>) src(%dma_wait3A_346 : memref<10112x16xf32, #tpu.memory_space<vmem_shared>>) dst(%arg13 : memref<128x16xf32, #tpu.memory_space<vmem>>)
        %add3A_347 = arith.constant 5 : i32
        %add3A_348 = arith.addi %add3A_258, %add3A_347 : i32
        %dma_start3A_349 = arith.constant 0 : i32
        %dma_start3A_350 = tpu.memref_slice %arg7[%add3A_348, %dma_start3A_349] : memref<80x128xi32, #tpu.memory_space<vmem>> -> memref<1x128xi32, #tpu.memory_space<vmem>>
        %dma_start3A_351 = tpu.memref_squeeze %dma_start3A_350 : memref<1x128xi32, #tpu.memory_space<vmem>> -> memref<128xi32, #tpu.memory_space<vmem>>
        %dma_start3A_352 = arith.constant 0 : i32
        %dma_start3A_353 = arith.constant 0 : i32
        %dma_start3A_354 = tpu.memref_slice %arg17[%dma_start3A_352, %dma_start3A_353] : memref<10112x16xf32, #tpu.memory_space<vmem_shared>> -> memref<10112x16xf32, #tpu.memory_space<vmem_shared>>
        tpu.enqueue_indirect_dma source(%arg13 : memref<128x16xf32, #tpu.memory_space<vmem>>) target(%dma_start3A_354 : memref<10112x16xf32, #tpu.memory_space<vmem_shared>>) offsets(%dma_start3A_351 : memref<128xi32, #tpu.memory_space<vmem>>) semaphore(%arg32 : memref<!tpu.dma_semaphore, #tpu.memory_space<semaphore_mem>>) {add = true}
        %add3A_355 = arith.constant 6 : i32
        %add3A_356 = arith.addi %add3A_258, %add3A_355 : i32
        %dma_wait3A_357 = arith.constant 0 : i32
        %dma_wait3A_358 = tpu.memref_slice %arg6[%add3A_356, %dma_wait3A_357] : memref<80x128xi32, #tpu.memory_space<vmem>> -> memref<1x128xi32, #tpu.memory_space<vmem>>
        %dma_wait3A_359 = tpu.memref_squeeze %dma_wait3A_358 : memref<1x128xi32, #tpu.memory_space<vmem>> -> memref<128xi32, #tpu.memory_space<vmem>>
        %dma_wait3A_360 = arith.constant 0 : i32
        %dma_wait3A_361 = arith.constant 0 : i32
        %dma_wait3A_362 = tpu.memref_slice %arg18[%dma_wait3A_360, %dma_wait3A_361] : memref<10112x16xf32, #tpu.memory_space<vmem_shared>> -> memref<10112x16xf32, #tpu.memory_space<vmem_shared>>
        tpu.wait_indirect_dma semaphore(%arg25 : memref<!tpu.dma_semaphore, #tpu.memory_space<semaphore_mem>>) src(%dma_wait3A_362 : memref<10112x16xf32, #tpu.memory_space<vmem_shared>>) dst(%arg14 : memref<128x16xf32, #tpu.memory_space<vmem>>)
        %add3A_363 = arith.constant 6 : i32
        %add3A_364 = arith.addi %add3A_258, %add3A_363 : i32
        %dma_start3A_365 = arith.constant 0 : i32
        %dma_start3A_366 = tpu.memref_slice %arg7[%add3A_364, %dma_start3A_365] : memref<80x128xi32, #tpu.memory_space<vmem>> -> memref<1x128xi32, #tpu.memory_space<vmem>>
        %dma_start3A_367 = tpu.memref_squeeze %dma_start3A_366 : memref<1x128xi32, #tpu.memory_space<vmem>> -> memref<128xi32, #tpu.memory_space<vmem>>
        %dma_start3A_368 = arith.constant 0 : i32
        %dma_start3A_369 = arith.constant 0 : i32
        %dma_start3A_370 = tpu.memref_slice %arg17[%dma_start3A_368, %dma_start3A_369] : memref<10112x16xf32, #tpu.memory_space<vmem_shared>> -> memref<10112x16xf32, #tpu.memory_space<vmem_shared>>
        tpu.enqueue_indirect_dma source(%arg14 : memref<128x16xf32, #tpu.memory_space<vmem>>) target(%dma_start3A_370 : memref<10112x16xf32, #tpu.memory_space<vmem_shared>>) offsets(%dma_start3A_367 : memref<128xi32, #tpu.memory_space<vmem>>) semaphore(%arg33 : memref<!tpu.dma_semaphore, #tpu.memory_space<semaphore_mem>>) {add = true}
        %add3A_371 = arith.constant 7 : i32
        %add3A_372 = arith.addi %add3A_258, %add3A_371 : i32
        %dma_wait3A_373 = arith.constant 0 : i32
        %dma_wait3A_374 = tpu.memref_slice %arg6[%add3A_372, %dma_wait3A_373] : memref<80x128xi32, #tpu.memory_space<vmem>> -> memref<1x128xi32, #tpu.memory_space<vmem>>
        %dma_wait3A_375 = tpu.memref_squeeze %dma_wait3A_374 : memref<1x128xi32, #tpu.memory_space<vmem>> -> memref<128xi32, #tpu.memory_space<vmem>>
        %dma_wait3A_376 = arith.constant 0 : i32
        %dma_wait3A_377 = arith.constant 0 : i32
        %dma_wait3A_378 = tpu.memref_slice %arg18[%dma_wait3A_376, %dma_wait3A_377] : memref<10112x16xf32, #tpu.memory_space<vmem_shared>> -> memref<10112x16xf32, #tpu.memory_space<vmem_shared>>
        tpu.wait_indirect_dma semaphore(%arg26 : memref<!tpu.dma_semaphore, #tpu.memory_space<semaphore_mem>>) src(%dma_wait3A_378 : memref<10112x16xf32, #tpu.memory_space<vmem_shared>>) dst(%arg15 : memref<128x16xf32, #tpu.memory_space<vmem>>)
        %add3A_379 = arith.constant 7 : i32
        %add3A_380 = arith.addi %add3A_258, %add3A_379 : i32
        %dma_start3A_381 = arith.constant 0 : i32
        %dma_start3A_382 = tpu.memref_slice %arg7[%add3A_380, %dma_start3A_381] : memref<80x128xi32, #tpu.memory_space<vmem>> -> memref<1x128xi32, #tpu.memory_space<vmem>>
        %dma_start3A_383 = tpu.memref_squeeze %dma_start3A_382 : memref<1x128xi32, #tpu.memory_space<vmem>> -> memref<128xi32, #tpu.memory_space<vmem>>
        %dma_start3A_384 = arith.constant 0 : i32
        %dma_start3A_385 = arith.constant 0 : i32
        %dma_start3A_386 = tpu.memref_slice %arg17[%dma_start3A_384, %dma_start3A_385] : memref<10112x16xf32, #tpu.memory_space<vmem_shared>> -> memref<10112x16xf32, #tpu.memory_space<vmem_shared>>
        tpu.enqueue_indirect_dma source(%arg15 : memref<128x16xf32, #tpu.memory_space<vmem>>) target(%dma_start3A_386 : memref<10112x16xf32, #tpu.memory_space<vmem_shared>>) offsets(%dma_start3A_383 : memref<128xi32, #tpu.memory_space<vmem>>) semaphore(%arg34 : memref<!tpu.dma_semaphore, #tpu.memory_space<semaphore_mem>>) {add = true}
        %add3A_387 = arith.constant 0 : i32
        %add3A_388 = arith.addi %add3A_258, %add3A_387 : i32
        %dma_wait3A_389 = arith.constant 0 : i32
        %dma_wait3A_390 = tpu.memref_slice %arg7[%add3A_388, %dma_wait3A_389] : memref<80x128xi32, #tpu.memory_space<vmem>> -> memref<1x128xi32, #tpu.memory_space<vmem>>
        %dma_wait3A_391 = tpu.memref_squeeze %dma_wait3A_390 : memref<1x128xi32, #tpu.memory_space<vmem>> -> memref<128xi32, #tpu.memory_space<vmem>>
        %dma_wait3A_392 = arith.constant 0 : i32
        %dma_wait3A_393 = arith.constant 0 : i32
        %dma_wait3A_394 = tpu.memref_slice %arg17[%dma_wait3A_392, %dma_wait3A_393] : memref<10112x16xf32, #tpu.memory_space<vmem_shared>> -> memref<10112x16xf32, #tpu.memory_space<vmem_shared>>
        tpu.wait_indirect_dma semaphore(%arg27 : memref<!tpu.dma_semaphore, #tpu.memory_space<semaphore_mem>>) src(%arg8 : memref<128x16xf32, #tpu.memory_space<vmem>>) dst(%dma_wait3A_394 : memref<10112x16xf32, #tpu.memory_space<vmem_shared>>)
        %add3A_395 = arith.constant 8 : i32
        %add3A_396 = arith.addi %add3A_258, %add3A_395 : i32
        %add3A_397 = arith.constant 0 : i32
        %add3A_398 = arith.addi %add3A_396, %add3A_397 : i32
        %dma_start3A_399 = arith.constant 0 : i32
        %dma_start3A_400 = tpu.memref_slice %arg6[%add3A_398, %dma_start3A_399] : memref<80x128xi32, #tpu.memory_space<vmem>> -> memref<1x128xi32, #tpu.memory_space<vmem>>
        %dma_start3A_401 = tpu.memref_squeeze %dma_start3A_400 : memref<1x128xi32, #tpu.memory_space<vmem>> -> memref<128xi32, #tpu.memory_space<vmem>>
        %dma_start3A_402 = arith.constant 0 : i32
        %dma_start3A_403 = arith.constant 0 : i32
        %dma_start3A_404 = tpu.memref_slice %arg18[%dma_start3A_402, %dma_start3A_403] : memref<10112x16xf32, #tpu.memory_space<vmem_shared>> -> memref<10112x16xf32, #tpu.memory_space<vmem_shared>>
        tpu.enqueue_indirect_dma source(%dma_start3A_404 : memref<10112x16xf32, #tpu.memory_space<vmem_shared>>) target(%arg8 : memref<128x16xf32, #tpu.memory_space<vmem>>) offsets(%dma_start3A_401 : memref<128xi32, #tpu.memory_space<vmem>>) semaphore(%arg19 : memref<!tpu.dma_semaphore, #tpu.memory_space<semaphore_mem>>)
        %add3A_405 = arith.constant 1 : i32
        %add3A_406 = arith.addi %add3A_258, %add3A_405 : i32
        %dma_wait3A_407 = arith.constant 0 : i32
        %dma_wait3A_408 = tpu.memref_slice %arg7[%add3A_406, %dma_wait3A_407] : memref<80x128xi32, #tpu.memory_space<vmem>> -> memref<1x128xi32, #tpu.memory_space<vmem>>
        %dma_wait3A_409 = tpu.memref_squeeze %dma_wait3A_408 : memref<1x128xi32, #tpu.memory_space<vmem>> -> memref<128xi32, #tpu.memory_space<vmem>>
        %dma_wait3A_410 = arith.constant 0 : i32
        %dma_wait3A_411 = arith.constant 0 : i32
        %dma_wait3A_412 = tpu.memref_slice %arg17[%dma_wait3A_410, %dma_wait3A_411] : memref<10112x16xf32, #tpu.memory_space<vmem_shared>> -> memref<10112x16xf32, #tpu.memory_space<vmem_shared>>
        tpu.wait_indirect_dma semaphore(%arg28 : memref<!tpu.dma_semaphore, #tpu.memory_space<semaphore_mem>>) src(%arg9 : memref<128x16xf32, #tpu.memory_space<vmem>>) dst(%dma_wait3A_412 : memref<10112x16xf32, #tpu.memory_space<vmem_shared>>)
        %add3A_413 = arith.constant 8 : i32
        %add3A_414 = arith.addi %add3A_258, %add3A_413 : i32
        %add3A_415 = arith.constant 1 : i32
        %add3A_416 = arith.addi %add3A_414, %add3A_415 : i32
        %dma_start3A_417 = arith.constant 0 : i32
        %dma_start3A_418 = tpu.memref_slice %arg6[%add3A_416, %dma_start3A_417] : memref<80x128xi32, #tpu.memory_space<vmem>> -> memref<1x128xi32, #tpu.memory_space<vmem>>
        %dma_start3A_419 = tpu.memref_squeeze %dma_start3A_418 : memref<1x128xi32, #tpu.memory_space<vmem>> -> memref<128xi32, #tpu.memory_space<vmem>>
        %dma_start3A_420 = arith.constant 0 : i32
        %dma_start3A_421 = arith.constant 0 : i32
        %dma_start3A_422 = tpu.memref_slice %arg18[%dma_start3A_420, %dma_start3A_421] : memref<10112x16xf32, #tpu.memory_space<vmem_shared>> -> memref<10112x16xf32, #tpu.memory_space<vmem_shared>>
        tpu.enqueue_indirect_dma source(%dma_start3A_422 : memref<10112x16xf32, #tpu.memory_space<vmem_shared>>) target(%arg9 : memref<128x16xf32, #tpu.memory_space<vmem>>) offsets(%dma_start3A_419 : memref<128xi32, #tpu.memory_space<vmem>>) semaphore(%arg20 : memref<!tpu.dma_semaphore, #tpu.memory_space<semaphore_mem>>)
        %add3A_423 = arith.constant 2 : i32
        %add3A_424 = arith.addi %add3A_258, %add3A_423 : i32
        %dma_wait3A_425 = arith.constant 0 : i32
        %dma_wait3A_426 = tpu.memref_slice %arg7[%add3A_424, %dma_wait3A_425] : memref<80x128xi32, #tpu.memory_space<vmem>> -> memref<1x128xi32, #tpu.memory_space<vmem>>
        %dma_wait3A_427 = tpu.memref_squeeze %dma_wait3A_426 : memref<1x128xi32, #tpu.memory_space<vmem>> -> memref<128xi32, #tpu.memory_space<vmem>>
        %dma_wait3A_428 = arith.constant 0 : i32
        %dma_wait3A_429 = arith.constant 0 : i32
        %dma_wait3A_430 = tpu.memref_slice %arg17[%dma_wait3A_428, %dma_wait3A_429] : memref<10112x16xf32, #tpu.memory_space<vmem_shared>> -> memref<10112x16xf32, #tpu.memory_space<vmem_shared>>
        tpu.wait_indirect_dma semaphore(%arg29 : memref<!tpu.dma_semaphore, #tpu.memory_space<semaphore_mem>>) src(%arg10 : memref<128x16xf32, #tpu.memory_space<vmem>>) dst(%dma_wait3A_430 : memref<10112x16xf32, #tpu.memory_space<vmem_shared>>)
        %add3A_431 = arith.constant 8 : i32
        %add3A_432 = arith.addi %add3A_258, %add3A_431 : i32
        %add3A_433 = arith.constant 2 : i32
        %add3A_434 = arith.addi %add3A_432, %add3A_433 : i32
        %dma_start3A_435 = arith.constant 0 : i32
        %dma_start3A_436 = tpu.memref_slice %arg6[%add3A_434, %dma_start3A_435] : memref<80x128xi32, #tpu.memory_space<vmem>> -> memref<1x128xi32, #tpu.memory_space<vmem>>
        %dma_start3A_437 = tpu.memref_squeeze %dma_start3A_436 : memref<1x128xi32, #tpu.memory_space<vmem>> -> memref<128xi32, #tpu.memory_space<vmem>>
        %dma_start3A_438 = arith.constant 0 : i32
        %dma_start3A_439 = arith.constant 0 : i32
        %dma_start3A_440 = tpu.memref_slice %arg18[%dma_start3A_438, %dma_start3A_439] : memref<10112x16xf32, #tpu.memory_space<vmem_shared>> -> memref<10112x16xf32, #tpu.memory_space<vmem_shared>>
        tpu.enqueue_indirect_dma source(%dma_start3A_440 : memref<10112x16xf32, #tpu.memory_space<vmem_shared>>) target(%arg10 : memref<128x16xf32, #tpu.memory_space<vmem>>) offsets(%dma_start3A_437 : memref<128xi32, #tpu.memory_space<vmem>>) semaphore(%arg21 : memref<!tpu.dma_semaphore, #tpu.memory_space<semaphore_mem>>)
        %add3A_441 = arith.constant 3 : i32
        %add3A_442 = arith.addi %add3A_258, %add3A_441 : i32
        %dma_wait3A_443 = arith.constant 0 : i32
        %dma_wait3A_444 = tpu.memref_slice %arg7[%add3A_442, %dma_wait3A_443] : memref<80x128xi32, #tpu.memory_space<vmem>> -> memref<1x128xi32, #tpu.memory_space<vmem>>
        %dma_wait3A_445 = tpu.memref_squeeze %dma_wait3A_444 : memref<1x128xi32, #tpu.memory_space<vmem>> -> memref<128xi32, #tpu.memory_space<vmem>>
        %dma_wait3A_446 = arith.constant 0 : i32
        %dma_wait3A_447 = arith.constant 0 : i32
        %dma_wait3A_448 = tpu.memref_slice %arg17[%dma_wait3A_446, %dma_wait3A_447] : memref<10112x16xf32, #tpu.memory_space<vmem_shared>> -> memref<10112x16xf32, #tpu.memory_space<vmem_shared>>
        tpu.wait_indirect_dma semaphore(%arg30 : memref<!tpu.dma_semaphore, #tpu.memory_space<semaphore_mem>>) src(%arg11 : memref<128x16xf32, #tpu.memory_space<vmem>>) dst(%dma_wait3A_448 : memref<10112x16xf32, #tpu.memory_space<vmem_shared>>)
        %add3A_449 = arith.constant 8 : i32
        %add3A_450 = arith.addi %add3A_258, %add3A_449 : i32
        %add3A_451 = arith.constant 3 : i32
        %add3A_452 = arith.addi %add3A_450, %add3A_451 : i32
        %dma_start3A_453 = arith.constant 0 : i32
        %dma_start3A_454 = tpu.memref_slice %arg6[%add3A_452, %dma_start3A_453] : memref<80x128xi32, #tpu.memory_space<vmem>> -> memref<1x128xi32, #tpu.memory_space<vmem>>
        %dma_start3A_455 = tpu.memref_squeeze %dma_start3A_454 : memref<1x128xi32, #tpu.memory_space<vmem>> -> memref<128xi32, #tpu.memory_space<vmem>>
        %dma_start3A_456 = arith.constant 0 : i32
        %dma_start3A_457 = arith.constant 0 : i32
        %dma_start3A_458 = tpu.memref_slice %arg18[%dma_start3A_456, %dma_start3A_457] : memref<10112x16xf32, #tpu.memory_space<vmem_shared>> -> memref<10112x16xf32, #tpu.memory_space<vmem_shared>>
        tpu.enqueue_indirect_dma source(%dma_start3A_458 : memref<10112x16xf32, #tpu.memory_space<vmem_shared>>) target(%arg11 : memref<128x16xf32, #tpu.memory_space<vmem>>) offsets(%dma_start3A_455 : memref<128xi32, #tpu.memory_space<vmem>>) semaphore(%arg22 : memref<!tpu.dma_semaphore, #tpu.memory_space<semaphore_mem>>)
        %add3A_459 = arith.constant 4 : i32
        %add3A_460 = arith.addi %add3A_258, %add3A_459 : i32
        %dma_wait3A_461 = arith.constant 0 : i32
        %dma_wait3A_462 = tpu.memref_slice %arg7[%add3A_460, %dma_wait3A_461] : memref<80x128xi32, #tpu.memory_space<vmem>> -> memref<1x128xi32, #tpu.memory_space<vmem>>
        %dma_wait3A_463 = tpu.memref_squeeze %dma_wait3A_462 : memref<1x128xi32, #tpu.memory_space<vmem>> -> memref<128xi32, #tpu.memory_space<vmem>>
        %dma_wait3A_464 = arith.constant 0 : i32
        %dma_wait3A_465 = arith.constant 0 : i32
        %dma_wait3A_466 = tpu.memref_slice %arg17[%dma_wait3A_464, %dma_wait3A_465] : memref<10112x16xf32, #tpu.memory_space<vmem_shared>> -> memref<10112x16xf32, #tpu.memory_space<vmem_shared>>
        tpu.wait_indirect_dma semaphore(%arg31 : memref<!tpu.dma_semaphore, #tpu.memory_space<semaphore_mem>>) src(%arg12 : memref<128x16xf32, #tpu.memory_space<vmem>>) dst(%dma_wait3A_466 : memref<10112x16xf32, #tpu.memory_space<vmem_shared>>)
        %add3A_467 = arith.constant 8 : i32
        %add3A_468 = arith.addi %add3A_258, %add3A_467 : i32
        %add3A_469 = arith.constant 4 : i32
        %add3A_470 = arith.addi %add3A_468, %add3A_469 : i32
        %dma_start3A_471 = arith.constant 0 : i32
        %dma_start3A_472 = tpu.memref_slice %arg6[%add3A_470, %dma_start3A_471] : memref<80x128xi32, #tpu.memory_space<vmem>> -> memref<1x128xi32, #tpu.memory_space<vmem>>
        %dma_start3A_473 = tpu.memref_squeeze %dma_start3A_472 : memref<1x128xi32, #tpu.memory_space<vmem>> -> memref<128xi32, #tpu.memory_space<vmem>>
        %dma_start3A_474 = arith.constant 0 : i32
        %dma_start3A_475 = arith.constant 0 : i32
        %dma_start3A_476 = tpu.memref_slice %arg18[%dma_start3A_474, %dma_start3A_475] : memref<10112x16xf32, #tpu.memory_space<vmem_shared>> -> memref<10112x16xf32, #tpu.memory_space<vmem_shared>>
        tpu.enqueue_indirect_dma source(%dma_start3A_476 : memref<10112x16xf32, #tpu.memory_space<vmem_shared>>) target(%arg12 : memref<128x16xf32, #tpu.memory_space<vmem>>) offsets(%dma_start3A_473 : memref<128xi32, #tpu.memory_space<vmem>>) semaphore(%arg23 : memref<!tpu.dma_semaphore, #tpu.memory_space<semaphore_mem>>)
        %add3A_477 = arith.constant 5 : i32
        %add3A_478 = arith.addi %add3A_258, %add3A_477 : i32
        %dma_wait3A_479 = arith.constant 0 : i32
        %dma_wait3A_480 = tpu.memref_slice %arg7[%add3A_478, %dma_wait3A_479] : memref<80x128xi32, #tpu.memory_space<vmem>> -> memref<1x128xi32, #tpu.memory_space<vmem>>
        %dma_wait3A_481 = tpu.memref_squeeze %dma_wait3A_480 : memref<1x128xi32, #tpu.memory_space<vmem>> -> memref<128xi32, #tpu.memory_space<vmem>>
        %dma_wait3A_482 = arith.constant 0 : i32
        %dma_wait3A_483 = arith.constant 0 : i32
        %dma_wait3A_484 = tpu.memref_slice %arg17[%dma_wait3A_482, %dma_wait3A_483] : memref<10112x16xf32, #tpu.memory_space<vmem_shared>> -> memref<10112x16xf32, #tpu.memory_space<vmem_shared>>
        tpu.wait_indirect_dma semaphore(%arg32 : memref<!tpu.dma_semaphore, #tpu.memory_space<semaphore_mem>>) src(%arg13 : memref<128x16xf32, #tpu.memory_space<vmem>>) dst(%dma_wait3A_484 : memref<10112x16xf32, #tpu.memory_space<vmem_shared>>)
        %add3A_485 = arith.constant 8 : i32
        %add3A_486 = arith.addi %add3A_258, %add3A_485 : i32
        %add3A_487 = arith.constant 5 : i32
        %add3A_488 = arith.addi %add3A_486, %add3A_487 : i32
        %dma_start3A_489 = arith.constant 0 : i32
        %dma_start3A_490 = tpu.memref_slice %arg6[%add3A_488, %dma_start3A_489] : memref<80x128xi32, #tpu.memory_space<vmem>> -> memref<1x128xi32, #tpu.memory_space<vmem>>
        %dma_start3A_491 = tpu.memref_squeeze %dma_start3A_490 : memref<1x128xi32, #tpu.memory_space<vmem>> -> memref<128xi32, #tpu.memory_space<vmem>>
        %dma_start3A_492 = arith.constant 0 : i32
        %dma_start3A_493 = arith.constant 0 : i32
        %dma_start3A_494 = tpu.memref_slice %arg18[%dma_start3A_492, %dma_start3A_493] : memref<10112x16xf32, #tpu.memory_space<vmem_shared>> -> memref<10112x16xf32, #tpu.memory_space<vmem_shared>>
        tpu.enqueue_indirect_dma source(%dma_start3A_494 : memref<10112x16xf32, #tpu.memory_space<vmem_shared>>) target(%arg13 : memref<128x16xf32, #tpu.memory_space<vmem>>) offsets(%dma_start3A_491 : memref<128xi32, #tpu.memory_space<vmem>>) semaphore(%arg24 : memref<!tpu.dma_semaphore, #tpu.memory_space<semaphore_mem>>)
        %add3A_495 = arith.constant 6 : i32
        %add3A_496 = arith.addi %add3A_258, %add3A_495 : i32
        %dma_wait3A_497 = arith.constant 0 : i32
        %dma_wait3A_498 = tpu.memref_slice %arg7[%add3A_496, %dma_wait3A_497] : memref<80x128xi32, #tpu.memory_space<vmem>> -> memref<1x128xi32, #tpu.memory_space<vmem>>
        %dma_wait3A_499 = tpu.memref_squeeze %dma_wait3A_498 : memref<1x128xi32, #tpu.memory_space<vmem>> -> memref<128xi32, #tpu.memory_space<vmem>>
        %dma_wait3A_500 = arith.constant 0 : i32
        %dma_wait3A_501 = arith.constant 0 : i32
        %dma_wait3A_502 = tpu.memref_slice %arg17[%dma_wait3A_500, %dma_wait3A_501] : memref<10112x16xf32, #tpu.memory_space<vmem_shared>> -> memref<10112x16xf32, #tpu.memory_space<vmem_shared>>
        tpu.wait_indirect_dma semaphore(%arg33 : memref<!tpu.dma_semaphore, #tpu.memory_space<semaphore_mem>>) src(%arg14 : memref<128x16xf32, #tpu.memory_space<vmem>>) dst(%dma_wait3A_502 : memref<10112x16xf32, #tpu.memory_space<vmem_shared>>)
        %add3A_503 = arith.constant 8 : i32
        %add3A_504 = arith.addi %add3A_258, %add3A_503 : i32
        %add3A_505 = arith.constant 6 : i32
        %add3A_506 = arith.addi %add3A_504, %add3A_505 : i32
        %dma_start3A_507 = arith.constant 0 : i32
        %dma_start3A_508 = tpu.memref_slice %arg6[%add3A_506, %dma_start3A_507] : memref<80x128xi32, #tpu.memory_space<vmem>> -> memref<1x128xi32, #tpu.memory_space<vmem>>
        %dma_start3A_509 = tpu.memref_squeeze %dma_start3A_508 : memref<1x128xi32, #tpu.memory_space<vmem>> -> memref<128xi32, #tpu.memory_space<vmem>>
        %dma_start3A_510 = arith.constant 0 : i32
        %dma_start3A_511 = arith.constant 0 : i32
        %dma_start3A_512 = tpu.memref_slice %arg18[%dma_start3A_510, %dma_start3A_511] : memref<10112x16xf32, #tpu.memory_space<vmem_shared>> -> memref<10112x16xf32, #tpu.memory_space<vmem_shared>>
        tpu.enqueue_indirect_dma source(%dma_start3A_512 : memref<10112x16xf32, #tpu.memory_space<vmem_shared>>) target(%arg14 : memref<128x16xf32, #tpu.memory_space<vmem>>) offsets(%dma_start3A_509 : memref<128xi32, #tpu.memory_space<vmem>>) semaphore(%arg25 : memref<!tpu.dma_semaphore, #tpu.memory_space<semaphore_mem>>)
        %add3A_513 = arith.constant 7 : i32
        %add3A_514 = arith.addi %add3A_258, %add3A_513 : i32
        %dma_wait3A_515 = arith.constant 0 : i32
        %dma_wait3A_516 = tpu.memref_slice %arg7[%add3A_514, %dma_wait3A_515] : memref<80x128xi32, #tpu.memory_space<vmem>> -> memref<1x128xi32, #tpu.memory_space<vmem>>
        %dma_wait3A_517 = tpu.memref_squeeze %dma_wait3A_516 : memref<1x128xi32, #tpu.memory_space<vmem>> -> memref<128xi32, #tpu.memory_space<vmem>>
        %dma_wait3A_518 = arith.constant 0 : i32
        %dma_wait3A_519 = arith.constant 0 : i32
        %dma_wait3A_520 = tpu.memref_slice %arg17[%dma_wait3A_518, %dma_wait3A_519] : memref<10112x16xf32, #tpu.memory_space<vmem_shared>> -> memref<10112x16xf32, #tpu.memory_space<vmem_shared>>
        tpu.wait_indirect_dma semaphore(%arg34 : memref<!tpu.dma_semaphore, #tpu.memory_space<semaphore_mem>>) src(%arg15 : memref<128x16xf32, #tpu.memory_space<vmem>>) dst(%dma_wait3A_520 : memref<10112x16xf32, #tpu.memory_space<vmem_shared>>)
        %add3A_521 = arith.constant 8 : i32
        %add3A_522 = arith.addi %add3A_258, %add3A_521 : i32
        %add3A_523 = arith.constant 7 : i32
        %add3A_524 = arith.addi %add3A_522, %add3A_523 : i32
        %dma_start3A_525 = arith.constant 0 : i32
        %dma_start3A_526 = tpu.memref_slice %arg6[%add3A_524, %dma_start3A_525] : memref<80x128xi32, #tpu.memory_space<vmem>> -> memref<1x128xi32, #tpu.memory_space<vmem>>
        %dma_start3A_527 = tpu.memref_squeeze %dma_start3A_526 : memref<1x128xi32, #tpu.memory_space<vmem>> -> memref<128xi32, #tpu.memory_space<vmem>>
        %dma_start3A_528 = arith.constant 0 : i32
        %dma_start3A_529 = arith.constant 0 : i32
        %dma_start3A_530 = tpu.memref_slice %arg18[%dma_start3A_528, %dma_start3A_529] : memref<10112x16xf32, #tpu.memory_space<vmem_shared>> -> memref<10112x16xf32, #tpu.memory_space<vmem_shared>>
        tpu.enqueue_indirect_dma source(%dma_start3A_530 : memref<10112x16xf32, #tpu.memory_space<vmem_shared>>) target(%arg15 : memref<128x16xf32, #tpu.memory_space<vmem>>) offsets(%dma_start3A_527 : memref<128xi32, #tpu.memory_space<vmem>>) semaphore(%arg26 : memref<!tpu.dma_semaphore, #tpu.memory_space<semaphore_mem>>)
      }
      %scan3A_86 = arith.constant 9 : i32
      %dma_wait3A = arith.constant 72 : i32
      %dma_wait3A_87 = arith.constant 0 : i32
      %dma_wait3A_88 = tpu.memref_slice %arg6[%dma_wait3A, %dma_wait3A_87] : memref<80x128xi32, #tpu.memory_space<vmem>> -> memref<1x128xi32, #tpu.memory_space<vmem>>
      %dma_wait3A_89 = tpu.memref_squeeze %dma_wait3A_88 : memref<1x128xi32, #tpu.memory_space<vmem>> -> memref<128xi32, #tpu.memory_space<vmem>>
      %dma_wait3A_90 = arith.constant 0 : i32
      %dma_wait3A_91 = arith.constant 0 : i32
      %dma_wait3A_92 = tpu.memref_slice %arg18[%dma_wait3A_90, %dma_wait3A_91] : memref<10112x16xf32, #tpu.memory_space<vmem_shared>> -> memref<10112x16xf32, #tpu.memory_space<vmem_shared>>
      tpu.wait_indirect_dma semaphore(%arg19 : memref<!tpu.dma_semaphore, #tpu.memory_space<semaphore_mem>>) src(%dma_wait3A_92 : memref<10112x16xf32, #tpu.memory_space<vmem_shared>>) dst(%arg8 : memref<128x16xf32, #tpu.memory_space<vmem>>)
      %dma_start3A_93 = arith.constant 72 : i32
      %dma_start3A_94 = arith.constant 0 : i32
      %dma_start3A_95 = tpu.memref_slice %arg7[%dma_start3A_93, %dma_start3A_94] : memref<80x128xi32, #tpu.memory_space<vmem>> -> memref<1x128xi32, #tpu.memory_space<vmem>>
      %dma_start3A_96 = tpu.memref_squeeze %dma_start3A_95 : memref<1x128xi32, #tpu.memory_space<vmem>> -> memref<128xi32, #tpu.memory_space<vmem>>
      %dma_start3A_97 = arith.constant 0 : i32
      %dma_start3A_98 = arith.constant 0 : i32
      %dma_start3A_99 = tpu.memref_slice %arg17[%dma_start3A_97, %dma_start3A_98] : memref<10112x16xf32, #tpu.memory_space<vmem_shared>> -> memref<10112x16xf32, #tpu.memory_space<vmem_shared>>
      tpu.enqueue_indirect_dma source(%arg8 : memref<128x16xf32, #tpu.memory_space<vmem>>) target(%dma_start3A_99 : memref<10112x16xf32, #tpu.memory_space<vmem_shared>>) offsets(%dma_start3A_96 : memref<128xi32, #tpu.memory_space<vmem>>) semaphore(%arg27 : memref<!tpu.dma_semaphore, #tpu.memory_space<semaphore_mem>>) {add = true}
      %dma_wait3A_100 = arith.constant 73 : i32
      %dma_wait3A_101 = arith.constant 0 : i32
      %dma_wait3A_102 = tpu.memref_slice %arg6[%dma_wait3A_100, %dma_wait3A_101] : memref<80x128xi32, #tpu.memory_space<vmem>> -> memref<1x128xi32, #tpu.memory_space<vmem>>
      %dma_wait3A_103 = tpu.memref_squeeze %dma_wait3A_102 : memref<1x128xi32, #tpu.memory_space<vmem>> -> memref<128xi32, #tpu.memory_space<vmem>>
      %dma_wait3A_104 = arith.constant 0 : i32
      %dma_wait3A_105 = arith.constant 0 : i32
      %dma_wait3A_106 = tpu.memref_slice %arg18[%dma_wait3A_104, %dma_wait3A_105] : memref<10112x16xf32, #tpu.memory_space<vmem_shared>> -> memref<10112x16xf32, #tpu.memory_space<vmem_shared>>
      tpu.wait_indirect_dma semaphore(%arg20 : memref<!tpu.dma_semaphore, #tpu.memory_space<semaphore_mem>>) src(%dma_wait3A_106 : memref<10112x16xf32, #tpu.memory_space<vmem_shared>>) dst(%arg9 : memref<128x16xf32, #tpu.memory_space<vmem>>)
      %dma_start3A_107 = arith.constant 73 : i32
      %dma_start3A_108 = arith.constant 0 : i32
      %dma_start3A_109 = tpu.memref_slice %arg7[%dma_start3A_107, %dma_start3A_108] : memref<80x128xi32, #tpu.memory_space<vmem>> -> memref<1x128xi32, #tpu.memory_space<vmem>>
      %dma_start3A_110 = tpu.memref_squeeze %dma_start3A_109 : memref<1x128xi32, #tpu.memory_space<vmem>> -> memref<128xi32, #tpu.memory_space<vmem>>
      %dma_start3A_111 = arith.constant 0 : i32
      %dma_start3A_112 = arith.constant 0 : i32
      %dma_start3A_113 = tpu.memref_slice %arg17[%dma_start3A_111, %dma_start3A_112] : memref<10112x16xf32, #tpu.memory_space<vmem_shared>> -> memref<10112x16xf32, #tpu.memory_space<vmem_shared>>
      tpu.enqueue_indirect_dma source(%arg9 : memref<128x16xf32, #tpu.memory_space<vmem>>) target(%dma_start3A_113 : memref<10112x16xf32, #tpu.memory_space<vmem_shared>>) offsets(%dma_start3A_110 : memref<128xi32, #tpu.memory_space<vmem>>) semaphore(%arg28 : memref<!tpu.dma_semaphore, #tpu.memory_space<semaphore_mem>>) {add = true}
      %dma_wait3A_114 = arith.constant 74 : i32
      %dma_wait3A_115 = arith.constant 0 : i32
      %dma_wait3A_116 = tpu.memref_slice %arg6[%dma_wait3A_114, %dma_wait3A_115] : memref<80x128xi32, #tpu.memory_space<vmem>> -> memref<1x128xi32, #tpu.memory_space<vmem>>
      %dma_wait3A_117 = tpu.memref_squeeze %dma_wait3A_116 : memref<1x128xi32, #tpu.memory_space<vmem>> -> memref<128xi32, #tpu.memory_space<vmem>>
      %dma_wait3A_118 = arith.constant 0 : i32
      %dma_wait3A_119 = arith.constant 0 : i32
      %dma_wait3A_120 = tpu.memref_slice %arg18[%dma_wait3A_118, %dma_wait3A_119] : memref<10112x16xf32, #tpu.memory_space<vmem_shared>> -> memref<10112x16xf32, #tpu.memory_space<vmem_shared>>
      tpu.wait_indirect_dma semaphore(%arg21 : memref<!tpu.dma_semaphore, #tpu.memory_space<semaphore_mem>>) src(%dma_wait3A_120 : memref<10112x16xf32, #tpu.memory_space<vmem_shared>>) dst(%arg10 : memref<128x16xf32, #tpu.memory_space<vmem>>)
      %dma_start3A_121 = arith.constant 74 : i32
      %dma_start3A_122 = arith.constant 0 : i32
      %dma_start3A_123 = tpu.memref_slice %arg7[%dma_start3A_121, %dma_start3A_122] : memref<80x128xi32, #tpu.memory_space<vmem>> -> memref<1x128xi32, #tpu.memory_space<vmem>>
      %dma_start3A_124 = tpu.memref_squeeze %dma_start3A_123 : memref<1x128xi32, #tpu.memory_space<vmem>> -> memref<128xi32, #tpu.memory_space<vmem>>
      %dma_start3A_125 = arith.constant 0 : i32
      %dma_start3A_126 = arith.constant 0 : i32
      %dma_start3A_127 = tpu.memref_slice %arg17[%dma_start3A_125, %dma_start3A_126] : memref<10112x16xf32, #tpu.memory_space<vmem_shared>> -> memref<10112x16xf32, #tpu.memory_space<vmem_shared>>
      tpu.enqueue_indirect_dma source(%arg10 : memref<128x16xf32, #tpu.memory_space<vmem>>) target(%dma_start3A_127 : memref<10112x16xf32, #tpu.memory_space<vmem_shared>>) offsets(%dma_start3A_124 : memref<128xi32, #tpu.memory_space<vmem>>) semaphore(%arg29 : memref<!tpu.dma_semaphore, #tpu.memory_space<semaphore_mem>>) {add = true}
      %dma_wait3A_128 = arith.constant 75 : i32
      %dma_wait3A_129 = arith.constant 0 : i32
      %dma_wait3A_130 = tpu.memref_slice %arg6[%dma_wait3A_128, %dma_wait3A_129] : memref<80x128xi32, #tpu.memory_space<vmem>> -> memref<1x128xi32, #tpu.memory_space<vmem>>
      %dma_wait3A_131 = tpu.memref_squeeze %dma_wait3A_130 : memref<1x128xi32, #tpu.memory_space<vmem>> -> memref<128xi32, #tpu.memory_space<vmem>>
      %dma_wait3A_132 = arith.constant 0 : i32
      %dma_wait3A_133 = arith.constant 0 : i32
      %dma_wait3A_134 = tpu.memref_slice %arg18[%dma_wait3A_132, %dma_wait3A_133] : memref<10112x16xf32, #tpu.memory_space<vmem_shared>> -> memref<10112x16xf32, #tpu.memory_space<vmem_shared>>
      tpu.wait_indirect_dma semaphore(%arg22 : memref<!tpu.dma_semaphore, #tpu.memory_space<semaphore_mem>>) src(%dma_wait3A_134 : memref<10112x16xf32, #tpu.memory_space<vmem_shared>>) dst(%arg11 : memref<128x16xf32, #tpu.memory_space<vmem>>)
      %dma_start3A_135 = arith.constant 75 : i32
      %dma_start3A_136 = arith.constant 0 : i32
      %dma_start3A_137 = tpu.memref_slice %arg7[%dma_start3A_135, %dma_start3A_136] : memref<80x128xi32, #tpu.memory_space<vmem>> -> memref<1x128xi32, #tpu.memory_space<vmem>>
      %dma_start3A_138 = tpu.memref_squeeze %dma_start3A_137 : memref<1x128xi32, #tpu.memory_space<vmem>> -> memref<128xi32, #tpu.memory_space<vmem>>
      %dma_start3A_139 = arith.constant 0 : i32
      %dma_start3A_140 = arith.constant 0 : i32
      %dma_start3A_141 = tpu.memref_slice %arg17[%dma_start3A_139, %dma_start3A_140] : memref<10112x16xf32, #tpu.memory_space<vmem_shared>> -> memref<10112x16xf32, #tpu.memory_space<vmem_shared>>
      tpu.enqueue_indirect_dma source(%arg11 : memref<128x16xf32, #tpu.memory_space<vmem>>) target(%dma_start3A_141 : memref<10112x16xf32, #tpu.memory_space<vmem_shared>>) offsets(%dma_start3A_138 : memref<128xi32, #tpu.memory_space<vmem>>) semaphore(%arg30 : memref<!tpu.dma_semaphore, #tpu.memory_space<semaphore_mem>>) {add = true}
      %dma_wait3A_142 = arith.constant 76 : i32
      %dma_wait3A_143 = arith.constant 0 : i32
      %dma_wait3A_144 = tpu.memref_slice %arg6[%dma_wait3A_142, %dma_wait3A_143] : memref<80x128xi32, #tpu.memory_space<vmem>> -> memref<1x128xi32, #tpu.memory_space<vmem>>
      %dma_wait3A_145 = tpu.memref_squeeze %dma_wait3A_144 : memref<1x128xi32, #tpu.memory_space<vmem>> -> memref<128xi32, #tpu.memory_space<vmem>>
      %dma_wait3A_146 = arith.constant 0 : i32
      %dma_wait3A_147 = arith.constant 0 : i32
      %dma_wait3A_148 = tpu.memref_slice %arg18[%dma_wait3A_146, %dma_wait3A_147] : memref<10112x16xf32, #tpu.memory_space<vmem_shared>> -> memref<10112x16xf32, #tpu.memory_space<vmem_shared>>
      tpu.wait_indirect_dma semaphore(%arg23 : memref<!tpu.dma_semaphore, #tpu.memory_space<semaphore_mem>>) src(%dma_wait3A_148 : memref<10112x16xf32, #tpu.memory_space<vmem_shared>>) dst(%arg12 : memref<128x16xf32, #tpu.memory_space<vmem>>)
      %dma_start3A_149 = arith.constant 76 : i32
      %dma_start3A_150 = arith.constant 0 : i32
      %dma_start3A_151 = tpu.memref_slice %arg7[%dma_start3A_149, %dma_start3A_150] : memref<80x128xi32, #tpu.memory_space<vmem>> -> memref<1x128xi32, #tpu.memory_space<vmem>>
      %dma_start3A_152 = tpu.memref_squeeze %dma_start3A_151 : memref<1x128xi32, #tpu.memory_space<vmem>> -> memref<128xi32, #tpu.memory_space<vmem>>
      %dma_start3A_153 = arith.constant 0 : i32
      %dma_start3A_154 = arith.constant 0 : i32
      %dma_start3A_155 = tpu.memref_slice %arg17[%dma_start3A_153, %dma_start3A_154] : memref<10112x16xf32, #tpu.memory_space<vmem_shared>> -> memref<10112x16xf32, #tpu.memory_space<vmem_shared>>
      tpu.enqueue_indirect_dma source(%arg12 : memref<128x16xf32, #tpu.memory_space<vmem>>) target(%dma_start3A_155 : memref<10112x16xf32, #tpu.memory_space<vmem_shared>>) offsets(%dma_start3A_152 : memref<128xi32, #tpu.memory_space<vmem>>) semaphore(%arg31 : memref<!tpu.dma_semaphore, #tpu.memory_space<semaphore_mem>>) {add = true}
      %dma_wait3A_156 = arith.constant 77 : i32
      %dma_wait3A_157 = arith.constant 0 : i32
      %dma_wait3A_158 = tpu.memref_slice %arg6[%dma_wait3A_156, %dma_wait3A_157] : memref<80x128xi32, #tpu.memory_space<vmem>> -> memref<1x128xi32, #tpu.memory_space<vmem>>
      %dma_wait3A_159 = tpu.memref_squeeze %dma_wait3A_158 : memref<1x128xi32, #tpu.memory_space<vmem>> -> memref<128xi32, #tpu.memory_space<vmem>>
      %dma_wait3A_160 = arith.constant 0 : i32
      %dma_wait3A_161 = arith.constant 0 : i32
      %dma_wait3A_162 = tpu.memref_slice %arg18[%dma_wait3A_160, %dma_wait3A_161] : memref<10112x16xf32, #tpu.memory_space<vmem_shared>> -> memref<10112x16xf32, #tpu.memory_space<vmem_shared>>
      tpu.wait_indirect_dma semaphore(%arg24 : memref<!tpu.dma_semaphore, #tpu.memory_space<semaphore_mem>>) src(%dma_wait3A_162 : memref<10112x16xf32, #tpu.memory_space<vmem_shared>>) dst(%arg13 : memref<128x16xf32, #tpu.memory_space<vmem>>)
      %dma_start3A_163 = arith.constant 77 : i32
      %dma_start3A_164 = arith.constant 0 : i32
      %dma_start3A_165 = tpu.memref_slice %arg7[%dma_start3A_163, %dma_start3A_164] : memref<80x128xi32, #tpu.memory_space<vmem>> -> memref<1x128xi32, #tpu.memory_space<vmem>>
      %dma_start3A_166 = tpu.memref_squeeze %dma_start3A_165 : memref<1x128xi32, #tpu.memory_space<vmem>> -> memref<128xi32, #tpu.memory_space<vmem>>
      %dma_start3A_167 = arith.constant 0 : i32
      %dma_start3A_168 = arith.constant 0 : i32
      %dma_start3A_169 = tpu.memref_slice %arg17[%dma_start3A_167, %dma_start3A_168] : memref<10112x16xf32, #tpu.memory_space<vmem_shared>> -> memref<10112x16xf32, #tpu.memory_space<vmem_shared>>
      tpu.enqueue_indirect_dma source(%arg13 : memref<128x16xf32, #tpu.memory_space<vmem>>) target(%dma_start3A_169 : memref<10112x16xf32, #tpu.memory_space<vmem_shared>>) offsets(%dma_start3A_166 : memref<128xi32, #tpu.memory_space<vmem>>) semaphore(%arg32 : memref<!tpu.dma_semaphore, #tpu.memory_space<semaphore_mem>>) {add = true}
      %dma_wait3A_170 = arith.constant 78 : i32
      %dma_wait3A_171 = arith.constant 0 : i32
      %dma_wait3A_172 = tpu.memref_slice %arg6[%dma_wait3A_170, %dma_wait3A_171] : memref<80x128xi32, #tpu.memory_space<vmem>> -> memref<1x128xi32, #tpu.memory_space<vmem>>
      %dma_wait3A_173 = tpu.memref_squeeze %dma_wait3A_172 : memref<1x128xi32, #tpu.memory_space<vmem>> -> memref<128xi32, #tpu.memory_space<vmem>>
      %dma_wait3A_174 = arith.constant 0 : i32
      %dma_wait3A_175 = arith.constant 0 : i32
      %dma_wait3A_176 = tpu.memref_slice %arg18[%dma_wait3A_174, %dma_wait3A_175] : memref<10112x16xf32, #tpu.memory_space<vmem_shared>> -> memref<10112x16xf32, #tpu.memory_space<vmem_shared>>
      tpu.wait_indirect_dma semaphore(%arg25 : memref<!tpu.dma_semaphore, #tpu.memory_space<semaphore_mem>>) src(%dma_wait3A_176 : memref<10112x16xf32, #tpu.memory_space<vmem_shared>>) dst(%arg14 : memref<128x16xf32, #tpu.memory_space<vmem>>)
      %dma_start3A_177 = arith.constant 78 : i32
      %dma_start3A_178 = arith.constant 0 : i32
      %dma_start3A_179 = tpu.memref_slice %arg7[%dma_start3A_177, %dma_start3A_178] : memref<80x128xi32, #tpu.memory_space<vmem>> -> memref<1x128xi32, #tpu.memory_space<vmem>>
      %dma_start3A_180 = tpu.memref_squeeze %dma_start3A_179 : memref<1x128xi32, #tpu.memory_space<vmem>> -> memref<128xi32, #tpu.memory_space<vmem>>
      %dma_start3A_181 = arith.constant 0 : i32
      %dma_start3A_182 = arith.constant 0 : i32
      %dma_start3A_183 = tpu.memref_slice %arg17[%dma_start3A_181, %dma_start3A_182] : memref<10112x16xf32, #tpu.memory_space<vmem_shared>> -> memref<10112x16xf32, #tpu.memory_space<vmem_shared>>
      tpu.enqueue_indirect_dma source(%arg14 : memref<128x16xf32, #tpu.memory_space<vmem>>) target(%dma_start3A_183 : memref<10112x16xf32, #tpu.memory_space<vmem_shared>>) offsets(%dma_start3A_180 : memref<128xi32, #tpu.memory_space<vmem>>) semaphore(%arg33 : memref<!tpu.dma_semaphore, #tpu.memory_space<semaphore_mem>>) {add = true}
      %dma_wait3A_184 = arith.constant 79 : i32
      %dma_wait3A_185 = arith.constant 0 : i32
      %dma_wait3A_186 = tpu.memref_slice %arg6[%dma_wait3A_184, %dma_wait3A_185] : memref<80x128xi32, #tpu.memory_space<vmem>> -> memref<1x128xi32, #tpu.memory_space<vmem>>
      %dma_wait3A_187 = tpu.memref_squeeze %dma_wait3A_186 : memref<1x128xi32, #tpu.memory_space<vmem>> -> memref<128xi32, #tpu.memory_space<vmem>>
      %dma_wait3A_188 = arith.constant 0 : i32
      %dma_wait3A_189 = arith.constant 0 : i32
      %dma_wait3A_190 = tpu.memref_slice %arg18[%dma_wait3A_188, %dma_wait3A_189] : memref<10112x16xf32, #tpu.memory_space<vmem_shared>> -> memref<10112x16xf32, #tpu.memory_space<vmem_shared>>
      tpu.wait_indirect_dma semaphore(%arg26 : memref<!tpu.dma_semaphore, #tpu.memory_space<semaphore_mem>>) src(%dma_wait3A_190 : memref<10112x16xf32, #tpu.memory_space<vmem_shared>>) dst(%arg15 : memref<128x16xf32, #tpu.memory_space<vmem>>)
      %dma_start3A_191 = arith.constant 79 : i32
      %dma_start3A_192 = arith.constant 0 : i32
      %dma_start3A_193 = tpu.memref_slice %arg7[%dma_start3A_191, %dma_start3A_192] : memref<80x128xi32, #tpu.memory_space<vmem>> -> memref<1x128xi32, #tpu.memory_space<vmem>>
      %dma_start3A_194 = tpu.memref_squeeze %dma_start3A_193 : memref<1x128xi32, #tpu.memory_space<vmem>> -> memref<128xi32, #tpu.memory_space<vmem>>
      %dma_start3A_195 = arith.constant 0 : i32
      %dma_start3A_196 = arith.constant 0 : i32
      %dma_start3A_197 = tpu.memref_slice %arg17[%dma_start3A_195, %dma_start3A_196] : memref<10112x16xf32, #tpu.memory_space<vmem_shared>> -> memref<10112x16xf32, #tpu.memory_space<vmem_shared>>
      tpu.enqueue_indirect_dma source(%arg15 : memref<128x16xf32, #tpu.memory_space<vmem>>) target(%dma_start3A_197 : memref<10112x16xf32, #tpu.memory_space<vmem_shared>>) offsets(%dma_start3A_194 : memref<128xi32, #tpu.memory_space<vmem>>) semaphore(%arg34 : memref<!tpu.dma_semaphore, #tpu.memory_space<semaphore_mem>>) {add = true}
      %dma_wait3A_198 = arith.constant 72 : i32
      %dma_wait3A_199 = arith.constant 0 : i32
      %dma_wait3A_200 = tpu.memref_slice %arg7[%dma_wait3A_198, %dma_wait3A_199] : memref<80x128xi32, #tpu.memory_space<vmem>> -> memref<1x128xi32, #tpu.memory_space<vmem>>
      %dma_wait3A_201 = tpu.memref_squeeze %dma_wait3A_200 : memref<1x128xi32, #tpu.memory_space<vmem>> -> memref<128xi32, #tpu.memory_space<vmem>>
      %dma_wait3A_202 = arith.constant 0 : i32
      %dma_wait3A_203 = arith.constant 0 : i32
      %dma_wait3A_204 = tpu.memref_slice %arg17[%dma_wait3A_202, %dma_wait3A_203] : memref<10112x16xf32, #tpu.memory_space<vmem_shared>> -> memref<10112x16xf32, #tpu.memory_space<vmem_shared>>
      tpu.wait_indirect_dma semaphore(%arg27 : memref<!tpu.dma_semaphore, #tpu.memory_space<semaphore_mem>>) src(%arg8 : memref<128x16xf32, #tpu.memory_space<vmem>>) dst(%dma_wait3A_204 : memref<10112x16xf32, #tpu.memory_space<vmem_shared>>)
      %dma_wait3A_205 = arith.constant 73 : i32
      %dma_wait3A_206 = arith.constant 0 : i32
      %dma_wait3A_207 = tpu.memref_slice %arg7[%dma_wait3A_205, %dma_wait3A_206] : memref<80x128xi32, #tpu.memory_space<vmem>> -> memref<1x128xi32, #tpu.memory_space<vmem>>
      %dma_wait3A_208 = tpu.memref_squeeze %dma_wait3A_207 : memref<1x128xi32, #tpu.memory_space<vmem>> -> memref<128xi32, #tpu.memory_space<vmem>>
      %dma_wait3A_209 = arith.constant 0 : i32
      %dma_wait3A_210 = arith.constant 0 : i32
      %dma_wait3A_211 = tpu.memref_slice %arg17[%dma_wait3A_209, %dma_wait3A_210] : memref<10112x16xf32, #tpu.memory_space<vmem_shared>> -> memref<10112x16xf32, #tpu.memory_space<vmem_shared>>
      tpu.wait_indirect_dma semaphore(%arg28 : memref<!tpu.dma_semaphore, #tpu.memory_space<semaphore_mem>>) src(%arg9 : memref<128x16xf32, #tpu.memory_space<vmem>>) dst(%dma_wait3A_211 : memref<10112x16xf32, #tpu.memory_space<vmem_shared>>)
      %dma_wait3A_212 = arith.constant 74 : i32
      %dma_wait3A_213 = arith.constant 0 : i32
      %dma_wait3A_214 = tpu.memref_slice %arg7[%dma_wait3A_212, %dma_wait3A_213] : memref<80x128xi32, #tpu.memory_space<vmem>> -> memref<1x128xi32, #tpu.memory_space<vmem>>
      %dma_wait3A_215 = tpu.memref_squeeze %dma_wait3A_214 : memref<1x128xi32, #tpu.memory_space<vmem>> -> memref<128xi32, #tpu.memory_space<vmem>>
      %dma_wait3A_216 = arith.constant 0 : i32
      %dma_wait3A_217 = arith.constant 0 : i32
      %dma_wait3A_218 = tpu.memref_slice %arg17[%dma_wait3A_216, %dma_wait3A_217] : memref<10112x16xf32, #tpu.memory_space<vmem_shared>> -> memref<10112x16xf32, #tpu.memory_space<vmem_shared>>
      tpu.wait_indirect_dma semaphore(%arg29 : memref<!tpu.dma_semaphore, #tpu.memory_space<semaphore_mem>>) src(%arg10 : memref<128x16xf32, #tpu.memory_space<vmem>>) dst(%dma_wait3A_218 : memref<10112x16xf32, #tpu.memory_space<vmem_shared>>)
      %dma_wait3A_219 = arith.constant 75 : i32
      %dma_wait3A_220 = arith.constant 0 : i32
      %dma_wait3A_221 = tpu.memref_slice %arg7[%dma_wait3A_219, %dma_wait3A_220] : memref<80x128xi32, #tpu.memory_space<vmem>> -> memref<1x128xi32, #tpu.memory_space<vmem>>
      %dma_wait3A_222 = tpu.memref_squeeze %dma_wait3A_221 : memref<1x128xi32, #tpu.memory_space<vmem>> -> memref<128xi32, #tpu.memory_space<vmem>>
      %dma_wait3A_223 = arith.constant 0 : i32
      %dma_wait3A_224 = arith.constant 0 : i32
      %dma_wait3A_225 = tpu.memref_slice %arg17[%dma_wait3A_223, %dma_wait3A_224] : memref<10112x16xf32, #tpu.memory_space<vmem_shared>> -> memref<10112x16xf32, #tpu.memory_space<vmem_shared>>
      tpu.wait_indirect_dma semaphore(%arg30 : memref<!tpu.dma_semaphore, #tpu.memory_space<semaphore_mem>>) src(%arg11 : memref<128x16xf32, #tpu.memory_space<vmem>>) dst(%dma_wait3A_225 : memref<10112x16xf32, #tpu.memory_space<vmem_shared>>)
      %dma_wait3A_226 = arith.constant 76 : i32
      %dma_wait3A_227 = arith.constant 0 : i32
      %dma_wait3A_228 = tpu.memref_slice %arg7[%dma_wait3A_226, %dma_wait3A_227] : memref<80x128xi32, #tpu.memory_space<vmem>> -> memref<1x128xi32, #tpu.memory_space<vmem>>
      %dma_wait3A_229 = tpu.memref_squeeze %dma_wait3A_228 : memref<1x128xi32, #tpu.memory_space<vmem>> -> memref<128xi32, #tpu.memory_space<vmem>>
      %dma_wait3A_230 = arith.constant 0 : i32
      %dma_wait3A_231 = arith.constant 0 : i32
      %dma_wait3A_232 = tpu.memref_slice %arg17[%dma_wait3A_230, %dma_wait3A_231] : memref<10112x16xf32, #tpu.memory_space<vmem_shared>> -> memref<10112x16xf32, #tpu.memory_space<vmem_shared>>
      tpu.wait_indirect_dma semaphore(%arg31 : memref<!tpu.dma_semaphore, #tpu.memory_space<semaphore_mem>>) src(%arg12 : memref<128x16xf32, #tpu.memory_space<vmem>>) dst(%dma_wait3A_232 : memref<10112x16xf32, #tpu.memory_space<vmem_shared>>)
      %dma_wait3A_233 = arith.constant 77 : i32
      %dma_wait3A_234 = arith.constant 0 : i32
      %dma_wait3A_235 = tpu.memref_slice %arg7[%dma_wait3A_233, %dma_wait3A_234] : memref<80x128xi32, #tpu.memory_space<vmem>> -> memref<1x128xi32, #tpu.memory_space<vmem>>
      %dma_wait3A_236 = tpu.memref_squeeze %dma_wait3A_235 : memref<1x128xi32, #tpu.memory_space<vmem>> -> memref<128xi32, #tpu.memory_space<vmem>>
      %dma_wait3A_237 = arith.constant 0 : i32
      %dma_wait3A_238 = arith.constant 0 : i32
      %dma_wait3A_239 = tpu.memref_slice %arg17[%dma_wait3A_237, %dma_wait3A_238] : memref<10112x16xf32, #tpu.memory_space<vmem_shared>> -> memref<10112x16xf32, #tpu.memory_space<vmem_shared>>
      tpu.wait_indirect_dma semaphore(%arg32 : memref<!tpu.dma_semaphore, #tpu.memory_space<semaphore_mem>>) src(%arg13 : memref<128x16xf32, #tpu.memory_space<vmem>>) dst(%dma_wait3A_239 : memref<10112x16xf32, #tpu.memory_space<vmem_shared>>)
      %dma_wait3A_240 = arith.constant 78 : i32
      %dma_wait3A_241 = arith.constant 0 : i32
      %dma_wait3A_242 = tpu.memref_slice %arg7[%dma_wait3A_240, %dma_wait3A_241] : memref<80x128xi32, #tpu.memory_space<vmem>> -> memref<1x128xi32, #tpu.memory_space<vmem>>
      %dma_wait3A_243 = tpu.memref_squeeze %dma_wait3A_242 : memref<1x128xi32, #tpu.memory_space<vmem>> -> memref<128xi32, #tpu.memory_space<vmem>>
      %dma_wait3A_244 = arith.constant 0 : i32
      %dma_wait3A_245 = arith.constant 0 : i32
      %dma_wait3A_246 = tpu.memref_slice %arg17[%dma_wait3A_244, %dma_wait3A_245] : memref<10112x16xf32, #tpu.memory_space<vmem_shared>> -> memref<10112x16xf32, #tpu.memory_space<vmem_shared>>
      tpu.wait_indirect_dma semaphore(%arg33 : memref<!tpu.dma_semaphore, #tpu.memory_space<semaphore_mem>>) src(%arg14 : memref<128x16xf32, #tpu.memory_space<vmem>>) dst(%dma_wait3A_246 : memref<10112x16xf32, #tpu.memory_space<vmem_shared>>)
      %dma_wait3A_247 = arith.constant 79 : i32
      %dma_wait3A_248 = arith.constant 0 : i32
      %dma_wait3A_249 = tpu.memref_slice %arg7[%dma_wait3A_247, %dma_wait3A_248] : memref<80x128xi32, #tpu.memory_space<vmem>> -> memref<1x128xi32, #tpu.memory_space<vmem>>
      %dma_wait3A_250 = tpu.memref_squeeze %dma_wait3A_249 : memref<1x128xi32, #tpu.memory_space<vmem>> -> memref<128xi32, #tpu.memory_space<vmem>>
      %dma_wait3A_251 = arith.constant 0 : i32
      %dma_wait3A_252 = arith.constant 0 : i32
      %dma_wait3A_253 = tpu.memref_slice %arg17[%dma_wait3A_251, %dma_wait3A_252] : memref<10112x16xf32, #tpu.memory_space<vmem_shared>> -> memref<10112x16xf32, #tpu.memory_space<vmem_shared>>
      tpu.wait_indirect_dma semaphore(%arg34 : memref<!tpu.dma_semaphore, #tpu.memory_space<semaphore_mem>>) src(%arg15 : memref<128x16xf32, #tpu.memory_space<vmem>>) dst(%dma_wait3A_253 : memref<10112x16xf32, #tpu.memory_space<vmem_shared>>)
    } else {
    }
    %barrier3A_16 = arith.constant 0 : index
    tpu.barrier barrier_id(%barrier3A_16)
    %mul3A_17 = arith.constant 632 : i32
    %mul3A_18 = arith.muli %arg1, %mul3A_17 : i32
    %mul3A_19 = arith.constant 10112 : i32
    %mul3A_20 = arith.muli %arg0, %mul3A_19 : i32
    %mul3A_21 = arith.constant 632 : i32
    %mul3A_22 = arith.muli %arg1, %mul3A_21 : i32
    %add3A = arith.addi %mul3A_20, %mul3A_22 : i32
    "tpu.region"() ({
      %run_scoped3A = tpu.sem_alloc : memref<!tpu.dma_semaphore, #tpu.memory_space<semaphore_mem>>
      %dma_start3A = arith.constant 0 : i32
      %dma_start3A_23 = tpu.memref_slice %arg5[%add3A, %dma_start3A] : memref<20224x16xf32, #tpu.memory_space<hbm>> -> memref<632x16xf32, #tpu.memory_space<hbm>>
      %dma_start3A_24 = arith.constant 0 : i32
      %dma_start3A_25 = tpu.memref_slice %arg17[%mul3A_18, %dma_start3A_24] : memref<10112x16xf32, #tpu.memory_space<vmem_shared>> -> memref<632x16xf32, #tpu.memory_space<vmem_shared>>
      tpu.enqueue_dma source(%dma_start3A_25 : memref<632x16xf32, #tpu.memory_space<vmem_shared>>) target(%dma_start3A_23 : memref<632x16xf32, #tpu.memory_space<hbm>>) target_semaphore(%run_scoped3A : memref<!tpu.dma_semaphore, #tpu.memory_space<semaphore_mem>>)
      %dma_wait3A = arith.constant 0 : i32
      %dma_wait3A_26 = tpu.memref_slice %arg5[%add3A, %dma_wait3A] : memref<20224x16xf32, #tpu.memory_space<hbm>> -> memref<632x16xf32, #tpu.memory_space<hbm>>
      %dma_wait3A_27 = arith.constant 0 : i32
      %dma_wait3A_28 = tpu.memref_slice %arg17[%mul3A_18, %dma_wait3A_27] : memref<10112x16xf32, #tpu.memory_space<vmem_shared>> -> memref<632x16xf32, #tpu.memory_space<vmem_shared>>
      tpu.wait_dma2 semaphore(%run_scoped3A : memref<!tpu.dma_semaphore, #tpu.memory_space<semaphore_mem>>) src(%dma_wait3A_28 : memref<632x16xf32, #tpu.memory_space<vmem_shared>>) dst(%dma_wait3A_26 : memref<632x16xf32, #tpu.memory_space<hbm>>)
      tpu.yield
    }) : () -> ()
    return
  }
}

#map = affine_map<(d0, d1) -> (0, 0)>
module attributes {stable_mosaic.version = 14 : i64} {
  func.func @k(%arg0: i32, %arg1: i32, %arg2: memref<2560x128xi32, #tpu.memory_space<hbm>>, %arg3: memref<2560x128xi32, #tpu.memory_space<hbm>>, %arg4: memref<10112x16xf32, #tpu.memory_space<hbm>>, %arg5: memref<20224x16xf32, #tpu.memory_space<hbm>>, %arg6: memref<80x128xi32, #tpu.memory_space<vmem>>, %arg7: memref<80x128xi32, #tpu.memory_space<vmem>>, %arg8: memref<128x16xf32, #tpu.memory_space<vmem>>, %arg9: memref<128x16xf32, #tpu.memory_space<vmem>>, %arg10: memref<128x16xf32, #tpu.memory_space<vmem>>, %arg11: memref<128x16xf32, #tpu.memory_space<vmem>>, %arg12: memref<128x16xf32, #tpu.memory_space<vmem>>, %arg13: memref<128x16xf32, #tpu.memory_space<vmem>>, %arg14: memref<128x16xf32, #tpu.memory_space<vmem>>, %arg15: memref<128x16xf32, #tpu.memory_space<vmem>>, %arg16: memref<632x16xf32, #tpu.memory_space<vmem>>, %arg17: memref<10112x16xf32, #tpu.memory_space<vmem_shared>>, %arg18: memref<10112x16xf32, #tpu.memory_space<vmem_shared>>, %arg19: memref<!tpu.dma_semaphore, #tpu.memory_space<semaphore_mem>>, %arg20: memref<!tpu.dma_semaphore, #tpu.memory_space<semaphore_mem>>, %arg21: memref<!tpu.dma_semaphore, #tpu.memory_space<semaphore_mem>>, %arg22: memref<!tpu.dma_semaphore, #tpu.memory_space<semaphore_mem>>, %arg23: memref<!tpu.dma_semaphore, #tpu.memory_space<semaphore_mem>>, %arg24: memref<!tpu.dma_semaphore, #tpu.memory_space<semaphore_mem>>, %arg25: memref<!tpu.dma_semaphore, #tpu.memory_space<semaphore_mem>>, %arg26: memref<!tpu.dma_semaphore, #tpu.memory_space<semaphore_mem>>, %arg27: memref<!tpu.dma_semaphore, #tpu.memory_space<semaphore_mem>>, %arg28: memref<!tpu.dma_semaphore, #tpu.memory_space<semaphore_mem>>, %arg29: memref<!tpu.dma_semaphore, #tpu.memory_space<semaphore_mem>>, %arg30: memref<!tpu.dma_semaphore, #tpu.memory_space<semaphore_mem>>, %arg31: memref<!tpu.dma_semaphore, #tpu.memory_space<semaphore_mem>>, %arg32: memref<!tpu.dma_semaphore, #tpu.memory_space<semaphore_mem>>, %arg33: memref<!tpu.dma_semaphore, #tpu.memory_space<semaphore_mem>>, %arg34: memref<!tpu.dma_semaphore, #tpu.memory_space<semaphore_mem>>) attributes {dimension_semantics = [#tpu.dimension_semantics<core_parallel>, #tpu.dimension_semantics<subcore_parallel>], iteration_bounds = array<i64: 2, 16>, scalar_prefetch = 0 : i64, scratch_operands = 29 : i64, tpu.core_type = #tpu.core_type<sc_vector_subcore>, window_params = [{transform_indices = #map}, {transform_indices = #map}, {transform_indices = #map}, {transform_indices = #map}]} {
    %scan3A = arith.constant 0 : i32
    %scan3A_0 = arith.constant 632 : i32
    %scan3A_1 = arith.addi %scan3A, %scan3A_0 : i32
    %scan3A_2 = arith.constant 1 : i32
    scf.for %scan3A_23 = %scan3A to %scan3A_1 step %scan3A_2  : i32 {
      %mul3A_24 = arith.constant 1 : i32
      %mul3A_25 = arith.muli %scan3A_23, %mul3A_24 : i32
      %add3A_26 = arith.constant 0 : i32
      %add3A_27 = arith.addi %add3A_26, %mul3A_25 : i32
      %broadcast_in_dim3A = arith.constant 0.000000e+00 : f32
      %broadcast_in_dim3A_28 = vector.broadcast %broadcast_in_dim3A : f32 to vector<1x16xf32>
      %swap3A = arith.index_cast %add3A_27 : i32 to index
      %swap3A_29 = arith.constant 0 : index
      %swap3A_30 = tpu.vector_load %arg16[%swap3A, %swap3A_29] {strides = array<i32>} : memref<632x16xf32, #tpu.memory_space<vmem>>, vector<1x16xf32>,
      %swap3A_31 = vector.shape_cast %swap3A_30 : vector<1x16xf32> to vector<1x16xf32>
      %swap3A_32 = vector.shape_cast %broadcast_in_dim3A_28 : vector<1x16xf32> to vector<1x16xf32>
      tpu.vector_store %arg16[%swap3A, %swap3A_29], %swap3A_32 {strides = array<i32>} : memref<632x16xf32, #tpu.memory_space<vmem>>, vector<1x16xf32>,
    }
    %scan3A_3 = arith.constant 632 : i32
    %mul3A = arith.constant 632 : i32
    %mul3A_4 = arith.muli %arg1, %mul3A : i32
    "tpu.region"() ({
      %run_scoped3A = tpu.sem_alloc : memref<!tpu.dma_semaphore, #tpu.memory_space<semaphore_mem>>
      %dma_start3A = arith.constant 0 : i32
      %dma_start3A_23 = tpu.memref_slice %arg17[%mul3A_4, %dma_start3A] : memref<10112x16xf32, #tpu.memory_space<vmem_shared>> -> memref<632x16xf32, #tpu.memory_space<vmem_shared>>
      %dma_start3A_24 = arith.constant 0 : i32
      %dma_start3A_25 = tpu.memref_slice %arg17[%mul3A_4, %dma_start3A_24] : memref<10112x16xf32, #tpu.memory_space<vmem_shared>> -> memref<632x16xf32, #tpu.memory_space<vmem_shared>>
      tpu.enqueue_dma source(%arg16 : memref<632x16xf32, #tpu.memory_space<vmem>>) target(%dma_start3A_25 : memref<632x16xf32, #tpu.memory_space<vmem_shared>>) target_semaphore(%run_scoped3A : memref<!tpu.dma_semaphore, #tpu.memory_space<semaphore_mem>>)
      %dma_wait3A = arith.constant 0 : i32
      %dma_wait3A_26 = tpu.memref_slice %arg17[%mul3A_4, %dma_wait3A] : memref<10112x16xf32, #tpu.memory_space<vmem_shared>> -> memref<632x16xf32, #tpu.memory_space<vmem_shared>>
      %dma_wait3A_27 = arith.constant 0 : i32
      %dma_wait3A_28 = tpu.memref_slice %arg17[%mul3A_4, %dma_wait3A_27] : memref<10112x16xf32, #tpu.memory_space<vmem_shared>> -> memref<632x16xf32, #tpu.memory_space<vmem_shared>>
      tpu.wait_dma2 semaphore(%run_scoped3A : memref<!tpu.dma_semaphore, #tpu.memory_space<semaphore_mem>>) src(%arg16 : memref<632x16xf32, #tpu.memory_space<vmem>>) dst(%dma_wait3A_28 : memref<632x16xf32, #tpu.memory_space<vmem_shared>>)
      tpu.yield
    }) : () -> ()
    %mul3A_5 = arith.constant 632 : i32
    %mul3A_6 = arith.muli %arg1, %mul3A_5 : i32
    %mul3A_7 = arith.constant 632 : i32
    %mul3A_8 = arith.muli %arg1, %mul3A_7 : i32
    "tpu.region"() ({
      %run_scoped3A = tpu.sem_alloc : memref<!tpu.dma_semaphore, #tpu.memory_space<semaphore_mem>>
      %dma_start3A = arith.constant 0 : i32
      %dma_start3A_23 = tpu.memref_slice %arg18[%mul3A_8, %dma_start3A] : memref<10112x16xf32, #tpu.memory_space<vmem_shared>> -> memref<632x16xf32, #tpu.memory_space<vmem_shared>>
      %dma_start3A_24 = arith.constant 0 : i32
      %dma_start3A_25 = tpu.memref_slice %arg4[%mul3A_6, %dma_start3A_24] : memref<10112x16xf32, #tpu.memory_space<hbm>> -> memref<632x16xf32, #tpu.memory_space<hbm>>
      tpu.enqueue_dma source(%dma_start3A_25 : memref<632x16xf32, #tpu.memory_space<hbm>>) target(%dma_start3A_23 : memref<632x16xf32, #tpu.memory_space<vmem_shared>>) target_semaphore(%run_scoped3A : memref<!tpu.dma_semaphore, #tpu.memory_space<semaphore_mem>>)
      %dma_wait3A = arith.constant 0 : i32
      %dma_wait3A_26 = tpu.memref_slice %arg18[%mul3A_8, %dma_wait3A] : memref<10112x16xf32, #tpu.memory_space<vmem_shared>> -> memref<632x16xf32, #tpu.memory_space<vmem_shared>>
      %dma_wait3A_27 = arith.constant 0 : i32
      %dma_wait3A_28 = tpu.memref_slice %arg4[%mul3A_6, %dma_wait3A_27] : memref<10112x16xf32, #tpu.memory_space<hbm>> -> memref<632x16xf32, #tpu.memory_space<hbm>>
      tpu.wait_dma2 semaphore(%run_scoped3A : memref<!tpu.dma_semaphore, #tpu.memory_space<semaphore_mem>>) src(%dma_wait3A_28 : memref<632x16xf32, #tpu.memory_space<hbm>>) dst(%dma_wait3A_26 : memref<632x16xf32, #tpu.memory_space<vmem_shared>>)
      tpu.yield
    }) : () -> ()
    %barrier3A = arith.constant 0 : index
    tpu.barrier barrier_id(%barrier3A)
    %eq3A = arith.constant 0 : i32
    %eq3A_9 = arith.cmpi eq, %arg0, %eq3A : i32
    %convert_element_type3A = arith.extui %eq3A_9 : i1 to i32
    %cond3A = arith.constant 0 : i32
    %cond3A_10 = arith.cmpi ne, %convert_element_type3A, %cond3A : i32
    scf.if %cond3A_10 {
      %mul3A_23 = arith.constant 80 : i32
      %mul3A_24 = arith.muli %arg1, %mul3A_23 : i32
      "tpu.region"() ({
        %run_scoped3A = tpu.sem_alloc : memref<!tpu.dma_semaphore, #tpu.memory_space<semaphore_mem>>
        %dma_start3A_252 = arith.constant 0 : i32
        %dma_start3A_253 = arith.constant 0 : i32
        %dma_start3A_254 = tpu.memref_slice %arg6[%dma_start3A_252, %dma_start3A_253] : memref<80x128xi32, #tpu.memory_space<vmem>> -> memref<80x128xi32, #tpu.memory_space<vmem>>
        %dma_start3A_255 = arith.constant 0 : i32
        %dma_start3A_256 = tpu.memref_slice %arg2[%mul3A_24, %dma_start3A_255] : memref<2560x128xi32, #tpu.memory_space<hbm>> -> memref<80x128xi32, #tpu.memory_space<hbm>>
        %dma_start3A_257 = arith.constant 0 : i32
        %dma_start3A_258 = arith.constant 0 : i32
        %dma_start3A_259 = tpu.memref_slice %arg6[%dma_start3A_257, %dma_start3A_258] : memref<80x128xi32, #tpu.memory_space<vmem>> -> memref<80x128xi32, #tpu.memory_space<vmem>>
        %dma_start3A_260 = arith.constant 0 : i32
        %dma_start3A_261 = tpu.memref_slice %arg2[%mul3A_24, %dma_start3A_260] : memref<2560x128xi32, #tpu.memory_space<hbm>> -> memref<80x128xi32, #tpu.memory_space<hbm>>
        tpu.enqueue_dma source(%dma_start3A_261 : memref<80x128xi32, #tpu.memory_space<hbm>>) target(%dma_start3A_259 : memref<80x128xi32, #tpu.memory_space<vmem>>) target_semaphore(%run_scoped3A : memref<!tpu.dma_semaphore, #tpu.memory_space<semaphore_mem>>)
        %dma_wait3A_262 = arith.constant 0 : i32
        %dma_wait3A_263 = arith.constant 0 : i32
        %dma_wait3A_264 = tpu.memref_slice %arg6[%dma_wait3A_262, %dma_wait3A_263] : memref<80x128xi32, #tpu.memory_space<vmem>> -> memref<80x128xi32, #tpu.memory_space<vmem>>
        %dma_wait3A_265 = arith.constant 0 : i32
        %dma_wait3A_266 = tpu.memref_slice %arg2[%mul3A_24, %dma_wait3A_265] : memref<2560x128xi32, #tpu.memory_space<hbm>> -> memref<80x128xi32, #tpu.memory_space<hbm>>
        %dma_wait3A_267 = arith.constant 0 : i32
        %dma_wait3A_268 = arith.constant 0 : i32
        %dma_wait3A_269 = tpu.memref_slice %arg6[%dma_wait3A_267, %dma_wait3A_268] : memref<80x128xi32, #tpu.memory_space<vmem>> -> memref<80x128xi32, #tpu.memory_space<vmem>>
        %dma_wait3A_270 = arith.constant 0 : i32
        %dma_wait3A_271 = tpu.memref_slice %arg2[%mul3A_24, %dma_wait3A_270] : memref<2560x128xi32, #tpu.memory_space<hbm>> -> memref<80x128xi32, #tpu.memory_space<hbm>>
        tpu.wait_dma2 semaphore(%run_scoped3A : memref<!tpu.dma_semaphore, #tpu.memory_space<semaphore_mem>>) src(%dma_wait3A_271 : memref<80x128xi32, #tpu.memory_space<hbm>>) dst(%dma_wait3A_269 : memref<80x128xi32, #tpu.memory_space<vmem>>)
        tpu.yield
      }) : () -> ()
      "tpu.region"() ({
        %run_scoped3A = tpu.sem_alloc : memref<!tpu.dma_semaphore, #tpu.memory_space<semaphore_mem>>
        %dma_start3A_252 = arith.constant 0 : i32
        %dma_start3A_253 = arith.constant 0 : i32
        %dma_start3A_254 = tpu.memref_slice %arg7[%dma_start3A_252, %dma_start3A_253] : memref<80x128xi32, #tpu.memory_space<vmem>> -> memref<80x128xi32, #tpu.memory_space<vmem>>
        %dma_start3A_255 = arith.constant 0 : i32
        %dma_start3A_256 = tpu.memref_slice %arg3[%mul3A_24, %dma_start3A_255] : memref<2560x128xi32, #tpu.memory_space<hbm>> -> memref<80x128xi32, #tpu.memory_space<hbm>>
        %dma_start3A_257 = arith.constant 0 : i32
        %dma_start3A_258 = arith.constant 0 : i32
        %dma_start3A_259 = tpu.memref_slice %arg7[%dma_start3A_257, %dma_start3A_258] : memref<80x128xi32, #tpu.memory_space<vmem>> -> memref<80x128xi32, #tpu.memory_space<vmem>>
        %dma_start3A_260 = arith.constant 0 : i32
        %dma_start3A_261 = tpu.memref_slice %arg3[%mul3A_24, %dma_start3A_260] : memref<2560x128xi32, #tpu.memory_space<hbm>> -> memref<80x128xi32, #tpu.memory_space<hbm>>
        tpu.enqueue_dma source(%dma_start3A_261 : memref<80x128xi32, #tpu.memory_space<hbm>>) target(%dma_start3A_259 : memref<80x128xi32, #tpu.memory_space<vmem>>) target_semaphore(%run_scoped3A : memref<!tpu.dma_semaphore, #tpu.memory_space<semaphore_mem>>)
        %dma_wait3A_262 = arith.constant 0 : i32
        %dma_wait3A_263 = arith.constant 0 : i32
        %dma_wait3A_264 = tpu.memref_slice %arg7[%dma_wait3A_262, %dma_wait3A_263] : memref<80x128xi32, #tpu.memory_space<vmem>> -> memref<80x128xi32, #tpu.memory_space<vmem>>
        %dma_wait3A_265 = arith.constant 0 : i32
        %dma_wait3A_266 = tpu.memref_slice %arg3[%mul3A_24, %dma_wait3A_265] : memref<2560x128xi32, #tpu.memory_space<hbm>> -> memref<80x128xi32, #tpu.memory_space<hbm>>
        %dma_wait3A_267 = arith.constant 0 : i32
        %dma_wait3A_268 = arith.constant 0 : i32
        %dma_wait3A_269 = tpu.memref_slice %arg7[%dma_wait3A_267, %dma_wait3A_268] : memref<80x128xi32, #tpu.memory_space<vmem>> -> memref<80x128xi32, #tpu.memory_space<vmem>>
        %dma_wait3A_270 = arith.constant 0 : i32
        %dma_wait3A_271 = tpu.memref_slice %arg3[%mul3A_24, %dma_wait3A_270] : memref<2560x128xi32, #tpu.memory_space<hbm>> -> memref<80x128xi32, #tpu.memory_space<hbm>>
        tpu.wait_dma2 semaphore(%run_scoped3A : memref<!tpu.dma_semaphore, #tpu.memory_space<semaphore_mem>>) src(%dma_wait3A_271 : memref<80x128xi32, #tpu.memory_space<hbm>>) dst(%dma_wait3A_269 : memref<80x128xi32, #tpu.memory_space<vmem>>)
        tpu.yield
      }) : () -> ()
      %dma_start3A = arith.constant 0 : i32
      %dma_start3A_25 = arith.constant 0 : i32
      %dma_start3A_26 = tpu.memref_slice %arg6[%dma_start3A, %dma_start3A_25] : memref<80x128xi32, #tpu.memory_space<vmem>> -> memref<1x128xi32, #tpu.memory_space<vmem>>
      %dma_start3A_27 = tpu.memref_squeeze %dma_start3A_26 : memref<1x128xi32, #tpu.memory_space<vmem>> -> memref<128xi32, #tpu.memory_space<vmem>>
      %dma_start3A_28 = arith.constant 0 : i32
      %dma_start3A_29 = arith.constant 0 : i32
      %dma_start3A_30 = tpu.memref_slice %arg18[%dma_start3A_28, %dma_start3A_29] : memref<10112x16xf32, #tpu.memory_space<vmem_shared>> -> memref<10112x16xf32, #tpu.memory_space<vmem_shared>>
      tpu.enqueue_indirect_dma source(%dma_start3A_30 : memref<10112x16xf32, #tpu.memory_space<vmem_shared>>) target(%arg8 : memref<128x16xf32, #tpu.memory_space<vmem>>) offsets(%dma_start3A_27 : memref<128xi32, #tpu.memory_space<vmem>>) semaphore(%arg19 : memref<!tpu.dma_semaphore, #tpu.memory_space<semaphore_mem>>)
      %dma_start3A_31 = arith.constant 1 : i32
      %dma_start3A_32 = arith.constant 0 : i32
      %dma_start3A_33 = tpu.memref_slice %arg6[%dma_start3A_31, %dma_start3A_32] : memref<80x128xi32, #tpu.memory_space<vmem>> -> memref<1x128xi32, #tpu.memory_space<vmem>>
      %dma_start3A_34 = tpu.memref_squeeze %dma_start3A_33 : memref<1x128xi32, #tpu.memory_space<vmem>> -> memref<128xi32, #tpu.memory_space<vmem>>
      %dma_start3A_35 = arith.constant 0 : i32
      %dma_start3A_36 = arith.constant 0 : i32
      %dma_start3A_37 = tpu.memref_slice %arg18[%dma_start3A_35, %dma_start3A_36] : memref<10112x16xf32, #tpu.memory_space<vmem_shared>> -> memref<10112x16xf32, #tpu.memory_space<vmem_shared>>
      tpu.enqueue_indirect_dma source(%dma_start3A_37 : memref<10112x16xf32, #tpu.memory_space<vmem_shared>>) target(%arg9 : memref<128x16xf32, #tpu.memory_space<vmem>>) offsets(%dma_start3A_34 : memref<128xi32, #tpu.memory_space<vmem>>) semaphore(%arg20 : memref<!tpu.dma_semaphore, #tpu.memory_space<semaphore_mem>>)
      %dma_start3A_38 = arith.constant 2 : i32
      %dma_start3A_39 = arith.constant 0 : i32
      %dma_start3A_40 = tpu.memref_slice %arg6[%dma_start3A_38, %dma_start3A_39] : memref<80x128xi32, #tpu.memory_space<vmem>> -> memref<1x128xi32, #tpu.memory_space<vmem>>
      %dma_start3A_41 = tpu.memref_squeeze %dma_start3A_40 : memref<1x128xi32, #tpu.memory_space<vmem>> -> memref<128xi32, #tpu.memory_space<vmem>>
      %dma_start3A_42 = arith.constant 0 : i32
      %dma_start3A_43 = arith.constant 0 : i32
      %dma_start3A_44 = tpu.memref_slice %arg18[%dma_start3A_42, %dma_start3A_43] : memref<10112x16xf32, #tpu.memory_space<vmem_shared>> -> memref<10112x16xf32, #tpu.memory_space<vmem_shared>>
      tpu.enqueue_indirect_dma source(%dma_start3A_44 : memref<10112x16xf32, #tpu.memory_space<vmem_shared>>) target(%arg10 : memref<128x16xf32, #tpu.memory_space<vmem>>) offsets(%dma_start3A_41 : memref<128xi32, #tpu.memory_space<vmem>>) semaphore(%arg21 : memref<!tpu.dma_semaphore, #tpu.memory_space<semaphore_mem>>)
      %dma_start3A_45 = arith.constant 3 : i32
      %dma_start3A_46 = arith.constant 0 : i32
      %dma_start3A_47 = tpu.memref_slice %arg6[%dma_start3A_45, %dma_start3A_46] : memref<80x128xi32, #tpu.memory_space<vmem>> -> memref<1x128xi32, #tpu.memory_space<vmem>>
      %dma_start3A_48 = tpu.memref_squeeze %dma_start3A_47 : memref<1x128xi32, #tpu.memory_space<vmem>> -> memref<128xi32, #tpu.memory_space<vmem>>
      %dma_start3A_49 = arith.constant 0 : i32
      %dma_start3A_50 = arith.constant 0 : i32
      %dma_start3A_51 = tpu.memref_slice %arg18[%dma_start3A_49, %dma_start3A_50] : memref<10112x16xf32, #tpu.memory_space<vmem_shared>> -> memref<10112x16xf32, #tpu.memory_space<vmem_shared>>
      tpu.enqueue_indirect_dma source(%dma_start3A_51 : memref<10112x16xf32, #tpu.memory_space<vmem_shared>>) target(%arg11 : memref<128x16xf32, #tpu.memory_space<vmem>>) offsets(%dma_start3A_48 : memref<128xi32, #tpu.memory_space<vmem>>) semaphore(%arg22 : memref<!tpu.dma_semaphore, #tpu.memory_space<semaphore_mem>>)
      %dma_start3A_52 = arith.constant 4 : i32
      %dma_start3A_53 = arith.constant 0 : i32
      %dma_start3A_54 = tpu.memref_slice %arg6[%dma_start3A_52, %dma_start3A_53] : memref<80x128xi32, #tpu.memory_space<vmem>> -> memref<1x128xi32, #tpu.memory_space<vmem>>
      %dma_start3A_55 = tpu.memref_squeeze %dma_start3A_54 : memref<1x128xi32, #tpu.memory_space<vmem>> -> memref<128xi32, #tpu.memory_space<vmem>>
      %dma_start3A_56 = arith.constant 0 : i32
      %dma_start3A_57 = arith.constant 0 : i32
      %dma_start3A_58 = tpu.memref_slice %arg18[%dma_start3A_56, %dma_start3A_57] : memref<10112x16xf32, #tpu.memory_space<vmem_shared>> -> memref<10112x16xf32, #tpu.memory_space<vmem_shared>>
      tpu.enqueue_indirect_dma source(%dma_start3A_58 : memref<10112x16xf32, #tpu.memory_space<vmem_shared>>) target(%arg12 : memref<128x16xf32, #tpu.memory_space<vmem>>) offsets(%dma_start3A_55 : memref<128xi32, #tpu.memory_space<vmem>>) semaphore(%arg23 : memref<!tpu.dma_semaphore, #tpu.memory_space<semaphore_mem>>)
      %dma_start3A_59 = arith.constant 5 : i32
      %dma_start3A_60 = arith.constant 0 : i32
      %dma_start3A_61 = tpu.memref_slice %arg6[%dma_start3A_59, %dma_start3A_60] : memref<80x128xi32, #tpu.memory_space<vmem>> -> memref<1x128xi32, #tpu.memory_space<vmem>>
      %dma_start3A_62 = tpu.memref_squeeze %dma_start3A_61 : memref<1x128xi32, #tpu.memory_space<vmem>> -> memref<128xi32, #tpu.memory_space<vmem>>
      %dma_start3A_63 = arith.constant 0 : i32
      %dma_start3A_64 = arith.constant 0 : i32
      %dma_start3A_65 = tpu.memref_slice %arg18[%dma_start3A_63, %dma_start3A_64] : memref<10112x16xf32, #tpu.memory_space<vmem_shared>> -> memref<10112x16xf32, #tpu.memory_space<vmem_shared>>
      tpu.enqueue_indirect_dma source(%dma_start3A_65 : memref<10112x16xf32, #tpu.memory_space<vmem_shared>>) target(%arg13 : memref<128x16xf32, #tpu.memory_space<vmem>>) offsets(%dma_start3A_62 : memref<128xi32, #tpu.memory_space<vmem>>) semaphore(%arg24 : memref<!tpu.dma_semaphore, #tpu.memory_space<semaphore_mem>>)
      %dma_start3A_66 = arith.constant 6 : i32
      %dma_start3A_67 = arith.constant 0 : i32
      %dma_start3A_68 = tpu.memref_slice %arg6[%dma_start3A_66, %dma_start3A_67] : memref<80x128xi32, #tpu.memory_space<vmem>> -> memref<1x128xi32, #tpu.memory_space<vmem>>
      %dma_start3A_69 = tpu.memref_squeeze %dma_start3A_68 : memref<1x128xi32, #tpu.memory_space<vmem>> -> memref<128xi32, #tpu.memory_space<vmem>>
      %dma_start3A_70 = arith.constant 0 : i32
      %dma_start3A_71 = arith.constant 0 : i32
      %dma_start3A_72 = tpu.memref_slice %arg18[%dma_start3A_70, %dma_start3A_71] : memref<10112x16xf32, #tpu.memory_space<vmem_shared>> -> memref<10112x16xf32, #tpu.memory_space<vmem_shared>>
      tpu.enqueue_indirect_dma source(%dma_start3A_72 : memref<10112x16xf32, #tpu.memory_space<vmem_shared>>) target(%arg14 : memref<128x16xf32, #tpu.memory_space<vmem>>) offsets(%dma_start3A_69 : memref<128xi32, #tpu.memory_space<vmem>>) semaphore(%arg25 : memref<!tpu.dma_semaphore, #tpu.memory_space<semaphore_mem>>)
      %dma_start3A_73 = arith.constant 7 : i32
      %dma_start3A_74 = arith.constant 0 : i32
      %dma_start3A_75 = tpu.memref_slice %arg6[%dma_start3A_73, %dma_start3A_74] : memref<80x128xi32, #tpu.memory_space<vmem>> -> memref<1x128xi32, #tpu.memory_space<vmem>>
      %dma_start3A_76 = tpu.memref_squeeze %dma_start3A_75 : memref<1x128xi32, #tpu.memory_space<vmem>> -> memref<128xi32, #tpu.memory_space<vmem>>
      %dma_start3A_77 = arith.constant 0 : i32
      %dma_start3A_78 = arith.constant 0 : i32
      %dma_start3A_79 = tpu.memref_slice %arg18[%dma_start3A_77, %dma_start3A_78] : memref<10112x16xf32, #tpu.memory_space<vmem_shared>> -> memref<10112x16xf32, #tpu.memory_space<vmem_shared>>
      tpu.enqueue_indirect_dma source(%dma_start3A_79 : memref<10112x16xf32, #tpu.memory_space<vmem_shared>>) target(%arg15 : memref<128x16xf32, #tpu.memory_space<vmem>>) offsets(%dma_start3A_76 : memref<128xi32, #tpu.memory_space<vmem>>) semaphore(%arg26 : memref<!tpu.dma_semaphore, #tpu.memory_space<semaphore_mem>>)
      %scan3A_80 = arith.constant 0 : i32
      %scan3A_81 = arith.constant 9 : i32
      %scan3A_82 = arith.addi %scan3A_80, %scan3A_81 : i32
      %scan3A_83 = arith.constant 1 : i32
      scf.for %scan3A_252 = %scan3A_80 to %scan3A_82 step %scan3A_83  : i32 {
        %mul3A_253 = arith.constant 8 : i32
        %mul3A_254 = arith.muli %scan3A_252, %mul3A_253 : i32
        %add3A_255 = arith.constant 0 : i32
        %add3A_256 = arith.addi %add3A_255, %mul3A_254 : i32
        %add3A_257 = arith.constant 0 : i32
        %add3A_258 = arith.addi %add3A_256, %add3A_257 : i32
        %dma_wait3A_259 = arith.constant 0 : i32
        %dma_wait3A_260 = tpu.memref_slice %arg6[%add3A_258, %dma_wait3A_259] : memref<80x128xi32, #tpu.memory_space<vmem>> -> memref<1x128xi32, #tpu.memory_space<vmem>>
        %dma_wait3A_261 = tpu.memref_squeeze %dma_wait3A_260 : memref<1x128xi32, #tpu.memory_space<vmem>> -> memref<128xi32, #tpu.memory_space<vmem>>
        %dma_wait3A_262 = arith.constant 0 : i32
        %dma_wait3A_263 = arith.constant 0 : i32
        %dma_wait3A_264 = tpu.memref_slice %arg18[%dma_wait3A_262, %dma_wait3A_263] : memref<10112x16xf32, #tpu.memory_space<vmem_shared>> -> memref<10112x16xf32, #tpu.memory_space<vmem_shared>>
        tpu.wait_indirect_dma semaphore(%arg19 : memref<!tpu.dma_semaphore, #tpu.memory_space<semaphore_mem>>) src(%dma_wait3A_264 : memref<10112x16xf32, #tpu.memory_space<vmem_shared>>) dst(%arg8 : memref<128x16xf32, #tpu.memory_space<vmem>>)
        %add3A_265 = arith.constant 0 : i32
        %add3A_266 = arith.addi %add3A_256, %add3A_265 : i32
        %dma_start3A_267 = arith.constant 0 : i32
        %dma_start3A_268 = tpu.memref_slice %arg7[%add3A_266, %dma_start3A_267] : memref<80x128xi32, #tpu.memory_space<vmem>> -> memref<1x128xi32, #tpu.memory_space<vmem>>
        %dma_start3A_269 = tpu.memref_squeeze %dma_start3A_268 : memref<1x128xi32, #tpu.memory_space<vmem>> -> memref<128xi32, #tpu.memory_space<vmem>>
        %dma_start3A_270 = arith.constant 0 : i32
        %dma_start3A_271 = arith.constant 0 : i32
        %dma_start3A_272 = tpu.memref_slice %arg17[%dma_start3A_270, %dma_start3A_271] : memref<10112x16xf32, #tpu.memory_space<vmem_shared>> -> memref<10112x16xf32, #tpu.memory_space<vmem_shared>>
        tpu.enqueue_indirect_dma source(%arg8 : memref<128x16xf32, #tpu.memory_space<vmem>>) target(%dma_start3A_272 : memref<10112x16xf32, #tpu.memory_space<vmem_shared>>) offsets(%dma_start3A_269 : memref<128xi32, #tpu.memory_space<vmem>>) semaphore(%arg27 : memref<!tpu.dma_semaphore, #tpu.memory_space<semaphore_mem>>) {add = true}
        %add3A_273 = arith.constant 1 : i32
        %add3A_274 = arith.addi %add3A_256, %add3A_273 : i32
        %dma_wait3A_275 = arith.constant 0 : i32
        %dma_wait3A_276 = tpu.memref_slice %arg6[%add3A_274, %dma_wait3A_275] : memref<80x128xi32, #tpu.memory_space<vmem>> -> memref<1x128xi32, #tpu.memory_space<vmem>>
        %dma_wait3A_277 = tpu.memref_squeeze %dma_wait3A_276 : memref<1x128xi32, #tpu.memory_space<vmem>> -> memref<128xi32, #tpu.memory_space<vmem>>
        %dma_wait3A_278 = arith.constant 0 : i32
        %dma_wait3A_279 = arith.constant 0 : i32
        %dma_wait3A_280 = tpu.memref_slice %arg18[%dma_wait3A_278, %dma_wait3A_279] : memref<10112x16xf32, #tpu.memory_space<vmem_shared>> -> memref<10112x16xf32, #tpu.memory_space<vmem_shared>>
        tpu.wait_indirect_dma semaphore(%arg20 : memref<!tpu.dma_semaphore, #tpu.memory_space<semaphore_mem>>) src(%dma_wait3A_280 : memref<10112x16xf32, #tpu.memory_space<vmem_shared>>) dst(%arg9 : memref<128x16xf32, #tpu.memory_space<vmem>>)
        %add3A_281 = arith.constant 1 : i32
        %add3A_282 = arith.addi %add3A_256, %add3A_281 : i32
        %dma_start3A_283 = arith.constant 0 : i32
        %dma_start3A_284 = tpu.memref_slice %arg7[%add3A_282, %dma_start3A_283] : memref<80x128xi32, #tpu.memory_space<vmem>> -> memref<1x128xi32, #tpu.memory_space<vmem>>
        %dma_start3A_285 = tpu.memref_squeeze %dma_start3A_284 : memref<1x128xi32, #tpu.memory_space<vmem>> -> memref<128xi32, #tpu.memory_space<vmem>>
        %dma_start3A_286 = arith.constant 0 : i32
        %dma_start3A_287 = arith.constant 0 : i32
        %dma_start3A_288 = tpu.memref_slice %arg17[%dma_start3A_286, %dma_start3A_287] : memref<10112x16xf32, #tpu.memory_space<vmem_shared>> -> memref<10112x16xf32, #tpu.memory_space<vmem_shared>>
        tpu.enqueue_indirect_dma source(%arg9 : memref<128x16xf32, #tpu.memory_space<vmem>>) target(%dma_start3A_288 : memref<10112x16xf32, #tpu.memory_space<vmem_shared>>) offsets(%dma_start3A_285 : memref<128xi32, #tpu.memory_space<vmem>>) semaphore(%arg28 : memref<!tpu.dma_semaphore, #tpu.memory_space<semaphore_mem>>) {add = true}
        %add3A_289 = arith.constant 2 : i32
        %add3A_290 = arith.addi %add3A_256, %add3A_289 : i32
        %dma_wait3A_291 = arith.constant 0 : i32
        %dma_wait3A_292 = tpu.memref_slice %arg6[%add3A_290, %dma_wait3A_291] : memref<80x128xi32, #tpu.memory_space<vmem>> -> memref<1x128xi32, #tpu.memory_space<vmem>>
        %dma_wait3A_293 = tpu.memref_squeeze %dma_wait3A_292 : memref<1x128xi32, #tpu.memory_space<vmem>> -> memref<128xi32, #tpu.memory_space<vmem>>
        %dma_wait3A_294 = arith.constant 0 : i32
        %dma_wait3A_295 = arith.constant 0 : i32
        %dma_wait3A_296 = tpu.memref_slice %arg18[%dma_wait3A_294, %dma_wait3A_295] : memref<10112x16xf32, #tpu.memory_space<vmem_shared>> -> memref<10112x16xf32, #tpu.memory_space<vmem_shared>>
        tpu.wait_indirect_dma semaphore(%arg21 : memref<!tpu.dma_semaphore, #tpu.memory_space<semaphore_mem>>) src(%dma_wait3A_296 : memref<10112x16xf32, #tpu.memory_space<vmem_shared>>) dst(%arg10 : memref<128x16xf32, #tpu.memory_space<vmem>>)
        %add3A_297 = arith.constant 2 : i32
        %add3A_298 = arith.addi %add3A_256, %add3A_297 : i32
        %dma_start3A_299 = arith.constant 0 : i32
        %dma_start3A_300 = tpu.memref_slice %arg7[%add3A_298, %dma_start3A_299] : memref<80x128xi32, #tpu.memory_space<vmem>> -> memref<1x128xi32, #tpu.memory_space<vmem>>
        %dma_start3A_301 = tpu.memref_squeeze %dma_start3A_300 : memref<1x128xi32, #tpu.memory_space<vmem>> -> memref<128xi32, #tpu.memory_space<vmem>>
        %dma_start3A_302 = arith.constant 0 : i32
        %dma_start3A_303 = arith.constant 0 : i32
        %dma_start3A_304 = tpu.memref_slice %arg17[%dma_start3A_302, %dma_start3A_303] : memref<10112x16xf32, #tpu.memory_space<vmem_shared>> -> memref<10112x16xf32, #tpu.memory_space<vmem_shared>>
        tpu.enqueue_indirect_dma source(%arg10 : memref<128x16xf32, #tpu.memory_space<vmem>>) target(%dma_start3A_304 : memref<10112x16xf32, #tpu.memory_space<vmem_shared>>) offsets(%dma_start3A_301 : memref<128xi32, #tpu.memory_space<vmem>>) semaphore(%arg29 : memref<!tpu.dma_semaphore, #tpu.memory_space<semaphore_mem>>) {add = true}
        %add3A_305 = arith.constant 3 : i32
        %add3A_306 = arith.addi %add3A_256, %add3A_305 : i32
        %dma_wait3A_307 = arith.constant 0 : i32
        %dma_wait3A_308 = tpu.memref_slice %arg6[%add3A_306, %dma_wait3A_307] : memref<80x128xi32, #tpu.memory_space<vmem>> -> memref<1x128xi32, #tpu.memory_space<vmem>>
        %dma_wait3A_309 = tpu.memref_squeeze %dma_wait3A_308 : memref<1x128xi32, #tpu.memory_space<vmem>> -> memref<128xi32, #tpu.memory_space<vmem>>
        %dma_wait3A_310 = arith.constant 0 : i32
        %dma_wait3A_311 = arith.constant 0 : i32
        %dma_wait3A_312 = tpu.memref_slice %arg18[%dma_wait3A_310, %dma_wait3A_311] : memref<10112x16xf32, #tpu.memory_space<vmem_shared>> -> memref<10112x16xf32, #tpu.memory_space<vmem_shared>>
        tpu.wait_indirect_dma semaphore(%arg22 : memref<!tpu.dma_semaphore, #tpu.memory_space<semaphore_mem>>) src(%dma_wait3A_312 : memref<10112x16xf32, #tpu.memory_space<vmem_shared>>) dst(%arg11 : memref<128x16xf32, #tpu.memory_space<vmem>>)
        %add3A_313 = arith.constant 3 : i32
        %add3A_314 = arith.addi %add3A_256, %add3A_313 : i32
        %dma_start3A_315 = arith.constant 0 : i32
        %dma_start3A_316 = tpu.memref_slice %arg7[%add3A_314, %dma_start3A_315] : memref<80x128xi32, #tpu.memory_space<vmem>> -> memref<1x128xi32, #tpu.memory_space<vmem>>
        %dma_start3A_317 = tpu.memref_squeeze %dma_start3A_316 : memref<1x128xi32, #tpu.memory_space<vmem>> -> memref<128xi32, #tpu.memory_space<vmem>>
        %dma_start3A_318 = arith.constant 0 : i32
        %dma_start3A_319 = arith.constant 0 : i32
        %dma_start3A_320 = tpu.memref_slice %arg17[%dma_start3A_318, %dma_start3A_319] : memref<10112x16xf32, #tpu.memory_space<vmem_shared>> -> memref<10112x16xf32, #tpu.memory_space<vmem_shared>>
        tpu.enqueue_indirect_dma source(%arg11 : memref<128x16xf32, #tpu.memory_space<vmem>>) target(%dma_start3A_320 : memref<10112x16xf32, #tpu.memory_space<vmem_shared>>) offsets(%dma_start3A_317 : memref<128xi32, #tpu.memory_space<vmem>>) semaphore(%arg30 : memref<!tpu.dma_semaphore, #tpu.memory_space<semaphore_mem>>) {add = true}
        %add3A_321 = arith.constant 4 : i32
        %add3A_322 = arith.addi %add3A_256, %add3A_321 : i32
        %dma_wait3A_323 = arith.constant 0 : i32
        %dma_wait3A_324 = tpu.memref_slice %arg6[%add3A_322, %dma_wait3A_323] : memref<80x128xi32, #tpu.memory_space<vmem>> -> memref<1x128xi32, #tpu.memory_space<vmem>>
        %dma_wait3A_325 = tpu.memref_squeeze %dma_wait3A_324 : memref<1x128xi32, #tpu.memory_space<vmem>> -> memref<128xi32, #tpu.memory_space<vmem>>
        %dma_wait3A_326 = arith.constant 0 : i32
        %dma_wait3A_327 = arith.constant 0 : i32
        %dma_wait3A_328 = tpu.memref_slice %arg18[%dma_wait3A_326, %dma_wait3A_327] : memref<10112x16xf32, #tpu.memory_space<vmem_shared>> -> memref<10112x16xf32, #tpu.memory_space<vmem_shared>>
        tpu.wait_indirect_dma semaphore(%arg23 : memref<!tpu.dma_semaphore, #tpu.memory_space<semaphore_mem>>) src(%dma_wait3A_328 : memref<10112x16xf32, #tpu.memory_space<vmem_shared>>) dst(%arg12 : memref<128x16xf32, #tpu.memory_space<vmem>>)
        %add3A_329 = arith.constant 4 : i32
        %add3A_330 = arith.addi %add3A_256, %add3A_329 : i32
        %dma_start3A_331 = arith.constant 0 : i32
        %dma_start3A_332 = tpu.memref_slice %arg7[%add3A_330, %dma_start3A_331] : memref<80x128xi32, #tpu.memory_space<vmem>> -> memref<1x128xi32, #tpu.memory_space<vmem>>
        %dma_start3A_333 = tpu.memref_squeeze %dma_start3A_332 : memref<1x128xi32, #tpu.memory_space<vmem>> -> memref<128xi32, #tpu.memory_space<vmem>>
        %dma_start3A_334 = arith.constant 0 : i32
        %dma_start3A_335 = arith.constant 0 : i32
        %dma_start3A_336 = tpu.memref_slice %arg17[%dma_start3A_334, %dma_start3A_335] : memref<10112x16xf32, #tpu.memory_space<vmem_shared>> -> memref<10112x16xf32, #tpu.memory_space<vmem_shared>>
        tpu.enqueue_indirect_dma source(%arg12 : memref<128x16xf32, #tpu.memory_space<vmem>>) target(%dma_start3A_336 : memref<10112x16xf32, #tpu.memory_space<vmem_shared>>) offsets(%dma_start3A_333 : memref<128xi32, #tpu.memory_space<vmem>>) semaphore(%arg31 : memref<!tpu.dma_semaphore, #tpu.memory_space<semaphore_mem>>) {add = true}
        %add3A_337 = arith.constant 5 : i32
        %add3A_338 = arith.addi %add3A_256, %add3A_337 : i32
        %dma_wait3A_339 = arith.constant 0 : i32
        %dma_wait3A_340 = tpu.memref_slice %arg6[%add3A_338, %dma_wait3A_339] : memref<80x128xi32, #tpu.memory_space<vmem>> -> memref<1x128xi32, #tpu.memory_space<vmem>>
        %dma_wait3A_341 = tpu.memref_squeeze %dma_wait3A_340 : memref<1x128xi32, #tpu.memory_space<vmem>> -> memref<128xi32, #tpu.memory_space<vmem>>
        %dma_wait3A_342 = arith.constant 0 : i32
        %dma_wait3A_343 = arith.constant 0 : i32
        %dma_wait3A_344 = tpu.memref_slice %arg18[%dma_wait3A_342, %dma_wait3A_343] : memref<10112x16xf32, #tpu.memory_space<vmem_shared>> -> memref<10112x16xf32, #tpu.memory_space<vmem_shared>>
        tpu.wait_indirect_dma semaphore(%arg24 : memref<!tpu.dma_semaphore, #tpu.memory_space<semaphore_mem>>) src(%dma_wait3A_344 : memref<10112x16xf32, #tpu.memory_space<vmem_shared>>) dst(%arg13 : memref<128x16xf32, #tpu.memory_space<vmem>>)
        %add3A_345 = arith.constant 5 : i32
        %add3A_346 = arith.addi %add3A_256, %add3A_345 : i32
        %dma_start3A_347 = arith.constant 0 : i32
        %dma_start3A_348 = tpu.memref_slice %arg7[%add3A_346, %dma_start3A_347] : memref<80x128xi32, #tpu.memory_space<vmem>> -> memref<1x128xi32, #tpu.memory_space<vmem>>
        %dma_start3A_349 = tpu.memref_squeeze %dma_start3A_348 : memref<1x128xi32, #tpu.memory_space<vmem>> -> memref<128xi32, #tpu.memory_space<vmem>>
        %dma_start3A_350 = arith.constant 0 : i32
        %dma_start3A_351 = arith.constant 0 : i32
        %dma_start3A_352 = tpu.memref_slice %arg17[%dma_start3A_350, %dma_start3A_351] : memref<10112x16xf32, #tpu.memory_space<vmem_shared>> -> memref<10112x16xf32, #tpu.memory_space<vmem_shared>>
        tpu.enqueue_indirect_dma source(%arg13 : memref<128x16xf32, #tpu.memory_space<vmem>>) target(%dma_start3A_352 : memref<10112x16xf32, #tpu.memory_space<vmem_shared>>) offsets(%dma_start3A_349 : memref<128xi32, #tpu.memory_space<vmem>>) semaphore(%arg32 : memref<!tpu.dma_semaphore, #tpu.memory_space<semaphore_mem>>) {add = true}
        %add3A_353 = arith.constant 6 : i32
        %add3A_354 = arith.addi %add3A_256, %add3A_353 : i32
        %dma_wait3A_355 = arith.constant 0 : i32
        %dma_wait3A_356 = tpu.memref_slice %arg6[%add3A_354, %dma_wait3A_355] : memref<80x128xi32, #tpu.memory_space<vmem>> -> memref<1x128xi32, #tpu.memory_space<vmem>>
        %dma_wait3A_357 = tpu.memref_squeeze %dma_wait3A_356 : memref<1x128xi32, #tpu.memory_space<vmem>> -> memref<128xi32, #tpu.memory_space<vmem>>
        %dma_wait3A_358 = arith.constant 0 : i32
        %dma_wait3A_359 = arith.constant 0 : i32
        %dma_wait3A_360 = tpu.memref_slice %arg18[%dma_wait3A_358, %dma_wait3A_359] : memref<10112x16xf32, #tpu.memory_space<vmem_shared>> -> memref<10112x16xf32, #tpu.memory_space<vmem_shared>>
        tpu.wait_indirect_dma semaphore(%arg25 : memref<!tpu.dma_semaphore, #tpu.memory_space<semaphore_mem>>) src(%dma_wait3A_360 : memref<10112x16xf32, #tpu.memory_space<vmem_shared>>) dst(%arg14 : memref<128x16xf32, #tpu.memory_space<vmem>>)
        %add3A_361 = arith.constant 6 : i32
        %add3A_362 = arith.addi %add3A_256, %add3A_361 : i32
        %dma_start3A_363 = arith.constant 0 : i32
        %dma_start3A_364 = tpu.memref_slice %arg7[%add3A_362, %dma_start3A_363] : memref<80x128xi32, #tpu.memory_space<vmem>> -> memref<1x128xi32, #tpu.memory_space<vmem>>
        %dma_start3A_365 = tpu.memref_squeeze %dma_start3A_364 : memref<1x128xi32, #tpu.memory_space<vmem>> -> memref<128xi32, #tpu.memory_space<vmem>>
        %dma_start3A_366 = arith.constant 0 : i32
        %dma_start3A_367 = arith.constant 0 : i32
        %dma_start3A_368 = tpu.memref_slice %arg17[%dma_start3A_366, %dma_start3A_367] : memref<10112x16xf32, #tpu.memory_space<vmem_shared>> -> memref<10112x16xf32, #tpu.memory_space<vmem_shared>>
        tpu.enqueue_indirect_dma source(%arg14 : memref<128x16xf32, #tpu.memory_space<vmem>>) target(%dma_start3A_368 : memref<10112x16xf32, #tpu.memory_space<vmem_shared>>) offsets(%dma_start3A_365 : memref<128xi32, #tpu.memory_space<vmem>>) semaphore(%arg33 : memref<!tpu.dma_semaphore, #tpu.memory_space<semaphore_mem>>) {add = true}
        %add3A_369 = arith.constant 7 : i32
        %add3A_370 = arith.addi %add3A_256, %add3A_369 : i32
        %dma_wait3A_371 = arith.constant 0 : i32
        %dma_wait3A_372 = tpu.memref_slice %arg6[%add3A_370, %dma_wait3A_371] : memref<80x128xi32, #tpu.memory_space<vmem>> -> memref<1x128xi32, #tpu.memory_space<vmem>>
        %dma_wait3A_373 = tpu.memref_squeeze %dma_wait3A_372 : memref<1x128xi32, #tpu.memory_space<vmem>> -> memref<128xi32, #tpu.memory_space<vmem>>
        %dma_wait3A_374 = arith.constant 0 : i32
        %dma_wait3A_375 = arith.constant 0 : i32
        %dma_wait3A_376 = tpu.memref_slice %arg18[%dma_wait3A_374, %dma_wait3A_375] : memref<10112x16xf32, #tpu.memory_space<vmem_shared>> -> memref<10112x16xf32, #tpu.memory_space<vmem_shared>>
        tpu.wait_indirect_dma semaphore(%arg26 : memref<!tpu.dma_semaphore, #tpu.memory_space<semaphore_mem>>) src(%dma_wait3A_376 : memref<10112x16xf32, #tpu.memory_space<vmem_shared>>) dst(%arg15 : memref<128x16xf32, #tpu.memory_space<vmem>>)
        %add3A_377 = arith.constant 7 : i32
        %add3A_378 = arith.addi %add3A_256, %add3A_377 : i32
        %dma_start3A_379 = arith.constant 0 : i32
        %dma_start3A_380 = tpu.memref_slice %arg7[%add3A_378, %dma_start3A_379] : memref<80x128xi32, #tpu.memory_space<vmem>> -> memref<1x128xi32, #tpu.memory_space<vmem>>
        %dma_start3A_381 = tpu.memref_squeeze %dma_start3A_380 : memref<1x128xi32, #tpu.memory_space<vmem>> -> memref<128xi32, #tpu.memory_space<vmem>>
        %dma_start3A_382 = arith.constant 0 : i32
        %dma_start3A_383 = arith.constant 0 : i32
        %dma_start3A_384 = tpu.memref_slice %arg17[%dma_start3A_382, %dma_start3A_383] : memref<10112x16xf32, #tpu.memory_space<vmem_shared>> -> memref<10112x16xf32, #tpu.memory_space<vmem_shared>>
        tpu.enqueue_indirect_dma source(%arg15 : memref<128x16xf32, #tpu.memory_space<vmem>>) target(%dma_start3A_384 : memref<10112x16xf32, #tpu.memory_space<vmem_shared>>) offsets(%dma_start3A_381 : memref<128xi32, #tpu.memory_space<vmem>>) semaphore(%arg34 : memref<!tpu.dma_semaphore, #tpu.memory_space<semaphore_mem>>) {add = true}
        %add3A_385 = arith.constant 0 : i32
        %add3A_386 = arith.addi %add3A_256, %add3A_385 : i32
        %dma_wait3A_387 = arith.constant 0 : i32
        %dma_wait3A_388 = tpu.memref_slice %arg7[%add3A_386, %dma_wait3A_387] : memref<80x128xi32, #tpu.memory_space<vmem>> -> memref<1x128xi32, #tpu.memory_space<vmem>>
        %dma_wait3A_389 = tpu.memref_squeeze %dma_wait3A_388 : memref<1x128xi32, #tpu.memory_space<vmem>> -> memref<128xi32, #tpu.memory_space<vmem>>
        %dma_wait3A_390 = arith.constant 0 : i32
        %dma_wait3A_391 = arith.constant 0 : i32
        %dma_wait3A_392 = tpu.memref_slice %arg17[%dma_wait3A_390, %dma_wait3A_391] : memref<10112x16xf32, #tpu.memory_space<vmem_shared>> -> memref<10112x16xf32, #tpu.memory_space<vmem_shared>>
        tpu.wait_indirect_dma semaphore(%arg27 : memref<!tpu.dma_semaphore, #tpu.memory_space<semaphore_mem>>) src(%arg8 : memref<128x16xf32, #tpu.memory_space<vmem>>) dst(%dma_wait3A_392 : memref<10112x16xf32, #tpu.memory_space<vmem_shared>>)
        %add3A_393 = arith.constant 8 : i32
        %add3A_394 = arith.addi %add3A_256, %add3A_393 : i32
        %add3A_395 = arith.constant 0 : i32
        %add3A_396 = arith.addi %add3A_394, %add3A_395 : i32
        %dma_start3A_397 = arith.constant 0 : i32
        %dma_start3A_398 = tpu.memref_slice %arg6[%add3A_396, %dma_start3A_397] : memref<80x128xi32, #tpu.memory_space<vmem>> -> memref<1x128xi32, #tpu.memory_space<vmem>>
        %dma_start3A_399 = tpu.memref_squeeze %dma_start3A_398 : memref<1x128xi32, #tpu.memory_space<vmem>> -> memref<128xi32, #tpu.memory_space<vmem>>
        %dma_start3A_400 = arith.constant 0 : i32
        %dma_start3A_401 = arith.constant 0 : i32
        %dma_start3A_402 = tpu.memref_slice %arg18[%dma_start3A_400, %dma_start3A_401] : memref<10112x16xf32, #tpu.memory_space<vmem_shared>> -> memref<10112x16xf32, #tpu.memory_space<vmem_shared>>
        tpu.enqueue_indirect_dma source(%dma_start3A_402 : memref<10112x16xf32, #tpu.memory_space<vmem_shared>>) target(%arg8 : memref<128x16xf32, #tpu.memory_space<vmem>>) offsets(%dma_start3A_399 : memref<128xi32, #tpu.memory_space<vmem>>) semaphore(%arg19 : memref<!tpu.dma_semaphore, #tpu.memory_space<semaphore_mem>>)
        %add3A_403 = arith.constant 1 : i32
        %add3A_404 = arith.addi %add3A_256, %add3A_403 : i32
        %dma_wait3A_405 = arith.constant 0 : i32
        %dma_wait3A_406 = tpu.memref_slice %arg7[%add3A_404, %dma_wait3A_405] : memref<80x128xi32, #tpu.memory_space<vmem>> -> memref<1x128xi32, #tpu.memory_space<vmem>>
        %dma_wait3A_407 = tpu.memref_squeeze %dma_wait3A_406 : memref<1x128xi32, #tpu.memory_space<vmem>> -> memref<128xi32, #tpu.memory_space<vmem>>
        %dma_wait3A_408 = arith.constant 0 : i32
        %dma_wait3A_409 = arith.constant 0 : i32
        %dma_wait3A_410 = tpu.memref_slice %arg17[%dma_wait3A_408, %dma_wait3A_409] : memref<10112x16xf32, #tpu.memory_space<vmem_shared>> -> memref<10112x16xf32, #tpu.memory_space<vmem_shared>>
        tpu.wait_indirect_dma semaphore(%arg28 : memref<!tpu.dma_semaphore, #tpu.memory_space<semaphore_mem>>) src(%arg9 : memref<128x16xf32, #tpu.memory_space<vmem>>) dst(%dma_wait3A_410 : memref<10112x16xf32, #tpu.memory_space<vmem_shared>>)
        %add3A_411 = arith.constant 8 : i32
        %add3A_412 = arith.addi %add3A_256, %add3A_411 : i32
        %add3A_413 = arith.constant 1 : i32
        %add3A_414 = arith.addi %add3A_412, %add3A_413 : i32
        %dma_start3A_415 = arith.constant 0 : i32
        %dma_start3A_416 = tpu.memref_slice %arg6[%add3A_414, %dma_start3A_415] : memref<80x128xi32, #tpu.memory_space<vmem>> -> memref<1x128xi32, #tpu.memory_space<vmem>>
        %dma_start3A_417 = tpu.memref_squeeze %dma_start3A_416 : memref<1x128xi32, #tpu.memory_space<vmem>> -> memref<128xi32, #tpu.memory_space<vmem>>
        %dma_start3A_418 = arith.constant 0 : i32
        %dma_start3A_419 = arith.constant 0 : i32
        %dma_start3A_420 = tpu.memref_slice %arg18[%dma_start3A_418, %dma_start3A_419] : memref<10112x16xf32, #tpu.memory_space<vmem_shared>> -> memref<10112x16xf32, #tpu.memory_space<vmem_shared>>
        tpu.enqueue_indirect_dma source(%dma_start3A_420 : memref<10112x16xf32, #tpu.memory_space<vmem_shared>>) target(%arg9 : memref<128x16xf32, #tpu.memory_space<vmem>>) offsets(%dma_start3A_417 : memref<128xi32, #tpu.memory_space<vmem>>) semaphore(%arg20 : memref<!tpu.dma_semaphore, #tpu.memory_space<semaphore_mem>>)
        %add3A_421 = arith.constant 2 : i32
        %add3A_422 = arith.addi %add3A_256, %add3A_421 : i32
        %dma_wait3A_423 = arith.constant 0 : i32
        %dma_wait3A_424 = tpu.memref_slice %arg7[%add3A_422, %dma_wait3A_423] : memref<80x128xi32, #tpu.memory_space<vmem>> -> memref<1x128xi32, #tpu.memory_space<vmem>>
        %dma_wait3A_425 = tpu.memref_squeeze %dma_wait3A_424 : memref<1x128xi32, #tpu.memory_space<vmem>> -> memref<128xi32, #tpu.memory_space<vmem>>
        %dma_wait3A_426 = arith.constant 0 : i32
        %dma_wait3A_427 = arith.constant 0 : i32
        %dma_wait3A_428 = tpu.memref_slice %arg17[%dma_wait3A_426, %dma_wait3A_427] : memref<10112x16xf32, #tpu.memory_space<vmem_shared>> -> memref<10112x16xf32, #tpu.memory_space<vmem_shared>>
        tpu.wait_indirect_dma semaphore(%arg29 : memref<!tpu.dma_semaphore, #tpu.memory_space<semaphore_mem>>) src(%arg10 : memref<128x16xf32, #tpu.memory_space<vmem>>) dst(%dma_wait3A_428 : memref<10112x16xf32, #tpu.memory_space<vmem_shared>>)
        %add3A_429 = arith.constant 8 : i32
        %add3A_430 = arith.addi %add3A_256, %add3A_429 : i32
        %add3A_431 = arith.constant 2 : i32
        %add3A_432 = arith.addi %add3A_430, %add3A_431 : i32
        %dma_start3A_433 = arith.constant 0 : i32
        %dma_start3A_434 = tpu.memref_slice %arg6[%add3A_432, %dma_start3A_433] : memref<80x128xi32, #tpu.memory_space<vmem>> -> memref<1x128xi32, #tpu.memory_space<vmem>>
        %dma_start3A_435 = tpu.memref_squeeze %dma_start3A_434 : memref<1x128xi32, #tpu.memory_space<vmem>> -> memref<128xi32, #tpu.memory_space<vmem>>
        %dma_start3A_436 = arith.constant 0 : i32
        %dma_start3A_437 = arith.constant 0 : i32
        %dma_start3A_438 = tpu.memref_slice %arg18[%dma_start3A_436, %dma_start3A_437] : memref<10112x16xf32, #tpu.memory_space<vmem_shared>> -> memref<10112x16xf32, #tpu.memory_space<vmem_shared>>
        tpu.enqueue_indirect_dma source(%dma_start3A_438 : memref<10112x16xf32, #tpu.memory_space<vmem_shared>>) target(%arg10 : memref<128x16xf32, #tpu.memory_space<vmem>>) offsets(%dma_start3A_435 : memref<128xi32, #tpu.memory_space<vmem>>) semaphore(%arg21 : memref<!tpu.dma_semaphore, #tpu.memory_space<semaphore_mem>>)
        %add3A_439 = arith.constant 3 : i32
        %add3A_440 = arith.addi %add3A_256, %add3A_439 : i32
        %dma_wait3A_441 = arith.constant 0 : i32
        %dma_wait3A_442 = tpu.memref_slice %arg7[%add3A_440, %dma_wait3A_441] : memref<80x128xi32, #tpu.memory_space<vmem>> -> memref<1x128xi32, #tpu.memory_space<vmem>>
        %dma_wait3A_443 = tpu.memref_squeeze %dma_wait3A_442 : memref<1x128xi32, #tpu.memory_space<vmem>> -> memref<128xi32, #tpu.memory_space<vmem>>
        %dma_wait3A_444 = arith.constant 0 : i32
        %dma_wait3A_445 = arith.constant 0 : i32
        %dma_wait3A_446 = tpu.memref_slice %arg17[%dma_wait3A_444, %dma_wait3A_445] : memref<10112x16xf32, #tpu.memory_space<vmem_shared>> -> memref<10112x16xf32, #tpu.memory_space<vmem_shared>>
        tpu.wait_indirect_dma semaphore(%arg30 : memref<!tpu.dma_semaphore, #tpu.memory_space<semaphore_mem>>) src(%arg11 : memref<128x16xf32, #tpu.memory_space<vmem>>) dst(%dma_wait3A_446 : memref<10112x16xf32, #tpu.memory_space<vmem_shared>>)
        %add3A_447 = arith.constant 8 : i32
        %add3A_448 = arith.addi %add3A_256, %add3A_447 : i32
        %add3A_449 = arith.constant 3 : i32
        %add3A_450 = arith.addi %add3A_448, %add3A_449 : i32
        %dma_start3A_451 = arith.constant 0 : i32
        %dma_start3A_452 = tpu.memref_slice %arg6[%add3A_450, %dma_start3A_451] : memref<80x128xi32, #tpu.memory_space<vmem>> -> memref<1x128xi32, #tpu.memory_space<vmem>>
        %dma_start3A_453 = tpu.memref_squeeze %dma_start3A_452 : memref<1x128xi32, #tpu.memory_space<vmem>> -> memref<128xi32, #tpu.memory_space<vmem>>
        %dma_start3A_454 = arith.constant 0 : i32
        %dma_start3A_455 = arith.constant 0 : i32
        %dma_start3A_456 = tpu.memref_slice %arg18[%dma_start3A_454, %dma_start3A_455] : memref<10112x16xf32, #tpu.memory_space<vmem_shared>> -> memref<10112x16xf32, #tpu.memory_space<vmem_shared>>
        tpu.enqueue_indirect_dma source(%dma_start3A_456 : memref<10112x16xf32, #tpu.memory_space<vmem_shared>>) target(%arg11 : memref<128x16xf32, #tpu.memory_space<vmem>>) offsets(%dma_start3A_453 : memref<128xi32, #tpu.memory_space<vmem>>) semaphore(%arg22 : memref<!tpu.dma_semaphore, #tpu.memory_space<semaphore_mem>>)
        %add3A_457 = arith.constant 4 : i32
        %add3A_458 = arith.addi %add3A_256, %add3A_457 : i32
        %dma_wait3A_459 = arith.constant 0 : i32
        %dma_wait3A_460 = tpu.memref_slice %arg7[%add3A_458, %dma_wait3A_459] : memref<80x128xi32, #tpu.memory_space<vmem>> -> memref<1x128xi32, #tpu.memory_space<vmem>>
        %dma_wait3A_461 = tpu.memref_squeeze %dma_wait3A_460 : memref<1x128xi32, #tpu.memory_space<vmem>> -> memref<128xi32, #tpu.memory_space<vmem>>
        %dma_wait3A_462 = arith.constant 0 : i32
        %dma_wait3A_463 = arith.constant 0 : i32
        %dma_wait3A_464 = tpu.memref_slice %arg17[%dma_wait3A_462, %dma_wait3A_463] : memref<10112x16xf32, #tpu.memory_space<vmem_shared>> -> memref<10112x16xf32, #tpu.memory_space<vmem_shared>>
        tpu.wait_indirect_dma semaphore(%arg31 : memref<!tpu.dma_semaphore, #tpu.memory_space<semaphore_mem>>) src(%arg12 : memref<128x16xf32, #tpu.memory_space<vmem>>) dst(%dma_wait3A_464 : memref<10112x16xf32, #tpu.memory_space<vmem_shared>>)
        %add3A_465 = arith.constant 8 : i32
        %add3A_466 = arith.addi %add3A_256, %add3A_465 : i32
        %add3A_467 = arith.constant 4 : i32
        %add3A_468 = arith.addi %add3A_466, %add3A_467 : i32
        %dma_start3A_469 = arith.constant 0 : i32
        %dma_start3A_470 = tpu.memref_slice %arg6[%add3A_468, %dma_start3A_469] : memref<80x128xi32, #tpu.memory_space<vmem>> -> memref<1x128xi32, #tpu.memory_space<vmem>>
        %dma_start3A_471 = tpu.memref_squeeze %dma_start3A_470 : memref<1x128xi32, #tpu.memory_space<vmem>> -> memref<128xi32, #tpu.memory_space<vmem>>
        %dma_start3A_472 = arith.constant 0 : i32
        %dma_start3A_473 = arith.constant 0 : i32
        %dma_start3A_474 = tpu.memref_slice %arg18[%dma_start3A_472, %dma_start3A_473] : memref<10112x16xf32, #tpu.memory_space<vmem_shared>> -> memref<10112x16xf32, #tpu.memory_space<vmem_shared>>
        tpu.enqueue_indirect_dma source(%dma_start3A_474 : memref<10112x16xf32, #tpu.memory_space<vmem_shared>>) target(%arg12 : memref<128x16xf32, #tpu.memory_space<vmem>>) offsets(%dma_start3A_471 : memref<128xi32, #tpu.memory_space<vmem>>) semaphore(%arg23 : memref<!tpu.dma_semaphore, #tpu.memory_space<semaphore_mem>>)
        %add3A_475 = arith.constant 5 : i32
        %add3A_476 = arith.addi %add3A_256, %add3A_475 : i32
        %dma_wait3A_477 = arith.constant 0 : i32
        %dma_wait3A_478 = tpu.memref_slice %arg7[%add3A_476, %dma_wait3A_477] : memref<80x128xi32, #tpu.memory_space<vmem>> -> memref<1x128xi32, #tpu.memory_space<vmem>>
        %dma_wait3A_479 = tpu.memref_squeeze %dma_wait3A_478 : memref<1x128xi32, #tpu.memory_space<vmem>> -> memref<128xi32, #tpu.memory_space<vmem>>
        %dma_wait3A_480 = arith.constant 0 : i32
        %dma_wait3A_481 = arith.constant 0 : i32
        %dma_wait3A_482 = tpu.memref_slice %arg17[%dma_wait3A_480, %dma_wait3A_481] : memref<10112x16xf32, #tpu.memory_space<vmem_shared>> -> memref<10112x16xf32, #tpu.memory_space<vmem_shared>>
        tpu.wait_indirect_dma semaphore(%arg32 : memref<!tpu.dma_semaphore, #tpu.memory_space<semaphore_mem>>) src(%arg13 : memref<128x16xf32, #tpu.memory_space<vmem>>) dst(%dma_wait3A_482 : memref<10112x16xf32, #tpu.memory_space<vmem_shared>>)
        %add3A_483 = arith.constant 8 : i32
        %add3A_484 = arith.addi %add3A_256, %add3A_483 : i32
        %add3A_485 = arith.constant 5 : i32
        %add3A_486 = arith.addi %add3A_484, %add3A_485 : i32
        %dma_start3A_487 = arith.constant 0 : i32
        %dma_start3A_488 = tpu.memref_slice %arg6[%add3A_486, %dma_start3A_487] : memref<80x128xi32, #tpu.memory_space<vmem>> -> memref<1x128xi32, #tpu.memory_space<vmem>>
        %dma_start3A_489 = tpu.memref_squeeze %dma_start3A_488 : memref<1x128xi32, #tpu.memory_space<vmem>> -> memref<128xi32, #tpu.memory_space<vmem>>
        %dma_start3A_490 = arith.constant 0 : i32
        %dma_start3A_491 = arith.constant 0 : i32
        %dma_start3A_492 = tpu.memref_slice %arg18[%dma_start3A_490, %dma_start3A_491] : memref<10112x16xf32, #tpu.memory_space<vmem_shared>> -> memref<10112x16xf32, #tpu.memory_space<vmem_shared>>
        tpu.enqueue_indirect_dma source(%dma_start3A_492 : memref<10112x16xf32, #tpu.memory_space<vmem_shared>>) target(%arg13 : memref<128x16xf32, #tpu.memory_space<vmem>>) offsets(%dma_start3A_489 : memref<128xi32, #tpu.memory_space<vmem>>) semaphore(%arg24 : memref<!tpu.dma_semaphore, #tpu.memory_space<semaphore_mem>>)
        %add3A_493 = arith.constant 6 : i32
        %add3A_494 = arith.addi %add3A_256, %add3A_493 : i32
        %dma_wait3A_495 = arith.constant 0 : i32
        %dma_wait3A_496 = tpu.memref_slice %arg7[%add3A_494, %dma_wait3A_495] : memref<80x128xi32, #tpu.memory_space<vmem>> -> memref<1x128xi32, #tpu.memory_space<vmem>>
        %dma_wait3A_497 = tpu.memref_squeeze %dma_wait3A_496 : memref<1x128xi32, #tpu.memory_space<vmem>> -> memref<128xi32, #tpu.memory_space<vmem>>
        %dma_wait3A_498 = arith.constant 0 : i32
        %dma_wait3A_499 = arith.constant 0 : i32
        %dma_wait3A_500 = tpu.memref_slice %arg17[%dma_wait3A_498, %dma_wait3A_499] : memref<10112x16xf32, #tpu.memory_space<vmem_shared>> -> memref<10112x16xf32, #tpu.memory_space<vmem_shared>>
        tpu.wait_indirect_dma semaphore(%arg33 : memref<!tpu.dma_semaphore, #tpu.memory_space<semaphore_mem>>) src(%arg14 : memref<128x16xf32, #tpu.memory_space<vmem>>) dst(%dma_wait3A_500 : memref<10112x16xf32, #tpu.memory_space<vmem_shared>>)
        %add3A_501 = arith.constant 8 : i32
        %add3A_502 = arith.addi %add3A_256, %add3A_501 : i32
        %add3A_503 = arith.constant 6 : i32
        %add3A_504 = arith.addi %add3A_502, %add3A_503 : i32
        %dma_start3A_505 = arith.constant 0 : i32
        %dma_start3A_506 = tpu.memref_slice %arg6[%add3A_504, %dma_start3A_505] : memref<80x128xi32, #tpu.memory_space<vmem>> -> memref<1x128xi32, #tpu.memory_space<vmem>>
        %dma_start3A_507 = tpu.memref_squeeze %dma_start3A_506 : memref<1x128xi32, #tpu.memory_space<vmem>> -> memref<128xi32, #tpu.memory_space<vmem>>
        %dma_start3A_508 = arith.constant 0 : i32
        %dma_start3A_509 = arith.constant 0 : i32
        %dma_start3A_510 = tpu.memref_slice %arg18[%dma_start3A_508, %dma_start3A_509] : memref<10112x16xf32, #tpu.memory_space<vmem_shared>> -> memref<10112x16xf32, #tpu.memory_space<vmem_shared>>
        tpu.enqueue_indirect_dma source(%dma_start3A_510 : memref<10112x16xf32, #tpu.memory_space<vmem_shared>>) target(%arg14 : memref<128x16xf32, #tpu.memory_space<vmem>>) offsets(%dma_start3A_507 : memref<128xi32, #tpu.memory_space<vmem>>) semaphore(%arg25 : memref<!tpu.dma_semaphore, #tpu.memory_space<semaphore_mem>>)
        %add3A_511 = arith.constant 7 : i32
        %add3A_512 = arith.addi %add3A_256, %add3A_511 : i32
        %dma_wait3A_513 = arith.constant 0 : i32
        %dma_wait3A_514 = tpu.memref_slice %arg7[%add3A_512, %dma_wait3A_513] : memref<80x128xi32, #tpu.memory_space<vmem>> -> memref<1x128xi32, #tpu.memory_space<vmem>>
        %dma_wait3A_515 = tpu.memref_squeeze %dma_wait3A_514 : memref<1x128xi32, #tpu.memory_space<vmem>> -> memref<128xi32, #tpu.memory_space<vmem>>
        %dma_wait3A_516 = arith.constant 0 : i32
        %dma_wait3A_517 = arith.constant 0 : i32
        %dma_wait3A_518 = tpu.memref_slice %arg17[%dma_wait3A_516, %dma_wait3A_517] : memref<10112x16xf32, #tpu.memory_space<vmem_shared>> -> memref<10112x16xf32, #tpu.memory_space<vmem_shared>>
        tpu.wait_indirect_dma semaphore(%arg34 : memref<!tpu.dma_semaphore, #tpu.memory_space<semaphore_mem>>) src(%arg15 : memref<128x16xf32, #tpu.memory_space<vmem>>) dst(%dma_wait3A_518 : memref<10112x16xf32, #tpu.memory_space<vmem_shared>>)
        %add3A_519 = arith.constant 8 : i32
        %add3A_520 = arith.addi %add3A_256, %add3A_519 : i32
        %add3A_521 = arith.constant 7 : i32
        %add3A_522 = arith.addi %add3A_520, %add3A_521 : i32
        %dma_start3A_523 = arith.constant 0 : i32
        %dma_start3A_524 = tpu.memref_slice %arg6[%add3A_522, %dma_start3A_523] : memref<80x128xi32, #tpu.memory_space<vmem>> -> memref<1x128xi32, #tpu.memory_space<vmem>>
        %dma_start3A_525 = tpu.memref_squeeze %dma_start3A_524 : memref<1x128xi32, #tpu.memory_space<vmem>> -> memref<128xi32, #tpu.memory_space<vmem>>
        %dma_start3A_526 = arith.constant 0 : i32
        %dma_start3A_527 = arith.constant 0 : i32
        %dma_start3A_528 = tpu.memref_slice %arg18[%dma_start3A_526, %dma_start3A_527] : memref<10112x16xf32, #tpu.memory_space<vmem_shared>> -> memref<10112x16xf32, #tpu.memory_space<vmem_shared>>
        tpu.enqueue_indirect_dma source(%dma_start3A_528 : memref<10112x16xf32, #tpu.memory_space<vmem_shared>>) target(%arg15 : memref<128x16xf32, #tpu.memory_space<vmem>>) offsets(%dma_start3A_525 : memref<128xi32, #tpu.memory_space<vmem>>) semaphore(%arg26 : memref<!tpu.dma_semaphore, #tpu.memory_space<semaphore_mem>>)
      }
      %scan3A_84 = arith.constant 9 : i32
      %dma_wait3A = arith.constant 72 : i32
      %dma_wait3A_85 = arith.constant 0 : i32
      %dma_wait3A_86 = tpu.memref_slice %arg6[%dma_wait3A, %dma_wait3A_85] : memref<80x128xi32, #tpu.memory_space<vmem>> -> memref<1x128xi32, #tpu.memory_space<vmem>>
      %dma_wait3A_87 = tpu.memref_squeeze %dma_wait3A_86 : memref<1x128xi32, #tpu.memory_space<vmem>> -> memref<128xi32, #tpu.memory_space<vmem>>
      %dma_wait3A_88 = arith.constant 0 : i32
      %dma_wait3A_89 = arith.constant 0 : i32
      %dma_wait3A_90 = tpu.memref_slice %arg18[%dma_wait3A_88, %dma_wait3A_89] : memref<10112x16xf32, #tpu.memory_space<vmem_shared>> -> memref<10112x16xf32, #tpu.memory_space<vmem_shared>>
      tpu.wait_indirect_dma semaphore(%arg19 : memref<!tpu.dma_semaphore, #tpu.memory_space<semaphore_mem>>) src(%dma_wait3A_90 : memref<10112x16xf32, #tpu.memory_space<vmem_shared>>) dst(%arg8 : memref<128x16xf32, #tpu.memory_space<vmem>>)
      %dma_start3A_91 = arith.constant 72 : i32
      %dma_start3A_92 = arith.constant 0 : i32
      %dma_start3A_93 = tpu.memref_slice %arg7[%dma_start3A_91, %dma_start3A_92] : memref<80x128xi32, #tpu.memory_space<vmem>> -> memref<1x128xi32, #tpu.memory_space<vmem>>
      %dma_start3A_94 = tpu.memref_squeeze %dma_start3A_93 : memref<1x128xi32, #tpu.memory_space<vmem>> -> memref<128xi32, #tpu.memory_space<vmem>>
      %dma_start3A_95 = arith.constant 0 : i32
      %dma_start3A_96 = arith.constant 0 : i32
      %dma_start3A_97 = tpu.memref_slice %arg17[%dma_start3A_95, %dma_start3A_96] : memref<10112x16xf32, #tpu.memory_space<vmem_shared>> -> memref<10112x16xf32, #tpu.memory_space<vmem_shared>>
      tpu.enqueue_indirect_dma source(%arg8 : memref<128x16xf32, #tpu.memory_space<vmem>>) target(%dma_start3A_97 : memref<10112x16xf32, #tpu.memory_space<vmem_shared>>) offsets(%dma_start3A_94 : memref<128xi32, #tpu.memory_space<vmem>>) semaphore(%arg27 : memref<!tpu.dma_semaphore, #tpu.memory_space<semaphore_mem>>) {add = true}
      %dma_wait3A_98 = arith.constant 73 : i32
      %dma_wait3A_99 = arith.constant 0 : i32
      %dma_wait3A_100 = tpu.memref_slice %arg6[%dma_wait3A_98, %dma_wait3A_99] : memref<80x128xi32, #tpu.memory_space<vmem>> -> memref<1x128xi32, #tpu.memory_space<vmem>>
      %dma_wait3A_101 = tpu.memref_squeeze %dma_wait3A_100 : memref<1x128xi32, #tpu.memory_space<vmem>> -> memref<128xi32, #tpu.memory_space<vmem>>
      %dma_wait3A_102 = arith.constant 0 : i32
      %dma_wait3A_103 = arith.constant 0 : i32
      %dma_wait3A_104 = tpu.memref_slice %arg18[%dma_wait3A_102, %dma_wait3A_103] : memref<10112x16xf32, #tpu.memory_space<vmem_shared>> -> memref<10112x16xf32, #tpu.memory_space<vmem_shared>>
      tpu.wait_indirect_dma semaphore(%arg20 : memref<!tpu.dma_semaphore, #tpu.memory_space<semaphore_mem>>) src(%dma_wait3A_104 : memref<10112x16xf32, #tpu.memory_space<vmem_shared>>) dst(%arg9 : memref<128x16xf32, #tpu.memory_space<vmem>>)
      %dma_start3A_105 = arith.constant 73 : i32
      %dma_start3A_106 = arith.constant 0 : i32
      %dma_start3A_107 = tpu.memref_slice %arg7[%dma_start3A_105, %dma_start3A_106] : memref<80x128xi32, #tpu.memory_space<vmem>> -> memref<1x128xi32, #tpu.memory_space<vmem>>
      %dma_start3A_108 = tpu.memref_squeeze %dma_start3A_107 : memref<1x128xi32, #tpu.memory_space<vmem>> -> memref<128xi32, #tpu.memory_space<vmem>>
      %dma_start3A_109 = arith.constant 0 : i32
      %dma_start3A_110 = arith.constant 0 : i32
      %dma_start3A_111 = tpu.memref_slice %arg17[%dma_start3A_109, %dma_start3A_110] : memref<10112x16xf32, #tpu.memory_space<vmem_shared>> -> memref<10112x16xf32, #tpu.memory_space<vmem_shared>>
      tpu.enqueue_indirect_dma source(%arg9 : memref<128x16xf32, #tpu.memory_space<vmem>>) target(%dma_start3A_111 : memref<10112x16xf32, #tpu.memory_space<vmem_shared>>) offsets(%dma_start3A_108 : memref<128xi32, #tpu.memory_space<vmem>>) semaphore(%arg28 : memref<!tpu.dma_semaphore, #tpu.memory_space<semaphore_mem>>) {add = true}
      %dma_wait3A_112 = arith.constant 74 : i32
      %dma_wait3A_113 = arith.constant 0 : i32
      %dma_wait3A_114 = tpu.memref_slice %arg6[%dma_wait3A_112, %dma_wait3A_113] : memref<80x128xi32, #tpu.memory_space<vmem>> -> memref<1x128xi32, #tpu.memory_space<vmem>>
      %dma_wait3A_115 = tpu.memref_squeeze %dma_wait3A_114 : memref<1x128xi32, #tpu.memory_space<vmem>> -> memref<128xi32, #tpu.memory_space<vmem>>
      %dma_wait3A_116 = arith.constant 0 : i32
      %dma_wait3A_117 = arith.constant 0 : i32
      %dma_wait3A_118 = tpu.memref_slice %arg18[%dma_wait3A_116, %dma_wait3A_117] : memref<10112x16xf32, #tpu.memory_space<vmem_shared>> -> memref<10112x16xf32, #tpu.memory_space<vmem_shared>>
      tpu.wait_indirect_dma semaphore(%arg21 : memref<!tpu.dma_semaphore, #tpu.memory_space<semaphore_mem>>) src(%dma_wait3A_118 : memref<10112x16xf32, #tpu.memory_space<vmem_shared>>) dst(%arg10 : memref<128x16xf32, #tpu.memory_space<vmem>>)
      %dma_start3A_119 = arith.constant 74 : i32
      %dma_start3A_120 = arith.constant 0 : i32
      %dma_start3A_121 = tpu.memref_slice %arg7[%dma_start3A_119, %dma_start3A_120] : memref<80x128xi32, #tpu.memory_space<vmem>> -> memref<1x128xi32, #tpu.memory_space<vmem>>
      %dma_start3A_122 = tpu.memref_squeeze %dma_start3A_121 : memref<1x128xi32, #tpu.memory_space<vmem>> -> memref<128xi32, #tpu.memory_space<vmem>>
      %dma_start3A_123 = arith.constant 0 : i32
      %dma_start3A_124 = arith.constant 0 : i32
      %dma_start3A_125 = tpu.memref_slice %arg17[%dma_start3A_123, %dma_start3A_124] : memref<10112x16xf32, #tpu.memory_space<vmem_shared>> -> memref<10112x16xf32, #tpu.memory_space<vmem_shared>>
      tpu.enqueue_indirect_dma source(%arg10 : memref<128x16xf32, #tpu.memory_space<vmem>>) target(%dma_start3A_125 : memref<10112x16xf32, #tpu.memory_space<vmem_shared>>) offsets(%dma_start3A_122 : memref<128xi32, #tpu.memory_space<vmem>>) semaphore(%arg29 : memref<!tpu.dma_semaphore, #tpu.memory_space<semaphore_mem>>) {add = true}
      %dma_wait3A_126 = arith.constant 75 : i32
      %dma_wait3A_127 = arith.constant 0 : i32
      %dma_wait3A_128 = tpu.memref_slice %arg6[%dma_wait3A_126, %dma_wait3A_127] : memref<80x128xi32, #tpu.memory_space<vmem>> -> memref<1x128xi32, #tpu.memory_space<vmem>>
      %dma_wait3A_129 = tpu.memref_squeeze %dma_wait3A_128 : memref<1x128xi32, #tpu.memory_space<vmem>> -> memref<128xi32, #tpu.memory_space<vmem>>
      %dma_wait3A_130 = arith.constant 0 : i32
      %dma_wait3A_131 = arith.constant 0 : i32
      %dma_wait3A_132 = tpu.memref_slice %arg18[%dma_wait3A_130, %dma_wait3A_131] : memref<10112x16xf32, #tpu.memory_space<vmem_shared>> -> memref<10112x16xf32, #tpu.memory_space<vmem_shared>>
      tpu.wait_indirect_dma semaphore(%arg22 : memref<!tpu.dma_semaphore, #tpu.memory_space<semaphore_mem>>) src(%dma_wait3A_132 : memref<10112x16xf32, #tpu.memory_space<vmem_shared>>) dst(%arg11 : memref<128x16xf32, #tpu.memory_space<vmem>>)
      %dma_start3A_133 = arith.constant 75 : i32
      %dma_start3A_134 = arith.constant 0 : i32
      %dma_start3A_135 = tpu.memref_slice %arg7[%dma_start3A_133, %dma_start3A_134] : memref<80x128xi32, #tpu.memory_space<vmem>> -> memref<1x128xi32, #tpu.memory_space<vmem>>
      %dma_start3A_136 = tpu.memref_squeeze %dma_start3A_135 : memref<1x128xi32, #tpu.memory_space<vmem>> -> memref<128xi32, #tpu.memory_space<vmem>>
      %dma_start3A_137 = arith.constant 0 : i32
      %dma_start3A_138 = arith.constant 0 : i32
      %dma_start3A_139 = tpu.memref_slice %arg17[%dma_start3A_137, %dma_start3A_138] : memref<10112x16xf32, #tpu.memory_space<vmem_shared>> -> memref<10112x16xf32, #tpu.memory_space<vmem_shared>>
      tpu.enqueue_indirect_dma source(%arg11 : memref<128x16xf32, #tpu.memory_space<vmem>>) target(%dma_start3A_139 : memref<10112x16xf32, #tpu.memory_space<vmem_shared>>) offsets(%dma_start3A_136 : memref<128xi32, #tpu.memory_space<vmem>>) semaphore(%arg30 : memref<!tpu.dma_semaphore, #tpu.memory_space<semaphore_mem>>) {add = true}
      %dma_wait3A_140 = arith.constant 76 : i32
      %dma_wait3A_141 = arith.constant 0 : i32
      %dma_wait3A_142 = tpu.memref_slice %arg6[%dma_wait3A_140, %dma_wait3A_141] : memref<80x128xi32, #tpu.memory_space<vmem>> -> memref<1x128xi32, #tpu.memory_space<vmem>>
      %dma_wait3A_143 = tpu.memref_squeeze %dma_wait3A_142 : memref<1x128xi32, #tpu.memory_space<vmem>> -> memref<128xi32, #tpu.memory_space<vmem>>
      %dma_wait3A_144 = arith.constant 0 : i32
      %dma_wait3A_145 = arith.constant 0 : i32
      %dma_wait3A_146 = tpu.memref_slice %arg18[%dma_wait3A_144, %dma_wait3A_145] : memref<10112x16xf32, #tpu.memory_space<vmem_shared>> -> memref<10112x16xf32, #tpu.memory_space<vmem_shared>>
      tpu.wait_indirect_dma semaphore(%arg23 : memref<!tpu.dma_semaphore, #tpu.memory_space<semaphore_mem>>) src(%dma_wait3A_146 : memref<10112x16xf32, #tpu.memory_space<vmem_shared>>) dst(%arg12 : memref<128x16xf32, #tpu.memory_space<vmem>>)
      %dma_start3A_147 = arith.constant 76 : i32
      %dma_start3A_148 = arith.constant 0 : i32
      %dma_start3A_149 = tpu.memref_slice %arg7[%dma_start3A_147, %dma_start3A_148] : memref<80x128xi32, #tpu.memory_space<vmem>> -> memref<1x128xi32, #tpu.memory_space<vmem>>
      %dma_start3A_150 = tpu.memref_squeeze %dma_start3A_149 : memref<1x128xi32, #tpu.memory_space<vmem>> -> memref<128xi32, #tpu.memory_space<vmem>>
      %dma_start3A_151 = arith.constant 0 : i32
      %dma_start3A_152 = arith.constant 0 : i32
      %dma_start3A_153 = tpu.memref_slice %arg17[%dma_start3A_151, %dma_start3A_152] : memref<10112x16xf32, #tpu.memory_space<vmem_shared>> -> memref<10112x16xf32, #tpu.memory_space<vmem_shared>>
      tpu.enqueue_indirect_dma source(%arg12 : memref<128x16xf32, #tpu.memory_space<vmem>>) target(%dma_start3A_153 : memref<10112x16xf32, #tpu.memory_space<vmem_shared>>) offsets(%dma_start3A_150 : memref<128xi32, #tpu.memory_space<vmem>>) semaphore(%arg31 : memref<!tpu.dma_semaphore, #tpu.memory_space<semaphore_mem>>) {add = true}
      %dma_wait3A_154 = arith.constant 77 : i32
      %dma_wait3A_155 = arith.constant 0 : i32
      %dma_wait3A_156 = tpu.memref_slice %arg6[%dma_wait3A_154, %dma_wait3A_155] : memref<80x128xi32, #tpu.memory_space<vmem>> -> memref<1x128xi32, #tpu.memory_space<vmem>>
      %dma_wait3A_157 = tpu.memref_squeeze %dma_wait3A_156 : memref<1x128xi32, #tpu.memory_space<vmem>> -> memref<128xi32, #tpu.memory_space<vmem>>
      %dma_wait3A_158 = arith.constant 0 : i32
      %dma_wait3A_159 = arith.constant 0 : i32
      %dma_wait3A_160 = tpu.memref_slice %arg18[%dma_wait3A_158, %dma_wait3A_159] : memref<10112x16xf32, #tpu.memory_space<vmem_shared>> -> memref<10112x16xf32, #tpu.memory_space<vmem_shared>>
      tpu.wait_indirect_dma semaphore(%arg24 : memref<!tpu.dma_semaphore, #tpu.memory_space<semaphore_mem>>) src(%dma_wait3A_160 : memref<10112x16xf32, #tpu.memory_space<vmem_shared>>) dst(%arg13 : memref<128x16xf32, #tpu.memory_space<vmem>>)
      %dma_start3A_161 = arith.constant 77 : i32
      %dma_start3A_162 = arith.constant 0 : i32
      %dma_start3A_163 = tpu.memref_slice %arg7[%dma_start3A_161, %dma_start3A_162] : memref<80x128xi32, #tpu.memory_space<vmem>> -> memref<1x128xi32, #tpu.memory_space<vmem>>
      %dma_start3A_164 = tpu.memref_squeeze %dma_start3A_163 : memref<1x128xi32, #tpu.memory_space<vmem>> -> memref<128xi32, #tpu.memory_space<vmem>>
      %dma_start3A_165 = arith.constant 0 : i32
      %dma_start3A_166 = arith.constant 0 : i32
      %dma_start3A_167 = tpu.memref_slice %arg17[%dma_start3A_165, %dma_start3A_166] : memref<10112x16xf32, #tpu.memory_space<vmem_shared>> -> memref<10112x16xf32, #tpu.memory_space<vmem_shared>>
      tpu.enqueue_indirect_dma source(%arg13 : memref<128x16xf32, #tpu.memory_space<vmem>>) target(%dma_start3A_167 : memref<10112x16xf32, #tpu.memory_space<vmem_shared>>) offsets(%dma_start3A_164 : memref<128xi32, #tpu.memory_space<vmem>>) semaphore(%arg32 : memref<!tpu.dma_semaphore, #tpu.memory_space<semaphore_mem>>) {add = true}
      %dma_wait3A_168 = arith.constant 78 : i32
      %dma_wait3A_169 = arith.constant 0 : i32
      %dma_wait3A_170 = tpu.memref_slice %arg6[%dma_wait3A_168, %dma_wait3A_169] : memref<80x128xi32, #tpu.memory_space<vmem>> -> memref<1x128xi32, #tpu.memory_space<vmem>>
      %dma_wait3A_171 = tpu.memref_squeeze %dma_wait3A_170 : memref<1x128xi32, #tpu.memory_space<vmem>> -> memref<128xi32, #tpu.memory_space<vmem>>
      %dma_wait3A_172 = arith.constant 0 : i32
      %dma_wait3A_173 = arith.constant 0 : i32
      %dma_wait3A_174 = tpu.memref_slice %arg18[%dma_wait3A_172, %dma_wait3A_173] : memref<10112x16xf32, #tpu.memory_space<vmem_shared>> -> memref<10112x16xf32, #tpu.memory_space<vmem_shared>>
      tpu.wait_indirect_dma semaphore(%arg25 : memref<!tpu.dma_semaphore, #tpu.memory_space<semaphore_mem>>) src(%dma_wait3A_174 : memref<10112x16xf32, #tpu.memory_space<vmem_shared>>) dst(%arg14 : memref<128x16xf32, #tpu.memory_space<vmem>>)
      %dma_start3A_175 = arith.constant 78 : i32
      %dma_start3A_176 = arith.constant 0 : i32
      %dma_start3A_177 = tpu.memref_slice %arg7[%dma_start3A_175, %dma_start3A_176] : memref<80x128xi32, #tpu.memory_space<vmem>> -> memref<1x128xi32, #tpu.memory_space<vmem>>
      %dma_start3A_178 = tpu.memref_squeeze %dma_start3A_177 : memref<1x128xi32, #tpu.memory_space<vmem>> -> memref<128xi32, #tpu.memory_space<vmem>>
      %dma_start3A_179 = arith.constant 0 : i32
      %dma_start3A_180 = arith.constant 0 : i32
      %dma_start3A_181 = tpu.memref_slice %arg17[%dma_start3A_179, %dma_start3A_180] : memref<10112x16xf32, #tpu.memory_space<vmem_shared>> -> memref<10112x16xf32, #tpu.memory_space<vmem_shared>>
      tpu.enqueue_indirect_dma source(%arg14 : memref<128x16xf32, #tpu.memory_space<vmem>>) target(%dma_start3A_181 : memref<10112x16xf32, #tpu.memory_space<vmem_shared>>) offsets(%dma_start3A_178 : memref<128xi32, #tpu.memory_space<vmem>>) semaphore(%arg33 : memref<!tpu.dma_semaphore, #tpu.memory_space<semaphore_mem>>) {add = true}
      %dma_wait3A_182 = arith.constant 79 : i32
      %dma_wait3A_183 = arith.constant 0 : i32
      %dma_wait3A_184 = tpu.memref_slice %arg6[%dma_wait3A_182, %dma_wait3A_183] : memref<80x128xi32, #tpu.memory_space<vmem>> -> memref<1x128xi32, #tpu.memory_space<vmem>>
      %dma_wait3A_185 = tpu.memref_squeeze %dma_wait3A_184 : memref<1x128xi32, #tpu.memory_space<vmem>> -> memref<128xi32, #tpu.memory_space<vmem>>
      %dma_wait3A_186 = arith.constant 0 : i32
      %dma_wait3A_187 = arith.constant 0 : i32
      %dma_wait3A_188 = tpu.memref_slice %arg18[%dma_wait3A_186, %dma_wait3A_187] : memref<10112x16xf32, #tpu.memory_space<vmem_shared>> -> memref<10112x16xf32, #tpu.memory_space<vmem_shared>>
      tpu.wait_indirect_dma semaphore(%arg26 : memref<!tpu.dma_semaphore, #tpu.memory_space<semaphore_mem>>) src(%dma_wait3A_188 : memref<10112x16xf32, #tpu.memory_space<vmem_shared>>) dst(%arg15 : memref<128x16xf32, #tpu.memory_space<vmem>>)
      %dma_start3A_189 = arith.constant 79 : i32
      %dma_start3A_190 = arith.constant 0 : i32
      %dma_start3A_191 = tpu.memref_slice %arg7[%dma_start3A_189, %dma_start3A_190] : memref<80x128xi32, #tpu.memory_space<vmem>> -> memref<1x128xi32, #tpu.memory_space<vmem>>
      %dma_start3A_192 = tpu.memref_squeeze %dma_start3A_191 : memref<1x128xi32, #tpu.memory_space<vmem>> -> memref<128xi32, #tpu.memory_space<vmem>>
      %dma_start3A_193 = arith.constant 0 : i32
      %dma_start3A_194 = arith.constant 0 : i32
      %dma_start3A_195 = tpu.memref_slice %arg17[%dma_start3A_193, %dma_start3A_194] : memref<10112x16xf32, #tpu.memory_space<vmem_shared>> -> memref<10112x16xf32, #tpu.memory_space<vmem_shared>>
      tpu.enqueue_indirect_dma source(%arg15 : memref<128x16xf32, #tpu.memory_space<vmem>>) target(%dma_start3A_195 : memref<10112x16xf32, #tpu.memory_space<vmem_shared>>) offsets(%dma_start3A_192 : memref<128xi32, #tpu.memory_space<vmem>>) semaphore(%arg34 : memref<!tpu.dma_semaphore, #tpu.memory_space<semaphore_mem>>) {add = true}
      %dma_wait3A_196 = arith.constant 72 : i32
      %dma_wait3A_197 = arith.constant 0 : i32
      %dma_wait3A_198 = tpu.memref_slice %arg7[%dma_wait3A_196, %dma_wait3A_197] : memref<80x128xi32, #tpu.memory_space<vmem>> -> memref<1x128xi32, #tpu.memory_space<vmem>>
      %dma_wait3A_199 = tpu.memref_squeeze %dma_wait3A_198 : memref<1x128xi32, #tpu.memory_space<vmem>> -> memref<128xi32, #tpu.memory_space<vmem>>
      %dma_wait3A_200 = arith.constant 0 : i32
      %dma_wait3A_201 = arith.constant 0 : i32
      %dma_wait3A_202 = tpu.memref_slice %arg17[%dma_wait3A_200, %dma_wait3A_201] : memref<10112x16xf32, #tpu.memory_space<vmem_shared>> -> memref<10112x16xf32, #tpu.memory_space<vmem_shared>>
      tpu.wait_indirect_dma semaphore(%arg27 : memref<!tpu.dma_semaphore, #tpu.memory_space<semaphore_mem>>) src(%arg8 : memref<128x16xf32, #tpu.memory_space<vmem>>) dst(%dma_wait3A_202 : memref<10112x16xf32, #tpu.memory_space<vmem_shared>>)
      %dma_wait3A_203 = arith.constant 73 : i32
      %dma_wait3A_204 = arith.constant 0 : i32
      %dma_wait3A_205 = tpu.memref_slice %arg7[%dma_wait3A_203, %dma_wait3A_204] : memref<80x128xi32, #tpu.memory_space<vmem>> -> memref<1x128xi32, #tpu.memory_space<vmem>>
      %dma_wait3A_206 = tpu.memref_squeeze %dma_wait3A_205 : memref<1x128xi32, #tpu.memory_space<vmem>> -> memref<128xi32, #tpu.memory_space<vmem>>
      %dma_wait3A_207 = arith.constant 0 : i32
      %dma_wait3A_208 = arith.constant 0 : i32
      %dma_wait3A_209 = tpu.memref_slice %arg17[%dma_wait3A_207, %dma_wait3A_208] : memref<10112x16xf32, #tpu.memory_space<vmem_shared>> -> memref<10112x16xf32, #tpu.memory_space<vmem_shared>>
      tpu.wait_indirect_dma semaphore(%arg28 : memref<!tpu.dma_semaphore, #tpu.memory_space<semaphore_mem>>) src(%arg9 : memref<128x16xf32, #tpu.memory_space<vmem>>) dst(%dma_wait3A_209 : memref<10112x16xf32, #tpu.memory_space<vmem_shared>>)
      %dma_wait3A_210 = arith.constant 74 : i32
      %dma_wait3A_211 = arith.constant 0 : i32
      %dma_wait3A_212 = tpu.memref_slice %arg7[%dma_wait3A_210, %dma_wait3A_211] : memref<80x128xi32, #tpu.memory_space<vmem>> -> memref<1x128xi32, #tpu.memory_space<vmem>>
      %dma_wait3A_213 = tpu.memref_squeeze %dma_wait3A_212 : memref<1x128xi32, #tpu.memory_space<vmem>> -> memref<128xi32, #tpu.memory_space<vmem>>
      %dma_wait3A_214 = arith.constant 0 : i32
      %dma_wait3A_215 = arith.constant 0 : i32
      %dma_wait3A_216 = tpu.memref_slice %arg17[%dma_wait3A_214, %dma_wait3A_215] : memref<10112x16xf32, #tpu.memory_space<vmem_shared>> -> memref<10112x16xf32, #tpu.memory_space<vmem_shared>>
      tpu.wait_indirect_dma semaphore(%arg29 : memref<!tpu.dma_semaphore, #tpu.memory_space<semaphore_mem>>) src(%arg10 : memref<128x16xf32, #tpu.memory_space<vmem>>) dst(%dma_wait3A_216 : memref<10112x16xf32, #tpu.memory_space<vmem_shared>>)
      %dma_wait3A_217 = arith.constant 75 : i32
      %dma_wait3A_218 = arith.constant 0 : i32
      %dma_wait3A_219 = tpu.memref_slice %arg7[%dma_wait3A_217, %dma_wait3A_218] : memref<80x128xi32, #tpu.memory_space<vmem>> -> memref<1x128xi32, #tpu.memory_space<vmem>>
      %dma_wait3A_220 = tpu.memref_squeeze %dma_wait3A_219 : memref<1x128xi32, #tpu.memory_space<vmem>> -> memref<128xi32, #tpu.memory_space<vmem>>
      %dma_wait3A_221 = arith.constant 0 : i32
      %dma_wait3A_222 = arith.constant 0 : i32
      %dma_wait3A_223 = tpu.memref_slice %arg17[%dma_wait3A_221, %dma_wait3A_222] : memref<10112x16xf32, #tpu.memory_space<vmem_shared>> -> memref<10112x16xf32, #tpu.memory_space<vmem_shared>>
      tpu.wait_indirect_dma semaphore(%arg30 : memref<!tpu.dma_semaphore, #tpu.memory_space<semaphore_mem>>) src(%arg11 : memref<128x16xf32, #tpu.memory_space<vmem>>) dst(%dma_wait3A_223 : memref<10112x16xf32, #tpu.memory_space<vmem_shared>>)
      %dma_wait3A_224 = arith.constant 76 : i32
      %dma_wait3A_225 = arith.constant 0 : i32
      %dma_wait3A_226 = tpu.memref_slice %arg7[%dma_wait3A_224, %dma_wait3A_225] : memref<80x128xi32, #tpu.memory_space<vmem>> -> memref<1x128xi32, #tpu.memory_space<vmem>>
      %dma_wait3A_227 = tpu.memref_squeeze %dma_wait3A_226 : memref<1x128xi32, #tpu.memory_space<vmem>> -> memref<128xi32, #tpu.memory_space<vmem>>
      %dma_wait3A_228 = arith.constant 0 : i32
      %dma_wait3A_229 = arith.constant 0 : i32
      %dma_wait3A_230 = tpu.memref_slice %arg17[%dma_wait3A_228, %dma_wait3A_229] : memref<10112x16xf32, #tpu.memory_space<vmem_shared>> -> memref<10112x16xf32, #tpu.memory_space<vmem_shared>>
      tpu.wait_indirect_dma semaphore(%arg31 : memref<!tpu.dma_semaphore, #tpu.memory_space<semaphore_mem>>) src(%arg12 : memref<128x16xf32, #tpu.memory_space<vmem>>) dst(%dma_wait3A_230 : memref<10112x16xf32, #tpu.memory_space<vmem_shared>>)
      %dma_wait3A_231 = arith.constant 77 : i32
      %dma_wait3A_232 = arith.constant 0 : i32
      %dma_wait3A_233 = tpu.memref_slice %arg7[%dma_wait3A_231, %dma_wait3A_232] : memref<80x128xi32, #tpu.memory_space<vmem>> -> memref<1x128xi32, #tpu.memory_space<vmem>>
      %dma_wait3A_234 = tpu.memref_squeeze %dma_wait3A_233 : memref<1x128xi32, #tpu.memory_space<vmem>> -> memref<128xi32, #tpu.memory_space<vmem>>
      %dma_wait3A_235 = arith.constant 0 : i32
      %dma_wait3A_236 = arith.constant 0 : i32
      %dma_wait3A_237 = tpu.memref_slice %arg17[%dma_wait3A_235, %dma_wait3A_236] : memref<10112x16xf32, #tpu.memory_space<vmem_shared>> -> memref<10112x16xf32, #tpu.memory_space<vmem_shared>>
      tpu.wait_indirect_dma semaphore(%arg32 : memref<!tpu.dma_semaphore, #tpu.memory_space<semaphore_mem>>) src(%arg13 : memref<128x16xf32, #tpu.memory_space<vmem>>) dst(%dma_wait3A_237 : memref<10112x16xf32, #tpu.memory_space<vmem_shared>>)
      %dma_wait3A_238 = arith.constant 78 : i32
      %dma_wait3A_239 = arith.constant 0 : i32
      %dma_wait3A_240 = tpu.memref_slice %arg7[%dma_wait3A_238, %dma_wait3A_239] : memref<80x128xi32, #tpu.memory_space<vmem>> -> memref<1x128xi32, #tpu.memory_space<vmem>>
      %dma_wait3A_241 = tpu.memref_squeeze %dma_wait3A_240 : memref<1x128xi32, #tpu.memory_space<vmem>> -> memref<128xi32, #tpu.memory_space<vmem>>
      %dma_wait3A_242 = arith.constant 0 : i32
      %dma_wait3A_243 = arith.constant 0 : i32
      %dma_wait3A_244 = tpu.memref_slice %arg17[%dma_wait3A_242, %dma_wait3A_243] : memref<10112x16xf32, #tpu.memory_space<vmem_shared>> -> memref<10112x16xf32, #tpu.memory_space<vmem_shared>>
      tpu.wait_indirect_dma semaphore(%arg33 : memref<!tpu.dma_semaphore, #tpu.memory_space<semaphore_mem>>) src(%arg14 : memref<128x16xf32, #tpu.memory_space<vmem>>) dst(%dma_wait3A_244 : memref<10112x16xf32, #tpu.memory_space<vmem_shared>>)
      %dma_wait3A_245 = arith.constant 79 : i32
      %dma_wait3A_246 = arith.constant 0 : i32
      %dma_wait3A_247 = tpu.memref_slice %arg7[%dma_wait3A_245, %dma_wait3A_246] : memref<80x128xi32, #tpu.memory_space<vmem>> -> memref<1x128xi32, #tpu.memory_space<vmem>>
      %dma_wait3A_248 = tpu.memref_squeeze %dma_wait3A_247 : memref<1x128xi32, #tpu.memory_space<vmem>> -> memref<128xi32, #tpu.memory_space<vmem>>
      %dma_wait3A_249 = arith.constant 0 : i32
      %dma_wait3A_250 = arith.constant 0 : i32
      %dma_wait3A_251 = tpu.memref_slice %arg17[%dma_wait3A_249, %dma_wait3A_250] : memref<10112x16xf32, #tpu.memory_space<vmem_shared>> -> memref<10112x16xf32, #tpu.memory_space<vmem_shared>>
      tpu.wait_indirect_dma semaphore(%arg34 : memref<!tpu.dma_semaphore, #tpu.memory_space<semaphore_mem>>) src(%arg15 : memref<128x16xf32, #tpu.memory_space<vmem>>) dst(%dma_wait3A_251 : memref<10112x16xf32, #tpu.memory_space<vmem_shared>>)
    } else {
    }
    %eq3A_11 = arith.constant 1 : i32
    %eq3A_12 = arith.cmpi eq, %arg0, %eq3A_11 : i32
    %convert_element_type3A_13 = arith.extui %eq3A_12 : i1 to i32
    %cond3A_14 = arith.constant 0 : i32
    %cond3A_15 = arith.cmpi ne, %convert_element_type3A_13, %cond3A_14 : i32
    scf.if %cond3A_15 {
      %mul3A_23 = arith.constant 80 : i32
      %mul3A_24 = arith.muli %arg1, %mul3A_23 : i32
      %add3A_25 = arith.constant 1280 : i32
      %add3A_26 = arith.addi %add3A_25, %mul3A_24 : i32
      "tpu.region"() ({
        %run_scoped3A = tpu.sem_alloc : memref<!tpu.dma_semaphore, #tpu.memory_space<semaphore_mem>>
        %dma_start3A_254 = arith.constant 0 : i32
        %dma_start3A_255 = arith.constant 0 : i32
        %dma_start3A_256 = tpu.memref_slice %arg6[%dma_start3A_254, %dma_start3A_255] : memref<80x128xi32, #tpu.memory_space<vmem>> -> memref<80x128xi32, #tpu.memory_space<vmem>>
        %dma_start3A_257 = arith.constant 0 : i32
        %dma_start3A_258 = tpu.memref_slice %arg2[%add3A_26, %dma_start3A_257] : memref<2560x128xi32, #tpu.memory_space<hbm>> -> memref<80x128xi32, #tpu.memory_space<hbm>>
        %dma_start3A_259 = arith.constant 0 : i32
        %dma_start3A_260 = arith.constant 0 : i32
        %dma_start3A_261 = tpu.memref_slice %arg6[%dma_start3A_259, %dma_start3A_260] : memref<80x128xi32, #tpu.memory_space<vmem>> -> memref<80x128xi32, #tpu.memory_space<vmem>>
        %dma_start3A_262 = arith.constant 0 : i32
        %dma_start3A_263 = tpu.memref_slice %arg2[%add3A_26, %dma_start3A_262] : memref<2560x128xi32, #tpu.memory_space<hbm>> -> memref<80x128xi32, #tpu.memory_space<hbm>>
        tpu.enqueue_dma source(%dma_start3A_263 : memref<80x128xi32, #tpu.memory_space<hbm>>) target(%dma_start3A_261 : memref<80x128xi32, #tpu.memory_space<vmem>>) target_semaphore(%run_scoped3A : memref<!tpu.dma_semaphore, #tpu.memory_space<semaphore_mem>>)
        %dma_wait3A_264 = arith.constant 0 : i32
        %dma_wait3A_265 = arith.constant 0 : i32
        %dma_wait3A_266 = tpu.memref_slice %arg6[%dma_wait3A_264, %dma_wait3A_265] : memref<80x128xi32, #tpu.memory_space<vmem>> -> memref<80x128xi32, #tpu.memory_space<vmem>>
        %dma_wait3A_267 = arith.constant 0 : i32
        %dma_wait3A_268 = tpu.memref_slice %arg2[%add3A_26, %dma_wait3A_267] : memref<2560x128xi32, #tpu.memory_space<hbm>> -> memref<80x128xi32, #tpu.memory_space<hbm>>
        %dma_wait3A_269 = arith.constant 0 : i32
        %dma_wait3A_270 = arith.constant 0 : i32
        %dma_wait3A_271 = tpu.memref_slice %arg6[%dma_wait3A_269, %dma_wait3A_270] : memref<80x128xi32, #tpu.memory_space<vmem>> -> memref<80x128xi32, #tpu.memory_space<vmem>>
        %dma_wait3A_272 = arith.constant 0 : i32
        %dma_wait3A_273 = tpu.memref_slice %arg2[%add3A_26, %dma_wait3A_272] : memref<2560x128xi32, #tpu.memory_space<hbm>> -> memref<80x128xi32, #tpu.memory_space<hbm>>
        tpu.wait_dma2 semaphore(%run_scoped3A : memref<!tpu.dma_semaphore, #tpu.memory_space<semaphore_mem>>) src(%dma_wait3A_273 : memref<80x128xi32, #tpu.memory_space<hbm>>) dst(%dma_wait3A_271 : memref<80x128xi32, #tpu.memory_space<vmem>>)
        tpu.yield
      }) : () -> ()
      "tpu.region"() ({
        %run_scoped3A = tpu.sem_alloc : memref<!tpu.dma_semaphore, #tpu.memory_space<semaphore_mem>>
        %dma_start3A_254 = arith.constant 0 : i32
        %dma_start3A_255 = arith.constant 0 : i32
        %dma_start3A_256 = tpu.memref_slice %arg7[%dma_start3A_254, %dma_start3A_255] : memref<80x128xi32, #tpu.memory_space<vmem>> -> memref<80x128xi32, #tpu.memory_space<vmem>>
        %dma_start3A_257 = arith.constant 0 : i32
        %dma_start3A_258 = tpu.memref_slice %arg3[%add3A_26, %dma_start3A_257] : memref<2560x128xi32, #tpu.memory_space<hbm>> -> memref<80x128xi32, #tpu.memory_space<hbm>>
        %dma_start3A_259 = arith.constant 0 : i32
        %dma_start3A_260 = arith.constant 0 : i32
        %dma_start3A_261 = tpu.memref_slice %arg7[%dma_start3A_259, %dma_start3A_260] : memref<80x128xi32, #tpu.memory_space<vmem>> -> memref<80x128xi32, #tpu.memory_space<vmem>>
        %dma_start3A_262 = arith.constant 0 : i32
        %dma_start3A_263 = tpu.memref_slice %arg3[%add3A_26, %dma_start3A_262] : memref<2560x128xi32, #tpu.memory_space<hbm>> -> memref<80x128xi32, #tpu.memory_space<hbm>>
        tpu.enqueue_dma source(%dma_start3A_263 : memref<80x128xi32, #tpu.memory_space<hbm>>) target(%dma_start3A_261 : memref<80x128xi32, #tpu.memory_space<vmem>>) target_semaphore(%run_scoped3A : memref<!tpu.dma_semaphore, #tpu.memory_space<semaphore_mem>>)
        %dma_wait3A_264 = arith.constant 0 : i32
        %dma_wait3A_265 = arith.constant 0 : i32
        %dma_wait3A_266 = tpu.memref_slice %arg7[%dma_wait3A_264, %dma_wait3A_265] : memref<80x128xi32, #tpu.memory_space<vmem>> -> memref<80x128xi32, #tpu.memory_space<vmem>>
        %dma_wait3A_267 = arith.constant 0 : i32
        %dma_wait3A_268 = tpu.memref_slice %arg3[%add3A_26, %dma_wait3A_267] : memref<2560x128xi32, #tpu.memory_space<hbm>> -> memref<80x128xi32, #tpu.memory_space<hbm>>
        %dma_wait3A_269 = arith.constant 0 : i32
        %dma_wait3A_270 = arith.constant 0 : i32
        %dma_wait3A_271 = tpu.memref_slice %arg7[%dma_wait3A_269, %dma_wait3A_270] : memref<80x128xi32, #tpu.memory_space<vmem>> -> memref<80x128xi32, #tpu.memory_space<vmem>>
        %dma_wait3A_272 = arith.constant 0 : i32
        %dma_wait3A_273 = tpu.memref_slice %arg3[%add3A_26, %dma_wait3A_272] : memref<2560x128xi32, #tpu.memory_space<hbm>> -> memref<80x128xi32, #tpu.memory_space<hbm>>
        tpu.wait_dma2 semaphore(%run_scoped3A : memref<!tpu.dma_semaphore, #tpu.memory_space<semaphore_mem>>) src(%dma_wait3A_273 : memref<80x128xi32, #tpu.memory_space<hbm>>) dst(%dma_wait3A_271 : memref<80x128xi32, #tpu.memory_space<vmem>>)
        tpu.yield
      }) : () -> ()
      %dma_start3A = arith.constant 0 : i32
      %dma_start3A_27 = arith.constant 0 : i32
      %dma_start3A_28 = tpu.memref_slice %arg6[%dma_start3A, %dma_start3A_27] : memref<80x128xi32, #tpu.memory_space<vmem>> -> memref<1x128xi32, #tpu.memory_space<vmem>>
      %dma_start3A_29 = tpu.memref_squeeze %dma_start3A_28 : memref<1x128xi32, #tpu.memory_space<vmem>> -> memref<128xi32, #tpu.memory_space<vmem>>
      %dma_start3A_30 = arith.constant 0 : i32
      %dma_start3A_31 = arith.constant 0 : i32
      %dma_start3A_32 = tpu.memref_slice %arg18[%dma_start3A_30, %dma_start3A_31] : memref<10112x16xf32, #tpu.memory_space<vmem_shared>> -> memref<10112x16xf32, #tpu.memory_space<vmem_shared>>
      tpu.enqueue_indirect_dma source(%dma_start3A_32 : memref<10112x16xf32, #tpu.memory_space<vmem_shared>>) target(%arg8 : memref<128x16xf32, #tpu.memory_space<vmem>>) offsets(%dma_start3A_29 : memref<128xi32, #tpu.memory_space<vmem>>) semaphore(%arg19 : memref<!tpu.dma_semaphore, #tpu.memory_space<semaphore_mem>>)
      %dma_start3A_33 = arith.constant 1 : i32
      %dma_start3A_34 = arith.constant 0 : i32
      %dma_start3A_35 = tpu.memref_slice %arg6[%dma_start3A_33, %dma_start3A_34] : memref<80x128xi32, #tpu.memory_space<vmem>> -> memref<1x128xi32, #tpu.memory_space<vmem>>
      %dma_start3A_36 = tpu.memref_squeeze %dma_start3A_35 : memref<1x128xi32, #tpu.memory_space<vmem>> -> memref<128xi32, #tpu.memory_space<vmem>>
      %dma_start3A_37 = arith.constant 0 : i32
      %dma_start3A_38 = arith.constant 0 : i32
      %dma_start3A_39 = tpu.memref_slice %arg18[%dma_start3A_37, %dma_start3A_38] : memref<10112x16xf32, #tpu.memory_space<vmem_shared>> -> memref<10112x16xf32, #tpu.memory_space<vmem_shared>>
      tpu.enqueue_indirect_dma source(%dma_start3A_39 : memref<10112x16xf32, #tpu.memory_space<vmem_shared>>) target(%arg9 : memref<128x16xf32, #tpu.memory_space<vmem>>) offsets(%dma_start3A_36 : memref<128xi32, #tpu.memory_space<vmem>>) semaphore(%arg20 : memref<!tpu.dma_semaphore, #tpu.memory_space<semaphore_mem>>)
      %dma_start3A_40 = arith.constant 2 : i32
      %dma_start3A_41 = arith.constant 0 : i32
      %dma_start3A_42 = tpu.memref_slice %arg6[%dma_start3A_40, %dma_start3A_41] : memref<80x128xi32, #tpu.memory_space<vmem>> -> memref<1x128xi32, #tpu.memory_space<vmem>>
      %dma_start3A_43 = tpu.memref_squeeze %dma_start3A_42 : memref<1x128xi32, #tpu.memory_space<vmem>> -> memref<128xi32, #tpu.memory_space<vmem>>
      %dma_start3A_44 = arith.constant 0 : i32
      %dma_start3A_45 = arith.constant 0 : i32
      %dma_start3A_46 = tpu.memref_slice %arg18[%dma_start3A_44, %dma_start3A_45] : memref<10112x16xf32, #tpu.memory_space<vmem_shared>> -> memref<10112x16xf32, #tpu.memory_space<vmem_shared>>
      tpu.enqueue_indirect_dma source(%dma_start3A_46 : memref<10112x16xf32, #tpu.memory_space<vmem_shared>>) target(%arg10 : memref<128x16xf32, #tpu.memory_space<vmem>>) offsets(%dma_start3A_43 : memref<128xi32, #tpu.memory_space<vmem>>) semaphore(%arg21 : memref<!tpu.dma_semaphore, #tpu.memory_space<semaphore_mem>>)
      %dma_start3A_47 = arith.constant 3 : i32
      %dma_start3A_48 = arith.constant 0 : i32
      %dma_start3A_49 = tpu.memref_slice %arg6[%dma_start3A_47, %dma_start3A_48] : memref<80x128xi32, #tpu.memory_space<vmem>> -> memref<1x128xi32, #tpu.memory_space<vmem>>
      %dma_start3A_50 = tpu.memref_squeeze %dma_start3A_49 : memref<1x128xi32, #tpu.memory_space<vmem>> -> memref<128xi32, #tpu.memory_space<vmem>>
      %dma_start3A_51 = arith.constant 0 : i32
      %dma_start3A_52 = arith.constant 0 : i32
      %dma_start3A_53 = tpu.memref_slice %arg18[%dma_start3A_51, %dma_start3A_52] : memref<10112x16xf32, #tpu.memory_space<vmem_shared>> -> memref<10112x16xf32, #tpu.memory_space<vmem_shared>>
      tpu.enqueue_indirect_dma source(%dma_start3A_53 : memref<10112x16xf32, #tpu.memory_space<vmem_shared>>) target(%arg11 : memref<128x16xf32, #tpu.memory_space<vmem>>) offsets(%dma_start3A_50 : memref<128xi32, #tpu.memory_space<vmem>>) semaphore(%arg22 : memref<!tpu.dma_semaphore, #tpu.memory_space<semaphore_mem>>)
      %dma_start3A_54 = arith.constant 4 : i32
      %dma_start3A_55 = arith.constant 0 : i32
      %dma_start3A_56 = tpu.memref_slice %arg6[%dma_start3A_54, %dma_start3A_55] : memref<80x128xi32, #tpu.memory_space<vmem>> -> memref<1x128xi32, #tpu.memory_space<vmem>>
      %dma_start3A_57 = tpu.memref_squeeze %dma_start3A_56 : memref<1x128xi32, #tpu.memory_space<vmem>> -> memref<128xi32, #tpu.memory_space<vmem>>
      %dma_start3A_58 = arith.constant 0 : i32
      %dma_start3A_59 = arith.constant 0 : i32
      %dma_start3A_60 = tpu.memref_slice %arg18[%dma_start3A_58, %dma_start3A_59] : memref<10112x16xf32, #tpu.memory_space<vmem_shared>> -> memref<10112x16xf32, #tpu.memory_space<vmem_shared>>
      tpu.enqueue_indirect_dma source(%dma_start3A_60 : memref<10112x16xf32, #tpu.memory_space<vmem_shared>>) target(%arg12 : memref<128x16xf32, #tpu.memory_space<vmem>>) offsets(%dma_start3A_57 : memref<128xi32, #tpu.memory_space<vmem>>) semaphore(%arg23 : memref<!tpu.dma_semaphore, #tpu.memory_space<semaphore_mem>>)
      %dma_start3A_61 = arith.constant 5 : i32
      %dma_start3A_62 = arith.constant 0 : i32
      %dma_start3A_63 = tpu.memref_slice %arg6[%dma_start3A_61, %dma_start3A_62] : memref<80x128xi32, #tpu.memory_space<vmem>> -> memref<1x128xi32, #tpu.memory_space<vmem>>
      %dma_start3A_64 = tpu.memref_squeeze %dma_start3A_63 : memref<1x128xi32, #tpu.memory_space<vmem>> -> memref<128xi32, #tpu.memory_space<vmem>>
      %dma_start3A_65 = arith.constant 0 : i32
      %dma_start3A_66 = arith.constant 0 : i32
      %dma_start3A_67 = tpu.memref_slice %arg18[%dma_start3A_65, %dma_start3A_66] : memref<10112x16xf32, #tpu.memory_space<vmem_shared>> -> memref<10112x16xf32, #tpu.memory_space<vmem_shared>>
      tpu.enqueue_indirect_dma source(%dma_start3A_67 : memref<10112x16xf32, #tpu.memory_space<vmem_shared>>) target(%arg13 : memref<128x16xf32, #tpu.memory_space<vmem>>) offsets(%dma_start3A_64 : memref<128xi32, #tpu.memory_space<vmem>>) semaphore(%arg24 : memref<!tpu.dma_semaphore, #tpu.memory_space<semaphore_mem>>)
      %dma_start3A_68 = arith.constant 6 : i32
      %dma_start3A_69 = arith.constant 0 : i32
      %dma_start3A_70 = tpu.memref_slice %arg6[%dma_start3A_68, %dma_start3A_69] : memref<80x128xi32, #tpu.memory_space<vmem>> -> memref<1x128xi32, #tpu.memory_space<vmem>>
      %dma_start3A_71 = tpu.memref_squeeze %dma_start3A_70 : memref<1x128xi32, #tpu.memory_space<vmem>> -> memref<128xi32, #tpu.memory_space<vmem>>
      %dma_start3A_72 = arith.constant 0 : i32
      %dma_start3A_73 = arith.constant 0 : i32
      %dma_start3A_74 = tpu.memref_slice %arg18[%dma_start3A_72, %dma_start3A_73] : memref<10112x16xf32, #tpu.memory_space<vmem_shared>> -> memref<10112x16xf32, #tpu.memory_space<vmem_shared>>
      tpu.enqueue_indirect_dma source(%dma_start3A_74 : memref<10112x16xf32, #tpu.memory_space<vmem_shared>>) target(%arg14 : memref<128x16xf32, #tpu.memory_space<vmem>>) offsets(%dma_start3A_71 : memref<128xi32, #tpu.memory_space<vmem>>) semaphore(%arg25 : memref<!tpu.dma_semaphore, #tpu.memory_space<semaphore_mem>>)
      %dma_start3A_75 = arith.constant 7 : i32
      %dma_start3A_76 = arith.constant 0 : i32
      %dma_start3A_77 = tpu.memref_slice %arg6[%dma_start3A_75, %dma_start3A_76] : memref<80x128xi32, #tpu.memory_space<vmem>> -> memref<1x128xi32, #tpu.memory_space<vmem>>
      %dma_start3A_78 = tpu.memref_squeeze %dma_start3A_77 : memref<1x128xi32, #tpu.memory_space<vmem>> -> memref<128xi32, #tpu.memory_space<vmem>>
      %dma_start3A_79 = arith.constant 0 : i32
      %dma_start3A_80 = arith.constant 0 : i32
      %dma_start3A_81 = tpu.memref_slice %arg18[%dma_start3A_79, %dma_start3A_80] : memref<10112x16xf32, #tpu.memory_space<vmem_shared>> -> memref<10112x16xf32, #tpu.memory_space<vmem_shared>>
      tpu.enqueue_indirect_dma source(%dma_start3A_81 : memref<10112x16xf32, #tpu.memory_space<vmem_shared>>) target(%arg15 : memref<128x16xf32, #tpu.memory_space<vmem>>) offsets(%dma_start3A_78 : memref<128xi32, #tpu.memory_space<vmem>>) semaphore(%arg26 : memref<!tpu.dma_semaphore, #tpu.memory_space<semaphore_mem>>)
      %scan3A_82 = arith.constant 0 : i32
      %scan3A_83 = arith.constant 9 : i32
      %scan3A_84 = arith.addi %scan3A_82, %scan3A_83 : i32
      %scan3A_85 = arith.constant 1 : i32
      scf.for %scan3A_254 = %scan3A_82 to %scan3A_84 step %scan3A_85  : i32 {
        %mul3A_255 = arith.constant 8 : i32
        %mul3A_256 = arith.muli %scan3A_254, %mul3A_255 : i32
        %add3A_257 = arith.constant 0 : i32
        %add3A_258 = arith.addi %add3A_257, %mul3A_256 : i32
        %add3A_259 = arith.constant 0 : i32
        %add3A_260 = arith.addi %add3A_258, %add3A_259 : i32
        %dma_wait3A_261 = arith.constant 0 : i32
        %dma_wait3A_262 = tpu.memref_slice %arg6[%add3A_260, %dma_wait3A_261] : memref<80x128xi32, #tpu.memory_space<vmem>> -> memref<1x128xi32, #tpu.memory_space<vmem>>
        %dma_wait3A_263 = tpu.memref_squeeze %dma_wait3A_262 : memref<1x128xi32, #tpu.memory_space<vmem>> -> memref<128xi32, #tpu.memory_space<vmem>>
        %dma_wait3A_264 = arith.constant 0 : i32
        %dma_wait3A_265 = arith.constant 0 : i32
        %dma_wait3A_266 = tpu.memref_slice %arg18[%dma_wait3A_264, %dma_wait3A_265] : memref<10112x16xf32, #tpu.memory_space<vmem_shared>> -> memref<10112x16xf32, #tpu.memory_space<vmem_shared>>
        tpu.wait_indirect_dma semaphore(%arg19 : memref<!tpu.dma_semaphore, #tpu.memory_space<semaphore_mem>>) src(%dma_wait3A_266 : memref<10112x16xf32, #tpu.memory_space<vmem_shared>>) dst(%arg8 : memref<128x16xf32, #tpu.memory_space<vmem>>)
        %add3A_267 = arith.constant 0 : i32
        %add3A_268 = arith.addi %add3A_258, %add3A_267 : i32
        %dma_start3A_269 = arith.constant 0 : i32
        %dma_start3A_270 = tpu.memref_slice %arg7[%add3A_268, %dma_start3A_269] : memref<80x128xi32, #tpu.memory_space<vmem>> -> memref<1x128xi32, #tpu.memory_space<vmem>>
        %dma_start3A_271 = tpu.memref_squeeze %dma_start3A_270 : memref<1x128xi32, #tpu.memory_space<vmem>> -> memref<128xi32, #tpu.memory_space<vmem>>
        %dma_start3A_272 = arith.constant 0 : i32
        %dma_start3A_273 = arith.constant 0 : i32
        %dma_start3A_274 = tpu.memref_slice %arg17[%dma_start3A_272, %dma_start3A_273] : memref<10112x16xf32, #tpu.memory_space<vmem_shared>> -> memref<10112x16xf32, #tpu.memory_space<vmem_shared>>
        tpu.enqueue_indirect_dma source(%arg8 : memref<128x16xf32, #tpu.memory_space<vmem>>) target(%dma_start3A_274 : memref<10112x16xf32, #tpu.memory_space<vmem_shared>>) offsets(%dma_start3A_271 : memref<128xi32, #tpu.memory_space<vmem>>) semaphore(%arg27 : memref<!tpu.dma_semaphore, #tpu.memory_space<semaphore_mem>>) {add = true}
        %add3A_275 = arith.constant 1 : i32
        %add3A_276 = arith.addi %add3A_258, %add3A_275 : i32
        %dma_wait3A_277 = arith.constant 0 : i32
        %dma_wait3A_278 = tpu.memref_slice %arg6[%add3A_276, %dma_wait3A_277] : memref<80x128xi32, #tpu.memory_space<vmem>> -> memref<1x128xi32, #tpu.memory_space<vmem>>
        %dma_wait3A_279 = tpu.memref_squeeze %dma_wait3A_278 : memref<1x128xi32, #tpu.memory_space<vmem>> -> memref<128xi32, #tpu.memory_space<vmem>>
        %dma_wait3A_280 = arith.constant 0 : i32
        %dma_wait3A_281 = arith.constant 0 : i32
        %dma_wait3A_282 = tpu.memref_slice %arg18[%dma_wait3A_280, %dma_wait3A_281] : memref<10112x16xf32, #tpu.memory_space<vmem_shared>> -> memref<10112x16xf32, #tpu.memory_space<vmem_shared>>
        tpu.wait_indirect_dma semaphore(%arg20 : memref<!tpu.dma_semaphore, #tpu.memory_space<semaphore_mem>>) src(%dma_wait3A_282 : memref<10112x16xf32, #tpu.memory_space<vmem_shared>>) dst(%arg9 : memref<128x16xf32, #tpu.memory_space<vmem>>)
        %add3A_283 = arith.constant 1 : i32
        %add3A_284 = arith.addi %add3A_258, %add3A_283 : i32
        %dma_start3A_285 = arith.constant 0 : i32
        %dma_start3A_286 = tpu.memref_slice %arg7[%add3A_284, %dma_start3A_285] : memref<80x128xi32, #tpu.memory_space<vmem>> -> memref<1x128xi32, #tpu.memory_space<vmem>>
        %dma_start3A_287 = tpu.memref_squeeze %dma_start3A_286 : memref<1x128xi32, #tpu.memory_space<vmem>> -> memref<128xi32, #tpu.memory_space<vmem>>
        %dma_start3A_288 = arith.constant 0 : i32
        %dma_start3A_289 = arith.constant 0 : i32
        %dma_start3A_290 = tpu.memref_slice %arg17[%dma_start3A_288, %dma_start3A_289] : memref<10112x16xf32, #tpu.memory_space<vmem_shared>> -> memref<10112x16xf32, #tpu.memory_space<vmem_shared>>
        tpu.enqueue_indirect_dma source(%arg9 : memref<128x16xf32, #tpu.memory_space<vmem>>) target(%dma_start3A_290 : memref<10112x16xf32, #tpu.memory_space<vmem_shared>>) offsets(%dma_start3A_287 : memref<128xi32, #tpu.memory_space<vmem>>) semaphore(%arg28 : memref<!tpu.dma_semaphore, #tpu.memory_space<semaphore_mem>>) {add = true}
        %add3A_291 = arith.constant 2 : i32
        %add3A_292 = arith.addi %add3A_258, %add3A_291 : i32
        %dma_wait3A_293 = arith.constant 0 : i32
        %dma_wait3A_294 = tpu.memref_slice %arg6[%add3A_292, %dma_wait3A_293] : memref<80x128xi32, #tpu.memory_space<vmem>> -> memref<1x128xi32, #tpu.memory_space<vmem>>
        %dma_wait3A_295 = tpu.memref_squeeze %dma_wait3A_294 : memref<1x128xi32, #tpu.memory_space<vmem>> -> memref<128xi32, #tpu.memory_space<vmem>>
        %dma_wait3A_296 = arith.constant 0 : i32
        %dma_wait3A_297 = arith.constant 0 : i32
        %dma_wait3A_298 = tpu.memref_slice %arg18[%dma_wait3A_296, %dma_wait3A_297] : memref<10112x16xf32, #tpu.memory_space<vmem_shared>> -> memref<10112x16xf32, #tpu.memory_space<vmem_shared>>
        tpu.wait_indirect_dma semaphore(%arg21 : memref<!tpu.dma_semaphore, #tpu.memory_space<semaphore_mem>>) src(%dma_wait3A_298 : memref<10112x16xf32, #tpu.memory_space<vmem_shared>>) dst(%arg10 : memref<128x16xf32, #tpu.memory_space<vmem>>)
        %add3A_299 = arith.constant 2 : i32
        %add3A_300 = arith.addi %add3A_258, %add3A_299 : i32
        %dma_start3A_301 = arith.constant 0 : i32
        %dma_start3A_302 = tpu.memref_slice %arg7[%add3A_300, %dma_start3A_301] : memref<80x128xi32, #tpu.memory_space<vmem>> -> memref<1x128xi32, #tpu.memory_space<vmem>>
        %dma_start3A_303 = tpu.memref_squeeze %dma_start3A_302 : memref<1x128xi32, #tpu.memory_space<vmem>> -> memref<128xi32, #tpu.memory_space<vmem>>
        %dma_start3A_304 = arith.constant 0 : i32
        %dma_start3A_305 = arith.constant 0 : i32
        %dma_start3A_306 = tpu.memref_slice %arg17[%dma_start3A_304, %dma_start3A_305] : memref<10112x16xf32, #tpu.memory_space<vmem_shared>> -> memref<10112x16xf32, #tpu.memory_space<vmem_shared>>
        tpu.enqueue_indirect_dma source(%arg10 : memref<128x16xf32, #tpu.memory_space<vmem>>) target(%dma_start3A_306 : memref<10112x16xf32, #tpu.memory_space<vmem_shared>>) offsets(%dma_start3A_303 : memref<128xi32, #tpu.memory_space<vmem>>) semaphore(%arg29 : memref<!tpu.dma_semaphore, #tpu.memory_space<semaphore_mem>>) {add = true}
        %add3A_307 = arith.constant 3 : i32
        %add3A_308 = arith.addi %add3A_258, %add3A_307 : i32
        %dma_wait3A_309 = arith.constant 0 : i32
        %dma_wait3A_310 = tpu.memref_slice %arg6[%add3A_308, %dma_wait3A_309] : memref<80x128xi32, #tpu.memory_space<vmem>> -> memref<1x128xi32, #tpu.memory_space<vmem>>
        %dma_wait3A_311 = tpu.memref_squeeze %dma_wait3A_310 : memref<1x128xi32, #tpu.memory_space<vmem>> -> memref<128xi32, #tpu.memory_space<vmem>>
        %dma_wait3A_312 = arith.constant 0 : i32
        %dma_wait3A_313 = arith.constant 0 : i32
        %dma_wait3A_314 = tpu.memref_slice %arg18[%dma_wait3A_312, %dma_wait3A_313] : memref<10112x16xf32, #tpu.memory_space<vmem_shared>> -> memref<10112x16xf32, #tpu.memory_space<vmem_shared>>
        tpu.wait_indirect_dma semaphore(%arg22 : memref<!tpu.dma_semaphore, #tpu.memory_space<semaphore_mem>>) src(%dma_wait3A_314 : memref<10112x16xf32, #tpu.memory_space<vmem_shared>>) dst(%arg11 : memref<128x16xf32, #tpu.memory_space<vmem>>)
        %add3A_315 = arith.constant 3 : i32
        %add3A_316 = arith.addi %add3A_258, %add3A_315 : i32
        %dma_start3A_317 = arith.constant 0 : i32
        %dma_start3A_318 = tpu.memref_slice %arg7[%add3A_316, %dma_start3A_317] : memref<80x128xi32, #tpu.memory_space<vmem>> -> memref<1x128xi32, #tpu.memory_space<vmem>>
        %dma_start3A_319 = tpu.memref_squeeze %dma_start3A_318 : memref<1x128xi32, #tpu.memory_space<vmem>> -> memref<128xi32, #tpu.memory_space<vmem>>
        %dma_start3A_320 = arith.constant 0 : i32
        %dma_start3A_321 = arith.constant 0 : i32
        %dma_start3A_322 = tpu.memref_slice %arg17[%dma_start3A_320, %dma_start3A_321] : memref<10112x16xf32, #tpu.memory_space<vmem_shared>> -> memref<10112x16xf32, #tpu.memory_space<vmem_shared>>
        tpu.enqueue_indirect_dma source(%arg11 : memref<128x16xf32, #tpu.memory_space<vmem>>) target(%dma_start3A_322 : memref<10112x16xf32, #tpu.memory_space<vmem_shared>>) offsets(%dma_start3A_319 : memref<128xi32, #tpu.memory_space<vmem>>) semaphore(%arg30 : memref<!tpu.dma_semaphore, #tpu.memory_space<semaphore_mem>>) {add = true}
        %add3A_323 = arith.constant 4 : i32
        %add3A_324 = arith.addi %add3A_258, %add3A_323 : i32
        %dma_wait3A_325 = arith.constant 0 : i32
        %dma_wait3A_326 = tpu.memref_slice %arg6[%add3A_324, %dma_wait3A_325] : memref<80x128xi32, #tpu.memory_space<vmem>> -> memref<1x128xi32, #tpu.memory_space<vmem>>
        %dma_wait3A_327 = tpu.memref_squeeze %dma_wait3A_326 : memref<1x128xi32, #tpu.memory_space<vmem>> -> memref<128xi32, #tpu.memory_space<vmem>>
        %dma_wait3A_328 = arith.constant 0 : i32
        %dma_wait3A_329 = arith.constant 0 : i32
        %dma_wait3A_330 = tpu.memref_slice %arg18[%dma_wait3A_328, %dma_wait3A_329] : memref<10112x16xf32, #tpu.memory_space<vmem_shared>> -> memref<10112x16xf32, #tpu.memory_space<vmem_shared>>
        tpu.wait_indirect_dma semaphore(%arg23 : memref<!tpu.dma_semaphore, #tpu.memory_space<semaphore_mem>>) src(%dma_wait3A_330 : memref<10112x16xf32, #tpu.memory_space<vmem_shared>>) dst(%arg12 : memref<128x16xf32, #tpu.memory_space<vmem>>)
        %add3A_331 = arith.constant 4 : i32
        %add3A_332 = arith.addi %add3A_258, %add3A_331 : i32
        %dma_start3A_333 = arith.constant 0 : i32
        %dma_start3A_334 = tpu.memref_slice %arg7[%add3A_332, %dma_start3A_333] : memref<80x128xi32, #tpu.memory_space<vmem>> -> memref<1x128xi32, #tpu.memory_space<vmem>>
        %dma_start3A_335 = tpu.memref_squeeze %dma_start3A_334 : memref<1x128xi32, #tpu.memory_space<vmem>> -> memref<128xi32, #tpu.memory_space<vmem>>
        %dma_start3A_336 = arith.constant 0 : i32
        %dma_start3A_337 = arith.constant 0 : i32
        %dma_start3A_338 = tpu.memref_slice %arg17[%dma_start3A_336, %dma_start3A_337] : memref<10112x16xf32, #tpu.memory_space<vmem_shared>> -> memref<10112x16xf32, #tpu.memory_space<vmem_shared>>
        tpu.enqueue_indirect_dma source(%arg12 : memref<128x16xf32, #tpu.memory_space<vmem>>) target(%dma_start3A_338 : memref<10112x16xf32, #tpu.memory_space<vmem_shared>>) offsets(%dma_start3A_335 : memref<128xi32, #tpu.memory_space<vmem>>) semaphore(%arg31 : memref<!tpu.dma_semaphore, #tpu.memory_space<semaphore_mem>>) {add = true}
        %add3A_339 = arith.constant 5 : i32
        %add3A_340 = arith.addi %add3A_258, %add3A_339 : i32
        %dma_wait3A_341 = arith.constant 0 : i32
        %dma_wait3A_342 = tpu.memref_slice %arg6[%add3A_340, %dma_wait3A_341] : memref<80x128xi32, #tpu.memory_space<vmem>> -> memref<1x128xi32, #tpu.memory_space<vmem>>
        %dma_wait3A_343 = tpu.memref_squeeze %dma_wait3A_342 : memref<1x128xi32, #tpu.memory_space<vmem>> -> memref<128xi32, #tpu.memory_space<vmem>>
        %dma_wait3A_344 = arith.constant 0 : i32
        %dma_wait3A_345 = arith.constant 0 : i32
        %dma_wait3A_346 = tpu.memref_slice %arg18[%dma_wait3A_344, %dma_wait3A_345] : memref<10112x16xf32, #tpu.memory_space<vmem_shared>> -> memref<10112x16xf32, #tpu.memory_space<vmem_shared>>
        tpu.wait_indirect_dma semaphore(%arg24 : memref<!tpu.dma_semaphore, #tpu.memory_space<semaphore_mem>>) src(%dma_wait3A_346 : memref<10112x16xf32, #tpu.memory_space<vmem_shared>>) dst(%arg13 : memref<128x16xf32, #tpu.memory_space<vmem>>)
        %add3A_347 = arith.constant 5 : i32
        %add3A_348 = arith.addi %add3A_258, %add3A_347 : i32
        %dma_start3A_349 = arith.constant 0 : i32
        %dma_start3A_350 = tpu.memref_slice %arg7[%add3A_348, %dma_start3A_349] : memref<80x128xi32, #tpu.memory_space<vmem>> -> memref<1x128xi32, #tpu.memory_space<vmem>>
        %dma_start3A_351 = tpu.memref_squeeze %dma_start3A_350 : memref<1x128xi32, #tpu.memory_space<vmem>> -> memref<128xi32, #tpu.memory_space<vmem>>
        %dma_start3A_352 = arith.constant 0 : i32
        %dma_start3A_353 = arith.constant 0 : i32
        %dma_start3A_354 = tpu.memref_slice %arg17[%dma_start3A_352, %dma_start3A_353] : memref<10112x16xf32, #tpu.memory_space<vmem_shared>> -> memref<10112x16xf32, #tpu.memory_space<vmem_shared>>
        tpu.enqueue_indirect_dma source(%arg13 : memref<128x16xf32, #tpu.memory_space<vmem>>) target(%dma_start3A_354 : memref<10112x16xf32, #tpu.memory_space<vmem_shared>>) offsets(%dma_start3A_351 : memref<128xi32, #tpu.memory_space<vmem>>) semaphore(%arg32 : memref<!tpu.dma_semaphore, #tpu.memory_space<semaphore_mem>>) {add = true}
        %add3A_355 = arith.constant 6 : i32
        %add3A_356 = arith.addi %add3A_258, %add3A_355 : i32
        %dma_wait3A_357 = arith.constant 0 : i32
        %dma_wait3A_358 = tpu.memref_slice %arg6[%add3A_356, %dma_wait3A_357] : memref<80x128xi32, #tpu.memory_space<vmem>> -> memref<1x128xi32, #tpu.memory_space<vmem>>
        %dma_wait3A_359 = tpu.memref_squeeze %dma_wait3A_358 : memref<1x128xi32, #tpu.memory_space<vmem>> -> memref<128xi32, #tpu.memory_space<vmem>>
        %dma_wait3A_360 = arith.constant 0 : i32
        %dma_wait3A_361 = arith.constant 0 : i32
        %dma_wait3A_362 = tpu.memref_slice %arg18[%dma_wait3A_360, %dma_wait3A_361] : memref<10112x16xf32, #tpu.memory_space<vmem_shared>> -> memref<10112x16xf32, #tpu.memory_space<vmem_shared>>
        tpu.wait_indirect_dma semaphore(%arg25 : memref<!tpu.dma_semaphore, #tpu.memory_space<semaphore_mem>>) src(%dma_wait3A_362 : memref<10112x16xf32, #tpu.memory_space<vmem_shared>>) dst(%arg14 : memref<128x16xf32, #tpu.memory_space<vmem>>)
        %add3A_363 = arith.constant 6 : i32
        %add3A_364 = arith.addi %add3A_258, %add3A_363 : i32
        %dma_start3A_365 = arith.constant 0 : i32
        %dma_start3A_366 = tpu.memref_slice %arg7[%add3A_364, %dma_start3A_365] : memref<80x128xi32, #tpu.memory_space<vmem>> -> memref<1x128xi32, #tpu.memory_space<vmem>>
        %dma_start3A_367 = tpu.memref_squeeze %dma_start3A_366 : memref<1x128xi32, #tpu.memory_space<vmem>> -> memref<128xi32, #tpu.memory_space<vmem>>
        %dma_start3A_368 = arith.constant 0 : i32
        %dma_start3A_369 = arith.constant 0 : i32
        %dma_start3A_370 = tpu.memref_slice %arg17[%dma_start3A_368, %dma_start3A_369] : memref<10112x16xf32, #tpu.memory_space<vmem_shared>> -> memref<10112x16xf32, #tpu.memory_space<vmem_shared>>
        tpu.enqueue_indirect_dma source(%arg14 : memref<128x16xf32, #tpu.memory_space<vmem>>) target(%dma_start3A_370 : memref<10112x16xf32, #tpu.memory_space<vmem_shared>>) offsets(%dma_start3A_367 : memref<128xi32, #tpu.memory_space<vmem>>) semaphore(%arg33 : memref<!tpu.dma_semaphore, #tpu.memory_space<semaphore_mem>>) {add = true}
        %add3A_371 = arith.constant 7 : i32
        %add3A_372 = arith.addi %add3A_258, %add3A_371 : i32
        %dma_wait3A_373 = arith.constant 0 : i32
        %dma_wait3A_374 = tpu.memref_slice %arg6[%add3A_372, %dma_wait3A_373] : memref<80x128xi32, #tpu.memory_space<vmem>> -> memref<1x128xi32, #tpu.memory_space<vmem>>
        %dma_wait3A_375 = tpu.memref_squeeze %dma_wait3A_374 : memref<1x128xi32, #tpu.memory_space<vmem>> -> memref<128xi32, #tpu.memory_space<vmem>>
        %dma_wait3A_376 = arith.constant 0 : i32
        %dma_wait3A_377 = arith.constant 0 : i32
        %dma_wait3A_378 = tpu.memref_slice %arg18[%dma_wait3A_376, %dma_wait3A_377] : memref<10112x16xf32, #tpu.memory_space<vmem_shared>> -> memref<10112x16xf32, #tpu.memory_space<vmem_shared>>
        tpu.wait_indirect_dma semaphore(%arg26 : memref<!tpu.dma_semaphore, #tpu.memory_space<semaphore_mem>>) src(%dma_wait3A_378 : memref<10112x16xf32, #tpu.memory_space<vmem_shared>>) dst(%arg15 : memref<128x16xf32, #tpu.memory_space<vmem>>)
        %add3A_379 = arith.constant 7 : i32
        %add3A_380 = arith.addi %add3A_258, %add3A_379 : i32
        %dma_start3A_381 = arith.constant 0 : i32
        %dma_start3A_382 = tpu.memref_slice %arg7[%add3A_380, %dma_start3A_381] : memref<80x128xi32, #tpu.memory_space<vmem>> -> memref<1x128xi32, #tpu.memory_space<vmem>>
        %dma_start3A_383 = tpu.memref_squeeze %dma_start3A_382 : memref<1x128xi32, #tpu.memory_space<vmem>> -> memref<128xi32, #tpu.memory_space<vmem>>
        %dma_start3A_384 = arith.constant 0 : i32
        %dma_start3A_385 = arith.constant 0 : i32
        %dma_start3A_386 = tpu.memref_slice %arg17[%dma_start3A_384, %dma_start3A_385] : memref<10112x16xf32, #tpu.memory_space<vmem_shared>> -> memref<10112x16xf32, #tpu.memory_space<vmem_shared>>
        tpu.enqueue_indirect_dma source(%arg15 : memref<128x16xf32, #tpu.memory_space<vmem>>) target(%dma_start3A_386 : memref<10112x16xf32, #tpu.memory_space<vmem_shared>>) offsets(%dma_start3A_383 : memref<128xi32, #tpu.memory_space<vmem>>) semaphore(%arg34 : memref<!tpu.dma_semaphore, #tpu.memory_space<semaphore_mem>>) {add = true}
        %add3A_387 = arith.constant 0 : i32
        %add3A_388 = arith.addi %add3A_258, %add3A_387 : i32
        %dma_wait3A_389 = arith.constant 0 : i32
        %dma_wait3A_390 = tpu.memref_slice %arg7[%add3A_388, %dma_wait3A_389] : memref<80x128xi32, #tpu.memory_space<vmem>> -> memref<1x128xi32, #tpu.memory_space<vmem>>
        %dma_wait3A_391 = tpu.memref_squeeze %dma_wait3A_390 : memref<1x128xi32, #tpu.memory_space<vmem>> -> memref<128xi32, #tpu.memory_space<vmem>>
        %dma_wait3A_392 = arith.constant 0 : i32
        %dma_wait3A_393 = arith.constant 0 : i32
        %dma_wait3A_394 = tpu.memref_slice %arg17[%dma_wait3A_392, %dma_wait3A_393] : memref<10112x16xf32, #tpu.memory_space<vmem_shared>> -> memref<10112x16xf32, #tpu.memory_space<vmem_shared>>
        tpu.wait_indirect_dma semaphore(%arg27 : memref<!tpu.dma_semaphore, #tpu.memory_space<semaphore_mem>>) src(%arg8 : memref<128x16xf32, #tpu.memory_space<vmem>>) dst(%dma_wait3A_394 : memref<10112x16xf32, #tpu.memory_space<vmem_shared>>)
        %add3A_395 = arith.constant 8 : i32
        %add3A_396 = arith.addi %add3A_258, %add3A_395 : i32
        %add3A_397 = arith.constant 0 : i32
        %add3A_398 = arith.addi %add3A_396, %add3A_397 : i32
        %dma_start3A_399 = arith.constant 0 : i32
        %dma_start3A_400 = tpu.memref_slice %arg6[%add3A_398, %dma_start3A_399] : memref<80x128xi32, #tpu.memory_space<vmem>> -> memref<1x128xi32, #tpu.memory_space<vmem>>
        %dma_start3A_401 = tpu.memref_squeeze %dma_start3A_400 : memref<1x128xi32, #tpu.memory_space<vmem>> -> memref<128xi32, #tpu.memory_space<vmem>>
        %dma_start3A_402 = arith.constant 0 : i32
        %dma_start3A_403 = arith.constant 0 : i32
        %dma_start3A_404 = tpu.memref_slice %arg18[%dma_start3A_402, %dma_start3A_403] : memref<10112x16xf32, #tpu.memory_space<vmem_shared>> -> memref<10112x16xf32, #tpu.memory_space<vmem_shared>>
        tpu.enqueue_indirect_dma source(%dma_start3A_404 : memref<10112x16xf32, #tpu.memory_space<vmem_shared>>) target(%arg8 : memref<128x16xf32, #tpu.memory_space<vmem>>) offsets(%dma_start3A_401 : memref<128xi32, #tpu.memory_space<vmem>>) semaphore(%arg19 : memref<!tpu.dma_semaphore, #tpu.memory_space<semaphore_mem>>)
        %add3A_405 = arith.constant 1 : i32
        %add3A_406 = arith.addi %add3A_258, %add3A_405 : i32
        %dma_wait3A_407 = arith.constant 0 : i32
        %dma_wait3A_408 = tpu.memref_slice %arg7[%add3A_406, %dma_wait3A_407] : memref<80x128xi32, #tpu.memory_space<vmem>> -> memref<1x128xi32, #tpu.memory_space<vmem>>
        %dma_wait3A_409 = tpu.memref_squeeze %dma_wait3A_408 : memref<1x128xi32, #tpu.memory_space<vmem>> -> memref<128xi32, #tpu.memory_space<vmem>>
        %dma_wait3A_410 = arith.constant 0 : i32
        %dma_wait3A_411 = arith.constant 0 : i32
        %dma_wait3A_412 = tpu.memref_slice %arg17[%dma_wait3A_410, %dma_wait3A_411] : memref<10112x16xf32, #tpu.memory_space<vmem_shared>> -> memref<10112x16xf32, #tpu.memory_space<vmem_shared>>
        tpu.wait_indirect_dma semaphore(%arg28 : memref<!tpu.dma_semaphore, #tpu.memory_space<semaphore_mem>>) src(%arg9 : memref<128x16xf32, #tpu.memory_space<vmem>>) dst(%dma_wait3A_412 : memref<10112x16xf32, #tpu.memory_space<vmem_shared>>)
        %add3A_413 = arith.constant 8 : i32
        %add3A_414 = arith.addi %add3A_258, %add3A_413 : i32
        %add3A_415 = arith.constant 1 : i32
        %add3A_416 = arith.addi %add3A_414, %add3A_415 : i32
        %dma_start3A_417 = arith.constant 0 : i32
        %dma_start3A_418 = tpu.memref_slice %arg6[%add3A_416, %dma_start3A_417] : memref<80x128xi32, #tpu.memory_space<vmem>> -> memref<1x128xi32, #tpu.memory_space<vmem>>
        %dma_start3A_419 = tpu.memref_squeeze %dma_start3A_418 : memref<1x128xi32, #tpu.memory_space<vmem>> -> memref<128xi32, #tpu.memory_space<vmem>>
        %dma_start3A_420 = arith.constant 0 : i32
        %dma_start3A_421 = arith.constant 0 : i32
        %dma_start3A_422 = tpu.memref_slice %arg18[%dma_start3A_420, %dma_start3A_421] : memref<10112x16xf32, #tpu.memory_space<vmem_shared>> -> memref<10112x16xf32, #tpu.memory_space<vmem_shared>>
        tpu.enqueue_indirect_dma source(%dma_start3A_422 : memref<10112x16xf32, #tpu.memory_space<vmem_shared>>) target(%arg9 : memref<128x16xf32, #tpu.memory_space<vmem>>) offsets(%dma_start3A_419 : memref<128xi32, #tpu.memory_space<vmem>>) semaphore(%arg20 : memref<!tpu.dma_semaphore, #tpu.memory_space<semaphore_mem>>)
        %add3A_423 = arith.constant 2 : i32
        %add3A_424 = arith.addi %add3A_258, %add3A_423 : i32
        %dma_wait3A_425 = arith.constant 0 : i32
        %dma_wait3A_426 = tpu.memref_slice %arg7[%add3A_424, %dma_wait3A_425] : memref<80x128xi32, #tpu.memory_space<vmem>> -> memref<1x128xi32, #tpu.memory_space<vmem>>
        %dma_wait3A_427 = tpu.memref_squeeze %dma_wait3A_426 : memref<1x128xi32, #tpu.memory_space<vmem>> -> memref<128xi32, #tpu.memory_space<vmem>>
        %dma_wait3A_428 = arith.constant 0 : i32
        %dma_wait3A_429 = arith.constant 0 : i32
        %dma_wait3A_430 = tpu.memref_slice %arg17[%dma_wait3A_428, %dma_wait3A_429] : memref<10112x16xf32, #tpu.memory_space<vmem_shared>> -> memref<10112x16xf32, #tpu.memory_space<vmem_shared>>
        tpu.wait_indirect_dma semaphore(%arg29 : memref<!tpu.dma_semaphore, #tpu.memory_space<semaphore_mem>>) src(%arg10 : memref<128x16xf32, #tpu.memory_space<vmem>>) dst(%dma_wait3A_430 : memref<10112x16xf32, #tpu.memory_space<vmem_shared>>)
        %add3A_431 = arith.constant 8 : i32
        %add3A_432 = arith.addi %add3A_258, %add3A_431 : i32
        %add3A_433 = arith.constant 2 : i32
        %add3A_434 = arith.addi %add3A_432, %add3A_433 : i32
        %dma_start3A_435 = arith.constant 0 : i32
        %dma_start3A_436 = tpu.memref_slice %arg6[%add3A_434, %dma_start3A_435] : memref<80x128xi32, #tpu.memory_space<vmem>> -> memref<1x128xi32, #tpu.memory_space<vmem>>
        %dma_start3A_437 = tpu.memref_squeeze %dma_start3A_436 : memref<1x128xi32, #tpu.memory_space<vmem>> -> memref<128xi32, #tpu.memory_space<vmem>>
        %dma_start3A_438 = arith.constant 0 : i32
        %dma_start3A_439 = arith.constant 0 : i32
        %dma_start3A_440 = tpu.memref_slice %arg18[%dma_start3A_438, %dma_start3A_439] : memref<10112x16xf32, #tpu.memory_space<vmem_shared>> -> memref<10112x16xf32, #tpu.memory_space<vmem_shared>>
        tpu.enqueue_indirect_dma source(%dma_start3A_440 : memref<10112x16xf32, #tpu.memory_space<vmem_shared>>) target(%arg10 : memref<128x16xf32, #tpu.memory_space<vmem>>) offsets(%dma_start3A_437 : memref<128xi32, #tpu.memory_space<vmem>>) semaphore(%arg21 : memref<!tpu.dma_semaphore, #tpu.memory_space<semaphore_mem>>)
        %add3A_441 = arith.constant 3 : i32
        %add3A_442 = arith.addi %add3A_258, %add3A_441 : i32
        %dma_wait3A_443 = arith.constant 0 : i32
        %dma_wait3A_444 = tpu.memref_slice %arg7[%add3A_442, %dma_wait3A_443] : memref<80x128xi32, #tpu.memory_space<vmem>> -> memref<1x128xi32, #tpu.memory_space<vmem>>
        %dma_wait3A_445 = tpu.memref_squeeze %dma_wait3A_444 : memref<1x128xi32, #tpu.memory_space<vmem>> -> memref<128xi32, #tpu.memory_space<vmem>>
        %dma_wait3A_446 = arith.constant 0 : i32
        %dma_wait3A_447 = arith.constant 0 : i32
        %dma_wait3A_448 = tpu.memref_slice %arg17[%dma_wait3A_446, %dma_wait3A_447] : memref<10112x16xf32, #tpu.memory_space<vmem_shared>> -> memref<10112x16xf32, #tpu.memory_space<vmem_shared>>
        tpu.wait_indirect_dma semaphore(%arg30 : memref<!tpu.dma_semaphore, #tpu.memory_space<semaphore_mem>>) src(%arg11 : memref<128x16xf32, #tpu.memory_space<vmem>>) dst(%dma_wait3A_448 : memref<10112x16xf32, #tpu.memory_space<vmem_shared>>)
        %add3A_449 = arith.constant 8 : i32
        %add3A_450 = arith.addi %add3A_258, %add3A_449 : i32
        %add3A_451 = arith.constant 3 : i32
        %add3A_452 = arith.addi %add3A_450, %add3A_451 : i32
        %dma_start3A_453 = arith.constant 0 : i32
        %dma_start3A_454 = tpu.memref_slice %arg6[%add3A_452, %dma_start3A_453] : memref<80x128xi32, #tpu.memory_space<vmem>> -> memref<1x128xi32, #tpu.memory_space<vmem>>
        %dma_start3A_455 = tpu.memref_squeeze %dma_start3A_454 : memref<1x128xi32, #tpu.memory_space<vmem>> -> memref<128xi32, #tpu.memory_space<vmem>>
        %dma_start3A_456 = arith.constant 0 : i32
        %dma_start3A_457 = arith.constant 0 : i32
        %dma_start3A_458 = tpu.memref_slice %arg18[%dma_start3A_456, %dma_start3A_457] : memref<10112x16xf32, #tpu.memory_space<vmem_shared>> -> memref<10112x16xf32, #tpu.memory_space<vmem_shared>>
        tpu.enqueue_indirect_dma source(%dma_start3A_458 : memref<10112x16xf32, #tpu.memory_space<vmem_shared>>) target(%arg11 : memref<128x16xf32, #tpu.memory_space<vmem>>) offsets(%dma_start3A_455 : memref<128xi32, #tpu.memory_space<vmem>>) semaphore(%arg22 : memref<!tpu.dma_semaphore, #tpu.memory_space<semaphore_mem>>)
        %add3A_459 = arith.constant 4 : i32
        %add3A_460 = arith.addi %add3A_258, %add3A_459 : i32
        %dma_wait3A_461 = arith.constant 0 : i32
        %dma_wait3A_462 = tpu.memref_slice %arg7[%add3A_460, %dma_wait3A_461] : memref<80x128xi32, #tpu.memory_space<vmem>> -> memref<1x128xi32, #tpu.memory_space<vmem>>
        %dma_wait3A_463 = tpu.memref_squeeze %dma_wait3A_462 : memref<1x128xi32, #tpu.memory_space<vmem>> -> memref<128xi32, #tpu.memory_space<vmem>>
        %dma_wait3A_464 = arith.constant 0 : i32
        %dma_wait3A_465 = arith.constant 0 : i32
        %dma_wait3A_466 = tpu.memref_slice %arg17[%dma_wait3A_464, %dma_wait3A_465] : memref<10112x16xf32, #tpu.memory_space<vmem_shared>> -> memref<10112x16xf32, #tpu.memory_space<vmem_shared>>
        tpu.wait_indirect_dma semaphore(%arg31 : memref<!tpu.dma_semaphore, #tpu.memory_space<semaphore_mem>>) src(%arg12 : memref<128x16xf32, #tpu.memory_space<vmem>>) dst(%dma_wait3A_466 : memref<10112x16xf32, #tpu.memory_space<vmem_shared>>)
        %add3A_467 = arith.constant 8 : i32
        %add3A_468 = arith.addi %add3A_258, %add3A_467 : i32
        %add3A_469 = arith.constant 4 : i32
        %add3A_470 = arith.addi %add3A_468, %add3A_469 : i32
        %dma_start3A_471 = arith.constant 0 : i32
        %dma_start3A_472 = tpu.memref_slice %arg6[%add3A_470, %dma_start3A_471] : memref<80x128xi32, #tpu.memory_space<vmem>> -> memref<1x128xi32, #tpu.memory_space<vmem>>
        %dma_start3A_473 = tpu.memref_squeeze %dma_start3A_472 : memref<1x128xi32, #tpu.memory_space<vmem>> -> memref<128xi32, #tpu.memory_space<vmem>>
        %dma_start3A_474 = arith.constant 0 : i32
        %dma_start3A_475 = arith.constant 0 : i32
        %dma_start3A_476 = tpu.memref_slice %arg18[%dma_start3A_474, %dma_start3A_475] : memref<10112x16xf32, #tpu.memory_space<vmem_shared>> -> memref<10112x16xf32, #tpu.memory_space<vmem_shared>>
        tpu.enqueue_indirect_dma source(%dma_start3A_476 : memref<10112x16xf32, #tpu.memory_space<vmem_shared>>) target(%arg12 : memref<128x16xf32, #tpu.memory_space<vmem>>) offsets(%dma_start3A_473 : memref<128xi32, #tpu.memory_space<vmem>>) semaphore(%arg23 : memref<!tpu.dma_semaphore, #tpu.memory_space<semaphore_mem>>)
        %add3A_477 = arith.constant 5 : i32
        %add3A_478 = arith.addi %add3A_258, %add3A_477 : i32
        %dma_wait3A_479 = arith.constant 0 : i32
        %dma_wait3A_480 = tpu.memref_slice %arg7[%add3A_478, %dma_wait3A_479] : memref<80x128xi32, #tpu.memory_space<vmem>> -> memref<1x128xi32, #tpu.memory_space<vmem>>
        %dma_wait3A_481 = tpu.memref_squeeze %dma_wait3A_480 : memref<1x128xi32, #tpu.memory_space<vmem>> -> memref<128xi32, #tpu.memory_space<vmem>>
        %dma_wait3A_482 = arith.constant 0 : i32
        %dma_wait3A_483 = arith.constant 0 : i32
        %dma_wait3A_484 = tpu.memref_slice %arg17[%dma_wait3A_482, %dma_wait3A_483] : memref<10112x16xf32, #tpu.memory_space<vmem_shared>> -> memref<10112x16xf32, #tpu.memory_space<vmem_shared>>
        tpu.wait_indirect_dma semaphore(%arg32 : memref<!tpu.dma_semaphore, #tpu.memory_space<semaphore_mem>>) src(%arg13 : memref<128x16xf32, #tpu.memory_space<vmem>>) dst(%dma_wait3A_484 : memref<10112x16xf32, #tpu.memory_space<vmem_shared>>)
        %add3A_485 = arith.constant 8 : i32
        %add3A_486 = arith.addi %add3A_258, %add3A_485 : i32
        %add3A_487 = arith.constant 5 : i32
        %add3A_488 = arith.addi %add3A_486, %add3A_487 : i32
        %dma_start3A_489 = arith.constant 0 : i32
        %dma_start3A_490 = tpu.memref_slice %arg6[%add3A_488, %dma_start3A_489] : memref<80x128xi32, #tpu.memory_space<vmem>> -> memref<1x128xi32, #tpu.memory_space<vmem>>
        %dma_start3A_491 = tpu.memref_squeeze %dma_start3A_490 : memref<1x128xi32, #tpu.memory_space<vmem>> -> memref<128xi32, #tpu.memory_space<vmem>>
        %dma_start3A_492 = arith.constant 0 : i32
        %dma_start3A_493 = arith.constant 0 : i32
        %dma_start3A_494 = tpu.memref_slice %arg18[%dma_start3A_492, %dma_start3A_493] : memref<10112x16xf32, #tpu.memory_space<vmem_shared>> -> memref<10112x16xf32, #tpu.memory_space<vmem_shared>>
        tpu.enqueue_indirect_dma source(%dma_start3A_494 : memref<10112x16xf32, #tpu.memory_space<vmem_shared>>) target(%arg13 : memref<128x16xf32, #tpu.memory_space<vmem>>) offsets(%dma_start3A_491 : memref<128xi32, #tpu.memory_space<vmem>>) semaphore(%arg24 : memref<!tpu.dma_semaphore, #tpu.memory_space<semaphore_mem>>)
        %add3A_495 = arith.constant 6 : i32
        %add3A_496 = arith.addi %add3A_258, %add3A_495 : i32
        %dma_wait3A_497 = arith.constant 0 : i32
        %dma_wait3A_498 = tpu.memref_slice %arg7[%add3A_496, %dma_wait3A_497] : memref<80x128xi32, #tpu.memory_space<vmem>> -> memref<1x128xi32, #tpu.memory_space<vmem>>
        %dma_wait3A_499 = tpu.memref_squeeze %dma_wait3A_498 : memref<1x128xi32, #tpu.memory_space<vmem>> -> memref<128xi32, #tpu.memory_space<vmem>>
        %dma_wait3A_500 = arith.constant 0 : i32
        %dma_wait3A_501 = arith.constant 0 : i32
        %dma_wait3A_502 = tpu.memref_slice %arg17[%dma_wait3A_500, %dma_wait3A_501] : memref<10112x16xf32, #tpu.memory_space<vmem_shared>> -> memref<10112x16xf32, #tpu.memory_space<vmem_shared>>
        tpu.wait_indirect_dma semaphore(%arg33 : memref<!tpu.dma_semaphore, #tpu.memory_space<semaphore_mem>>) src(%arg14 : memref<128x16xf32, #tpu.memory_space<vmem>>) dst(%dma_wait3A_502 : memref<10112x16xf32, #tpu.memory_space<vmem_shared>>)
        %add3A_503 = arith.constant 8 : i32
        %add3A_504 = arith.addi %add3A_258, %add3A_503 : i32
        %add3A_505 = arith.constant 6 : i32
        %add3A_506 = arith.addi %add3A_504, %add3A_505 : i32
        %dma_start3A_507 = arith.constant 0 : i32
        %dma_start3A_508 = tpu.memref_slice %arg6[%add3A_506, %dma_start3A_507] : memref<80x128xi32, #tpu.memory_space<vmem>> -> memref<1x128xi32, #tpu.memory_space<vmem>>
        %dma_start3A_509 = tpu.memref_squeeze %dma_start3A_508 : memref<1x128xi32, #tpu.memory_space<vmem>> -> memref<128xi32, #tpu.memory_space<vmem>>
        %dma_start3A_510 = arith.constant 0 : i32
        %dma_start3A_511 = arith.constant 0 : i32
        %dma_start3A_512 = tpu.memref_slice %arg18[%dma_start3A_510, %dma_start3A_511] : memref<10112x16xf32, #tpu.memory_space<vmem_shared>> -> memref<10112x16xf32, #tpu.memory_space<vmem_shared>>
        tpu.enqueue_indirect_dma source(%dma_start3A_512 : memref<10112x16xf32, #tpu.memory_space<vmem_shared>>) target(%arg14 : memref<128x16xf32, #tpu.memory_space<vmem>>) offsets(%dma_start3A_509 : memref<128xi32, #tpu.memory_space<vmem>>) semaphore(%arg25 : memref<!tpu.dma_semaphore, #tpu.memory_space<semaphore_mem>>)
        %add3A_513 = arith.constant 7 : i32
        %add3A_514 = arith.addi %add3A_258, %add3A_513 : i32
        %dma_wait3A_515 = arith.constant 0 : i32
        %dma_wait3A_516 = tpu.memref_slice %arg7[%add3A_514, %dma_wait3A_515] : memref<80x128xi32, #tpu.memory_space<vmem>> -> memref<1x128xi32, #tpu.memory_space<vmem>>
        %dma_wait3A_517 = tpu.memref_squeeze %dma_wait3A_516 : memref<1x128xi32, #tpu.memory_space<vmem>> -> memref<128xi32, #tpu.memory_space<vmem>>
        %dma_wait3A_518 = arith.constant 0 : i32
        %dma_wait3A_519 = arith.constant 0 : i32
        %dma_wait3A_520 = tpu.memref_slice %arg17[%dma_wait3A_518, %dma_wait3A_519] : memref<10112x16xf32, #tpu.memory_space<vmem_shared>> -> memref<10112x16xf32, #tpu.memory_space<vmem_shared>>
        tpu.wait_indirect_dma semaphore(%arg34 : memref<!tpu.dma_semaphore, #tpu.memory_space<semaphore_mem>>) src(%arg15 : memref<128x16xf32, #tpu.memory_space<vmem>>) dst(%dma_wait3A_520 : memref<10112x16xf32, #tpu.memory_space<vmem_shared>>)
        %add3A_521 = arith.constant 8 : i32
        %add3A_522 = arith.addi %add3A_258, %add3A_521 : i32
        %add3A_523 = arith.constant 7 : i32
        %add3A_524 = arith.addi %add3A_522, %add3A_523 : i32
        %dma_start3A_525 = arith.constant 0 : i32
        %dma_start3A_526 = tpu.memref_slice %arg6[%add3A_524, %dma_start3A_525] : memref<80x128xi32, #tpu.memory_space<vmem>> -> memref<1x128xi32, #tpu.memory_space<vmem>>
        %dma_start3A_527 = tpu.memref_squeeze %dma_start3A_526 : memref<1x128xi32, #tpu.memory_space<vmem>> -> memref<128xi32, #tpu.memory_space<vmem>>
        %dma_start3A_528 = arith.constant 0 : i32
        %dma_start3A_529 = arith.constant 0 : i32
        %dma_start3A_530 = tpu.memref_slice %arg18[%dma_start3A_528, %dma_start3A_529] : memref<10112x16xf32, #tpu.memory_space<vmem_shared>> -> memref<10112x16xf32, #tpu.memory_space<vmem_shared>>
        tpu.enqueue_indirect_dma source(%dma_start3A_530 : memref<10112x16xf32, #tpu.memory_space<vmem_shared>>) target(%arg15 : memref<128x16xf32, #tpu.memory_space<vmem>>) offsets(%dma_start3A_527 : memref<128xi32, #tpu.memory_space<vmem>>) semaphore(%arg26 : memref<!tpu.dma_semaphore, #tpu.memory_space<semaphore_mem>>)
      }
      %scan3A_86 = arith.constant 9 : i32
      %dma_wait3A = arith.constant 72 : i32
      %dma_wait3A_87 = arith.constant 0 : i32
      %dma_wait3A_88 = tpu.memref_slice %arg6[%dma_wait3A, %dma_wait3A_87] : memref<80x128xi32, #tpu.memory_space<vmem>> -> memref<1x128xi32, #tpu.memory_space<vmem>>
      %dma_wait3A_89 = tpu.memref_squeeze %dma_wait3A_88 : memref<1x128xi32, #tpu.memory_space<vmem>> -> memref<128xi32, #tpu.memory_space<vmem>>
      %dma_wait3A_90 = arith.constant 0 : i32
      %dma_wait3A_91 = arith.constant 0 : i32
      %dma_wait3A_92 = tpu.memref_slice %arg18[%dma_wait3A_90, %dma_wait3A_91] : memref<10112x16xf32, #tpu.memory_space<vmem_shared>> -> memref<10112x16xf32, #tpu.memory_space<vmem_shared>>
      tpu.wait_indirect_dma semaphore(%arg19 : memref<!tpu.dma_semaphore, #tpu.memory_space<semaphore_mem>>) src(%dma_wait3A_92 : memref<10112x16xf32, #tpu.memory_space<vmem_shared>>) dst(%arg8 : memref<128x16xf32, #tpu.memory_space<vmem>>)
      %dma_start3A_93 = arith.constant 72 : i32
      %dma_start3A_94 = arith.constant 0 : i32
      %dma_start3A_95 = tpu.memref_slice %arg7[%dma_start3A_93, %dma_start3A_94] : memref<80x128xi32, #tpu.memory_space<vmem>> -> memref<1x128xi32, #tpu.memory_space<vmem>>
      %dma_start3A_96 = tpu.memref_squeeze %dma_start3A_95 : memref<1x128xi32, #tpu.memory_space<vmem>> -> memref<128xi32, #tpu.memory_space<vmem>>
      %dma_start3A_97 = arith.constant 0 : i32
      %dma_start3A_98 = arith.constant 0 : i32
      %dma_start3A_99 = tpu.memref_slice %arg17[%dma_start3A_97, %dma_start3A_98] : memref<10112x16xf32, #tpu.memory_space<vmem_shared>> -> memref<10112x16xf32, #tpu.memory_space<vmem_shared>>
      tpu.enqueue_indirect_dma source(%arg8 : memref<128x16xf32, #tpu.memory_space<vmem>>) target(%dma_start3A_99 : memref<10112x16xf32, #tpu.memory_space<vmem_shared>>) offsets(%dma_start3A_96 : memref<128xi32, #tpu.memory_space<vmem>>) semaphore(%arg27 : memref<!tpu.dma_semaphore, #tpu.memory_space<semaphore_mem>>) {add = true}
      %dma_wait3A_100 = arith.constant 73 : i32
      %dma_wait3A_101 = arith.constant 0 : i32
      %dma_wait3A_102 = tpu.memref_slice %arg6[%dma_wait3A_100, %dma_wait3A_101] : memref<80x128xi32, #tpu.memory_space<vmem>> -> memref<1x128xi32, #tpu.memory_space<vmem>>
      %dma_wait3A_103 = tpu.memref_squeeze %dma_wait3A_102 : memref<1x128xi32, #tpu.memory_space<vmem>> -> memref<128xi32, #tpu.memory_space<vmem>>
      %dma_wait3A_104 = arith.constant 0 : i32
      %dma_wait3A_105 = arith.constant 0 : i32
      %dma_wait3A_106 = tpu.memref_slice %arg18[%dma_wait3A_104, %dma_wait3A_105] : memref<10112x16xf32, #tpu.memory_space<vmem_shared>> -> memref<10112x16xf32, #tpu.memory_space<vmem_shared>>
      tpu.wait_indirect_dma semaphore(%arg20 : memref<!tpu.dma_semaphore, #tpu.memory_space<semaphore_mem>>) src(%dma_wait3A_106 : memref<10112x16xf32, #tpu.memory_space<vmem_shared>>) dst(%arg9 : memref<128x16xf32, #tpu.memory_space<vmem>>)
      %dma_start3A_107 = arith.constant 73 : i32
      %dma_start3A_108 = arith.constant 0 : i32
      %dma_start3A_109 = tpu.memref_slice %arg7[%dma_start3A_107, %dma_start3A_108] : memref<80x128xi32, #tpu.memory_space<vmem>> -> memref<1x128xi32, #tpu.memory_space<vmem>>
      %dma_start3A_110 = tpu.memref_squeeze %dma_start3A_109 : memref<1x128xi32, #tpu.memory_space<vmem>> -> memref<128xi32, #tpu.memory_space<vmem>>
      %dma_start3A_111 = arith.constant 0 : i32
      %dma_start3A_112 = arith.constant 0 : i32
      %dma_start3A_113 = tpu.memref_slice %arg17[%dma_start3A_111, %dma_start3A_112] : memref<10112x16xf32, #tpu.memory_space<vmem_shared>> -> memref<10112x16xf32, #tpu.memory_space<vmem_shared>>
      tpu.enqueue_indirect_dma source(%arg9 : memref<128x16xf32, #tpu.memory_space<vmem>>) target(%dma_start3A_113 : memref<10112x16xf32, #tpu.memory_space<vmem_shared>>) offsets(%dma_start3A_110 : memref<128xi32, #tpu.memory_space<vmem>>) semaphore(%arg28 : memref<!tpu.dma_semaphore, #tpu.memory_space<semaphore_mem>>) {add = true}
      %dma_wait3A_114 = arith.constant 74 : i32
      %dma_wait3A_115 = arith.constant 0 : i32
      %dma_wait3A_116 = tpu.memref_slice %arg6[%dma_wait3A_114, %dma_wait3A_115] : memref<80x128xi32, #tpu.memory_space<vmem>> -> memref<1x128xi32, #tpu.memory_space<vmem>>
      %dma_wait3A_117 = tpu.memref_squeeze %dma_wait3A_116 : memref<1x128xi32, #tpu.memory_space<vmem>> -> memref<128xi32, #tpu.memory_space<vmem>>
      %dma_wait3A_118 = arith.constant 0 : i32
      %dma_wait3A_119 = arith.constant 0 : i32
      %dma_wait3A_120 = tpu.memref_slice %arg18[%dma_wait3A_118, %dma_wait3A_119] : memref<10112x16xf32, #tpu.memory_space<vmem_shared>> -> memref<10112x16xf32, #tpu.memory_space<vmem_shared>>
      tpu.wait_indirect_dma semaphore(%arg21 : memref<!tpu.dma_semaphore, #tpu.memory_space<semaphore_mem>>) src(%dma_wait3A_120 : memref<10112x16xf32, #tpu.memory_space<vmem_shared>>) dst(%arg10 : memref<128x16xf32, #tpu.memory_space<vmem>>)
      %dma_start3A_121 = arith.constant 74 : i32
      %dma_start3A_122 = arith.constant 0 : i32
      %dma_start3A_123 = tpu.memref_slice %arg7[%dma_start3A_121, %dma_start3A_122] : memref<80x128xi32, #tpu.memory_space<vmem>> -> memref<1x128xi32, #tpu.memory_space<vmem>>
      %dma_start3A_124 = tpu.memref_squeeze %dma_start3A_123 : memref<1x128xi32, #tpu.memory_space<vmem>> -> memref<128xi32, #tpu.memory_space<vmem>>
      %dma_start3A_125 = arith.constant 0 : i32
      %dma_start3A_126 = arith.constant 0 : i32
      %dma_start3A_127 = tpu.memref_slice %arg17[%dma_start3A_125, %dma_start3A_126] : memref<10112x16xf32, #tpu.memory_space<vmem_shared>> -> memref<10112x16xf32, #tpu.memory_space<vmem_shared>>
      tpu.enqueue_indirect_dma source(%arg10 : memref<128x16xf32, #tpu.memory_space<vmem>>) target(%dma_start3A_127 : memref<10112x16xf32, #tpu.memory_space<vmem_shared>>) offsets(%dma_start3A_124 : memref<128xi32, #tpu.memory_space<vmem>>) semaphore(%arg29 : memref<!tpu.dma_semaphore, #tpu.memory_space<semaphore_mem>>) {add = true}
      %dma_wait3A_128 = arith.constant 75 : i32
      %dma_wait3A_129 = arith.constant 0 : i32
      %dma_wait3A_130 = tpu.memref_slice %arg6[%dma_wait3A_128, %dma_wait3A_129] : memref<80x128xi32, #tpu.memory_space<vmem>> -> memref<1x128xi32, #tpu.memory_space<vmem>>
      %dma_wait3A_131 = tpu.memref_squeeze %dma_wait3A_130 : memref<1x128xi32, #tpu.memory_space<vmem>> -> memref<128xi32, #tpu.memory_space<vmem>>
      %dma_wait3A_132 = arith.constant 0 : i32
      %dma_wait3A_133 = arith.constant 0 : i32
      %dma_wait3A_134 = tpu.memref_slice %arg18[%dma_wait3A_132, %dma_wait3A_133] : memref<10112x16xf32, #tpu.memory_space<vmem_shared>> -> memref<10112x16xf32, #tpu.memory_space<vmem_shared>>
      tpu.wait_indirect_dma semaphore(%arg22 : memref<!tpu.dma_semaphore, #tpu.memory_space<semaphore_mem>>) src(%dma_wait3A_134 : memref<10112x16xf32, #tpu.memory_space<vmem_shared>>) dst(%arg11 : memref<128x16xf32, #tpu.memory_space<vmem>>)
      %dma_start3A_135 = arith.constant 75 : i32
      %dma_start3A_136 = arith.constant 0 : i32
      %dma_start3A_137 = tpu.memref_slice %arg7[%dma_start3A_135, %dma_start3A_136] : memref<80x128xi32, #tpu.memory_space<vmem>> -> memref<1x128xi32, #tpu.memory_space<vmem>>
      %dma_start3A_138 = tpu.memref_squeeze %dma_start3A_137 : memref<1x128xi32, #tpu.memory_space<vmem>> -> memref<128xi32, #tpu.memory_space<vmem>>
      %dma_start3A_139 = arith.constant 0 : i32
      %dma_start3A_140 = arith.constant 0 : i32
      %dma_start3A_141 = tpu.memref_slice %arg17[%dma_start3A_139, %dma_start3A_140] : memref<10112x16xf32, #tpu.memory_space<vmem_shared>> -> memref<10112x16xf32, #tpu.memory_space<vmem_shared>>
      tpu.enqueue_indirect_dma source(%arg11 : memref<128x16xf32, #tpu.memory_space<vmem>>) target(%dma_start3A_141 : memref<10112x16xf32, #tpu.memory_space<vmem_shared>>) offsets(%dma_start3A_138 : memref<128xi32, #tpu.memory_space<vmem>>) semaphore(%arg30 : memref<!tpu.dma_semaphore, #tpu.memory_space<semaphore_mem>>) {add = true}
      %dma_wait3A_142 = arith.constant 76 : i32
      %dma_wait3A_143 = arith.constant 0 : i32
      %dma_wait3A_144 = tpu.memref_slice %arg6[%dma_wait3A_142, %dma_wait3A_143] : memref<80x128xi32, #tpu.memory_space<vmem>> -> memref<1x128xi32, #tpu.memory_space<vmem>>
      %dma_wait3A_145 = tpu.memref_squeeze %dma_wait3A_144 : memref<1x128xi32, #tpu.memory_space<vmem>> -> memref<128xi32, #tpu.memory_space<vmem>>
      %dma_wait3A_146 = arith.constant 0 : i32
      %dma_wait3A_147 = arith.constant 0 : i32
      %dma_wait3A_148 = tpu.memref_slice %arg18[%dma_wait3A_146, %dma_wait3A_147] : memref<10112x16xf32, #tpu.memory_space<vmem_shared>> -> memref<10112x16xf32, #tpu.memory_space<vmem_shared>>
      tpu.wait_indirect_dma semaphore(%arg23 : memref<!tpu.dma_semaphore, #tpu.memory_space<semaphore_mem>>) src(%dma_wait3A_148 : memref<10112x16xf32, #tpu.memory_space<vmem_shared>>) dst(%arg12 : memref<128x16xf32, #tpu.memory_space<vmem>>)
      %dma_start3A_149 = arith.constant 76 : i32
      %dma_start3A_150 = arith.constant 0 : i32
      %dma_start3A_151 = tpu.memref_slice %arg7[%dma_start3A_149, %dma_start3A_150] : memref<80x128xi32, #tpu.memory_space<vmem>> -> memref<1x128xi32, #tpu.memory_space<vmem>>
      %dma_start3A_152 = tpu.memref_squeeze %dma_start3A_151 : memref<1x128xi32, #tpu.memory_space<vmem>> -> memref<128xi32, #tpu.memory_space<vmem>>
      %dma_start3A_153 = arith.constant 0 : i32
      %dma_start3A_154 = arith.constant 0 : i32
      %dma_start3A_155 = tpu.memref_slice %arg17[%dma_start3A_153, %dma_start3A_154] : memref<10112x16xf32, #tpu.memory_space<vmem_shared>> -> memref<10112x16xf32, #tpu.memory_space<vmem_shared>>
      tpu.enqueue_indirect_dma source(%arg12 : memref<128x16xf32, #tpu.memory_space<vmem>>) target(%dma_start3A_155 : memref<10112x16xf32, #tpu.memory_space<vmem_shared>>) offsets(%dma_start3A_152 : memref<128xi32, #tpu.memory_space<vmem>>) semaphore(%arg31 : memref<!tpu.dma_semaphore, #tpu.memory_space<semaphore_mem>>) {add = true}
      %dma_wait3A_156 = arith.constant 77 : i32
      %dma_wait3A_157 = arith.constant 0 : i32
      %dma_wait3A_158 = tpu.memref_slice %arg6[%dma_wait3A_156, %dma_wait3A_157] : memref<80x128xi32, #tpu.memory_space<vmem>> -> memref<1x128xi32, #tpu.memory_space<vmem>>
      %dma_wait3A_159 = tpu.memref_squeeze %dma_wait3A_158 : memref<1x128xi32, #tpu.memory_space<vmem>> -> memref<128xi32, #tpu.memory_space<vmem>>
      %dma_wait3A_160 = arith.constant 0 : i32
      %dma_wait3A_161 = arith.constant 0 : i32
      %dma_wait3A_162 = tpu.memref_slice %arg18[%dma_wait3A_160, %dma_wait3A_161] : memref<10112x16xf32, #tpu.memory_space<vmem_shared>> -> memref<10112x16xf32, #tpu.memory_space<vmem_shared>>
      tpu.wait_indirect_dma semaphore(%arg24 : memref<!tpu.dma_semaphore, #tpu.memory_space<semaphore_mem>>) src(%dma_wait3A_162 : memref<10112x16xf32, #tpu.memory_space<vmem_shared>>) dst(%arg13 : memref<128x16xf32, #tpu.memory_space<vmem>>)
      %dma_start3A_163 = arith.constant 77 : i32
      %dma_start3A_164 = arith.constant 0 : i32
      %dma_start3A_165 = tpu.memref_slice %arg7[%dma_start3A_163, %dma_start3A_164] : memref<80x128xi32, #tpu.memory_space<vmem>> -> memref<1x128xi32, #tpu.memory_space<vmem>>
      %dma_start3A_166 = tpu.memref_squeeze %dma_start3A_165 : memref<1x128xi32, #tpu.memory_space<vmem>> -> memref<128xi32, #tpu.memory_space<vmem>>
      %dma_start3A_167 = arith.constant 0 : i32
      %dma_start3A_168 = arith.constant 0 : i32
      %dma_start3A_169 = tpu.memref_slice %arg17[%dma_start3A_167, %dma_start3A_168] : memref<10112x16xf32, #tpu.memory_space<vmem_shared>> -> memref<10112x16xf32, #tpu.memory_space<vmem_shared>>
      tpu.enqueue_indirect_dma source(%arg13 : memref<128x16xf32, #tpu.memory_space<vmem>>) target(%dma_start3A_169 : memref<10112x16xf32, #tpu.memory_space<vmem_shared>>) offsets(%dma_start3A_166 : memref<128xi32, #tpu.memory_space<vmem>>) semaphore(%arg32 : memref<!tpu.dma_semaphore, #tpu.memory_space<semaphore_mem>>) {add = true}
      %dma_wait3A_170 = arith.constant 78 : i32
      %dma_wait3A_171 = arith.constant 0 : i32
      %dma_wait3A_172 = tpu.memref_slice %arg6[%dma_wait3A_170, %dma_wait3A_171] : memref<80x128xi32, #tpu.memory_space<vmem>> -> memref<1x128xi32, #tpu.memory_space<vmem>>
      %dma_wait3A_173 = tpu.memref_squeeze %dma_wait3A_172 : memref<1x128xi32, #tpu.memory_space<vmem>> -> memref<128xi32, #tpu.memory_space<vmem>>
      %dma_wait3A_174 = arith.constant 0 : i32
      %dma_wait3A_175 = arith.constant 0 : i32
      %dma_wait3A_176 = tpu.memref_slice %arg18[%dma_wait3A_174, %dma_wait3A_175] : memref<10112x16xf32, #tpu.memory_space<vmem_shared>> -> memref<10112x16xf32, #tpu.memory_space<vmem_shared>>
      tpu.wait_indirect_dma semaphore(%arg25 : memref<!tpu.dma_semaphore, #tpu.memory_space<semaphore_mem>>) src(%dma_wait3A_176 : memref<10112x16xf32, #tpu.memory_space<vmem_shared>>) dst(%arg14 : memref<128x16xf32, #tpu.memory_space<vmem>>)
      %dma_start3A_177 = arith.constant 78 : i32
      %dma_start3A_178 = arith.constant 0 : i32
      %dma_start3A_179 = tpu.memref_slice %arg7[%dma_start3A_177, %dma_start3A_178] : memref<80x128xi32, #tpu.memory_space<vmem>> -> memref<1x128xi32, #tpu.memory_space<vmem>>
      %dma_start3A_180 = tpu.memref_squeeze %dma_start3A_179 : memref<1x128xi32, #tpu.memory_space<vmem>> -> memref<128xi32, #tpu.memory_space<vmem>>
      %dma_start3A_181 = arith.constant 0 : i32
      %dma_start3A_182 = arith.constant 0 : i32
      %dma_start3A_183 = tpu.memref_slice %arg17[%dma_start3A_181, %dma_start3A_182] : memref<10112x16xf32, #tpu.memory_space<vmem_shared>> -> memref<10112x16xf32, #tpu.memory_space<vmem_shared>>
      tpu.enqueue_indirect_dma source(%arg14 : memref<128x16xf32, #tpu.memory_space<vmem>>) target(%dma_start3A_183 : memref<10112x16xf32, #tpu.memory_space<vmem_shared>>) offsets(%dma_start3A_180 : memref<128xi32, #tpu.memory_space<vmem>>) semaphore(%arg33 : memref<!tpu.dma_semaphore, #tpu.memory_space<semaphore_mem>>) {add = true}
      %dma_wait3A_184 = arith.constant 79 : i32
      %dma_wait3A_185 = arith.constant 0 : i32
      %dma_wait3A_186 = tpu.memref_slice %arg6[%dma_wait3A_184, %dma_wait3A_185] : memref<80x128xi32, #tpu.memory_space<vmem>> -> memref<1x128xi32, #tpu.memory_space<vmem>>
      %dma_wait3A_187 = tpu.memref_squeeze %dma_wait3A_186 : memref<1x128xi32, #tpu.memory_space<vmem>> -> memref<128xi32, #tpu.memory_space<vmem>>
      %dma_wait3A_188 = arith.constant 0 : i32
      %dma_wait3A_189 = arith.constant 0 : i32
      %dma_wait3A_190 = tpu.memref_slice %arg18[%dma_wait3A_188, %dma_wait3A_189] : memref<10112x16xf32, #tpu.memory_space<vmem_shared>> -> memref<10112x16xf32, #tpu.memory_space<vmem_shared>>
      tpu.wait_indirect_dma semaphore(%arg26 : memref<!tpu.dma_semaphore, #tpu.memory_space<semaphore_mem>>) src(%dma_wait3A_190 : memref<10112x16xf32, #tpu.memory_space<vmem_shared>>) dst(%arg15 : memref<128x16xf32, #tpu.memory_space<vmem>>)
      %dma_start3A_191 = arith.constant 79 : i32
      %dma_start3A_192 = arith.constant 0 : i32
      %dma_start3A_193 = tpu.memref_slice %arg7[%dma_start3A_191, %dma_start3A_192] : memref<80x128xi32, #tpu.memory_space<vmem>> -> memref<1x128xi32, #tpu.memory_space<vmem>>
      %dma_start3A_194 = tpu.memref_squeeze %dma_start3A_193 : memref<1x128xi32, #tpu.memory_space<vmem>> -> memref<128xi32, #tpu.memory_space<vmem>>
      %dma_start3A_195 = arith.constant 0 : i32
      %dma_start3A_196 = arith.constant 0 : i32
      %dma_start3A_197 = tpu.memref_slice %arg17[%dma_start3A_195, %dma_start3A_196] : memref<10112x16xf32, #tpu.memory_space<vmem_shared>> -> memref<10112x16xf32, #tpu.memory_space<vmem_shared>>
      tpu.enqueue_indirect_dma source(%arg15 : memref<128x16xf32, #tpu.memory_space<vmem>>) target(%dma_start3A_197 : memref<10112x16xf32, #tpu.memory_space<vmem_shared>>) offsets(%dma_start3A_194 : memref<128xi32, #tpu.memory_space<vmem>>) semaphore(%arg34 : memref<!tpu.dma_semaphore, #tpu.memory_space<semaphore_mem>>) {add = true}
      %dma_wait3A_198 = arith.constant 72 : i32
      %dma_wait3A_199 = arith.constant 0 : i32
      %dma_wait3A_200 = tpu.memref_slice %arg7[%dma_wait3A_198, %dma_wait3A_199] : memref<80x128xi32, #tpu.memory_space<vmem>> -> memref<1x128xi32, #tpu.memory_space<vmem>>
      %dma_wait3A_201 = tpu.memref_squeeze %dma_wait3A_200 : memref<1x128xi32, #tpu.memory_space<vmem>> -> memref<128xi32, #tpu.memory_space<vmem>>
      %dma_wait3A_202 = arith.constant 0 : i32
      %dma_wait3A_203 = arith.constant 0 : i32
      %dma_wait3A_204 = tpu.memref_slice %arg17[%dma_wait3A_202, %dma_wait3A_203] : memref<10112x16xf32, #tpu.memory_space<vmem_shared>> -> memref<10112x16xf32, #tpu.memory_space<vmem_shared>>
      tpu.wait_indirect_dma semaphore(%arg27 : memref<!tpu.dma_semaphore, #tpu.memory_space<semaphore_mem>>) src(%arg8 : memref<128x16xf32, #tpu.memory_space<vmem>>) dst(%dma_wait3A_204 : memref<10112x16xf32, #tpu.memory_space<vmem_shared>>)
      %dma_wait3A_205 = arith.constant 73 : i32
      %dma_wait3A_206 = arith.constant 0 : i32
      %dma_wait3A_207 = tpu.memref_slice %arg7[%dma_wait3A_205, %dma_wait3A_206] : memref<80x128xi32, #tpu.memory_space<vmem>> -> memref<1x128xi32, #tpu.memory_space<vmem>>
      %dma_wait3A_208 = tpu.memref_squeeze %dma_wait3A_207 : memref<1x128xi32, #tpu.memory_space<vmem>> -> memref<128xi32, #tpu.memory_space<vmem>>
      %dma_wait3A_209 = arith.constant 0 : i32
      %dma_wait3A_210 = arith.constant 0 : i32
      %dma_wait3A_211 = tpu.memref_slice %arg17[%dma_wait3A_209, %dma_wait3A_210] : memref<10112x16xf32, #tpu.memory_space<vmem_shared>> -> memref<10112x16xf32, #tpu.memory_space<vmem_shared>>
      tpu.wait_indirect_dma semaphore(%arg28 : memref<!tpu.dma_semaphore, #tpu.memory_space<semaphore_mem>>) src(%arg9 : memref<128x16xf32, #tpu.memory_space<vmem>>) dst(%dma_wait3A_211 : memref<10112x16xf32, #tpu.memory_space<vmem_shared>>)
      %dma_wait3A_212 = arith.constant 74 : i32
      %dma_wait3A_213 = arith.constant 0 : i32
      %dma_wait3A_214 = tpu.memref_slice %arg7[%dma_wait3A_212, %dma_wait3A_213] : memref<80x128xi32, #tpu.memory_space<vmem>> -> memref<1x128xi32, #tpu.memory_space<vmem>>
      %dma_wait3A_215 = tpu.memref_squeeze %dma_wait3A_214 : memref<1x128xi32, #tpu.memory_space<vmem>> -> memref<128xi32, #tpu.memory_space<vmem>>
      %dma_wait3A_216 = arith.constant 0 : i32
      %dma_wait3A_217 = arith.constant 0 : i32
      %dma_wait3A_218 = tpu.memref_slice %arg17[%dma_wait3A_216, %dma_wait3A_217] : memref<10112x16xf32, #tpu.memory_space<vmem_shared>> -> memref<10112x16xf32, #tpu.memory_space<vmem_shared>>
      tpu.wait_indirect_dma semaphore(%arg29 : memref<!tpu.dma_semaphore, #tpu.memory_space<semaphore_mem>>) src(%arg10 : memref<128x16xf32, #tpu.memory_space<vmem>>) dst(%dma_wait3A_218 : memref<10112x16xf32, #tpu.memory_space<vmem_shared>>)
      %dma_wait3A_219 = arith.constant 75 : i32
      %dma_wait3A_220 = arith.constant 0 : i32
      %dma_wait3A_221 = tpu.memref_slice %arg7[%dma_wait3A_219, %dma_wait3A_220] : memref<80x128xi32, #tpu.memory_space<vmem>> -> memref<1x128xi32, #tpu.memory_space<vmem>>
      %dma_wait3A_222 = tpu.memref_squeeze %dma_wait3A_221 : memref<1x128xi32, #tpu.memory_space<vmem>> -> memref<128xi32, #tpu.memory_space<vmem>>
      %dma_wait3A_223 = arith.constant 0 : i32
      %dma_wait3A_224 = arith.constant 0 : i32
      %dma_wait3A_225 = tpu.memref_slice %arg17[%dma_wait3A_223, %dma_wait3A_224] : memref<10112x16xf32, #tpu.memory_space<vmem_shared>> -> memref<10112x16xf32, #tpu.memory_space<vmem_shared>>
      tpu.wait_indirect_dma semaphore(%arg30 : memref<!tpu.dma_semaphore, #tpu.memory_space<semaphore_mem>>) src(%arg11 : memref<128x16xf32, #tpu.memory_space<vmem>>) dst(%dma_wait3A_225 : memref<10112x16xf32, #tpu.memory_space<vmem_shared>>)
      %dma_wait3A_226 = arith.constant 76 : i32
      %dma_wait3A_227 = arith.constant 0 : i32
      %dma_wait3A_228 = tpu.memref_slice %arg7[%dma_wait3A_226, %dma_wait3A_227] : memref<80x128xi32, #tpu.memory_space<vmem>> -> memref<1x128xi32, #tpu.memory_space<vmem>>
      %dma_wait3A_229 = tpu.memref_squeeze %dma_wait3A_228 : memref<1x128xi32, #tpu.memory_space<vmem>> -> memref<128xi32, #tpu.memory_space<vmem>>
      %dma_wait3A_230 = arith.constant 0 : i32
      %dma_wait3A_231 = arith.constant 0 : i32
      %dma_wait3A_232 = tpu.memref_slice %arg17[%dma_wait3A_230, %dma_wait3A_231] : memref<10112x16xf32, #tpu.memory_space<vmem_shared>> -> memref<10112x16xf32, #tpu.memory_space<vmem_shared>>
      tpu.wait_indirect_dma semaphore(%arg31 : memref<!tpu.dma_semaphore, #tpu.memory_space<semaphore_mem>>) src(%arg12 : memref<128x16xf32, #tpu.memory_space<vmem>>) dst(%dma_wait3A_232 : memref<10112x16xf32, #tpu.memory_space<vmem_shared>>)
      %dma_wait3A_233 = arith.constant 77 : i32
      %dma_wait3A_234 = arith.constant 0 : i32
      %dma_wait3A_235 = tpu.memref_slice %arg7[%dma_wait3A_233, %dma_wait3A_234] : memref<80x128xi32, #tpu.memory_space<vmem>> -> memref<1x128xi32, #tpu.memory_space<vmem>>
      %dma_wait3A_236 = tpu.memref_squeeze %dma_wait3A_235 : memref<1x128xi32, #tpu.memory_space<vmem>> -> memref<128xi32, #tpu.memory_space<vmem>>
      %dma_wait3A_237 = arith.constant 0 : i32
      %dma_wait3A_238 = arith.constant 0 : i32
      %dma_wait3A_239 = tpu.memref_slice %arg17[%dma_wait3A_237, %dma_wait3A_238] : memref<10112x16xf32, #tpu.memory_space<vmem_shared>> -> memref<10112x16xf32, #tpu.memory_space<vmem_shared>>
      tpu.wait_indirect_dma semaphore(%arg32 : memref<!tpu.dma_semaphore, #tpu.memory_space<semaphore_mem>>) src(%arg13 : memref<128x16xf32, #tpu.memory_space<vmem>>) dst(%dma_wait3A_239 : memref<10112x16xf32, #tpu.memory_space<vmem_shared>>)
      %dma_wait3A_240 = arith.constant 78 : i32
      %dma_wait3A_241 = arith.constant 0 : i32
      %dma_wait3A_242 = tpu.memref_slice %arg7[%dma_wait3A_240, %dma_wait3A_241] : memref<80x128xi32, #tpu.memory_space<vmem>> -> memref<1x128xi32, #tpu.memory_space<vmem>>
      %dma_wait3A_243 = tpu.memref_squeeze %dma_wait3A_242 : memref<1x128xi32, #tpu.memory_space<vmem>> -> memref<128xi32, #tpu.memory_space<vmem>>
      %dma_wait3A_244 = arith.constant 0 : i32
      %dma_wait3A_245 = arith.constant 0 : i32
      %dma_wait3A_246 = tpu.memref_slice %arg17[%dma_wait3A_244, %dma_wait3A_245] : memref<10112x16xf32, #tpu.memory_space<vmem_shared>> -> memref<10112x16xf32, #tpu.memory_space<vmem_shared>>
      tpu.wait_indirect_dma semaphore(%arg33 : memref<!tpu.dma_semaphore, #tpu.memory_space<semaphore_mem>>) src(%arg14 : memref<128x16xf32, #tpu.memory_space<vmem>>) dst(%dma_wait3A_246 : memref<10112x16xf32, #tpu.memory_space<vmem_shared>>)
      %dma_wait3A_247 = arith.constant 79 : i32
      %dma_wait3A_248 = arith.constant 0 : i32
      %dma_wait3A_249 = tpu.memref_slice %arg7[%dma_wait3A_247, %dma_wait3A_248] : memref<80x128xi32, #tpu.memory_space<vmem>> -> memref<1x128xi32, #tpu.memory_space<vmem>>
      %dma_wait3A_250 = tpu.memref_squeeze %dma_wait3A_249 : memref<1x128xi32, #tpu.memory_space<vmem>> -> memref<128xi32, #tpu.memory_space<vmem>>
      %dma_wait3A_251 = arith.constant 0 : i32
      %dma_wait3A_252 = arith.constant 0 : i32
      %dma_wait3A_253 = tpu.memref_slice %arg17[%dma_wait3A_251, %dma_wait3A_252] : memref<10112x16xf32, #tpu.memory_space<vmem_shared>> -> memref<10112x16xf32, #tpu.memory_space<vmem_shared>>
      tpu.wait_indirect_dma semaphore(%arg34 : memref<!tpu.dma_semaphore, #tpu.memory_space<semaphore_mem>>) src(%arg15 : memref<128x16xf32, #tpu.memory_space<vmem>>) dst(%dma_wait3A_253 : memref<10112x16xf32, #tpu.memory_space<vmem_shared>>)
    } else {
    }
    %barrier3A_16 = arith.constant 0 : index
    tpu.barrier barrier_id(%barrier3A_16)
    %mul3A_17 = arith.constant 632 : i32
    %mul3A_18 = arith.muli %arg1, %mul3A_17 : i32
    %mul3A_19 = arith.constant 10112 : i32
    %mul3A_20 = arith.muli %arg0, %mul3A_19 : i32
    %mul3A_21 = arith.constant 632 : i32
    %mul3A_22 = arith.muli %arg1, %mul3A_21 : i32
    %add3A = arith.addi %mul3A_20, %mul3A_22 : i32
    "tpu.region"() ({
      %run_scoped3A = tpu.sem_alloc : memref<!tpu.dma_semaphore, #tpu.memory_space<semaphore_mem>>
      %dma_start3A = arith.constant 0 : i32
      %dma_start3A_23 = tpu.memref_slice %arg5[%add3A, %dma_start3A] : memref<20224x16xf32, #tpu.memory_space<hbm>> -> memref<632x16xf32, #tpu.memory_space<hbm>>
      %dma_start3A_24 = arith.constant 0 : i32
      %dma_start3A_25 = tpu.memref_slice %arg17[%mul3A_18, %dma_start3A_24] : memref<10112x16xf32, #tpu.memory_space<vmem_shared>> -> memref<632x16xf32, #tpu.memory_space<vmem_shared>>
      tpu.enqueue_dma source(%dma_start3A_25 : memref<632x16xf32, #tpu.memory_space<vmem_shared>>) target(%dma_start3A_23 : memref<632x16xf32, #tpu.memory_space<hbm>>) target_semaphore(%run_scoped3A : memref<!tpu.dma_semaphore, #tpu.memory_space<semaphore_mem>>)
      %dma_wait3A = arith.constant 0 : i32
      %dma_wait3A_26 = tpu.memref_slice %arg5[%add3A, %dma_wait3A] : memref<20224x16xf32, #tpu.memory_space<hbm>> -> memref<632x16xf32, #tpu.memory_space<hbm>>
      %dma_wait3A_27 = arith.constant 0 : i32
      %dma_wait3A_28 = tpu.memref_slice %arg17[%mul3A_18, %dma_wait3A_27] : memref<10112x16xf32, #tpu.memory_space<vmem_shared>> -> memref<632x16xf32, #tpu.memory_space<vmem_shared>>
      tpu.wait_dma2 semaphore(%run_scoped3A : memref<!tpu.dma_semaphore, #tpu.memory_space<semaphore_mem>>) src(%dma_wait3A_28 : memref<632x16xf32, #tpu.memory_space<vmem_shared>>) dst(%dma_wait3A_26 : memref<632x16xf32, #tpu.memory_space<hbm>>)
      tpu.yield
    }) : () -> ()
    return
  }
}

module attributes {stable_mosaic.version = 14 : i64} {
  func.func @body(%arg0: memref<1264x8x128xf32, #tpu.memory_space<vmem>>, %arg1: memref<128x16xf32, #tpu.memory_space<vmem>>, %arg2: memref<1264x128xf32, #tpu.memory_space<vmem>>) attributes {dimension_semantics = [], scalar_prefetch = 0 : i64, scratch_operands = 0 : i64, tpu.core_type = #tpu.core_type<tc>} {
    %get3A = arith.constant 0 : index
    %get3A_0 = arith.constant 0 : index
    %get3A_1 = arith.constant 0 : index
    %get3A_2 = vector.load %arg0[%get3A, %get3A_0, %get3A_1] : memref<1264x8x128xf32, #tpu.memory_space<vmem>>, vector<1264x8x128xf32>
    %get3A_3 = arith.constant 0 : index
    %get3A_4 = arith.constant 0 : index
    %get3A_5 = vector.load %arg1[%get3A_3, %get3A_4] : memref<128x16xf32, #tpu.memory_space<vmem>>, vector<128x16xf32>
    %slice3A = vector.extract_strided_slice %get3A_2 {offsets = [0, 0, 0], sizes = [1264, 1, 128], strides = [1, 1, 1]} : vector<1264x8x128xf32> to vector<1264x1x128xf32>
    %squeeze3A = vector.shape_cast %slice3A : vector<1264x1x128xf32> to vector<1264x128xf32>
    %dot_general3A = arith.constant dense<0.000000e+00> : vector<1264x16xf32>
    %dot_general3A_6 = tpu.matmul %squeeze3A, %get3A_5, %dot_general3A {dimension_numbers = #tpu.dot_dimension_numbers<[1], [0], [0], [1], [0, 0, 1, 1], [], []>, transpose_lhs_hint = false} : vector<1264x128xf32>, vector<128x16xf32>, vector<1264x16xf32> -> vector<1264x16xf32>
    %slice3A_7 = vector.extract_strided_slice %get3A_2 {offsets = [0, 1, 0], sizes = [1264, 1, 128], strides = [1, 1, 1]} : vector<1264x8x128xf32> to vector<1264x1x128xf32>
    %squeeze3A_8 = vector.shape_cast %slice3A_7 : vector<1264x1x128xf32> to vector<1264x128xf32>
    %dot_general3A_9 = arith.constant dense<0.000000e+00> : vector<1264x16xf32>
    %dot_general3A_10 = tpu.matmul %squeeze3A_8, %get3A_5, %dot_general3A_9 {dimension_numbers = #tpu.dot_dimension_numbers<[1], [0], [0], [1], [0, 0, 1, 1], [], []>, transpose_lhs_hint = false} : vector<1264x128xf32>, vector<128x16xf32>, vector<1264x16xf32> -> vector<1264x16xf32>
    %slice3A_11 = vector.extract_strided_slice %get3A_2 {offsets = [0, 2, 0], sizes = [1264, 1, 128], strides = [1, 1, 1]} : vector<1264x8x128xf32> to vector<1264x1x128xf32>
    %squeeze3A_12 = vector.shape_cast %slice3A_11 : vector<1264x1x128xf32> to vector<1264x128xf32>
    %dot_general3A_13 = arith.constant dense<0.000000e+00> : vector<1264x16xf32>
    %dot_general3A_14 = tpu.matmul %squeeze3A_12, %get3A_5, %dot_general3A_13 {dimension_numbers = #tpu.dot_dimension_numbers<[1], [0], [0], [1], [0, 0, 1, 1], [], []>, transpose_lhs_hint = false} : vector<1264x128xf32>, vector<128x16xf32>, vector<1264x16xf32> -> vector<1264x16xf32>
    %slice3A_15 = vector.extract_strided_slice %get3A_2 {offsets = [0, 3, 0], sizes = [1264, 1, 128], strides = [1, 1, 1]} : vector<1264x8x128xf32> to vector<1264x1x128xf32>
    %squeeze3A_16 = vector.shape_cast %slice3A_15 : vector<1264x1x128xf32> to vector<1264x128xf32>
    %dot_general3A_17 = arith.constant dense<0.000000e+00> : vector<1264x16xf32>
    %dot_general3A_18 = tpu.matmul %squeeze3A_16, %get3A_5, %dot_general3A_17 {dimension_numbers = #tpu.dot_dimension_numbers<[1], [0], [0], [1], [0, 0, 1, 1], [], []>, transpose_lhs_hint = false} : vector<1264x128xf32>, vector<128x16xf32>, vector<1264x16xf32> -> vector<1264x16xf32>
    %slice3A_19 = vector.extract_strided_slice %get3A_2 {offsets = [0, 4, 0], sizes = [1264, 1, 128], strides = [1, 1, 1]} : vector<1264x8x128xf32> to vector<1264x1x128xf32>
    %squeeze3A_20 = vector.shape_cast %slice3A_19 : vector<1264x1x128xf32> to vector<1264x128xf32>
    %dot_general3A_21 = arith.constant dense<0.000000e+00> : vector<1264x16xf32>
    %dot_general3A_22 = tpu.matmul %squeeze3A_20, %get3A_5, %dot_general3A_21 {dimension_numbers = #tpu.dot_dimension_numbers<[1], [0], [0], [1], [0, 0, 1, 1], [], []>, transpose_lhs_hint = false} : vector<1264x128xf32>, vector<128x16xf32>, vector<1264x16xf32> -> vector<1264x16xf32>
    %slice3A_23 = vector.extract_strided_slice %get3A_2 {offsets = [0, 5, 0], sizes = [1264, 1, 128], strides = [1, 1, 1]} : vector<1264x8x128xf32> to vector<1264x1x128xf32>
    %squeeze3A_24 = vector.shape_cast %slice3A_23 : vector<1264x1x128xf32> to vector<1264x128xf32>
    %dot_general3A_25 = arith.constant dense<0.000000e+00> : vector<1264x16xf32>
    %dot_general3A_26 = tpu.matmul %squeeze3A_24, %get3A_5, %dot_general3A_25 {dimension_numbers = #tpu.dot_dimension_numbers<[1], [0], [0], [1], [0, 0, 1, 1], [], []>, transpose_lhs_hint = false} : vector<1264x128xf32>, vector<128x16xf32>, vector<1264x16xf32> -> vector<1264x16xf32>
    %slice3A_27 = vector.extract_strided_slice %get3A_2 {offsets = [0, 6, 0], sizes = [1264, 1, 128], strides = [1, 1, 1]} : vector<1264x8x128xf32> to vector<1264x1x128xf32>
    %squeeze3A_28 = vector.shape_cast %slice3A_27 : vector<1264x1x128xf32> to vector<1264x128xf32>
    %dot_general3A_29 = arith.constant dense<0.000000e+00> : vector<1264x16xf32>
    %dot_general3A_30 = tpu.matmul %squeeze3A_28, %get3A_5, %dot_general3A_29 {dimension_numbers = #tpu.dot_dimension_numbers<[1], [0], [0], [1], [0, 0, 1, 1], [], []>, transpose_lhs_hint = false} : vector<1264x128xf32>, vector<128x16xf32>, vector<1264x16xf32> -> vector<1264x16xf32>
    %slice3A_31 = vector.extract_strided_slice %get3A_2 {offsets = [0, 7, 0], sizes = [1264, 1, 128], strides = [1, 1, 1]} : vector<1264x8x128xf32> to vector<1264x1x128xf32>
    %squeeze3A_32 = vector.shape_cast %slice3A_31 : vector<1264x1x128xf32> to vector<1264x128xf32>
    %dot_general3A_33 = arith.constant dense<0.000000e+00> : vector<1264x16xf32>
    %dot_general3A_34 = tpu.matmul %squeeze3A_32, %get3A_5, %dot_general3A_33 {dimension_numbers = #tpu.dot_dimension_numbers<[1], [0], [0], [1], [0, 0, 1, 1], [], []>, transpose_lhs_hint = false} : vector<1264x128xf32>, vector<128x16xf32>, vector<1264x16xf32> -> vector<1264x16xf32>
    %concatenate3A = tpu.concatenate %dot_general3A_6, %dot_general3A_10, %dot_general3A_14, %dot_general3A_18, %dot_general3A_22, %dot_general3A_26, %dot_general3A_30, %dot_general3A_34 in 1 : vector<1264x16xf32>, vector<1264x16xf32>, vector<1264x16xf32>, vector<1264x16xf32>, vector<1264x16xf32>, vector<1264x16xf32>, vector<1264x16xf32>, vector<1264x16xf32> -> vector<1264x128xf32>
    %swap3A = arith.constant 0 : index
    %swap3A_35 = arith.constant 0 : index
    %swap3A_36 = vector.load %arg2[%swap3A, %swap3A_35] : memref<1264x128xf32, #tpu.memory_space<vmem>>, vector<1264x128xf32>
    tpu.vector_store %arg2[%swap3A, %swap3A_35], %concatenate3A {strides = array<i32>} : memref<1264x128xf32, #tpu.memory_space<vmem>>, vector<1264x128xf32>,
    return
  }
}

module attributes {stable_mosaic.version = 14 : i64} {
  func.func @body(%arg0: memref<2528x128xf32, #tpu.memory_space<vmem>>, %arg1: memref<1264x128xf32, #tpu.memory_space<vmem>>, %arg2: memref<1264x128xf32, #tpu.memory_space<vmem>>, %arg3: memref<1264x128xf32, #tpu.memory_space<vmem>>) attributes {dimension_semantics = [], scalar_prefetch = 0 : i64, scratch_operands = 0 : i64, tpu.core_type = #tpu.core_type<tc>} {
    %get3A = arith.constant 0 : index
    %get3A_0 = arith.constant 0 : index
    %get3A_1 = vector.load %arg0[%get3A, %get3A_0] : memref<2528x128xf32, #tpu.memory_space<vmem>>, vector<2528x128xf32>
    %slice3A = vector.extract_strided_slice %get3A_1 {offsets = [0, 0], sizes = [1264, 128], strides = [1, 1]} : vector<2528x128xf32> to vector<1264x128xf32>
    %slice3A_2 = vector.extract_strided_slice %get3A_1 {offsets = [1264, 0], sizes = [1264, 128], strides = [1, 1]} : vector<2528x128xf32> to vector<1264x128xf32>
    %add3A = arith.addf %slice3A, %slice3A_2 : vector<1264x128xf32>
    %add3A_3 = arith.constant 1.000000e+00 : f32
    %add3A_4 = vector.broadcast %add3A_3 : f32 to vector<1264x128xf32>
    %add3A_5 = arith.addf %add3A, %add3A_4 : vector<1264x128xf32>
    %rsqrt3A = math.rsqrt %add3A_5 : vector<1264x128xf32>
    %get3A_6 = arith.constant 0 : index
    %get3A_7 = arith.constant 0 : index
    %get3A_8 = vector.load %arg1[%get3A_6, %get3A_7] : memref<1264x128xf32, #tpu.memory_space<vmem>>, vector<1264x128xf32>
    %mul3A = arith.mulf %get3A_8, %rsqrt3A : vector<1264x128xf32>
    %swap3A = arith.constant 0 : index
    %swap3A_9 = arith.constant 0 : index
    %swap3A_10 = vector.load %arg2[%swap3A, %swap3A_9] : memref<1264x128xf32, #tpu.memory_space<vmem>>, vector<1264x128xf32>
    tpu.vector_store %arg2[%swap3A, %swap3A_9], %mul3A {strides = array<i32>} : memref<1264x128xf32, #tpu.memory_space<vmem>>, vector<1264x128xf32>,
    %swap3A_11 = arith.constant 0 : index
    %swap3A_12 = arith.constant 0 : index
    %swap3A_13 = vector.load %arg3[%swap3A_11, %swap3A_12] : memref<1264x128xf32, #tpu.memory_space<vmem>>, vector<1264x128xf32>
    tpu.vector_store %arg3[%swap3A_11, %swap3A_12], %rsqrt3A {strides = array<i32>} : memref<1264x128xf32, #tpu.memory_space<vmem>>, vector<1264x128xf32>,
    return
  }
}

module attributes {stable_mosaic.version = 14 : i64} {
  func.func @body(%arg0: memref<2528x128xf32, #tpu.memory_space<vmem>>, %arg1: memref<1264x128xf32, #tpu.memory_space<vmem>>, %arg2: memref<1264x128xf32, #tpu.memory_space<vmem>>, %arg3: memref<16x16xf32, #tpu.memory_space<vmem>>, %arg4: memref<1x16xf32, #tpu.memory_space<vmem>>, %arg5: memref<1264x128xf32, #tpu.memory_space<vmem>>) attributes {dimension_semantics = [], scalar_prefetch = 0 : i64, scratch_operands = 0 : i64, tpu.core_type = #tpu.core_type<tc>} {
    %get3A = arith.constant 0 : index
    %get3A_0 = arith.constant 0 : index
    %get3A_1 = vector.load %arg0[%get3A, %get3A_0] : memref<2528x128xf32, #tpu.memory_space<vmem>>, vector<2528x128xf32>
    %get3A_2 = arith.constant 0 : index
    %get3A_3 = arith.constant 0 : index
    %get3A_4 = vector.load %arg2[%get3A_2, %get3A_3] : memref<1264x128xf32, #tpu.memory_space<vmem>>, vector<1264x128xf32>
    %slice3A = vector.extract_strided_slice %get3A_1 {offsets = [0, 0], sizes = [1264, 128], strides = [1, 1]} : vector<2528x128xf32> to vector<1264x128xf32>
    %slice3A_5 = vector.extract_strided_slice %get3A_1 {offsets = [1264, 0], sizes = [1264, 128], strides = [1, 1]} : vector<2528x128xf32> to vector<1264x128xf32>
    %add3A = arith.addf %slice3A, %slice3A_5 : vector<1264x128xf32>
    %get3A_6 = arith.constant 0 : index
    %get3A_7 = arith.constant 0 : index
    %get3A_8 = vector.load %arg1[%get3A_6, %get3A_7] : memref<1264x128xf32, #tpu.memory_space<vmem>>, vector<1264x128xf32>
    %add3A_9 = arith.addf %add3A, %get3A_8 : vector<1264x128xf32>
    %mul3A = arith.mulf %add3A_9, %get3A_4 : vector<1264x128xf32>
    %get3A_10 = arith.constant 0 : index
    %get3A_11 = arith.constant 0 : index
    %get3A_12 = vector.load %arg4[%get3A_10, %get3A_11] : memref<1x16xf32, #tpu.memory_space<vmem>>, vector<1x16xf32>
    %tile3A = tpu.concatenate %get3A_12, %get3A_12, %get3A_12, %get3A_12, %get3A_12, %get3A_12, %get3A_12, %get3A_12 in 1 : vector<1x16xf32>, vector<1x16xf32>, vector<1x16xf32>, vector<1x16xf32>, vector<1x16xf32>, vector<1x16xf32>, vector<1x16xf32>, vector<1x16xf32> -> vector<1x128xf32>
    %add3A_13 = vector.broadcast %tile3A : vector<1x128xf32> to vector<1264x128xf32>
    %add3A_14 = arith.addf %mul3A, %add3A_13 : vector<1264x128xf32>
    %max3A = arith.constant 0.000000e+00 : f32
    %max3A_15 = vector.broadcast %max3A : f32 to vector<1264x128xf32>
    %max3A_16 = arith.maximumf %add3A_14, %max3A_15 : vector<1264x128xf32>
    %get3A_17 = arith.constant 0 : index
    %get3A_18 = arith.constant 0 : index
    %get3A_19 = vector.load %arg3[%get3A_17, %get3A_18] : memref<16x16xf32, #tpu.memory_space<vmem>>, vector<16x16xf32>
    %tile3A_20 = tpu.concatenate %get3A_19, %get3A_19, %get3A_19, %get3A_19, %get3A_19, %get3A_19, %get3A_19, %get3A_19 in 0 : vector<16x16xf32>, vector<16x16xf32>, vector<16x16xf32>, vector<16x16xf32>, vector<16x16xf32>, vector<16x16xf32>, vector<16x16xf32>, vector<16x16xf32> -> vector<128x16xf32>
    %tile3A_21 = tpu.concatenate %tile3A_20, %tile3A_20, %tile3A_20, %tile3A_20, %tile3A_20, %tile3A_20, %tile3A_20, %tile3A_20 in 1 : vector<128x16xf32>, vector<128x16xf32>, vector<128x16xf32>, vector<128x16xf32>, vector<128x16xf32>, vector<128x16xf32>, vector<128x16xf32>, vector<128x16xf32> -> vector<128x128xf32>
    %iota3A = tpu.iota {dimensions = array<i32: 0>} : vector<128x128xi32>
    %jit3A = arith.constant 16 : i32
    %div3A = vector.broadcast %jit3A : i32 to vector<128x128xi32>
    %div3A_22 = arith.divsi %iota3A, %div3A : vector<128x128xi32>
    %sign3A = arith.constant 0 : i32
    %sign3A_23 = vector.broadcast %sign3A : i32 to vector<128x128xi32>
    %sign3A_24 = arith.cmpi sgt, %iota3A, %sign3A_23 : vector<128x128xi32>
    %sign3A_25 = arith.extui %sign3A_24 : vector<128x128xi1> to vector<128x128xi32>
    %sign3A_26 = arith.constant 0 : i32
    %sign3A_27 = vector.broadcast %sign3A_26 : i32 to vector<128x128xi32>
    %sign3A_28 = arith.cmpi slt, %iota3A, %sign3A_27 : vector<128x128xi32>
    %sign3A_29 = arith.extui %sign3A_28 : vector<128x128xi1> to vector<128x128xi32>
    %sign3A_30 = arith.subi %sign3A_25, %sign3A_29 : vector<128x128xi32>
    %sign3A_31 = arith.constant 0 : i32
    %sign3A_32 = arith.cmpi sgt, %jit3A, %sign3A_31 : i32
    %sign3A_33 = arith.extui %sign3A_32 : i1 to i32
    %sign3A_34 = arith.constant 0 : i32
    %sign3A_35 = arith.cmpi slt, %jit3A, %sign3A_34 : i32
    %sign3A_36 = arith.extui %sign3A_35 : i1 to i32
    %sign3A_37 = arith.subi %sign3A_33, %sign3A_36 : i32
    %ne3A = vector.broadcast %sign3A_37 : i32 to vector<128x128xi32>
    %ne3A_38 = arith.cmpi ne, %sign3A_30, %ne3A : vector<128x128xi32>
    %rem3A = vector.broadcast %jit3A : i32 to vector<128x128xi32>
    %rem3A_39 = arith.remsi %iota3A, %rem3A : vector<128x128xi32>
    %ne3A_40 = arith.constant 0 : i32
    %ne3A_41 = vector.broadcast %ne3A_40 : i32 to vector<128x128xi32>
    %ne3A_42 = arith.cmpi ne, %rem3A_39, %ne3A_41 : vector<128x128xi32>
    %and3A = arith.andi %ne3A_38, %ne3A_42 : vector<128x128xi1>
    %sub3A = arith.constant 1 : i32
    %sub3A_43 = vector.broadcast %sub3A : i32 to vector<128x128xi32>
    %sub3A_44 = arith.subi %div3A_22, %sub3A_43 : vector<128x128xi32>
    %select_n3A = arith.select %and3A, %sub3A_44, %div3A_22 : vector<128x128xi1>, vector<128x128xi32>
    %iota3A_45 = tpu.iota {dimensions = array<i32: 1>} : vector<128x128xi32>
    %jit3A_46 = arith.constant 16 : i32
    %div3A_47 = vector.broadcast %jit3A_46 : i32 to vector<128x128xi32>
    %div3A_48 = arith.divsi %iota3A_45, %div3A_47 : vector<128x128xi32>
    %sign3A_49 = arith.constant 0 : i32
    %sign3A_50 = vector.broadcast %sign3A_49 : i32 to vector<128x128xi32>
    %sign3A_51 = arith.cmpi sgt, %iota3A_45, %sign3A_50 : vector<128x128xi32>
    %sign3A_52 = arith.extui %sign3A_51 : vector<128x128xi1> to vector<128x128xi32>
    %sign3A_53 = arith.constant 0 : i32
    %sign3A_54 = vector.broadcast %sign3A_53 : i32 to vector<128x128xi32>
    %sign3A_55 = arith.cmpi slt, %iota3A_45, %sign3A_54 : vector<128x128xi32>
    %sign3A_56 = arith.extui %sign3A_55 : vector<128x128xi1> to vector<128x128xi32>
    %sign3A_57 = arith.subi %sign3A_52, %sign3A_56 : vector<128x128xi32>
    %sign3A_58 = arith.constant 0 : i32
    %sign3A_59 = arith.cmpi sgt, %jit3A_46, %sign3A_58 : i32
    %sign3A_60 = arith.extui %sign3A_59 : i1 to i32
    %sign3A_61 = arith.constant 0 : i32
    %sign3A_62 = arith.cmpi slt, %jit3A_46, %sign3A_61 : i32
    %sign3A_63 = arith.extui %sign3A_62 : i1 to i32
    %sign3A_64 = arith.subi %sign3A_60, %sign3A_63 : i32
    %ne3A_65 = vector.broadcast %sign3A_64 : i32 to vector<128x128xi32>
    %ne3A_66 = arith.cmpi ne, %sign3A_57, %ne3A_65 : vector<128x128xi32>
    %rem3A_67 = vector.broadcast %jit3A_46 : i32 to vector<128x128xi32>
    %rem3A_68 = arith.remsi %iota3A_45, %rem3A_67 : vector<128x128xi32>
    %ne3A_69 = arith.constant 0 : i32
    %ne3A_70 = vector.broadcast %ne3A_69 : i32 to vector<128x128xi32>
    %ne3A_71 = arith.cmpi ne, %rem3A_68, %ne3A_70 : vector<128x128xi32>
    %and3A_72 = arith.andi %ne3A_66, %ne3A_71 : vector<128x128xi1>
    %sub3A_73 = arith.constant 1 : i32
    %sub3A_74 = vector.broadcast %sub3A_73 : i32 to vector<128x128xi32>
    %sub3A_75 = arith.subi %div3A_48, %sub3A_74 : vector<128x128xi32>
    %select_n3A_76 = arith.select %and3A_72, %sub3A_75, %div3A_48 : vector<128x128xi1>, vector<128x128xi32>
    %eq3A = arith.cmpi eq, %select_n3A, %select_n3A_76 : vector<128x128xi32>
    %jit3A_77 = arith.constant 0.000000e+00 : f32
    %broadcast_in_dim3A = vector.broadcast %jit3A_77 : f32 to vector<128x128xf32>
    %select_n3A_78 = arith.select %eq3A, %tile3A_21, %broadcast_in_dim3A : vector<128x128xi1>, vector<128x128xf32>
    %dot_general3A = arith.constant dense<0.000000e+00> : vector<1264x128xf32>
    %dot_general3A_79 = tpu.matmul %max3A_16, %select_n3A_78, %dot_general3A {dimension_numbers = #tpu.dot_dimension_numbers<[1], [0], [0], [1], [0, 0, 1, 1], [], []>, transpose_lhs_hint = false} : vector<1264x128xf32>, vector<128x128xf32>, vector<1264x128xf32> -> vector<1264x128xf32>
    %mul3A_80 = arith.mulf %dot_general3A_79, %get3A_4 : vector<1264x128xf32>
    %swap3A = arith.constant 0 : index
    %swap3A_81 = arith.constant 0 : index
    %swap3A_82 = vector.load %arg5[%swap3A, %swap3A_81] : memref<1264x128xf32, #tpu.memory_space<vmem>>, vector<1264x128xf32>
    tpu.vector_store %arg5[%swap3A, %swap3A_81], %mul3A_80 {strides = array<i32>} : memref<1264x128xf32, #tpu.memory_space<vmem>>, vector<1264x128xf32>,
    return
  }
}

module attributes {stable_mosaic.version = 14 : i64} {
  func.func @body(%arg0: memref<2528x128xf32, #tpu.memory_space<vmem>>, %arg1: memref<1264x128xf32, #tpu.memory_space<vmem>>, %arg2: memref<1264x128xf32, #tpu.memory_space<vmem>>, %arg3: memref<1x16xf32, #tpu.memory_space<vmem>>, %arg4: memref<1264x128xf32, #tpu.memory_space<vmem>>) attributes {dimension_semantics = [], scalar_prefetch = 0 : i64, scratch_operands = 0 : i64, tpu.core_type = #tpu.core_type<tc>} {
    %get3A = arith.constant 0 : index
    %get3A_0 = arith.constant 0 : index
    %get3A_1 = vector.load %arg0[%get3A, %get3A_0] : memref<2528x128xf32, #tpu.memory_space<vmem>>, vector<2528x128xf32>
    %slice3A = vector.extract_strided_slice %get3A_1 {offsets = [0, 0], sizes = [1264, 128], strides = [1, 1]} : vector<2528x128xf32> to vector<1264x128xf32>
    %slice3A_2 = vector.extract_strided_slice %get3A_1 {offsets = [1264, 0], sizes = [1264, 128], strides = [1, 1]} : vector<2528x128xf32> to vector<1264x128xf32>
    %add3A = arith.addf %slice3A, %slice3A_2 : vector<1264x128xf32>
    %get3A_3 = arith.constant 0 : index
    %get3A_4 = arith.constant 0 : index
    %get3A_5 = vector.load %arg1[%get3A_3, %get3A_4] : memref<1264x128xf32, #tpu.memory_space<vmem>>, vector<1264x128xf32>
    %add3A_6 = arith.addf %add3A, %get3A_5 : vector<1264x128xf32>
    %get3A_7 = arith.constant 0 : index
    %get3A_8 = arith.constant 0 : index
    %get3A_9 = vector.load %arg2[%get3A_7, %get3A_8] : memref<1264x128xf32, #tpu.memory_space<vmem>>, vector<1264x128xf32>
    %mul3A = arith.mulf %add3A_6, %get3A_9 : vector<1264x128xf32>
    %get3A_10 = arith.constant 0 : index
    %get3A_11 = arith.constant 0 : index
    %get3A_12 = vector.load %arg3[%get3A_10, %get3A_11] : memref<1x16xf32, #tpu.memory_space<vmem>>, vector<1x16xf32>
    %tile3A = tpu.concatenate %get3A_12, %get3A_12, %get3A_12, %get3A_12, %get3A_12, %get3A_12, %get3A_12, %get3A_12 in 1 : vector<1x16xf32>, vector<1x16xf32>, vector<1x16xf32>, vector<1x16xf32>, vector<1x16xf32>, vector<1x16xf32>, vector<1x16xf32>, vector<1x16xf32> -> vector<1x128xf32>
    %add3A_13 = vector.broadcast %tile3A : vector<1x128xf32> to vector<1264x128xf32>
    %add3A_14 = arith.addf %mul3A, %add3A_13 : vector<1264x128xf32>
    %reduce_max3A = arith.constant dense<0xFF800000> : vector<1264xf32>
    %reduce_max3A_15 = vector.multi_reduction <maximumf>, %add3A_14, %reduce_max3A [1] : vector<1264x128xf32> to vector<1264xf32>
    %broadcast_in_dim3A = vector.shape_cast %reduce_max3A_15 : vector<1264xf32> to vector<1264x1xf32>
    %sub3A = vector.broadcast %broadcast_in_dim3A : vector<1264x1xf32> to vector<1264x128xf32>
    %sub3A_16 = arith.subf %add3A_14, %sub3A : vector<1264x128xf32>
    %exp3A = math.exp %sub3A_16 : vector<1264x128xf32>
    %iota3A = tpu.iota {dimensions = array<i32: 0>} : vector<128x128xi32>
    %jit3A = arith.constant 16 : i32
    %div3A = vector.broadcast %jit3A : i32 to vector<128x128xi32>
    %div3A_17 = arith.divsi %iota3A, %div3A : vector<128x128xi32>
    %sign3A = arith.constant 0 : i32
    %sign3A_18 = vector.broadcast %sign3A : i32 to vector<128x128xi32>
    %sign3A_19 = arith.cmpi sgt, %iota3A, %sign3A_18 : vector<128x128xi32>
    %sign3A_20 = arith.extui %sign3A_19 : vector<128x128xi1> to vector<128x128xi32>
    %sign3A_21 = arith.constant 0 : i32
    %sign3A_22 = vector.broadcast %sign3A_21 : i32 to vector<128x128xi32>
    %sign3A_23 = arith.cmpi slt, %iota3A, %sign3A_22 : vector<128x128xi32>
    %sign3A_24 = arith.extui %sign3A_23 : vector<128x128xi1> to vector<128x128xi32>
    %sign3A_25 = arith.subi %sign3A_20, %sign3A_24 : vector<128x128xi32>
    %sign3A_26 = arith.constant 0 : i32
    %sign3A_27 = arith.cmpi sgt, %jit3A, %sign3A_26 : i32
    %sign3A_28 = arith.extui %sign3A_27 : i1 to i32
    %sign3A_29 = arith.constant 0 : i32
    %sign3A_30 = arith.cmpi slt, %jit3A, %sign3A_29 : i32
    %sign3A_31 = arith.extui %sign3A_30 : i1 to i32
    %sign3A_32 = arith.subi %sign3A_28, %sign3A_31 : i32
    %ne3A = vector.broadcast %sign3A_32 : i32 to vector<128x128xi32>
    %ne3A_33 = arith.cmpi ne, %sign3A_25, %ne3A : vector<128x128xi32>
    %rem3A = vector.broadcast %jit3A : i32 to vector<128x128xi32>
    %rem3A_34 = arith.remsi %iota3A, %rem3A : vector<128x128xi32>
    %ne3A_35 = arith.constant 0 : i32
    %ne3A_36 = vector.broadcast %ne3A_35 : i32 to vector<128x128xi32>
    %ne3A_37 = arith.cmpi ne, %rem3A_34, %ne3A_36 : vector<128x128xi32>
    %and3A = arith.andi %ne3A_33, %ne3A_37 : vector<128x128xi1>
    %sub3A_38 = arith.constant 1 : i32
    %sub3A_39 = vector.broadcast %sub3A_38 : i32 to vector<128x128xi32>
    %sub3A_40 = arith.subi %div3A_17, %sub3A_39 : vector<128x128xi32>
    %select_n3A = arith.select %and3A, %sub3A_40, %div3A_17 : vector<128x128xi1>, vector<128x128xi32>
    %iota3A_41 = tpu.iota {dimensions = array<i32: 1>} : vector<128x128xi32>
    %jit3A_42 = arith.constant 16 : i32
    %div3A_43 = vector.broadcast %jit3A_42 : i32 to vector<128x128xi32>
    %div3A_44 = arith.divsi %iota3A_41, %div3A_43 : vector<128x128xi32>
    %sign3A_45 = arith.constant 0 : i32
    %sign3A_46 = vector.broadcast %sign3A_45 : i32 to vector<128x128xi32>
    %sign3A_47 = arith.cmpi sgt, %iota3A_41, %sign3A_46 : vector<128x128xi32>
    %sign3A_48 = arith.extui %sign3A_47 : vector<128x128xi1> to vector<128x128xi32>
    %sign3A_49 = arith.constant 0 : i32
    %sign3A_50 = vector.broadcast %sign3A_49 : i32 to vector<128x128xi32>
    %sign3A_51 = arith.cmpi slt, %iota3A_41, %sign3A_50 : vector<128x128xi32>
    %sign3A_52 = arith.extui %sign3A_51 : vector<128x128xi1> to vector<128x128xi32>
    %sign3A_53 = arith.subi %sign3A_48, %sign3A_52 : vector<128x128xi32>
    %sign3A_54 = arith.constant 0 : i32
    %sign3A_55 = arith.cmpi sgt, %jit3A_42, %sign3A_54 : i32
    %sign3A_56 = arith.extui %sign3A_55 : i1 to i32
    %sign3A_57 = arith.constant 0 : i32
    %sign3A_58 = arith.cmpi slt, %jit3A_42, %sign3A_57 : i32
    %sign3A_59 = arith.extui %sign3A_58 : i1 to i32
    %sign3A_60 = arith.subi %sign3A_56, %sign3A_59 : i32
    %ne3A_61 = vector.broadcast %sign3A_60 : i32 to vector<128x128xi32>
    %ne3A_62 = arith.cmpi ne, %sign3A_53, %ne3A_61 : vector<128x128xi32>
    %rem3A_63 = vector.broadcast %jit3A_42 : i32 to vector<128x128xi32>
    %rem3A_64 = arith.remsi %iota3A_41, %rem3A_63 : vector<128x128xi32>
    %ne3A_65 = arith.constant 0 : i32
    %ne3A_66 = vector.broadcast %ne3A_65 : i32 to vector<128x128xi32>
    %ne3A_67 = arith.cmpi ne, %rem3A_64, %ne3A_66 : vector<128x128xi32>
    %and3A_68 = arith.andi %ne3A_62, %ne3A_67 : vector<128x128xi1>
    %sub3A_69 = arith.constant 1 : i32
    %sub3A_70 = vector.broadcast %sub3A_69 : i32 to vector<128x128xi32>
    %sub3A_71 = arith.subi %div3A_44, %sub3A_70 : vector<128x128xi32>
    %select_n3A_72 = arith.select %and3A_68, %sub3A_71, %div3A_44 : vector<128x128xi1>, vector<128x128xi32>
    %eq3A = arith.cmpi eq, %select_n3A, %select_n3A_72 : vector<128x128xi32>
    %jit3A_73 = arith.constant 1.000000e+00 : f32
    %jit3A_74 = arith.constant 0.000000e+00 : f32
    %broadcast_in_dim3A_75 = vector.broadcast %jit3A_73 : f32 to vector<128x128xf32>
    %broadcast_in_dim3A_76 = vector.broadcast %jit3A_74 : f32 to vector<128x128xf32>
    %select_n3A_77 = arith.select %eq3A, %broadcast_in_dim3A_75, %broadcast_in_dim3A_76 : vector<128x128xi1>, vector<128x128xf32>
    %dot_general3A = arith.constant dense<0.000000e+00> : vector<1264x128xf32>
    %dot_general3A_78 = tpu.matmul %exp3A, %select_n3A_77, %dot_general3A {dimension_numbers = #tpu.dot_dimension_numbers<[1], [0], [0], [1], [0, 0, 1, 1], [], []>, transpose_lhs_hint = false} : vector<1264x128xf32>, vector<128x128xf32>, vector<1264x128xf32> -> vector<1264x128xf32>
    %log3A = math.log %dot_general3A_78 : vector<1264x128xf32>
    %sub3A_79 = arith.subf %sub3A_16, %log3A : vector<1264x128xf32>
    %swap3A = arith.constant 0 : index
    %swap3A_80 = arith.constant 0 : index
    %swap3A_81 = vector.load %arg4[%swap3A, %swap3A_80] : memref<1264x128xf32, #tpu.memory_space<vmem>>, vector<1264x128xf32>
    tpu.vector_store %arg4[%swap3A, %swap3A_80], %sub3A_79 {strides = array<i32>} : memref<1264x128xf32, #tpu.memory_space<vmem>>, vector<1264x128xf32>,
    return
  }
}

</mosaic_0001>

<sc_bundles>
// kernel: kernel.12.cloned.1.call-start
scs
__scs_entry_jumppad:
0x0: {  	(pc) =	sbr.rel $0x88, $3  }
0x1: {  	(tag) =	ssettag $0x0;
	lr =	simm.s32 $0x1  }
0x2: {  	[smem:$0x3F9B] =	sst lr;
	_ =	strace $0xD0000000  }
0x3: {  	_ = 	snop  }
0x4: {  	_ = 	snop  }
0x5: {  	_ = 	snop  }
0x6: {  	_ = 	snop  }
0x7: {  	_ = 	snop  }
__scs_overlays_trampoline_lowered:
0x8: {  	[smem:$0x3FAA] =	sst s0  }
0x9: {  	[smem:$0x3FAB] =	sst s1  }
0xa: {  	[smem:$0x3FAC] =	sst s2  }
0xb: {  	[smem:$0x3FAD] =	sst s3  }
0xc: {  	[smem:$0x3FAE] =	sst s4  }
0xd: {  	[smem:$0x3FAF] =	sst s5  }
0xe: {  	[smem:$0x3FB0] =	sst s6  }
0xf: {  	[smem:$0x3FB1] =	sst s7  }
0x10: {  	[smem:$0x3FB2] =	sst s8  }
0x11: {  	[smem:$0x3FB3] =	sst s9;
	s0 =	simm.s32 @!p0 $0x0  }
0x12: {  	s1 =	sld [smem:$0x3F99];
	s0 =	simm.s32 @p0 $0x1  }
0x13: {  	[smem:$0x3FB4] =	sst s0;
	s0 =	simm.s32 @!p1 $0x0  }
0x14: {  	s2 =	sld [smem:$0x3F98];
	s0 =	simm.s32 @p1 $0x1  }
0x15: {  	[smem:$0x3FB5] =	sst s0;
	s0 =	simm.s32 @!p2 $0x0  }
0x16: {  	s3 =	sld [smem:$0x3FDB];
	s0 =	simm.s32 @p2 $0x1  }
0x17: {  	s4 =	simm.s32 $0x1BF5;
	[smem:$0x3FB7] =	sst s0  }
0x18: {  	s0 =	sld [smem:$0x3F9A];
	_ =	swait.ge [sflag:s4], $0x0  }
0x19: {  	s7 =	sld [smem:$0x3F9B]  }
0x1a: {  	s8 =	sadd.s32 $0xFFFFE003, lr  }
0x1b: {  	s9 =	sadd.s32 $0xFFFFFEF7, lr;
	s5 =	simm.s32 $0xFFFFFFFF;
	p2 =	slt.u32 s8, $0xFFFFF086  }
0x1c: {  	p1 =	slt.u32 s9, $0xF7A;
	s5 =	simm.s32 @!p2 $0x0  }
0x1d: {  	s5 =	simm.s32 @p1 $0x1;
	p0 =	seq.s32 s7, s2  }
0x1e: {  	s7 =	smul.u32 @!p0 $0xF7A, s2;
	p2 =	seq.s32 @!p0 s5, $0x0  }
0x1f: {  	s9 =	smul.u32 $0xF7A, s1;
	s8 =	simm.s32 @!p0 $0x1BF5;
	p2 =	por !p2, p0  }
0x20: {  	[sflag:s8] =	ssyncset.s32 @!p0 $0xFFFFF086;
	s6 =	sadd.s32 @!p0 s3, s7;
	s7 =	simm.s32 @!p0 $0x108  }
0x21: {  	s3 =	sadd.s32 s3, s9;
	s6 =	sadd.s32 @!p0 $0x88, s6;
	s7 =	simm.s32 @p2 $0x1082  }
0x22: {  	[simem:s7], [sflag:s8] =	dma.local @!p0 [hbm:s6], $0xF7A  }
0x23: {  	s9 =	sor.u32 $0xD0000000, s2;
	s6 =	simm.s32 $0x108;
	_ =	swait.ge @!p0 [sflag:s8], $0x0  }
0x24: {  	s3 =	sadd.s32 $0x88, s3;
	s6 =	simm.s32 @!p1 $0x1082;
	[sflag:s4] =	ssyncset.s32 $0xFFFFF086  }
0x25: {  	[simem:s6], [sflag:s4] =	dma.local [hbm:s3], $0xF7A  }
0x26: {  	[smem:$0x3F9B] =	sst s1;
	(tag) =	ssettag s2;
	_ =	strace s9  }
0x27: {  	s1 =	sld [smem:$0x3FAB]  }
0x28: {  	s2 =	sld [smem:$0x3FAC]  }
0x29: {  	s4 =	sld [smem:$0x3FAE]  }
0x2a: {  	p0 =	seq.s32 s5, $0x0;
	s5 =	sld [smem:$0x3FAF]  }
0x2b: {  	s6 =	sld [smem:$0x3FB0]  }
0x2c: {  	s7 =	sld [smem:$0x3FB1]  }
0x2d: {  	s3 =	simm.s32 $0x108;
	s8 =	sld [smem:$0x3FB2]  }
0x2e: {  	s3 =	simm.s32 @!p0 $0x1082;
	s9 =	sld [smem:$0x3FB3]  }
0x2f: {  	lr =	sadd.s32 s0, s3;
	s0 =	sld [smem:$0x3FAA]  }
0x30: {  	s3 =	sld [smem:$0x3FAD]  }
0x31: {  	[smem:$0x3FB6] =	sst s10  }
0x32: {  	s10 =	sld [smem:$0x3FB4];
	_ =	sdelay $0x3  }
0x33: {  	p0 =	seq.s32 s10, $0x1;
	s10 =	sld [smem:$0x3FB6];
	_ =	sdelay $0x3  }
0x34: {  	[smem:$0x3FB6] =	sst s10  }
0x35: {  	s10 =	sld [smem:$0x3FB5];
	_ =	sdelay $0x3  }
0x36: {  	p1 =	seq.s32 s10, $0x1;
	s10 =	sld [smem:$0x3FB6];
	_ =	sdelay $0x3  }
0x37: {  	[smem:$0x3FB6] =	sst s10  }
0x38: {  	s10 =	sld [smem:$0x3FB7]  }
0x39: {  	_ = 	snop;
	(pc) =	sbr.ind lr, $3  }
0x3a: {  	_ = 	snop  }
0x3b: {  	_ = 	snop  }
0x3c: {  	p2 =	seq.s32 s10, $0x1;
	s10 =	sld [smem:$0x3FB6]  }
0x3d: {  	_ =	shalt  }
0x3e: {  	_ =	shalt  }
0x3f: {  	_ =	shalt  }
0x40: {  	_ =	shalt  }
0x41: {  	_ =	shalt  }
0x42: {  	_ =	shalt  }
0x43: {  	_ =	shalt  }
0x44: {  	_ =	shalt  }
0x45: {  	_ =	shalt  }
0x46: {  	_ =	shalt  }
0x47: {  	_ =	shalt  }
0x48: {  	_ =	shalt  }
0x49: {  	_ =	shalt  }
0x4a: {  	_ =	shalt  }
0x4b: {  	_ =	shalt  }
0x4c: {  	_ =	shalt  }
0x4d: {  	_ =	shalt  }
0x4e: {  	_ =	shalt  }
0x4f: {  	_ =	shalt  }
0x50: {  	_ =	shalt  }
0x51: {  	_ =	shalt  }
0x52: {  	_ =	shalt  }
0x53: {  	_ =	shalt  }
0x54: {  	_ =	shalt  }
0x55: {  	_ =	shalt  }
0x56: {  	_ =	shalt  }
0x57: {  	_ =	shalt  }
0x58: {  	_ =	shalt  }
0x59: {  	_ =	shalt  }
0x5a: {  	_ =	shalt  }
0x5b: {  	_ =	shalt  }
0x5c: {  	_ =	shalt  }
0x5d: {  	_ =	shalt  }
0x5e: {  	_ =	shalt  }
0x5f: {  	_ =	shalt  }
0x60: {  	_ =	shalt  }
0x61: {  	_ =	shalt  }
0x62: {  	_ =	shalt  }
0x63: {  	_ =	shalt  }
0x64: {  	_ =	shalt  }
0x65: {  	_ =	shalt  }
0x66: {  	_ =	shalt  }
0x67: {  	_ =	shalt  }
0x68: {  	_ =	shalt  }
0x69: {  	_ =	shalt  }
0x6a: {  	_ =	shalt  }
0x6b: {  	_ =	shalt  }
0x6c: {  	_ =	shalt  }
0x6d: {  	_ =	shalt  }
0x6e: {  	_ =	shalt  }
0x6f: {  	_ =	shalt  }
0x70: {  	_ =	shalt  }
0x71: {  	_ =	shalt  }
0x72: {  	_ =	shalt  }
0x73: {  	_ =	shalt  }
0x74: {  	_ =	shalt  }
0x75: {  	_ =	shalt  }
0x76: {  	_ =	shalt  }
0x77: {  	_ =	shalt  }
0x78: {  	_ =	shalt  }
0x79: {  	_ =	shalt  }
0x7a: {  	_ =	shalt  }
0x7b: {  	_ =	shalt  }
0x7c: {  	_ =	shalt  }
0x7d: {  	_ =	shalt  }
0x7e: {  	_ =	shalt  }
0x7f: {  	_ =	shalt  }
0x80: {  	_ =	shalt  }
0x81: {  	_ =	shalt  }
0x82: {  	_ =	shalt  }
0x83: {  	_ =	shalt  }
0x84: {  	_ =	shalt  }
0x85: {  	_ =	shalt  }
0x86: {  	_ =	shalt  }
0x87: {  	_ =	shalt  }
.Lfunc_end0:
.L_simem_size_0:
called_computation.1_lowered:
.L_overlay_start_0:
0x88: {  	s2 =	sld [smem:$0x3FD9]  }
0x89: {  	s3 =	sld [smem:$0x3FFE];
	_ =	sdelay $0x1  }
0x8a: {  	s1 =	srdreg.scid  }
0x8b: {  	s0 =	sand.u32 $0x1, s1  }
0x8c: {  	s17 =	sshll.u32 s0, $0xA;
	s2 =	sadd.s32 s3, s2  }
0x8d: {  	s2 =	sadd.s32 s2, s17  }
0x8e: {  	[smem:$0x3FC2] =	sst s2  }
0x8f: {  	_ = 	snop  }
0x90: {  	s2 =	sld [smem:$0x3FD0];
	(tm) =	ssettm $0x1  }
0x91: {  	s18 =	sld [smem:$0x3FFB];
	_ =	sdelay $0x3  }
0x92: {  	_ =	strace s18  }
0x93: {  	s3 =	sld [smem:$0x3FFC];
	_ =	sdelay $0x3  }
0x94: {  	_ =	strace s3  }
0x95: {  	s3 =	sld [smem:$0x3FFD];
	_ =	sdelay $0x3  }
0x96: {  	_ =	strace s3  }
0x97: {  	_ =	strace $0x8FFFFFFF  }
0x98: {  	s19 =	sld [smem:$0x3FDB];
	_ =	sdelay $0x1  }
0x99: {  	s4 =	simm.s32 $_scs_section_size  }
0x9a: {  	s5 =	simm.s32 $_size__tile_overlayer_lowered;
	s6 =	simm.s32 $_tile_overlayer_lowered  }
0x9b: {  	s22 =	simm.s32 $0x1BFF;
	s21 =	sshll.u32 s6, $0x1;
	s3 =	sadd.s32 s4, s19  }
0x9c: {  	s7 =	simm.s32 $0x0;
	s20 =	sshll.u32 s5, $0x1;
	s5 =	sadd.s32 s21, s3  }
0x9d: {  	[timem:s7], [sflag:s22] =	dma.local [hbm:s5], s20  }
0x9e: {  	_ =	swait.ge [sflag:s22], s20  }
0x9f: {  	s4 =	ssub.s32 $0x0, s20;
	[sflag:s22] =	ssyncset.done $0x0  }
0xa0: {  	[sflag:s22] =	ssyncadd.s32 s4;
	_ =	sdelay $0x1  }
0xa1: {  	s23 =	simm.s32 $0x1B8B  }
0xa2: {  	_ =	swait.ge [sflag:s23], $0x1  }
0xa3: {  	[sflag:s23] =	ssyncset.done $0x0  }
0xa4: {  	s25 =	simm.s32 $0x1B8E;
	s24 =	sld [smem:$0x3FFE];
	[sflag:s23] =	ssyncadd.s32 $0xFFFFFFFF  }
0xa5: {  	s26 =	simm.s32 $execute0_lowered;
	[smem:$0x3FD2] =	sst s25  }
0xa6: {  	s5 =	sshll.u32 s26, $0x1;
	_ =	strace $0x80000049;
	[dreg:$0x1] =	wrdreg $0xFFFFFFFF  }
0xa7: {  	s28 =	simm.s32 $_size_execute0_lowered;
	s3 =	sadd.s32 s3, s5;
	[dreg:$0x0] =	wrdreg $0x0  }
0xa8: {  	s5 =	sshll.u32 s28, $0x1;
	[dreg:$0x2] =	wrdreg s3  }
0xa9: {  	[dreg:$0x3] =	wrdreg s5  }
0xaa: {  	[dreg:$0x4] =	wrdreg $0xC0  }
0xab: {  	_ =	task [dreg:s7], $0x5FFFF  }
0xac: {  	[dreg:$0x1] =	wrdreg $0xFFFFFFFF  }
0xad: {  	[dreg:$0x0] =	wrdreg $0x60  }
0xae: {  	[dreg:$0x2] =	wrdreg s24  }
0xaf: {  	[dreg:$0x3] =	wrdreg s2  }
0xb0: {  	[dreg:$0x4] =	wrdreg $0xB7800  }
0xb1: {  	[dreg:$0x5] =	wrdreg $0xDF000  }
0xb2: {  	[dreg:$0x6] =	wrdreg $0x9  }
0xb3: {  	_ =	task.clear_ibuf [dreg:s7], $0x7FFFF;
	_ =	strace $0x90000049  }
0xb4: {  	s29 =	simm.s32 $0x9;
	_ =	strace $0x8000004B  }
0xb5: {  	_ =	swait.ge [sflag:s29], $0x1  }
0xb6: {  	[sflag:s29] =	ssyncadd.s32 $0xFFFFFFFF  }
0xb7: {  	_ =	strace $0x9000004B  }
0xb8: {  	_ =	sfence  }
0xb9: {  	s30 =	sld [smem:$0x0];
	_ =	sdelay $0x2  }
0xba: {  	s31 =	sshll.u32 s1, $0xD;
	s1 =	sshrl.u32 s1, $0x2  }
0xbb: {  	s3 =	sand.u32 $0x4000, s31;
	s1 =	sadd.s32 s1, s30  }
0xbc: {  	s0 =	sor.u32 s3, s0;
	s1 =	sshll.u32 s1, $0x11  }
0xbd: {  	s0 =	sor.u32 s1, s0  }
0xbe: {  	s0 =	sadd.s32 $0x8F2B, s0  }
0xbf: {  	[sflag:s0] =	ssyncadd.remote.s32 $0x1  }
0xc0: {  	_ =	sfence.sel $0xFFFF  }
0xc1: {  	[dreg:$0x0] =	wrdreg $0xFFFFFFFF;
	(pc) =	sbr.abs _section_cstart, $3  }
0xc2: {  	[dreg:$0x1] =	wrdreg $0xFFFFFFFF  }
0xc3: {  	_ =	task.clear_ibuf [dreg:s7], $0x2FFFF;
	_ =	strace $0x9FFFFFFF  }
0xc4: {  	(tm) =	ssettm $0x7FFFFFFF  }
0xc5: {  	_ =	shalt  }
tec
execute0_lowered:
.L_overlay_start_1:
0x0: {  	(tag) =	ssettag $0x1  }
0x1: {  	s0 =	rddreg [dreg:$0x0]  }
0x2: {  	s1 =	rddreg [dreg:$0x1]  }
0x3: {  	s2 =	rddreg [dreg:$0x2]  }
0x4: {  	s3 =	rddreg [dreg:$0x3]  }
0x5: {  	s5 =	srdreg.scid;
	s4 =	stileid.u32  }
0x6: {  	s15 =	simm.s32 $0x0;
	s14 =	simm.s32 $0x11;
	s29 =	simm.s32 $0x7800  }
0x7: {  	s31 =	simm.s32 $0x8000;
	s13 =	simm.s32 $0x1;
	s6 =	smul.u32 $0x4F0, s4  }
0x8: {  	s28 =	simm.s32 $0x8;
	s30 =	simm.s32 $0xB;
	s10 =	smul.u32 $0x2780, s4  }
0x9: {  	s5 =	sand.u32 $0x1, s5;
	[smem:$0x7FF] =	sst s15;
	s11 =	smul.u32 $0x2800, s4  }
0xa: {  	s8 =	sadd.s32 $0x29E00, s0;
	s9 =	sadd.s32 $0x1FE00, s0;
	s12 =	smul.u32 $0x500, s4  }
0xb: {  	s25 =	sshll.u32 s4, $0x6;
	s7 =	smul.u32 $0x4F00, s5;
	s16 =	ssub.s32 $0x2, s5  }
0xc: {  	_ =	strace $0x8000004A;
	p0 =	seq.s32 s5, $0x1;
	s17 =	sshrl.u32 s16, $0x1  }
0xd: {  	s18 =	sadd.s32 s10, s2;
	s19 =	sadd.s32 s10, s3;
	s10 =	sshrl.u32 s10, $0x3  }
0xe: {  	s11 =	sshrl.u32 s11, $0x3;
	s21 =	sadd.s32 s8, s12;
	s22 =	sadd.s32 s9, s12  }
0xf: {  	s12 =	simm.s32 $0xF;
	s6 =	sadd.s32 s6, s7;
	[dreg:$0x6] =	wrdreg s18  }
0x10: {  	s1 =	sadd.s32 s1, s10;
	s20 =	sadd.s32 $0x5000, s11;
	[dreg:$0x8] =	wrdreg s21  }
0x11: {  	[dreg:$0x9] =	wrdreg s22;
	s26 =	sshrl.u32 s19, $0x3;
	s18 =	simm.s32 $0x80  }
0x12: {  	s19 =	simm.s32 $0x5000;
	s22 =	simm.s32 $0x6000;
	s21 =	simm.s32 $0x3  }
0x13: {  	s7 =	simm.s32 $0x6;
	s10 =	simm.s32 $0xA;
	s11 =	simm.s32 $0xE  }
0x14: {  	s0 =	sadd.s32 s6, s0;
	s6 =	ssub.s32 s16, s17;
	[dreg:$0x7] =	wrdreg s1  }
0x15: {  	s23 =	sadd.s32 s8, s20;
	s1 =	sadd.s32 s9, s20;
	[dreg:$0xf] =	wrdreg s26  }
0x16: {  	s20 =	simm.s32 $0x5800;
	s26 =	simm.s32 $0x7000;
	s17 =	simm.s32 $0x2  }
0x17: {  	s8 =	simm.s32 $0x7;
	s9 =	simm.s32 $0x9;
	[dreg:$0xa] =	wrdreg s23  }
.Ltmp0:
0x18: {  	s16 =	simm.s32 $0x10;
	[dreg:$0xb] =	wrdreg s1;
	(pc) =	sbr.rel .LBB2_1-.Ltmp0, $4  }
0x19: {  	s0 =	sadd.s32 $0x2600, s0;
	s24 =	smax.u32 s6, $0x1;
	s1 =	simm.s32 $0x8800  }
0x1a: {  	s23 =	simm.s32 $0x4;
	s6 =	simm.s32 $0xD;
	[dreg:$0xc] =	wrdreg s0  }
0x1b: {  	[dreg:$0xd] =	wrdreg s24;
	s0 =	sor.u32 $0x1C11, s25;
	s24 =	simm.s32 $0x6800  }
0x1c: {  	v0 =	vimm.f32 $0.0e+00;
	s25 =	simm.s32 $0x5;
	[dreg:$0xe] =	wrdreg s0;
	s0 =	simm.s32 $0xC  }
.LBB2_6:
0x1d: {  	[tilespmem:s1], [sflag:$0x8] =	stream.indirect.gather [spmem:s3], $0x10, s15, s18, $0xb8;
	[tilespmem:$0x10680] =	vst v63  }
0x1e: {  	s15 =	rddreg [dreg:$0x5]  }
.LBB2_10:
0x1f: {  	_ =	swait.ge [sflag:s13], $0x800  }
0x20: {  	[sflag:s13] =	ssyncset.done $0x0  }
0x21: {  	s4 =	simm.s32 $0x4C00;
	[sflag:s13] =	ssyncadd.s32 $0xFFFFF800  }
0x22: {  	[spmem:s2] =	stream.indirect.scatter.add.f32 [tilespmem:s19], [sflag:$0x9], $0x10, s4, s18, $0xb8;
	[tilespmem:$0x10680] =	vst v63  }
0x23: {  	_ =	swait.ge [sflag:s17], $0x800  }
0x24: {  	[sflag:s17] =	ssyncset.done $0x0  }
0x25: {  	s5 =	simm.s32 $0x4C80;
	[sflag:s17] =	ssyncadd.s32 $0xFFFFF800  }
0x26: {  	[spmem:s2] =	stream.indirect.scatter.add.f32 [tilespmem:s20], [sflag:$0xA], $0x10, s5, s18, $0xb8;
	[tilespmem:$0x10680] =	vst v63  }
0x27: {  	_ =	swait.ge [sflag:s21], $0x800  }
0x28: {  	[sflag:s21] =	ssyncset.done $0x0  }
0x29: {  	s14 =	simm.s32 $0x4D00;
	[sflag:s21] =	ssyncadd.s32 $0xFFFFF800  }
0x2a: {  	[spmem:s2] =	stream.indirect.scatter.add.f32 [tilespmem:s22], [sflag:$0xB], $0x10, s14, s18, $0xb8;
	[tilespmem:$0x10680] =	vst v63  }
0x2b: {  	_ =	swait.ge [sflag:s23], $0x800  }
0x2c: {  	[sflag:s23] =	ssyncset.done $0x0  }
0x2d: {  	s5 =	simm.s32 $0x4D80;
	[sflag:s23] =	ssyncadd.s32 $0xFFFFF800  }
0x2e: {  	[spmem:s2] =	stream.indirect.scatter.add.f32 [tilespmem:s24], [sflag:$0xC], $0x10, s5, s18, $0xb8;
	[tilespmem:$0x10680] =	vst v63  }
0x2f: {  	_ =	swait.ge [sflag:s25], $0x800  }
0x30: {  	[sflag:s25] =	ssyncset.done $0x0  }
0x31: {  	s14 =	simm.s32 $0x4E00;
	[sflag:s25] =	ssyncadd.s32 $0xFFFFF800  }
0x32: {  	[spmem:s2] =	stream.indirect.scatter.add.f32 [tilespmem:s26], [sflag:$0xD], $0x10, s14, s18, $0xb8;
	[tilespmem:$0x10680] =	vst v63  }
0x33: {  	_ =	swait.ge [sflag:s7], $0x800  }
0x34: {  	[sflag:s7] =	ssyncset.done $0x0  }
0x35: {  	s5 =	simm.s32 $0x4E80;
	[sflag:s7] =	ssyncadd.s32 $0xFFFFF800  }
0x36: {  	[spmem:s2] =	stream.indirect.scatter.add.f32 [tilespmem:s29], [sflag:$0xE], $0x10, s5, s18, $0xb8;
	[tilespmem:$0x10680] =	vst v63  }
0x37: {  	_ =	swait.ge [sflag:s8], $0x800  }
0x38: {  	[sflag:s8] =	ssyncset.done $0x0  }
0x39: {  	s14 =	simm.s32 $0x4F00;
	[sflag:s8] =	ssyncadd.s32 $0xFFFFF800  }
0x3a: {  	[spmem:s2] =	stream.indirect.scatter.add.f32 [tilespmem:s31], [sflag:$0xF], $0x10, s14, s18, $0xb8;
	[tilespmem:$0x10680] =	vst v63  }
0x3b: {  	_ =	swait.ge [sflag:s28], $0x800  }
0x3c: {  	[sflag:s28] =	ssyncset.done $0x0  }
0x3d: {  	s5 =	simm.s32 $0x4F80;
	[sflag:s28] =	ssyncadd.s32 $0xFFFFF800  }
0x3e: {  	[spmem:s2] =	stream.indirect.scatter.add.f32 [tilespmem:s1], [sflag:$0x10], $0x10, s5, s18, $0xb8;
	[tilespmem:$0x10680] =	vst v63  }
0x3f: {  	_ =	swait.ge [sflag:s9], $0x800  }
0x40: {  	[sflag:s9] =	ssyncset.done $0x0  }
0x41: {  	[sflag:s9] =	ssyncadd.s32 $0xFFFFF800  }
0x42: {  	_ =	swait.ge [sflag:s10], $0x800  }
0x43: {  	[sflag:s10] =	ssyncset.done $0x0  }
0x44: {  	[sflag:s10] =	ssyncadd.s32 $0xFFFFF800  }
0x45: {  	_ =	swait.ge [sflag:s30], $0x800  }
0x46: {  	[sflag:s30] =	ssyncset.done $0x0  }
0x47: {  	[sflag:s30] =	ssyncadd.s32 $0xFFFFF800  }
0x48: {  	_ =	swait.ge [sflag:s0], $0x800  }
0x49: {  	[sflag:s0] =	ssyncset.done $0x0  }
0x4a: {  	[sflag:s0] =	ssyncadd.s32 $0xFFFFF800  }
0x4b: {  	_ =	swait.ge [sflag:s6], $0x800  }
0x4c: {  	[sflag:s6] =	ssyncset.done $0x0  }
0x4d: {  	[sflag:s6] =	ssyncadd.s32 $0xFFFFF800  }
0x4e: {  	_ =	swait.ge [sflag:s11], $0x800  }
0x4f: {  	[sflag:s11] =	ssyncset.done $0x0  }
0x50: {  	[sflag:s11] =	ssyncadd.s32 $0xFFFFF800  }
0x51: {  	_ =	swait.ge [sflag:s12], $0x800  }
0x52: {  	[sflag:s12] =	ssyncset.done $0x0  }
0x53: {  	[sflag:s12] =	ssyncadd.s32 $0xFFFFF800  }
0x54: {  	_ =	swait.ge [sflag:s16], $0x800  }
0x55: {  	[sflag:s16] =	ssyncset.done $0x0  }
0x56: {  	[sflag:s16] =	ssyncadd.s32 $0xFFFFF800  }
0x57: {  	[bflag:$0x0] =	sbarrier.arrive $0xFFFF  }
0x58: {  	s14 =	rddreg [dreg:$0x6]  }
0x59: {  	s5 =	rddreg [dreg:$0xc]  }
0x5a: {  	s4 =	sshrl.u32 s14, $0x3;
	s14 =	rddreg [dreg:$0xe]  }
0x5b: {  	[hbm:s5], [sflag:s14] =	dma.local [spmem:s4], $0x4F0  }
0x5c: {  	s14 =	simm.s32 $0x11  }
0x5d: {  	_ =	swait.ge [sflag:s14], $0x4F0  }
0x5e: {  	s15 =	sadd.s32 $0x1, s15;
	s5 =	rddreg [dreg:$0xd]  }
0x5f: {  	p1 =	sne.s32 s15, s5  }
.Ltmp1:
0x60: {  	_ = 	snop;
	(pc) =	sbr.rel @!p1 .LBB2_11-.Ltmp1, $3  }
0x61: {  	_ =	sdelay $0x1  }
0x62: {  	[sflag:s14] =	ssyncset.done $0x0  }
0x63: {  	[sflag:s14] =	ssyncadd.s32 $0xFFFFFB10  }
.LBB2_1:
0x64: {  	[dreg:$0x5] =	wrdreg s15;
	s5 =	simm.s32 $0x40;
	s15 =	simm.s32 $0x0  }
.LBB2_2:
0x65: {  	p1 =	sne.s32 s5, $0x9DC0;
	[tilespmem:s15+$0x9000] =	vst v0;
	s15 =	smov.u32 s5;
	s5 =	sadd.s32 $0x40, s5  }
.Ltmp2:
0x66: {  	(pc) =	sbr.rel @p1 .LBB2_2-.Ltmp2, $2  }
0x67: {  	_ =	sdelay $0x2  }
0x68: {  	s15 =	sshra.s32 s15, $0x2  }
0x69: {  	[tilespmem:s15+$0x9000] =	vst v0;
	s4 =	rddreg [dreg:$0x6];
	s5 =	simm.s32 $0x9000  }
0x6a: {  	[spmem:s4] =	stream.linear.scatter [tilespmem:s5], [sflag:$0x11], $0x2780, $0x38;
	[tilespmem:$0x10680] =	vst v63  }
0x6b: {  	_ =	swait.ge [sflag:s14], $0x2780  }
0x6c: {  	s4 =	rddreg [dreg:$0x7]  }
0x6d: {  	[sflag:s14] =	ssyncset.done $0x0;
	s5 =	rddreg [dreg:$0xe]  }
0x6e: {  	s15 =	rddreg [dreg:$0xf];
	[sflag:s14] =	ssyncadd.s32 $0xFFFFD880  }
0x6f: {  	[spmem:s15], [sflag:s5] =	dma.local [hbm:s4], $0x4F0  }
.Ltmp3:
0x70: {  	_ =	swait.ge [sflag:s14], $0x4F0;
	(pc) =	sbr.rel @!p0 .LBB2_4-.Ltmp3, $3  }
0x71: {  	[sflag:s14] =	ssyncset.done $0x0  }
0x72: {  	[sflag:s14] =	ssyncadd.s32 $0xFFFFFB10  }
0x73: {  	[bflag:$0x0] =	sbarrier.arrive $0xFFFF;
	_ =	sdelay $0x1  }
0x74: {  	s4 =	simm.s32 $0x0;
	s5 =	rddreg [dreg:$0xa]  }
0x75: {  	[tilespmem:s4], [sflag:$0x11] =	stream.linear.gather [hbm4b:s5+s4], $0x2800, $0x38;
	[tilespmem:$0x10680] =	vst v63  }
0x76: {  	_ =	swait.ge [sflag:s14], $0x2800  }
0x77: {  	[sflag:s14] =	ssyncset.done $0x0  }
0x78: {  	s15 =	simm.s32 $0x2800;
	s5 =	rddreg [dreg:$0xb];
	[sflag:s14] =	ssyncadd.s32 $0xFFFFD800  }
0x79: {  	[tilespmem:s15], [sflag:$0x11] =	stream.linear.gather [hbm4b:s5+s4], $0x2800, $0x38;
	[tilespmem:$0x10680] =	vst v63  }
0x7a: {  	_ =	swait.ge [sflag:s14], $0x2800  }
0x7b: {  	[sflag:s14] =	ssyncset.done $0x0  }
0x7c: {  	[sflag:s14] =	ssyncadd.s32 $0xFFFFD800  }
0x7d: {  	[tilespmem:s19], [sflag:$0x1] =	stream.indirect.gather [spmem:s3], $0x10, s4, s18, $0xb8;
	[tilespmem:$0x10680] =	vst v63  }
0x7e: {  	_ = 	snop  }
0x7f: {  	[tilespmem:s20], [sflag:$0x2] =	stream.indirect.gather [spmem:s3], $0x10, s18, s18, $0xb8;
	[tilespmem:$0x10680] =	vst v63  }
0x80: {  	s5 =	simm.s32 $0x100  }
0x81: {  	[tilespmem:s22], [sflag:$0x3] =	stream.indirect.gather [spmem:s3], $0x10, s5, s18, $0xb8;
	[tilespmem:$0x10680] =	vst v63  }
0x82: {  	s14 =	simm.s32 $0x180  }
0x83: {  	[tilespmem:s24], [sflag:$0x4] =	stream.indirect.gather [spmem:s3], $0x10, s14, s18, $0xb8;
	[tilespmem:$0x10680] =	vst v63  }
0x84: {  	s15 =	simm.s32 $0x200  }
0x85: {  	[tilespmem:s26], [sflag:$0x5] =	stream.indirect.gather [spmem:s3], $0x10, s15, s18, $0xb8;
	[tilespmem:$0x10680] =	vst v63  }
0x86: {  	s5 =	simm.s32 $0x280  }
0x87: {  	[tilespmem:s29], [sflag:$0x6] =	stream.indirect.gather [spmem:s3], $0x10, s5, s18, $0xb8;
	[tilespmem:$0x10680] =	vst v63  }
0x88: {  	s14 =	simm.s32 $0x300  }
0x89: {  	[tilespmem:s31], [sflag:$0x7] =	stream.indirect.gather [spmem:s3], $0x10, s14, s18, $0xb8;
	[tilespmem:$0x10680] =	vst v63  }
0x8a: {  	s15 =	simm.s32 $0x380  }
0x8b: {  	[tilespmem:s1], [sflag:$0x8] =	stream.indirect.gather [spmem:s3], $0x10, s15, s18, $0xb8;
	[tilespmem:$0x10680] =	vst v63  }
0x8c: {  	_ =	swait.ge [sflag:s13], $0x800  }
0x8d: {  	[sflag:s13] =	ssyncset.done $0x0  }
0x8e: {  	s5 =	simm.s32 $0x2800;
	[sflag:s13] =	ssyncadd.s32 $0xFFFFF800  }
0x8f: {  	[spmem:s2] =	stream.indirect.scatter.add.f32 [tilespmem:s19], [sflag:$0x9], $0x10, s5, s18, $0xb8;
	[tilespmem:$0x10680] =	vst v63  }
0x90: {  	_ =	swait.ge [sflag:s17], $0x800  }
0x91: {  	[sflag:s17] =	ssyncset.done $0x0  }
0x92: {  	s14 =	simm.s32 $0x2880;
	[sflag:s17] =	ssyncadd.s32 $0xFFFFF800  }
0x93: {  	[spmem:s2] =	stream.indirect.scatter.add.f32 [tilespmem:s20], [sflag:$0xA], $0x10, s14, s18, $0xb8;
	[tilespmem:$0x10680] =	vst v63  }
0x94: {  	_ =	swait.ge [sflag:s21], $0x800  }
0x95: {  	[sflag:s21] =	ssyncset.done $0x0  }
0x96: {  	s15 =	simm.s32 $0x2900;
	[sflag:s21] =	ssyncadd.s32 $0xFFFFF800  }
0x97: {  	[spmem:s2] =	stream.indirect.scatter.add.f32 [tilespmem:s22], [sflag:$0xB], $0x10, s15, s18, $0xb8;
	[tilespmem:$0x10680] =	vst v63  }
0x98: {  	_ =	swait.ge [sflag:s23], $0x800  }
0x99: {  	[sflag:s23] =	ssyncset.done $0x0  }
0x9a: {  	s5 =	simm.s32 $0x2980;
	[sflag:s23] =	ssyncadd.s32 $0xFFFFF800  }
0x9b: {  	[spmem:s2] =	stream.indirect.scatter.add.f32 [tilespmem:s24], [sflag:$0xC], $0x10, s5, s18, $0xb8;
	[tilespmem:$0x10680] =	vst v63  }
0x9c: {  	_ =	swait.ge [sflag:s25], $0x800  }
0x9d: {  	[sflag:s25] =	ssyncset.done $0x0  }
0x9e: {  	s14 =	simm.s32 $0x2A00;
	[sflag:s25] =	ssyncadd.s32 $0xFFFFF800  }
0x9f: {  	[spmem:s2] =	stream.indirect.scatter.add.f32 [tilespmem:s26], [sflag:$0xD], $0x10, s14, s18, $0xb8;
	[tilespmem:$0x10680] =	vst v63  }
0xa0: {  	_ =	swait.ge [sflag:s7], $0x800  }
0xa1: {  	[sflag:s7] =	ssyncset.done $0x0  }
0xa2: {  	s15 =	simm.s32 $0x2A80;
	[sflag:s7] =	ssyncadd.s32 $0xFFFFF800  }
0xa3: {  	[spmem:s2] =	stream.indirect.scatter.add.f32 [tilespmem:s29], [sflag:$0xE], $0x10, s15, s18, $0xb8;
	[tilespmem:$0x10680] =	vst v63  }
0xa4: {  	_ =	swait.ge [sflag:s8], $0x800  }
0xa5: {  	[sflag:s8] =	ssyncset.done $0x0  }
0xa6: {  	s5 =	simm.s32 $0x2B00;
	[sflag:s8] =	ssyncadd.s32 $0xFFFFF800  }
0xa7: {  	[spmem:s2] =	stream.indirect.scatter.add.f32 [tilespmem:s31], [sflag:$0xF], $0x10, s5, s18, $0xb8;
	[tilespmem:$0x10680] =	vst v63  }
0xa8: {  	_ =	swait.ge [sflag:s28], $0x800  }
0xa9: {  	[sflag:s28] =	ssyncset.done $0x0  }
0xaa: {  	s14 =	simm.s32 $0x2B80;
	[sflag:s28] =	ssyncadd.s32 $0xFFFFF800  }
0xab: {  	[spmem:s2] =	stream.indirect.scatter.add.f32 [tilespmem:s1], [sflag:$0x10], $0x10, s14, s18, $0xb8;
	[tilespmem:$0x10680] =	vst v63  }
0xac: {  	_ =	swait.ge [sflag:s9], $0x800  }
0xad: {  	[sflag:s9] =	ssyncset.done $0x0  }
0xae: {  	s15 =	simm.s32 $0x400;
	[sflag:s9] =	ssyncadd.s32 $0xFFFFF800  }
0xaf: {  	[tilespmem:s19], [sflag:$0x1] =	stream.indirect.gather [spmem:s3], $0x10, s15, s18, $0xb8;
	[tilespmem:$0x10680] =	vst v63  }
0xb0: {  	_ =	swait.ge [sflag:s10], $0x800  }
0xb1: {  	[sflag:s10] =	ssyncset.done $0x0  }
0xb2: {  	s5 =	simm.s32 $0x480;
	[sflag:s10] =	ssyncadd.s32 $0xFFFFF800  }
0xb3: {  	[tilespmem:s20], [sflag:$0x2] =	stream.indirect.gather [spmem:s3], $0x10, s5, s18, $0xb8;
	[tilespmem:$0x10680] =	vst v63  }
0xb4: {  	_ =	swait.ge [sflag:s30], $0x800  }
0xb5: {  	[sflag:s30] =	ssyncset.done $0x0  }
0xb6: {  	s14 =	simm.s32 $0x500;
	[sflag:s30] =	ssyncadd.s32 $0xFFFFF800  }
0xb7: {  	[tilespmem:s22], [sflag:$0x3] =	stream.indirect.gather [spmem:s3], $0x10, s14, s18, $0xb8;
	[tilespmem:$0x10680] =	vst v63  }
0xb8: {  	_ =	swait.ge [sflag:s0], $0x800  }
0xb9: {  	[sflag:s0] =	ssyncset.done $0x0  }
0xba: {  	s15 =	simm.s32 $0x580;
	[sflag:s0] =	ssyncadd.s32 $0xFFFFF800  }
0xbb: {  	[tilespmem:s24], [sflag:$0x4] =	stream.indirect.gather [spmem:s3], $0x10, s15, s18, $0xb8;
	[tilespmem:$0x10680] =	vst v63  }
0xbc: {  	_ =	swait.ge [sflag:s6], $0x800  }
0xbd: {  	[sflag:s6] =	ssyncset.done $0x0  }
0xbe: {  	s5 =	simm.s32 $0x600;
	[sflag:s6] =	ssyncadd.s32 $0xFFFFF800  }
0xbf: {  	[tilespmem:s26], [sflag:$0x5] =	stream.indirect.gather [spmem:s3], $0x10, s5, s18, $0xb8;
	[tilespmem:$0x10680] =	vst v63  }
0xc0: {  	_ =	swait.ge [sflag:s11], $0x800  }
0xc1: {  	[sflag:s11] =	ssyncset.done $0x0  }
0xc2: {  	s14 =	simm.s32 $0x680;
	[sflag:s11] =	ssyncadd.s32 $0xFFFFF800  }
0xc3: {  	[tilespmem:s29], [sflag:$0x6] =	stream.indirect.gather [spmem:s3], $0x10, s14, s18, $0xb8;
	[tilespmem:$0x10680] =	vst v63  }
0xc4: {  	_ =	swait.ge [sflag:s12], $0x800  }
0xc5: {  	[sflag:s12] =	ssyncset.done $0x0  }
0xc6: {  	s15 =	simm.s32 $0x700;
	[sflag:s12] =	ssyncadd.s32 $0xFFFFF800  }
0xc7: {  	[tilespmem:s31], [sflag:$0x7] =	stream.indirect.gather [spmem:s3], $0x10, s15, s18, $0xb8;
	[tilespmem:$0x10680] =	vst v63  }
0xc8: {  	_ =	swait.ge [sflag:s16], $0x800  }
0xc9: {  	[sflag:s16] =	ssyncset.done $0x0  }
0xca: {  	s5 =	simm.s32 $0x1000;
	s15 =	simm.s32 $0x780;
	[sflag:s16] =	ssyncadd.s32 $0xFFFFF800  }
.LBB2_8:
0xcb: {  	[tilespmem:s1], [sflag:$0x8] =	stream.indirect.gather [spmem:s3], $0x10, s15, s18, $0xb8;
	[tilespmem:$0x10680] =	vst v63  }
0xcc: {  	s4 =	smov.u32 s5  }
0xcd: {  	p1 =	sne.s32 s5, $0x8000;
	s5 =	sadd.s32 $0x1000, s5;
	_ =	swait.ge [sflag:s13], $0x800  }
0xce: {  	s15 =	sshra.s32 s4, $0x2;
	[sflag:s13] =	ssyncset.done $0x0  }
0xcf: {  	s4 =	sadd.s32 $0x2800, s15;
	[sflag:s13] =	ssyncadd.s32 $0xFFFFF800  }
0xd0: {  	[spmem:s2] =	stream.indirect.scatter.add.f32 [tilespmem:s19], [sflag:$0x9], $0x10, s4, s18, $0xb8;
	[tilespmem:$0x10680] =	vst v63  }
0xd1: {  	_ =	swait.ge [sflag:s17], $0x800  }
0xd2: {  	[sflag:s17] =	ssyncset.done $0x0  }
0xd3: {  	s4 =	sadd.s32 $0x2880, s15;
	[sflag:s17] =	ssyncadd.s32 $0xFFFFF800  }
0xd4: {  	[spmem:s2] =	stream.indirect.scatter.add.f32 [tilespmem:s20], [sflag:$0xA], $0x10, s4, s18, $0xb8;
	[tilespmem:$0x10680] =	vst v63  }
0xd5: {  	_ =	swait.ge [sflag:s21], $0x800  }
0xd6: {  	[sflag:s21] =	ssyncset.done $0x0  }
0xd7: {  	s4 =	sadd.s32 $0x2900, s15;
	[sflag:s21] =	ssyncadd.s32 $0xFFFFF800  }
0xd8: {  	[spmem:s2] =	stream.indirect.scatter.add.f32 [tilespmem:s22], [sflag:$0xB], $0x10, s4, s18, $0xb8;
	[tilespmem:$0x10680] =	vst v63  }
0xd9: {  	_ =	swait.ge [sflag:s23], $0x800  }
0xda: {  	[sflag:s23] =	ssyncset.done $0x0  }
0xdb: {  	s4 =	sadd.s32 $0x2980, s15;
	[sflag:s23] =	ssyncadd.s32 $0xFFFFF800  }
0xdc: {  	[spmem:s2] =	stream.indirect.scatter.add.f32 [tilespmem:s24], [sflag:$0xC], $0x10, s4, s18, $0xb8;
	[tilespmem:$0x10680] =	vst v63  }
0xdd: {  	_ =	swait.ge [sflag:s25], $0x800  }
0xde: {  	[sflag:s25] =	ssyncset.done $0x0  }
0xdf: {  	s4 =	sadd.s32 $0x2A00, s15;
	[sflag:s25] =	ssyncadd.s32 $0xFFFFF800  }
0xe0: {  	[spmem:s2] =	stream.indirect.scatter.add.f32 [tilespmem:s26], [sflag:$0xD], $0x10, s4, s18, $0xb8;
	[tilespmem:$0x10680] =	vst v63  }
0xe1: {  	_ =	swait.ge [sflag:s7], $0x800  }
0xe2: {  	[sflag:s7] =	ssyncset.done $0x0  }
0xe3: {  	s4 =	sadd.s32 $0x2A80, s15;
	[sflag:s7] =	ssyncadd.s32 $0xFFFFF800  }
0xe4: {  	[spmem:s2] =	stream.indirect.scatter.add.f32 [tilespmem:s29], [sflag:$0xE], $0x10, s4, s18, $0xb8;
	[tilespmem:$0x10680] =	vst v63  }
0xe5: {  	_ =	swait.ge [sflag:s8], $0x800  }
0xe6: {  	[sflag:s8] =	ssyncset.done $0x0  }
0xe7: {  	s4 =	sadd.s32 $0x2B00, s15;
	[sflag:s8] =	ssyncadd.s32 $0xFFFFF800  }
0xe8: {  	[spmem:s2] =	stream.indirect.scatter.add.f32 [tilespmem:s31], [sflag:$0xF], $0x10, s4, s18, $0xb8;
	[tilespmem:$0x10680] =	vst v63  }
0xe9: {  	_ =	swait.ge [sflag:s28], $0x800  }
0xea: {  	[sflag:s28] =	ssyncset.done $0x0  }
0xeb: {  	s4 =	sadd.s32 $0x2B80, s15;
	[sflag:s28] =	ssyncadd.s32 $0xFFFFF800  }
0xec: {  	[spmem:s2] =	stream.indirect.scatter.add.f32 [tilespmem:s1], [sflag:$0x10], $0x10, s4, s18, $0xb8;
	[tilespmem:$0x10680] =	vst v63  }
0xed: {  	_ =	swait.ge [sflag:s9], $0x800  }
0xee: {  	[sflag:s9] =	ssyncset.done $0x0  }
0xef: {  	s4 =	sadd.s32 $0x400, s15;
	[sflag:s9] =	ssyncadd.s32 $0xFFFFF800  }
0xf0: {  	[tilespmem:s19], [sflag:$0x1] =	stream.indirect.gather [spmem:s3], $0x10, s4, s18, $0xb8;
	[tilespmem:$0x10680] =	vst v63  }
0xf1: {  	_ =	swait.ge [sflag:s10], $0x800  }
0xf2: {  	[sflag:s10] =	ssyncset.done $0x0  }
0xf3: {  	s4 =	sadd.s32 $0x480, s15;
	[sflag:s10] =	ssyncadd.s32 $0xFFFFF800  }
0xf4: {  	[tilespmem:s20], [sflag:$0x2] =	stream.indirect.gather [spmem:s3], $0x10, s4, s18, $0xb8;
	[tilespmem:$0x10680] =	vst v63  }
0xf5: {  	_ =	swait.ge [sflag:s30], $0x800  }
0xf6: {  	[sflag:s30] =	ssyncset.done $0x0  }
0xf7: {  	s4 =	sadd.s32 $0x500, s15;
	[sflag:s30] =	ssyncadd.s32 $0xFFFFF800  }
0xf8: {  	[tilespmem:s22], [sflag:$0x3] =	stream.indirect.gather [spmem:s3], $0x10, s4, s18, $0xb8;
	[tilespmem:$0x10680] =	vst v63  }
0xf9: {  	_ =	swait.ge [sflag:s0], $0x800  }
0xfa: {  	[sflag:s0] =	ssyncset.done $0x0  }
0xfb: {  	s4 =	sadd.s32 $0x580, s15;
	[sflag:s0] =	ssyncadd.s32 $0xFFFFF800  }
0xfc: {  	[tilespmem:s24], [sflag:$0x4] =	stream.indirect.gather [spmem:s3], $0x10, s4, s18, $0xb8;
	[tilespmem:$0x10680] =	vst v63  }
0xfd: {  	_ =	swait.ge [sflag:s6], $0x800  }
0xfe: {  	[sflag:s6] =	ssyncset.done $0x0  }
0xff: {  	s4 =	sadd.s32 $0x600, s15;
	[sflag:s6] =	ssyncadd.s32 $0xFFFFF800  }
0x100: {  	[tilespmem:s26], [sflag:$0x5] =	stream.indirect.gather [spmem:s3], $0x10, s4, s18, $0xb8;
	[tilespmem:$0x10680] =	vst v63  }
0x101: {  	_ =	swait.ge [sflag:s11], $0x800  }
0x102: {  	[sflag:s11] =	ssyncset.done $0x0  }
0x103: {  	s4 =	sadd.s32 $0x680, s15;
	[sflag:s11] =	ssyncadd.s32 $0xFFFFF800  }
0x104: {  	[tilespmem:s29], [sflag:$0x6] =	stream.indirect.gather [spmem:s3], $0x10, s4, s18, $0xb8;
	[tilespmem:$0x10680] =	vst v63  }
0x105: {  	_ =	swait.ge [sflag:s12], $0x800  }
0x106: {  	[sflag:s12] =	ssyncset.done $0x0  }
.Ltmp4:
0x107: {  	s4 =	sadd.s32 $0x700, s15;
	[sflag:s12] =	ssyncadd.s32 $0xFFFFF800;
	(pc) =	sbr.rel @p1 .LBB2_8-.Ltmp4, $4  }
0x108: {  	[tilespmem:s31], [sflag:$0x7] =	stream.indirect.gather [spmem:s3], $0x10, s4, s18, $0xb8;
	[tilespmem:$0x10680] =	vst v63  }
0x109: {  	_ =	swait.ge [sflag:s16], $0x800  }
0x10a: {  	[sflag:s16] =	ssyncset.done $0x0  }
0x10b: {  	s15 =	sadd.s32 $0x780, s15;
	[sflag:s16] =	ssyncadd.s32 $0xFFFFF800  }
.Ltmp5:
0x10c: {  	(pc) =	sbr.rel .LBB2_10-.Ltmp5, $3  }
0x10d: {  	_ =	sdelay $0x1  }
0x10e: {  	[tilespmem:s1], [sflag:$0x8] =	stream.indirect.gather [spmem:s3], $0x10, s15, s18, $0xb8;
	[tilespmem:$0x10680] =	vst v63  }
0x10f: {  	s15 =	rddreg [dreg:$0x5]  }
.LBB2_4:
0x110: {  	s5 =	simm.s32 $0x0;
	s4 =	rddreg [dreg:$0x8]  }
0x111: {  	[tilespmem:s5], [sflag:$0x11] =	stream.linear.gather [hbm4b:s4+s5], $0x2800, $0x38;
	[tilespmem:$0x10680] =	vst v63  }
0x112: {  	_ =	swait.ge [sflag:s14], $0x2800  }
0x113: {  	[sflag:s14] =	ssyncset.done $0x0  }
0x114: {  	s15 =	simm.s32 $0x2800;
	s4 =	rddreg [dreg:$0x9];
	[sflag:s14] =	ssyncadd.s32 $0xFFFFD800  }
0x115: {  	[tilespmem:s15], [sflag:$0x11] =	stream.linear.gather [hbm4b:s4+s5], $0x2800, $0x38;
	[tilespmem:$0x10680] =	vst v63  }
0x116: {  	_ =	swait.ge [sflag:s14], $0x2800  }
0x117: {  	[sflag:s14] =	ssyncset.done $0x0  }
0x118: {  	[sflag:s14] =	ssyncadd.s32 $0xFFFFD800  }
0x119: {  	[tilespmem:s19], [sflag:$0x1] =	stream.indirect.gather [spmem:s3], $0x10, s5, s18, $0xb8;
	[tilespmem:$0x10680] =	vst v63  }
0x11a: {  	_ = 	snop  }
0x11b: {  	[tilespmem:s20], [sflag:$0x2] =	stream.indirect.gather [spmem:s3], $0x10, s18, s18, $0xb8;
	[tilespmem:$0x10680] =	vst v63  }
0x11c: {  	s5 =	simm.s32 $0x100  }
0x11d: {  	[tilespmem:s22], [sflag:$0x3] =	stream.indirect.gather [spmem:s3], $0x10, s5, s18, $0xb8;
	[tilespmem:$0x10680] =	vst v63  }
0x11e: {  	s14 =	simm.s32 $0x180  }
0x11f: {  	[tilespmem:s24], [sflag:$0x4] =	stream.indirect.gather [spmem:s3], $0x10, s14, s18, $0xb8;
	[tilespmem:$0x10680] =	vst v63  }
0x120: {  	s15 =	simm.s32 $0x200  }
0x121: {  	[tilespmem:s26], [sflag:$0x5] =	stream.indirect.gather [spmem:s3], $0x10, s15, s18, $0xb8;
	[tilespmem:$0x10680] =	vst v63  }
0x122: {  	s5 =	simm.s32 $0x280  }
0x123: {  	[tilespmem:s29], [sflag:$0x6] =	stream.indirect.gather [spmem:s3], $0x10, s5, s18, $0xb8;
	[tilespmem:$0x10680] =	vst v63  }
0x124: {  	s14 =	simm.s32 $0x300  }
0x125: {  	[tilespmem:s31], [sflag:$0x7] =	stream.indirect.gather [spmem:s3], $0x10, s14, s18, $0xb8;
	[tilespmem:$0x10680] =	vst v63  }
0x126: {  	s15 =	simm.s32 $0x380  }
0x127: {  	[tilespmem:s1], [sflag:$0x8] =	stream.indirect.gather [spmem:s3], $0x10, s15, s18, $0xb8;
	[tilespmem:$0x10680] =	vst v63  }
0x128: {  	_ =	swait.ge [sflag:s13], $0x800  }
0x129: {  	[sflag:s13] =	ssyncset.done $0x0  }
0x12a: {  	s4 =	simm.s32 $0x2800;
	[sflag:s13] =	ssyncadd.s32 $0xFFFFF800  }
0x12b: {  	[spmem:s2] =	stream.indirect.scatter.add.f32 [tilespmem:s19], [sflag:$0x9], $0x10, s4, s18, $0xb8;
	[tilespmem:$0x10680] =	vst v63  }
0x12c: {  	_ =	swait.ge [sflag:s17], $0x800  }
0x12d: {  	[sflag:s17] =	ssyncset.done $0x0  }
0x12e: {  	s14 =	simm.s32 $0x2880;
	[sflag:s17] =	ssyncadd.s32 $0xFFFFF800  }
0x12f: {  	[spmem:s2] =	stream.indirect.scatter.add.f32 [tilespmem:s20], [sflag:$0xA], $0x10, s14, s18, $0xb8;
	[tilespmem:$0x10680] =	vst v63  }
0x130: {  	_ =	swait.ge [sflag:s21], $0x800  }
0x131: {  	[sflag:s21] =	ssyncset.done $0x0  }
0x132: {  	s15 =	simm.s32 $0x2900;
	[sflag:s21] =	ssyncadd.s32 $0xFFFFF800  }
0x133: {  	[spmem:s2] =	stream.indirect.scatter.add.f32 [tilespmem:s22], [sflag:$0xB], $0x10, s15, s18, $0xb8;
	[tilespmem:$0x10680] =	vst v63  }
0x134: {  	_ =	swait.ge [sflag:s23], $0x800  }
0x135: {  	[sflag:s23] =	ssyncset.done $0x0  }
0x136: {  	s4 =	simm.s32 $0x2980;
	[sflag:s23] =	ssyncadd.s32 $0xFFFFF800  }
0x137: {  	[spmem:s2] =	stream.indirect.scatter.add.f32 [tilespmem:s24], [sflag:$0xC], $0x10, s4, s18, $0xb8;
	[tilespmem:$0x10680] =	vst v63  }
0x138: {  	_ =	swait.ge [sflag:s25], $0x800  }
0x139: {  	[sflag:s25] =	ssyncset.done $0x0  }
0x13a: {  	s14 =	simm.s32 $0x2A00;
	[sflag:s25] =	ssyncadd.s32 $0xFFFFF800  }
0x13b: {  	[spmem:s2] =	stream.indirect.scatter.add.f32 [tilespmem:s26], [sflag:$0xD], $0x10, s14, s18, $0xb8;
	[tilespmem:$0x10680] =	vst v63  }
0x13c: {  	_ =	swait.ge [sflag:s7], $0x800  }
0x13d: {  	[sflag:s7] =	ssyncset.done $0x0  }
0x13e: {  	s15 =	simm.s32 $0x2A80;
	[sflag:s7] =	ssyncadd.s32 $0xFFFFF800  }
0x13f: {  	[spmem:s2] =	stream.indirect.scatter.add.f32 [tilespmem:s29], [sflag:$0xE], $0x10, s15, s18, $0xb8;
	[tilespmem:$0x10680] =	vst v63  }
0x140: {  	_ =	swait.ge [sflag:s8], $0x800  }
0x141: {  	[sflag:s8] =	ssyncset.done $0x0  }
0x142: {  	s4 =	simm.s32 $0x2B00;
	[sflag:s8] =	ssyncadd.s32 $0xFFFFF800  }
0x143: {  	[spmem:s2] =	stream.indirect.scatter.add.f32 [tilespmem:s31], [sflag:$0xF], $0x10, s4, s18, $0xb8;
	[tilespmem:$0x10680] =	vst v63  }
0x144: {  	_ =	swait.ge [sflag:s28], $0x800  }
0x145: {  	[sflag:s28] =	ssyncset.done $0x0  }
0x146: {  	s14 =	simm.s32 $0x2B80;
	[sflag:s28] =	ssyncadd.s32 $0xFFFFF800  }
0x147: {  	[spmem:s2] =	stream.indirect.scatter.add.f32 [tilespmem:s1], [sflag:$0x10], $0x10, s14, s18, $0xb8;
	[tilespmem:$0x10680] =	vst v63  }
0x148: {  	_ =	swait.ge [sflag:s9], $0x800  }
0x149: {  	[sflag:s9] =	ssyncset.done $0x0  }
0x14a: {  	s15 =	simm.s32 $0x400;
	[sflag:s9] =	ssyncadd.s32 $0xFFFFF800  }
0x14b: {  	[tilespmem:s19], [sflag:$0x1] =	stream.indirect.gather [spmem:s3], $0x10, s15, s18, $0xb8;
	[tilespmem:$0x10680] =	vst v63  }
0x14c: {  	_ =	swait.ge [sflag:s10], $0x800  }
0x14d: {  	[sflag:s10] =	ssyncset.done $0x0  }
0x14e: {  	s4 =	simm.s32 $0x480;
	[sflag:s10] =	ssyncadd.s32 $0xFFFFF800  }
0x14f: {  	[tilespmem:s20], [sflag:$0x2] =	stream.indirect.gather [spmem:s3], $0x10, s4, s18, $0xb8;
	[tilespmem:$0x10680] =	vst v63  }
0x150: {  	_ =	swait.ge [sflag:s30], $0x800  }
0x151: {  	[sflag:s30] =	ssyncset.done $0x0  }
0x152: {  	s14 =	simm.s32 $0x500;
	[sflag:s30] =	ssyncadd.s32 $0xFFFFF800  }
0x153: {  	[tilespmem:s22], [sflag:$0x3] =	stream.indirect.gather [spmem:s3], $0x10, s14, s18, $0xb8;
	[tilespmem:$0x10680] =	vst v63  }
0x154: {  	_ =	swait.ge [sflag:s0], $0x800  }
0x155: {  	[sflag:s0] =	ssyncset.done $0x0  }
0x156: {  	s15 =	simm.s32 $0x580;
	[sflag:s0] =	ssyncadd.s32 $0xFFFFF800  }
0x157: {  	[tilespmem:s24], [sflag:$0x4] =	stream.indirect.gather [spmem:s3], $0x10, s15, s18, $0xb8;
	[tilespmem:$0x10680] =	vst v63  }
0x158: {  	_ =	swait.ge [sflag:s6], $0x800  }
0x159: {  	[sflag:s6] =	ssyncset.done $0x0  }
0x15a: {  	s4 =	simm.s32 $0x600;
	[sflag:s6] =	ssyncadd.s32 $0xFFFFF800  }
0x15b: {  	[tilespmem:s26], [sflag:$0x5] =	stream.indirect.gather [spmem:s3], $0x10, s4, s18, $0xb8;
	[tilespmem:$0x10680] =	vst v63  }
0x15c: {  	_ =	swait.ge [sflag:s11], $0x800  }
0x15d: {  	[sflag:s11] =	ssyncset.done $0x0  }
0x15e: {  	s14 =	simm.s32 $0x680;
	[sflag:s11] =	ssyncadd.s32 $0xFFFFF800  }
0x15f: {  	[tilespmem:s29], [sflag:$0x6] =	stream.indirect.gather [spmem:s3], $0x10, s14, s18, $0xb8;
	[tilespmem:$0x10680] =	vst v63  }
0x160: {  	_ =	swait.ge [sflag:s12], $0x800  }
0x161: {  	[sflag:s12] =	ssyncset.done $0x0  }
0x162: {  	s15 =	simm.s32 $0x700;
	[sflag:s12] =	ssyncadd.s32 $0xFFFFF800  }
0x163: {  	[tilespmem:s31], [sflag:$0x7] =	stream.indirect.gather [spmem:s3], $0x10, s15, s18, $0xb8;
	[tilespmem:$0x10680] =	vst v63  }
0x164: {  	_ =	swait.ge [sflag:s16], $0x800  }
0x165: {  	[sflag:s16] =	ssyncset.done $0x0  }
0x166: {  	s5 =	simm.s32 $0x1000;
	s15 =	simm.s32 $0x780;
	[sflag:s16] =	ssyncadd.s32 $0xFFFFF800  }
.LBB2_5:
0x167: {  	[tilespmem:s1], [sflag:$0x8] =	stream.indirect.gather [spmem:s3], $0x10, s15, s18, $0xb8;
	[tilespmem:$0x10680] =	vst v63  }
0x168: {  	s15 =	smov.u32 s5  }
0x169: {  	p1 =	seq.s32 s5, $0x8000;
	s5 =	sadd.s32 $0x1000, s5;
	_ =	swait.ge [sflag:s13], $0x800  }
0x16a: {  	s15 =	sshra.s32 s15, $0x2;
	[sflag:s13] =	ssyncset.done $0x0  }
0x16b: {  	s4 =	sadd.s32 $0x2800, s15;
	[sflag:s13] =	ssyncadd.s32 $0xFFFFF800  }
0x16c: {  	[spmem:s2] =	stream.indirect.scatter.add.f32 [tilespmem:s19], [sflag:$0x9], $0x10, s4, s18, $0xb8;
	[tilespmem:$0x10680] =	vst v63  }
0x16d: {  	_ =	swait.ge [sflag:s17], $0x800  }
0x16e: {  	[sflag:s17] =	ssyncset.done $0x0  }
0x16f: {  	s4 =	sadd.s32 $0x2880, s15;
	[sflag:s17] =	ssyncadd.s32 $0xFFFFF800  }
0x170: {  	[spmem:s2] =	stream.indirect.scatter.add.f32 [tilespmem:s20], [sflag:$0xA], $0x10, s4, s18, $0xb8;
	[tilespmem:$0x10680] =	vst v63  }
0x171: {  	_ =	swait.ge [sflag:s21], $0x800  }
0x172: {  	[sflag:s21] =	ssyncset.done $0x0  }
0x173: {  	s4 =	sadd.s32 $0x2900, s15;
	[sflag:s21] =	ssyncadd.s32 $0xFFFFF800  }
0x174: {  	[spmem:s2] =	stream.indirect.scatter.add.f32 [tilespmem:s22], [sflag:$0xB], $0x10, s4, s18, $0xb8;
	[tilespmem:$0x10680] =	vst v63  }
0x175: {  	_ =	swait.ge [sflag:s23], $0x800  }
0x176: {  	[sflag:s23] =	ssyncset.done $0x0  }
0x177: {  	s4 =	sadd.s32 $0x2980, s15;
	[sflag:s23] =	ssyncadd.s32 $0xFFFFF800  }
0x178: {  	[spmem:s2] =	stream.indirect.scatter.add.f32 [tilespmem:s24], [sflag:$0xC], $0x10, s4, s18, $0xb8;
	[tilespmem:$0x10680] =	vst v63  }
0x179: {  	_ =	swait.ge [sflag:s25], $0x800  }
0x17a: {  	[sflag:s25] =	ssyncset.done $0x0  }
0x17b: {  	s4 =	sadd.s32 $0x2A00, s15;
	[sflag:s25] =	ssyncadd.s32 $0xFFFFF800  }
0x17c: {  	[spmem:s2] =	stream.indirect.scatter.add.f32 [tilespmem:s26], [sflag:$0xD], $0x10, s4, s18, $0xb8;
	[tilespmem:$0x10680] =	vst v63  }
0x17d: {  	_ =	swait.ge [sflag:s7], $0x800  }
0x17e: {  	[sflag:s7] =	ssyncset.done $0x0  }
0x17f: {  	s4 =	sadd.s32 $0x2A80, s15;
	[sflag:s7] =	ssyncadd.s32 $0xFFFFF800  }
0x180: {  	[spmem:s2] =	stream.indirect.scatter.add.f32 [tilespmem:s29], [sflag:$0xE], $0x10, s4, s18, $0xb8;
	[tilespmem:$0x10680] =	vst v63  }
0x181: {  	_ =	swait.ge [sflag:s8], $0x800  }
0x182: {  	[sflag:s8] =	ssyncset.done $0x0  }
0x183: {  	s4 =	sadd.s32 $0x2B00, s15;
	[sflag:s8] =	ssyncadd.s32 $0xFFFFF800  }
0x184: {  	[spmem:s2] =	stream.indirect.scatter.add.f32 [tilespmem:s31], [sflag:$0xF], $0x10, s4, s18, $0xb8;
	[tilespmem:$0x10680] =	vst v63  }
0x185: {  	_ =	swait.ge [sflag:s28], $0x800  }
0x186: {  	[sflag:s28] =	ssyncset.done $0x0  }
0x187: {  	s4 =	sadd.s32 $0x2B80, s15;
	[sflag:s28] =	ssyncadd.s32 $0xFFFFF800  }
0x188: {  	[spmem:s2] =	stream.indirect.scatter.add.f32 [tilespmem:s1], [sflag:$0x10], $0x10, s4, s18, $0xb8;
	[tilespmem:$0x10680] =	vst v63  }
0x189: {  	_ =	swait.ge [sflag:s9], $0x800  }
0x18a: {  	[sflag:s9] =	ssyncset.done $0x0  }
0x18b: {  	s4 =	sadd.s32 $0x400, s15;
	[sflag:s9] =	ssyncadd.s32 $0xFFFFF800  }
0x18c: {  	[tilespmem:s19], [sflag:$0x1] =	stream.indirect.gather [spmem:s3], $0x10, s4, s18, $0xb8;
	[tilespmem:$0x10680] =	vst v63  }
0x18d: {  	_ =	swait.ge [sflag:s10], $0x800  }
0x18e: {  	[sflag:s10] =	ssyncset.done $0x0  }
0x18f: {  	s4 =	sadd.s32 $0x480, s15;
	[sflag:s10] =	ssyncadd.s32 $0xFFFFF800  }
0x190: {  	[tilespmem:s20], [sflag:$0x2] =	stream.indirect.gather [spmem:s3], $0x10, s4, s18, $0xb8;
	[tilespmem:$0x10680] =	vst v63  }
0x191: {  	_ =	swait.ge [sflag:s30], $0x800  }
0x192: {  	[sflag:s30] =	ssyncset.done $0x0  }
0x193: {  	s4 =	sadd.s32 $0x500, s15;
	[sflag:s30] =	ssyncadd.s32 $0xFFFFF800  }
0x194: {  	[tilespmem:s22], [sflag:$0x3] =	stream.indirect.gather [spmem:s3], $0x10, s4, s18, $0xb8;
	[tilespmem:$0x10680] =	vst v63  }
0x195: {  	_ =	swait.ge [sflag:s0], $0x800  }
0x196: {  	[sflag:s0] =	ssyncset.done $0x0  }
0x197: {  	s4 =	sadd.s32 $0x580, s15;
	[sflag:s0] =	ssyncadd.s32 $0xFFFFF800  }
0x198: {  	[tilespmem:s24], [sflag:$0x4] =	stream.indirect.gather [spmem:s3], $0x10, s4, s18, $0xb8;
	[tilespmem:$0x10680] =	vst v63  }
0x199: {  	_ =	swait.ge [sflag:s6], $0x800  }
0x19a: {  	[sflag:s6] =	ssyncset.done $0x0  }
0x19b: {  	s4 =	sadd.s32 $0x600, s15;
	[sflag:s6] =	ssyncadd.s32 $0xFFFFF800  }
0x19c: {  	[tilespmem:s26], [sflag:$0x5] =	stream.indirect.gather [spmem:s3], $0x10, s4, s18, $0xb8;
	[tilespmem:$0x10680] =	vst v63  }
0x19d: {  	_ =	swait.ge [sflag:s11], $0x800  }
0x19e: {  	[sflag:s11] =	ssyncset.done $0x0  }
0x19f: {  	s4 =	sadd.s32 $0x680, s15;
	[sflag:s11] =	ssyncadd.s32 $0xFFFFF800  }
0x1a0: {  	[tilespmem:s29], [sflag:$0x6] =	stream.indirect.gather [spmem:s3], $0x10, s4, s18, $0xb8;
	[tilespmem:$0x10680] =	vst v63  }
0x1a1: {  	_ =	swait.ge [sflag:s12], $0x800  }
0x1a2: {  	[sflag:s12] =	ssyncset.done $0x0  }
.Ltmp6:
0x1a3: {  	s4 =	sadd.s32 $0x700, s15;
	[sflag:s12] =	ssyncadd.s32 $0xFFFFF800;
	(pc) =	sbr.rel @!p1 .LBB2_5-.Ltmp6, $4  }
0x1a4: {  	[tilespmem:s31], [sflag:$0x7] =	stream.indirect.gather [spmem:s3], $0x10, s4, s18, $0xb8;
	[tilespmem:$0x10680] =	vst v63  }
0x1a5: {  	_ =	swait.ge [sflag:s16], $0x800  }
0x1a6: {  	[sflag:s16] =	ssyncset.done $0x0  }
0x1a7: {  	s15 =	sadd.s32 $0x780, s15;
	[sflag:s16] =	ssyncadd.s32 $0xFFFFF800  }
.Ltmp7:
0x1a8: {  	_ = 	snop;
	(pc) =	sbr.rel .LBB2_6-.Ltmp7, $1  }
0x1a9: {  	_ =	sdelay $0x3  }
.LBB2_11:
0x1aa: {  	_ =	sfence.sel $0x180000  }
0x1ab: {  	[bflag:$0x0] =	sbarrier.arrive $0xFFFF  }
0x1ac: {  	_ =	strace $0x9000004A  }
0x1ad: {  	s0 =	stileid.u32;
	[bflag:$0x2] =	sbarrier.arrive $0xFFFF  }
0x1ae: {  	p0 =	sne.s32 s0, $0x0;
	s0 =	rddreg [dreg:$0x4]  }
0x1af: {  	s0 =	sadd.s32 @!p0 $0x100000, s0  }
0x1b0: {  	[sflag:s0] =	ssyncadd.tile.s32 @!p0 $0x1;
	_ =	shalt  }
.Lfunc_end2:
_tile_overlayer_lowered:
.L_overlay_start_2:
0x1b1: {  	(tag) =	ssettag $0x2  }
0x1b2: {  	s0 =	rddreg [dreg:$0x0];
	s2 =	stileid.u32  }
0x1b3: {  	s1 =	rddreg [dreg:$0x1];
	p0 =	sne.s32 s2, $0x0  }
0x1b4: {  	s3 =	rddreg [dreg:$0x2];
	[bflag:$0x3] =	sbarrier.arrive $0xFFFF;
	s2 =	simm.s32 @!p0 $0x1C11  }
0x1b5: {  	[timem:s3], [sflag:s2] =	dma.local @!p0 [hbm:s0], s1  }
0x1b6: {  	s0 =	simm.s32 @!p0 $0x11  }
0x1b7: {  	_ =	swait.ge @!p0 [sflag:s0], s1  }
0x1b8: {  	s1 =	ssub.s32 @!p0 $0x0, s1;
	[sflag:s0] =	ssyncset.done @!p0 $0x0  }
0x1b9: {  	[sflag:s0] =	ssyncadd.s32 @!p0 s1  }
0x1ba: {  	[bflag:$0x3] =	sbarrier.arrive $0xFFFF  }
0x1bb: {  	_ =	shalt  }

// kernel: kernel.15.cloned.1.call-start
scs
__scs_entry_jumppad:
0x0: {  	(pc) =	sbr.rel $0x88, $3  }
0x1: {  	(tag) =	ssettag $0x0;
	lr =	simm.s32 $0x1  }
0x2: {  	[smem:$0x3F9B] =	sst lr;
	_ =	strace $0xD0000000  }
0x3: {  	_ = 	snop  }
0x4: {  	_ = 	snop  }
0x5: {  	_ = 	snop  }
0x6: {  	_ = 	snop  }
0x7: {  	_ = 	snop  }
__scs_overlays_trampoline_lowered:
0x8: {  	[smem:$0x3FAA] =	sst s0  }
0x9: {  	[smem:$0x3FAB] =	sst s1  }
0xa: {  	[smem:$0x3FAC] =	sst s2  }
0xb: {  	[smem:$0x3FAD] =	sst s3  }
0xc: {  	[smem:$0x3FAE] =	sst s4  }
0xd: {  	[smem:$0x3FAF] =	sst s5  }
0xe: {  	[smem:$0x3FB0] =	sst s6  }
0xf: {  	[smem:$0x3FB1] =	sst s7  }
0x10: {  	[smem:$0x3FB2] =	sst s8  }
0x11: {  	[smem:$0x3FB3] =	sst s9;
	s0 =	simm.s32 @!p0 $0x0  }
0x12: {  	s1 =	sld [smem:$0x3F99];
	s0 =	simm.s32 @p0 $0x1  }
0x13: {  	[smem:$0x3FB4] =	sst s0;
	s0 =	simm.s32 @!p1 $0x0  }
0x14: {  	s2 =	sld [smem:$0x3F98];
	s0 =	simm.s32 @p1 $0x1  }
0x15: {  	[smem:$0x3FB5] =	sst s0;
	s0 =	simm.s32 @!p2 $0x0  }
0x16: {  	s3 =	sld [smem:$0x3FDB];
	s0 =	simm.s32 @p2 $0x1  }
0x17: {  	s4 =	simm.s32 $0x1BF5;
	[smem:$0x3FB7] =	sst s0  }
0x18: {  	s0 =	sld [smem:$0x3F9A];
	_ =	swait.ge [sflag:s4], $0x0  }
0x19: {  	s7 =	sld [smem:$0x3F9B]  }
0x1a: {  	s8 =	sadd.s32 $0xFFFFE003, lr  }
0x1b: {  	s9 =	sadd.s32 $0xFFFFFEF7, lr;
	s5 =	simm.s32 $0xFFFFFFFF;
	p2 =	slt.u32 s8, $0xFFFFF086  }
0x1c: {  	p1 =	slt.u32 s9, $0xF7A;
	s5 =	simm.s32 @!p2 $0x0  }
0x1d: {  	s5 =	simm.s32 @p1 $0x1;
	p0 =	seq.s32 s7, s2  }
0x1e: {  	s7 =	smul.u32 @!p0 $0xF7A, s2;
	p2 =	seq.s32 @!p0 s5, $0x0  }
0x1f: {  	s9 =	smul.u32 $0xF7A, s1;
	s8 =	simm.s32 @!p0 $0x1BF5;
	p2 =	por !p2, p0  }
0x20: {  	[sflag:s8] =	ssyncset.s32 @!p0 $0xFFFFF086;
	s6 =	sadd.s32 @!p0 s3, s7;
	s7 =	simm.s32 @!p0 $0x108  }
0x21: {  	s3 =	sadd.s32 s3, s9;
	s6 =	sadd.s32 @!p0 $0x88, s6;
	s7 =	simm.s32 @p2 $0x1082  }
0x22: {  	[simem:s7], [sflag:s8] =	dma.local @!p0 [hbm:s6], $0xF7A  }
0x23: {  	s9 =	sor.u32 $0xD0000000, s2;
	s6 =	simm.s32 $0x108;
	_ =	swait.ge @!p0 [sflag:s8], $0x0  }
0x24: {  	s3 =	sadd.s32 $0x88, s3;
	s6 =	simm.s32 @!p1 $0x1082;
	[sflag:s4] =	ssyncset.s32 $0xFFFFF086  }
0x25: {  	[simem:s6], [sflag:s4] =	dma.local [hbm:s3], $0xF7A  }
0x26: {  	[smem:$0x3F9B] =	sst s1;
	(tag) =	ssettag s2;
	_ =	strace s9  }
0x27: {  	s1 =	sld [smem:$0x3FAB]  }
0x28: {  	s2 =	sld [smem:$0x3FAC]  }
0x29: {  	s4 =	sld [smem:$0x3FAE]  }
0x2a: {  	p0 =	seq.s32 s5, $0x0;
	s5 =	sld [smem:$0x3FAF]  }
0x2b: {  	s6 =	sld [smem:$0x3FB0]  }
0x2c: {  	s7 =	sld [smem:$0x3FB1]  }
0x2d: {  	s3 =	simm.s32 $0x108;
	s8 =	sld [smem:$0x3FB2]  }
0x2e: {  	s3 =	simm.s32 @!p0 $0x1082;
	s9 =	sld [smem:$0x3FB3]  }
0x2f: {  	lr =	sadd.s32 s0, s3;
	s0 =	sld [smem:$0x3FAA]  }
0x30: {  	s3 =	sld [smem:$0x3FAD]  }
0x31: {  	[smem:$0x3FB6] =	sst s10  }
0x32: {  	s10 =	sld [smem:$0x3FB4];
	_ =	sdelay $0x3  }
0x33: {  	p0 =	seq.s32 s10, $0x1;
	s10 =	sld [smem:$0x3FB6];
	_ =	sdelay $0x3  }
0x34: {  	[smem:$0x3FB6] =	sst s10  }
0x35: {  	s10 =	sld [smem:$0x3FB5];
	_ =	sdelay $0x3  }
0x36: {  	p1 =	seq.s32 s10, $0x1;
	s10 =	sld [smem:$0x3FB6];
	_ =	sdelay $0x3  }
0x37: {  	[smem:$0x3FB6] =	sst s10  }
0x38: {  	s10 =	sld [smem:$0x3FB7]  }
0x39: {  	_ = 	snop;
	(pc) =	sbr.ind lr, $3  }
0x3a: {  	_ = 	snop  }
0x3b: {  	_ = 	snop  }
0x3c: {  	p2 =	seq.s32 s10, $0x1;
	s10 =	sld [smem:$0x3FB6]  }
0x3d: {  	_ =	shalt  }
0x3e: {  	_ =	shalt  }
0x3f: {  	_ =	shalt  }
0x40: {  	_ =	shalt  }
0x41: {  	_ =	shalt  }
0x42: {  	_ =	shalt  }
0x43: {  	_ =	shalt  }
0x44: {  	_ =	shalt  }
0x45: {  	_ =	shalt  }
0x46: {  	_ =	shalt  }
0x47: {  	_ =	shalt  }
0x48: {  	_ =	shalt  }
0x49: {  	_ =	shalt  }
0x4a: {  	_ =	shalt  }
0x4b: {  	_ =	shalt  }
0x4c: {  	_ =	shalt  }
0x4d: {  	_ =	shalt  }
0x4e: {  	_ =	shalt  }
0x4f: {  	_ =	shalt  }
0x50: {  	_ =	shalt  }
0x51: {  	_ =	shalt  }
0x52: {  	_ =	shalt  }
0x53: {  	_ =	shalt  }
0x54: {  	_ =	shalt  }
0x55: {  	_ =	shalt  }
0x56: {  	_ =	shalt  }
0x57: {  	_ =	shalt  }
0x58: {  	_ =	shalt  }
0x59: {  	_ =	shalt  }
0x5a: {  	_ =	shalt  }
0x5b: {  	_ =	shalt  }
0x5c: {  	_ =	shalt  }
0x5d: {  	_ =	shalt  }
0x5e: {  	_ =	shalt  }
0x5f: {  	_ =	shalt  }
0x60: {  	_ =	shalt  }
0x61: {  	_ =	shalt  }
0x62: {  	_ =	shalt  }
0x63: {  	_ =	shalt  }
0x64: {  	_ =	shalt  }
0x65: {  	_ =	shalt  }
0x66: {  	_ =	shalt  }
0x67: {  	_ =	shalt  }
0x68: {  	_ =	shalt  }
0x69: {  	_ =	shalt  }
0x6a: {  	_ =	shalt  }
0x6b: {  	_ =	shalt  }
0x6c: {  	_ =	shalt  }
0x6d: {  	_ =	shalt  }
0x6e: {  	_ =	shalt  }
0x6f: {  	_ =	shalt  }
0x70: {  	_ =	shalt  }
0x71: {  	_ =	shalt  }
0x72: {  	_ =	shalt  }
0x73: {  	_ =	shalt  }
0x74: {  	_ =	shalt  }
0x75: {  	_ =	shalt  }
0x76: {  	_ =	shalt  }
0x77: {  	_ =	shalt  }
0x78: {  	_ =	shalt  }
0x79: {  	_ =	shalt  }
0x7a: {  	_ =	shalt  }
0x7b: {  	_ =	shalt  }
0x7c: {  	_ =	shalt  }
0x7d: {  	_ =	shalt  }
0x7e: {  	_ =	shalt  }
0x7f: {  	_ =	shalt  }
0x80: {  	_ =	shalt  }
0x81: {  	_ =	shalt  }
0x82: {  	_ =	shalt  }
0x83: {  	_ =	shalt  }
0x84: {  	_ =	shalt  }
0x85: {  	_ =	shalt  }
0x86: {  	_ =	shalt  }
0x87: {  	_ =	shalt  }
.Lfunc_end0:
.L_simem_size_0:
called_computation.2_lowered:
.L_overlay_start_0:
0x88: {  	s2 =	sld [smem:$0x3FD9]  }
0x89: {  	s3 =	sld [smem:$0x3FFE];
	_ =	sdelay $0x1  }
0x8a: {  	s1 =	srdreg.scid  }
0x8b: {  	s0 =	sand.u32 $0x1, s1  }
0x8c: {  	s17 =	sshll.u32 s0, $0xA;
	s2 =	sadd.s32 s3, s2  }
0x8d: {  	s2 =	sadd.s32 s2, s17  }
0x8e: {  	[smem:$0x3FC2] =	sst s2  }
0x8f: {  	_ = 	snop  }
0x90: {  	s2 =	sld [smem:$0x3FD0];
	(tm) =	ssettm $0x1  }
0x91: {  	s18 =	sld [smem:$0x3FFB];
	_ =	sdelay $0x3  }
0x92: {  	_ =	strace s18  }
0x93: {  	s3 =	sld [smem:$0x3FFC];
	_ =	sdelay $0x3  }
0x94: {  	_ =	strace s3  }
0x95: {  	s3 =	sld [smem:$0x3FFD];
	_ =	sdelay $0x3  }
0x96: {  	_ =	strace s3  }
0x97: {  	_ =	strace $0x8FFFFFFF  }
0x98: {  	s19 =	sld [smem:$0x3FDB];
	_ =	sdelay $0x1  }
0x99: {  	s4 =	simm.s32 $_scs_section_size  }
0x9a: {  	s5 =	simm.s32 $_size__tile_overlayer_lowered;
	s6 =	simm.s32 $_tile_overlayer_lowered  }
0x9b: {  	s22 =	simm.s32 $0x1BFF;
	s21 =	sshll.u32 s6, $0x1;
	s3 =	sadd.s32 s4, s19  }
0x9c: {  	s7 =	simm.s32 $0x0;
	s20 =	sshll.u32 s5, $0x1;
	s5 =	sadd.s32 s21, s3  }
0x9d: {  	[timem:s7], [sflag:s22] =	dma.local [hbm:s5], s20  }
0x9e: {  	_ =	swait.ge [sflag:s22], s20  }
0x9f: {  	s4 =	ssub.s32 $0x0, s20;
	[sflag:s22] =	ssyncset.done $0x0  }
0xa0: {  	[sflag:s22] =	ssyncadd.s32 s4;
	_ =	sdelay $0x1  }
0xa1: {  	s23 =	simm.s32 $0x1B8B  }
0xa2: {  	_ =	swait.ge [sflag:s23], $0x1  }
0xa3: {  	[sflag:s23] =	ssyncset.done $0x0  }
0xa4: {  	s25 =	simm.s32 $0x1B8E;
	s24 =	sld [smem:$0x3FFE];
	[sflag:s23] =	ssyncadd.s32 $0xFFFFFFFF  }
0xa5: {  	s26 =	simm.s32 $execute0_lowered;
	[smem:$0x3FD2] =	sst s25  }
0xa6: {  	s5 =	sshll.u32 s26, $0x1;
	_ =	strace $0x8000004C;
	[dreg:$0x1] =	wrdreg $0xFFFFFFFF  }
0xa7: {  	s28 =	simm.s32 $_size_execute0_lowered;
	s3 =	sadd.s32 s3, s5;
	[dreg:$0x0] =	wrdreg $0x0  }
0xa8: {  	s5 =	sshll.u32 s28, $0x1;
	[dreg:$0x2] =	wrdreg s3  }
0xa9: {  	[dreg:$0x3] =	wrdreg s5  }
0xaa: {  	[dreg:$0x4] =	wrdreg $0xC0  }
0xab: {  	_ =	task [dreg:s7], $0x5FFFF  }
0xac: {  	[dreg:$0x1] =	wrdreg $0xFFFFFFFF  }
0xad: {  	[dreg:$0x0] =	wrdreg $0x60  }
0xae: {  	[dreg:$0x2] =	wrdreg s24  }
0xaf: {  	[dreg:$0x3] =	wrdreg s2  }
0xb0: {  	[dreg:$0x4] =	wrdreg $0xB7800  }
0xb1: {  	[dreg:$0x5] =	wrdreg $0xDF000  }
0xb2: {  	[dreg:$0x6] =	wrdreg $0x9  }
0xb3: {  	_ =	task.clear_ibuf [dreg:s7], $0x7FFFF;
	_ =	strace $0x9000004C  }
0xb4: {  	s29 =	simm.s32 $0x9;
	_ =	strace $0x8000004E  }
0xb5: {  	_ =	swait.ge [sflag:s29], $0x1  }
0xb6: {  	[sflag:s29] =	ssyncadd.s32 $0xFFFFFFFF  }
0xb7: {  	_ =	strace $0x9000004E  }
0xb8: {  	_ =	sfence  }
0xb9: {  	s30 =	sld [smem:$0x0];
	_ =	sdelay $0x2  }
0xba: {  	s31 =	sshll.u32 s1, $0xD;
	s1 =	sshrl.u32 s1, $0x2  }
0xbb: {  	s3 =	sand.u32 $0x4000, s31;
	s1 =	sadd.s32 s1, s30  }
0xbc: {  	s0 =	sor.u32 s3, s0;
	s1 =	sshll.u32 s1, $0x11  }
0xbd: {  	s0 =	sor.u32 s1, s0  }
0xbe: {  	s0 =	sadd.s32 $0x8F2B, s0  }
0xbf: {  	[sflag:s0] =	ssyncadd.remote.s32 $0x1  }
0xc0: {  	_ =	sfence.sel $0xFFFF  }
0xc1: {  	[dreg:$0x0] =	wrdreg $0xFFFFFFFF;
	(pc) =	sbr.abs _section_cstart, $3  }
0xc2: {  	[dreg:$0x1] =	wrdreg $0xFFFFFFFF  }
0xc3: {  	_ =	task.clear_ibuf [dreg:s7], $0x2FFFF;
	_ =	strace $0x9FFFFFFF  }
0xc4: {  	(tm) =	ssettm $0x7FFFFFFF  }
0xc5: {  	_ =	shalt  }
tec
execute0_lowered:
.L_overlay_start_1:
0x0: {  	(tag) =	ssettag $0x1  }
0x1: {  	s0 =	rddreg [dreg:$0x0]  }
0x2: {  	s1 =	rddreg [dreg:$0x1]  }
0x3: {  	s2 =	rddreg [dreg:$0x2]  }
0x4: {  	s3 =	rddreg [dreg:$0x3]  }
0x5: {  	s5 =	srdreg.scid;
	s4 =	stileid.u32  }
0x6: {  	s15 =	simm.s32 $0x0;
	s14 =	simm.s32 $0x11;
	s29 =	simm.s32 $0x7800  }
0x7: {  	s31 =	simm.s32 $0x8000;
	s13 =	simm.s32 $0x1;
	s6 =	smul.u32 $0x4F0, s4  }
0x8: {  	s28 =	simm.s32 $0x8;
	s30 =	simm.s32 $0xB;
	s10 =	smul.u32 $0x2780, s4  }
0x9: {  	s5 =	sand.u32 $0x1, s5;
	[smem:$0x7FF] =	sst s15;
	s11 =	smul.u32 $0x2800, s4  }
0xa: {  	s8 =	sadd.s32 $0x29E00, s0;
	s9 =	sadd.s32 $0x1FE00, s0;
	s12 =	smul.u32 $0x500, s4  }
0xb: {  	s25 =	sshll.u32 s4, $0x6;
	s7 =	smul.u32 $0x4F00, s5;
	s16 =	ssub.s32 $0x2, s5  }
0xc: {  	_ =	strace $0x8000004D;
	p0 =	seq.s32 s5, $0x1;
	s17 =	sshrl.u32 s16, $0x1  }
0xd: {  	s18 =	sadd.s32 s10, s2;
	s19 =	sadd.s32 s10, s3;
	s10 =	sshrl.u32 s10, $0x3  }
0xe: {  	s11 =	sshrl.u32 s11, $0x3;
	s21 =	sadd.s32 s8, s12;
	s22 =	sadd.s32 s9, s12  }
0xf: {  	s12 =	simm.s32 $0xF;
	s6 =	sadd.s32 s6, s7;
	[dreg:$0x6] =	wrdreg s18  }
0x10: {  	s1 =	sadd.s32 s1, s10;
	s20 =	sadd.s32 $0x5000, s11;
	[dreg:$0x8] =	wrdreg s21  }
0x11: {  	[dreg:$0x9] =	wrdreg s22;
	s26 =	sshrl.u32 s19, $0x3;
	s18 =	simm.s32 $0x80  }
0x12: {  	s19 =	simm.s32 $0x5000;
	s22 =	simm.s32 $0x6000;
	s21 =	simm.s32 $0x3  }
0x13: {  	s7 =	simm.s32 $0x6;
	s10 =	simm.s32 $0xA;
	s11 =	simm.s32 $0xE  }
0x14: {  	s0 =	sadd.s32 s6, s0;
	s6 =	ssub.s32 s16, s17;
	[dreg:$0x7] =	wrdreg s1  }
0x15: {  	s23 =	sadd.s32 s8, s20;
	s1 =	sadd.s32 s9, s20;
	[dreg:$0xf] =	wrdreg s26  }
0x16: {  	s20 =	simm.s32 $0x5800;
	s26 =	simm.s32 $0x7000;
	s17 =	simm.s32 $0x2  }
0x17: {  	s8 =	simm.s32 $0x7;
	s9 =	simm.s32 $0x9;
	[dreg:$0xa] =	wrdreg s23  }
.Ltmp0:
0x18: {  	s16 =	simm.s32 $0x10;
	[dreg:$0xb] =	wrdreg s1;
	(pc) =	sbr.rel .LBB2_1-.Ltmp0, $4  }
0x19: {  	s0 =	sadd.s32 $0x2600, s0;
	s24 =	smax.u32 s6, $0x1;
	s1 =	simm.s32 $0x8800  }
0x1a: {  	s23 =	simm.s32 $0x4;
	s6 =	simm.s32 $0xD;
	[dreg:$0xc] =	wrdreg s0  }
0x1b: {  	[dreg:$0xd] =	wrdreg s24;
	s0 =	sor.u32 $0x1C11, s25;
	s24 =	simm.s32 $0x6800  }
0x1c: {  	v0 =	vimm.f32 $0.0e+00;
	s25 =	simm.s32 $0x5;
	[dreg:$0xe] =	wrdreg s0;
	s0 =	simm.s32 $0xC  }
.LBB2_6:
0x1d: {  	[tilespmem:s1], [sflag:$0x8] =	stream.indirect.gather [spmem:s3], $0x10, s15, s18, $0xb8;
	[tilespmem:$0x10680] =	vst v63  }
0x1e: {  	s15 =	rddreg [dreg:$0x5]  }
.LBB2_10:
0x1f: {  	_ =	swait.ge [sflag:s13], $0x800  }
0x20: {  	[sflag:s13] =	ssyncset.done $0x0  }
0x21: {  	s4 =	simm.s32 $0x4C00;
	[sflag:s13] =	ssyncadd.s32 $0xFFFFF800  }
0x22: {  	[spmem:s2] =	stream.indirect.scatter.add.f32 [tilespmem:s19], [sflag:$0x9], $0x10, s4, s18, $0xb8;
	[tilespmem:$0x10680] =	vst v63  }
0x23: {  	_ =	swait.ge [sflag:s17], $0x800  }
0x24: {  	[sflag:s17] =	ssyncset.done $0x0  }
0x25: {  	s5 =	simm.s32 $0x4C80;
	[sflag:s17] =	ssyncadd.s32 $0xFFFFF800  }
0x26: {  	[spmem:s2] =	stream.indirect.scatter.add.f32 [tilespmem:s20], [sflag:$0xA], $0x10, s5, s18, $0xb8;
	[tilespmem:$0x10680] =	vst v63  }
0x27: {  	_ =	swait.ge [sflag:s21], $0x800  }
0x28: {  	[sflag:s21] =	ssyncset.done $0x0  }
0x29: {  	s14 =	simm.s32 $0x4D00;
	[sflag:s21] =	ssyncadd.s32 $0xFFFFF800  }
0x2a: {  	[spmem:s2] =	stream.indirect.scatter.add.f32 [tilespmem:s22], [sflag:$0xB], $0x10, s14, s18, $0xb8;
	[tilespmem:$0x10680] =	vst v63  }
0x2b: {  	_ =	swait.ge [sflag:s23], $0x800  }
0x2c: {  	[sflag:s23] =	ssyncset.done $0x0  }
0x2d: {  	s5 =	simm.s32 $0x4D80;
	[sflag:s23] =	ssyncadd.s32 $0xFFFFF800  }
0x2e: {  	[spmem:s2] =	stream.indirect.scatter.add.f32 [tilespmem:s24], [sflag:$0xC], $0x10, s5, s18, $0xb8;
	[tilespmem:$0x10680] =	vst v63  }
0x2f: {  	_ =	swait.ge [sflag:s25], $0x800  }
0x30: {  	[sflag:s25] =	ssyncset.done $0x0  }
0x31: {  	s14 =	simm.s32 $0x4E00;
	[sflag:s25] =	ssyncadd.s32 $0xFFFFF800  }
0x32: {  	[spmem:s2] =	stream.indirect.scatter.add.f32 [tilespmem:s26], [sflag:$0xD], $0x10, s14, s18, $0xb8;
	[tilespmem:$0x10680] =	vst v63  }
0x33: {  	_ =	swait.ge [sflag:s7], $0x800  }
0x34: {  	[sflag:s7] =	ssyncset.done $0x0  }
0x35: {  	s5 =	simm.s32 $0x4E80;
	[sflag:s7] =	ssyncadd.s32 $0xFFFFF800  }
0x36: {  	[spmem:s2] =	stream.indirect.scatter.add.f32 [tilespmem:s29], [sflag:$0xE], $0x10, s5, s18, $0xb8;
	[tilespmem:$0x10680] =	vst v63  }
0x37: {  	_ =	swait.ge [sflag:s8], $0x800  }
0x38: {  	[sflag:s8] =	ssyncset.done $0x0  }
0x39: {  	s14 =	simm.s32 $0x4F00;
	[sflag:s8] =	ssyncadd.s32 $0xFFFFF800  }
0x3a: {  	[spmem:s2] =	stream.indirect.scatter.add.f32 [tilespmem:s31], [sflag:$0xF], $0x10, s14, s18, $0xb8;
	[tilespmem:$0x10680] =	vst v63  }
0x3b: {  	_ =	swait.ge [sflag:s28], $0x800  }
0x3c: {  	[sflag:s28] =	ssyncset.done $0x0  }
0x3d: {  	s5 =	simm.s32 $0x4F80;
	[sflag:s28] =	ssyncadd.s32 $0xFFFFF800  }
0x3e: {  	[spmem:s2] =	stream.indirect.scatter.add.f32 [tilespmem:s1], [sflag:$0x10], $0x10, s5, s18, $0xb8;
	[tilespmem:$0x10680] =	vst v63  }
0x3f: {  	_ =	swait.ge [sflag:s9], $0x800  }
0x40: {  	[sflag:s9] =	ssyncset.done $0x0  }
0x41: {  	[sflag:s9] =	ssyncadd.s32 $0xFFFFF800  }
0x42: {  	_ =	swait.ge [sflag:s10], $0x800  }
0x43: {  	[sflag:s10] =	ssyncset.done $0x0  }
0x44: {  	[sflag:s10] =	ssyncadd.s32 $0xFFFFF800  }
0x45: {  	_ =	swait.ge [sflag:s30], $0x800  }
0x46: {  	[sflag:s30] =	ssyncset.done $0x0  }
0x47: {  	[sflag:s30] =	ssyncadd.s32 $0xFFFFF800  }
0x48: {  	_ =	swait.ge [sflag:s0], $0x800  }
0x49: {  	[sflag:s0] =	ssyncset.done $0x0  }
0x4a: {  	[sflag:s0] =	ssyncadd.s32 $0xFFFFF800  }
0x4b: {  	_ =	swait.ge [sflag:s6], $0x800  }
0x4c: {  	[sflag:s6] =	ssyncset.done $0x0  }
0x4d: {  	[sflag:s6] =	ssyncadd.s32 $0xFFFFF800  }
0x4e: {  	_ =	swait.ge [sflag:s11], $0x800  }
0x4f: {  	[sflag:s11] =	ssyncset.done $0x0  }
0x50: {  	[sflag:s11] =	ssyncadd.s32 $0xFFFFF800  }
0x51: {  	_ =	swait.ge [sflag:s12], $0x800  }
0x52: {  	[sflag:s12] =	ssyncset.done $0x0  }
0x53: {  	[sflag:s12] =	ssyncadd.s32 $0xFFFFF800  }
0x54: {  	_ =	swait.ge [sflag:s16], $0x800  }
0x55: {  	[sflag:s16] =	ssyncset.done $0x0  }
0x56: {  	[sflag:s16] =	ssyncadd.s32 $0xFFFFF800  }
0x57: {  	[bflag:$0x0] =	sbarrier.arrive $0xFFFF  }
0x58: {  	s14 =	rddreg [dreg:$0x6]  }
0x59: {  	s5 =	rddreg [dreg:$0xc]  }
0x5a: {  	s4 =	sshrl.u32 s14, $0x3;
	s14 =	rddreg [dreg:$0xe]  }
0x5b: {  	[hbm:s5], [sflag:s14] =	dma.local [spmem:s4], $0x4F0  }
0x5c: {  	s14 =	simm.s32 $0x11  }
0x5d: {  	_ =	swait.ge [sflag:s14], $0x4F0  }
0x5e: {  	s15 =	sadd.s32 $0x1, s15;
	s5 =	rddreg [dreg:$0xd]  }
0x5f: {  	p1 =	sne.s32 s15, s5  }
.Ltmp1:
0x60: {  	_ = 	snop;
	(pc) =	sbr.rel @!p1 .LBB2_11-.Ltmp1, $3  }
0x61: {  	_ =	sdelay $0x1  }
0x62: {  	[sflag:s14] =	ssyncset.done $0x0  }
0x63: {  	[sflag:s14] =	ssyncadd.s32 $0xFFFFFB10  }
.LBB2_1:
0x64: {  	[dreg:$0x5] =	wrdreg s15;
	s5 =	simm.s32 $0x40;
	s15 =	simm.s32 $0x0  }
.LBB2_2:
0x65: {  	p1 =	sne.s32 s5, $0x9DC0;
	[tilespmem:s15+$0x9000] =	vst v0;
	s15 =	smov.u32 s5;
	s5 =	sadd.s32 $0x40, s5  }
.Ltmp2:
0x66: {  	(pc) =	sbr.rel @p1 .LBB2_2-.Ltmp2, $2  }
0x67: {  	_ =	sdelay $0x2  }
0x68: {  	s15 =	sshra.s32 s15, $0x2  }
0x69: {  	[tilespmem:s15+$0x9000] =	vst v0;
	s4 =	rddreg [dreg:$0x6];
	s5 =	simm.s32 $0x9000  }
0x6a: {  	[spmem:s4] =	stream.linear.scatter [tilespmem:s5], [sflag:$0x11], $0x2780, $0x38;
	[tilespmem:$0x10680] =	vst v63  }
0x6b: {  	_ =	swait.ge [sflag:s14], $0x2780  }
0x6c: {  	s4 =	rddreg [dreg:$0x7]  }
0x6d: {  	[sflag:s14] =	ssyncset.done $0x0;
	s5 =	rddreg [dreg:$0xe]  }
0x6e: {  	s15 =	rddreg [dreg:$0xf];
	[sflag:s14] =	ssyncadd.s32 $0xFFFFD880  }
0x6f: {  	[spmem:s15], [sflag:s5] =	dma.local [hbm:s4], $0x4F0  }
.Ltmp3:
0x70: {  	_ =	swait.ge [sflag:s14], $0x4F0;
	(pc) =	sbr.rel @!p0 .LBB2_4-.Ltmp3, $3  }
0x71: {  	[sflag:s14] =	ssyncset.done $0x0  }
0x72: {  	[sflag:s14] =	ssyncadd.s32 $0xFFFFFB10  }
0x73: {  	[bflag:$0x0] =	sbarrier.arrive $0xFFFF;
	_ =	sdelay $0x1  }
0x74: {  	s4 =	simm.s32 $0x0;
	s5 =	rddreg [dreg:$0xa]  }
0x75: {  	[tilespmem:s4], [sflag:$0x11] =	stream.linear.gather [hbm4b:s5+s4], $0x2800, $0x38;
	[tilespmem:$0x10680] =	vst v63  }
0x76: {  	_ =	swait.ge [sflag:s14], $0x2800  }
0x77: {  	[sflag:s14] =	ssyncset.done $0x0  }
0x78: {  	s15 =	simm.s32 $0x2800;
	s5 =	rddreg [dreg:$0xb];
	[sflag:s14] =	ssyncadd.s32 $0xFFFFD800  }
0x79: {  	[tilespmem:s15], [sflag:$0x11] =	stream.linear.gather [hbm4b:s5+s4], $0x2800, $0x38;
	[tilespmem:$0x10680] =	vst v63  }
0x7a: {  	_ =	swait.ge [sflag:s14], $0x2800  }
0x7b: {  	[sflag:s14] =	ssyncset.done $0x0  }
0x7c: {  	[sflag:s14] =	ssyncadd.s32 $0xFFFFD800  }
0x7d: {  	[tilespmem:s19], [sflag:$0x1] =	stream.indirect.gather [spmem:s3], $0x10, s4, s18, $0xb8;
	[tilespmem:$0x10680] =	vst v63  }
0x7e: {  	_ = 	snop  }
0x7f: {  	[tilespmem:s20], [sflag:$0x2] =	stream.indirect.gather [spmem:s3], $0x10, s18, s18, $0xb8;
	[tilespmem:$0x10680] =	vst v63  }
0x80: {  	s5 =	simm.s32 $0x100  }
0x81: {  	[tilespmem:s22], [sflag:$0x3] =	stream.indirect.gather [spmem:s3], $0x10, s5, s18, $0xb8;
	[tilespmem:$0x10680] =	vst v63  }
0x82: {  	s14 =	simm.s32 $0x180  }
0x83: {  	[tilespmem:s24], [sflag:$0x4] =	stream.indirect.gather [spmem:s3], $0x10, s14, s18, $0xb8;
	[tilespmem:$0x10680] =	vst v63  }
0x84: {  	s15 =	simm.s32 $0x200  }
0x85: {  	[tilespmem:s26], [sflag:$0x5] =	stream.indirect.gather [spmem:s3], $0x10, s15, s18, $0xb8;
	[tilespmem:$0x10680] =	vst v63  }
0x86: {  	s5 =	simm.s32 $0x280  }
0x87: {  	[tilespmem:s29], [sflag:$0x6] =	stream.indirect.gather [spmem:s3], $0x10, s5, s18, $0xb8;
	[tilespmem:$0x10680] =	vst v63  }
0x88: {  	s14 =	simm.s32 $0x300  }
0x89: {  	[tilespmem:s31], [sflag:$0x7] =	stream.indirect.gather [spmem:s3], $0x10, s14, s18, $0xb8;
	[tilespmem:$0x10680] =	vst v63  }
0x8a: {  	s15 =	simm.s32 $0x380  }
0x8b: {  	[tilespmem:s1], [sflag:$0x8] =	stream.indirect.gather [spmem:s3], $0x10, s15, s18, $0xb8;
	[tilespmem:$0x10680] =	vst v63  }
0x8c: {  	_ =	swait.ge [sflag:s13], $0x800  }
0x8d: {  	[sflag:s13] =	ssyncset.done $0x0  }
0x8e: {  	s5 =	simm.s32 $0x2800;
	[sflag:s13] =	ssyncadd.s32 $0xFFFFF800  }
0x8f: {  	[spmem:s2] =	stream.indirect.scatter.add.f32 [tilespmem:s19], [sflag:$0x9], $0x10, s5, s18, $0xb8;
	[tilespmem:$0x10680] =	vst v63  }
0x90: {  	_ =	swait.ge [sflag:s17], $0x800  }
0x91: {  	[sflag:s17] =	ssyncset.done $0x0  }
0x92: {  	s14 =	simm.s32 $0x2880;
	[sflag:s17] =	ssyncadd.s32 $0xFFFFF800  }
0x93: {  	[spmem:s2] =	stream.indirect.scatter.add.f32 [tilespmem:s20], [sflag:$0xA], $0x10, s14, s18, $0xb8;
	[tilespmem:$0x10680] =	vst v63  }
0x94: {  	_ =	swait.ge [sflag:s21], $0x800  }
0x95: {  	[sflag:s21] =	ssyncset.done $0x0  }
0x96: {  	s15 =	simm.s32 $0x2900;
	[sflag:s21] =	ssyncadd.s32 $0xFFFFF800  }
0x97: {  	[spmem:s2] =	stream.indirect.scatter.add.f32 [tilespmem:s22], [sflag:$0xB], $0x10, s15, s18, $0xb8;
	[tilespmem:$0x10680] =	vst v63  }
0x98: {  	_ =	swait.ge [sflag:s23], $0x800  }
0x99: {  	[sflag:s23] =	ssyncset.done $0x0  }
0x9a: {  	s5 =	simm.s32 $0x2980;
	[sflag:s23] =	ssyncadd.s32 $0xFFFFF800  }
0x9b: {  	[spmem:s2] =	stream.indirect.scatter.add.f32 [tilespmem:s24], [sflag:$0xC], $0x10, s5, s18, $0xb8;
	[tilespmem:$0x10680] =	vst v63  }
0x9c: {  	_ =	swait.ge [sflag:s25], $0x800  }
0x9d: {  	[sflag:s25] =	ssyncset.done $0x0  }
0x9e: {  	s14 =	simm.s32 $0x2A00;
	[sflag:s25] =	ssyncadd.s32 $0xFFFFF800  }
0x9f: {  	[spmem:s2] =	stream.indirect.scatter.add.f32 [tilespmem:s26], [sflag:$0xD], $0x10, s14, s18, $0xb8;
	[tilespmem:$0x10680] =	vst v63  }
0xa0: {  	_ =	swait.ge [sflag:s7], $0x800  }
0xa1: {  	[sflag:s7] =	ssyncset.done $0x0  }
0xa2: {  	s15 =	simm.s32 $0x2A80;
	[sflag:s7] =	ssyncadd.s32 $0xFFFFF800  }
0xa3: {  	[spmem:s2] =	stream.indirect.scatter.add.f32 [tilespmem:s29], [sflag:$0xE], $0x10, s15, s18, $0xb8;
	[tilespmem:$0x10680] =	vst v63  }
0xa4: {  	_ =	swait.ge [sflag:s8], $0x800  }
0xa5: {  	[sflag:s8] =	ssyncset.done $0x0  }
0xa6: {  	s5 =	simm.s32 $0x2B00;
	[sflag:s8] =	ssyncadd.s32 $0xFFFFF800  }
0xa7: {  	[spmem:s2] =	stream.indirect.scatter.add.f32 [tilespmem:s31], [sflag:$0xF], $0x10, s5, s18, $0xb8;
	[tilespmem:$0x10680] =	vst v63  }
0xa8: {  	_ =	swait.ge [sflag:s28], $0x800  }
0xa9: {  	[sflag:s28] =	ssyncset.done $0x0  }
0xaa: {  	s14 =	simm.s32 $0x2B80;
	[sflag:s28] =	ssyncadd.s32 $0xFFFFF800  }
0xab: {  	[spmem:s2] =	stream.indirect.scatter.add.f32 [tilespmem:s1], [sflag:$0x10], $0x10, s14, s18, $0xb8;
	[tilespmem:$0x10680] =	vst v63  }
0xac: {  	_ =	swait.ge [sflag:s9], $0x800  }
0xad: {  	[sflag:s9] =	ssyncset.done $0x0  }
0xae: {  	s15 =	simm.s32 $0x400;
	[sflag:s9] =	ssyncadd.s32 $0xFFFFF800  }
0xaf: {  	[tilespmem:s19], [sflag:$0x1] =	stream.indirect.gather [spmem:s3], $0x10, s15, s18, $0xb8;
	[tilespmem:$0x10680] =	vst v63  }
0xb0: {  	_ =	swait.ge [sflag:s10], $0x800  }
0xb1: {  	[sflag:s10] =	ssyncset.done $0x0  }
0xb2: {  	s5 =	simm.s32 $0x480;
	[sflag:s10] =	ssyncadd.s32 $0xFFFFF800  }
0xb3: {  	[tilespmem:s20], [sflag:$0x2] =	stream.indirect.gather [spmem:s3], $0x10, s5, s18, $0xb8;
	[tilespmem:$0x10680] =	vst v63  }
0xb4: {  	_ =	swait.ge [sflag:s30], $0x800  }
0xb5: {  	[sflag:s30] =	ssyncset.done $0x0  }
0xb6: {  	s14 =	simm.s32 $0x500;
	[sflag:s30] =	ssyncadd.s32 $0xFFFFF800  }
0xb7: {  	[tilespmem:s22], [sflag:$0x3] =	stream.indirect.gather [spmem:s3], $0x10, s14, s18, $0xb8;
	[tilespmem:$0x10680] =	vst v63  }
0xb8: {  	_ =	swait.ge [sflag:s0], $0x800  }
0xb9: {  	[sflag:s0] =	ssyncset.done $0x0  }
0xba: {  	s15 =	simm.s32 $0x580;
	[sflag:s0] =	ssyncadd.s32 $0xFFFFF800  }
0xbb: {  	[tilespmem:s24], [sflag:$0x4] =	stream.indirect.gather [spmem:s3], $0x10, s15, s18, $0xb8;
	[tilespmem:$0x10680] =	vst v63  }
0xbc: {  	_ =	swait.ge [sflag:s6], $0x800  }
0xbd: {  	[sflag:s6] =	ssyncset.done $0x0  }
0xbe: {  	s5 =	simm.s32 $0x600;
	[sflag:s6] =	ssyncadd.s32 $0xFFFFF800  }
0xbf: {  	[tilespmem:s26], [sflag:$0x5] =	stream.indirect.gather [spmem:s3], $0x10, s5, s18, $0xb8;
	[tilespmem:$0x10680] =	vst v63  }
0xc0: {  	_ =	swait.ge [sflag:s11], $0x800  }
0xc1: {  	[sflag:s11] =	ssyncset.done $0x0  }
0xc2: {  	s14 =	simm.s32 $0x680;
	[sflag:s11] =	ssyncadd.s32 $0xFFFFF800  }
0xc3: {  	[tilespmem:s29], [sflag:$0x6] =	stream.indirect.gather [spmem:s3], $0x10, s14, s18, $0xb8;
	[tilespmem:$0x10680] =	vst v63  }
0xc4: {  	_ =	swait.ge [sflag:s12], $0x800  }
0xc5: {  	[sflag:s12] =	ssyncset.done $0x0  }
0xc6: {  	s15 =	simm.s32 $0x700;
	[sflag:s12] =	ssyncadd.s32 $0xFFFFF800  }
0xc7: {  	[tilespmem:s31], [sflag:$0x7] =	stream.indirect.gather [spmem:s3], $0x10, s15, s18, $0xb8;
	[tilespmem:$0x10680] =	vst v63  }
0xc8: {  	_ =	swait.ge [sflag:s16], $0x800  }
0xc9: {  	[sflag:s16] =	ssyncset.done $0x0  }
0xca: {  	s5 =	simm.s32 $0x1000;
	s15 =	simm.s32 $0x780;
	[sflag:s16] =	ssyncadd.s32 $0xFFFFF800  }
.LBB2_8:
0xcb: {  	[tilespmem:s1], [sflag:$0x8] =	stream.indirect.gather [spmem:s3], $0x10, s15, s18, $0xb8;
	[tilespmem:$0x10680] =	vst v63  }
0xcc: {  	s4 =	smov.u32 s5  }
0xcd: {  	p1 =	sne.s32 s5, $0x8000;
	s5 =	sadd.s32 $0x1000, s5;
	_ =	swait.ge [sflag:s13], $0x800  }
0xce: {  	s15 =	sshra.s32 s4, $0x2;
	[sflag:s13] =	ssyncset.done $0x0  }
0xcf: {  	s4 =	sadd.s32 $0x2800, s15;
	[sflag:s13] =	ssyncadd.s32 $0xFFFFF800  }
0xd0: {  	[spmem:s2] =	stream.indirect.scatter.add.f32 [tilespmem:s19], [sflag:$0x9], $0x10, s4, s18, $0xb8;
	[tilespmem:$0x10680] =	vst v63  }
0xd1: {  	_ =	swait.ge [sflag:s17], $0x800  }
0xd2: {  	[sflag:s17] =	ssyncset.done $0x0  }
0xd3: {  	s4 =	sadd.s32 $0x2880, s15;
	[sflag:s17] =	ssyncadd.s32 $0xFFFFF800  }
0xd4: {  	[spmem:s2] =	stream.indirect.scatter.add.f32 [tilespmem:s20], [sflag:$0xA], $0x10, s4, s18, $0xb8;
	[tilespmem:$0x10680] =	vst v63  }
0xd5: {  	_ =	swait.ge [sflag:s21], $0x800  }
0xd6: {  	[sflag:s21] =	ssyncset.done $0x0  }
0xd7: {  	s4 =	sadd.s32 $0x2900, s15;
	[sflag:s21] =	ssyncadd.s32 $0xFFFFF800  }
0xd8: {  	[spmem:s2] =	stream.indirect.scatter.add.f32 [tilespmem:s22], [sflag:$0xB], $0x10, s4, s18, $0xb8;
	[tilespmem:$0x10680] =	vst v63  }
0xd9: {  	_ =	swait.ge [sflag:s23], $0x800  }
0xda: {  	[sflag:s23] =	ssyncset.done $0x0  }
0xdb: {  	s4 =	sadd.s32 $0x2980, s15;
	[sflag:s23] =	ssyncadd.s32 $0xFFFFF800  }
0xdc: {  	[spmem:s2] =	stream.indirect.scatter.add.f32 [tilespmem:s24], [sflag:$0xC], $0x10, s4, s18, $0xb8;
	[tilespmem:$0x10680] =	vst v63  }
0xdd: {  	_ =	swait.ge [sflag:s25], $0x800  }
0xde: {  	[sflag:s25] =	ssyncset.done $0x0  }
0xdf: {  	s4 =	sadd.s32 $0x2A00, s15;
	[sflag:s25] =	ssyncadd.s32 $0xFFFFF800  }
0xe0: {  	[spmem:s2] =	stream.indirect.scatter.add.f32 [tilespmem:s26], [sflag:$0xD], $0x10, s4, s18, $0xb8;
	[tilespmem:$0x10680] =	vst v63  }
0xe1: {  	_ =	swait.ge [sflag:s7], $0x800  }
0xe2: {  	[sflag:s7] =	ssyncset.done $0x0  }
0xe3: {  	s4 =	sadd.s32 $0x2A80, s15;
	[sflag:s7] =	ssyncadd.s32 $0xFFFFF800  }
0xe4: {  	[spmem:s2] =	stream.indirect.scatter.add.f32 [tilespmem:s29], [sflag:$0xE], $0x10, s4, s18, $0xb8;
	[tilespmem:$0x10680] =	vst v63  }
0xe5: {  	_ =	swait.ge [sflag:s8], $0x800  }
0xe6: {  	[sflag:s8] =	ssyncset.done $0x0  }
0xe7: {  	s4 =	sadd.s32 $0x2B00, s15;
	[sflag:s8] =	ssyncadd.s32 $0xFFFFF800  }
0xe8: {  	[spmem:s2] =	stream.indirect.scatter.add.f32 [tilespmem:s31], [sflag:$0xF], $0x10, s4, s18, $0xb8;
	[tilespmem:$0x10680] =	vst v63  }
0xe9: {  	_ =	swait.ge [sflag:s28], $0x800  }
0xea: {  	[sflag:s28] =	ssyncset.done $0x0  }
0xeb: {  	s4 =	sadd.s32 $0x2B80, s15;
	[sflag:s28] =	ssyncadd.s32 $0xFFFFF800  }
0xec: {  	[spmem:s2] =	stream.indirect.scatter.add.f32 [tilespmem:s1], [sflag:$0x10], $0x10, s4, s18, $0xb8;
	[tilespmem:$0x10680] =	vst v63  }
0xed: {  	_ =	swait.ge [sflag:s9], $0x800  }
0xee: {  	[sflag:s9] =	ssyncset.done $0x0  }
0xef: {  	s4 =	sadd.s32 $0x400, s15;
	[sflag:s9] =	ssyncadd.s32 $0xFFFFF800  }
0xf0: {  	[tilespmem:s19], [sflag:$0x1] =	stream.indirect.gather [spmem:s3], $0x10, s4, s18, $0xb8;
	[tilespmem:$0x10680] =	vst v63  }
0xf1: {  	_ =	swait.ge [sflag:s10], $0x800  }
0xf2: {  	[sflag:s10] =	ssyncset.done $0x0  }
0xf3: {  	s4 =	sadd.s32 $0x480, s15;
	[sflag:s10] =	ssyncadd.s32 $0xFFFFF800  }
0xf4: {  	[tilespmem:s20], [sflag:$0x2] =	stream.indirect.gather [spmem:s3], $0x10, s4, s18, $0xb8;
	[tilespmem:$0x10680] =	vst v63  }
0xf5: {  	_ =	swait.ge [sflag:s30], $0x800  }
0xf6: {  	[sflag:s30] =	ssyncset.done $0x0  }
0xf7: {  	s4 =	sadd.s32 $0x500, s15;
	[sflag:s30] =	ssyncadd.s32 $0xFFFFF800  }
0xf8: {  	[tilespmem:s22], [sflag:$0x3] =	stream.indirect.gather [spmem:s3], $0x10, s4, s18, $0xb8;
	[tilespmem:$0x10680] =	vst v63  }
0xf9: {  	_ =	swait.ge [sflag:s0], $0x800  }
0xfa: {  	[sflag:s0] =	ssyncset.done $0x0  }
0xfb: {  	s4 =	sadd.s32 $0x580, s15;
	[sflag:s0] =	ssyncadd.s32 $0xFFFFF800  }
0xfc: {  	[tilespmem:s24], [sflag:$0x4] =	stream.indirect.gather [spmem:s3], $0x10, s4, s18, $0xb8;
	[tilespmem:$0x10680] =	vst v63  }
0xfd: {  	_ =	swait.ge [sflag:s6], $0x800  }
0xfe: {  	[sflag:s6] =	ssyncset.done $0x0  }
0xff: {  	s4 =	sadd.s32 $0x600, s15;
	[sflag:s6] =	ssyncadd.s32 $0xFFFFF800  }
0x100: {  	[tilespmem:s26], [sflag:$0x5] =	stream.indirect.gather [spmem:s3], $0x10, s4, s18, $0xb8;
	[tilespmem:$0x10680] =	vst v63  }
0x101: {  	_ =	swait.ge [sflag:s11], $0x800  }
0x102: {  	[sflag:s11] =	ssyncset.done $0x0  }
0x103: {  	s4 =	sadd.s32 $0x680, s15;
	[sflag:s11] =	ssyncadd.s32 $0xFFFFF800  }
0x104: {  	[tilespmem:s29], [sflag:$0x6] =	stream.indirect.gather [spmem:s3], $0x10, s4, s18, $0xb8;
	[tilespmem:$0x10680] =	vst v63  }
0x105: {  	_ =	swait.ge [sflag:s12], $0x800  }
0x106: {  	[sflag:s12] =	ssyncset.done $0x0  }
.Ltmp4:
0x107: {  	s4 =	sadd.s32 $0x700, s15;
	[sflag:s12] =	ssyncadd.s32 $0xFFFFF800;
	(pc) =	sbr.rel @p1 .LBB2_8-.Ltmp4, $4  }
0x108: {  	[tilespmem:s31], [sflag:$0x7] =	stream.indirect.gather [spmem:s3], $0x10, s4, s18, $0xb8;
	[tilespmem:$0x10680] =	vst v63  }
0x109: {  	_ =	swait.ge [sflag:s16], $0x800  }
0x10a: {  	[sflag:s16] =	ssyncset.done $0x0  }
0x10b: {  	s15 =	sadd.s32 $0x780, s15;
	[sflag:s16] =	ssyncadd.s32 $0xFFFFF800  }
.Ltmp5:
0x10c: {  	(pc) =	sbr.rel .LBB2_10-.Ltmp5, $3  }
0x10d: {  	_ =	sdelay $0x1  }
0x10e: {  	[tilespmem:s1], [sflag:$0x8] =	stream.indirect.gather [spmem:s3], $0x10, s15, s18, $0xb8;
	[tilespmem:$0x10680] =	vst v63  }
0x10f: {  	s15 =	rddreg [dreg:$0x5]  }
.LBB2_4:
0x110: {  	s5 =	simm.s32 $0x0;
	s4 =	rddreg [dreg:$0x8]  }
0x111: {  	[tilespmem:s5], [sflag:$0x11] =	stream.linear.gather [hbm4b:s4+s5], $0x2800, $0x38;
	[tilespmem:$0x10680] =	vst v63  }
0x112: {  	_ =	swait.ge [sflag:s14], $0x2800  }
0x113: {  	[sflag:s14] =	ssyncset.done $0x0  }
0x114: {  	s15 =	simm.s32 $0x2800;
	s4 =	rddreg [dreg:$0x9];
	[sflag:s14] =	ssyncadd.s32 $0xFFFFD800  }
0x115: {  	[tilespmem:s15], [sflag:$0x11] =	stream.linear.gather [hbm4b:s4+s5], $0x2800, $0x38;
	[tilespmem:$0x10680] =	vst v63  }
0x116: {  	_ =	swait.ge [sflag:s14], $0x2800  }
0x117: {  	[sflag:s14] =	ssyncset.done $0x0  }
0x118: {  	[sflag:s14] =	ssyncadd.s32 $0xFFFFD800  }
0x119: {  	[tilespmem:s19], [sflag:$0x1] =	stream.indirect.gather [spmem:s3], $0x10, s5, s18, $0xb8;
	[tilespmem:$0x10680] =	vst v63  }
0x11a: {  	_ = 	snop  }
0x11b: {  	[tilespmem:s20], [sflag:$0x2] =	stream.indirect.gather [spmem:s3], $0x10, s18, s18, $0xb8;
	[tilespmem:$0x10680] =	vst v63  }
0x11c: {  	s5 =	simm.s32 $0x100  }
0x11d: {  	[tilespmem:s22], [sflag:$0x3] =	stream.indirect.gather [spmem:s3], $0x10, s5, s18, $0xb8;
	[tilespmem:$0x10680] =	vst v63  }
0x11e: {  	s14 =	simm.s32 $0x180  }
0x11f: {  	[tilespmem:s24], [sflag:$0x4] =	stream.indirect.gather [spmem:s3], $0x10, s14, s18, $0xb8;
	[tilespmem:$0x10680] =	vst v63  }
0x120: {  	s15 =	simm.s32 $0x200  }
0x121: {  	[tilespmem:s26], [sflag:$0x5] =	stream.indirect.gather [spmem:s3], $0x10, s15, s18, $0xb8;
	[tilespmem:$0x10680] =	vst v63  }
0x122: {  	s5 =	simm.s32 $0x280  }
0x123: {  	[tilespmem:s29], [sflag:$0x6] =	stream.indirect.gather [spmem:s3], $0x10, s5, s18, $0xb8;
	[tilespmem:$0x10680] =	vst v63  }
0x124: {  	s14 =	simm.s32 $0x300  }
0x125: {  	[tilespmem:s31], [sflag:$0x7] =	stream.indirect.gather [spmem:s3], $0x10, s14, s18, $0xb8;
	[tilespmem:$0x10680] =	vst v63  }
0x126: {  	s15 =	simm.s32 $0x380  }
0x127: {  	[tilespmem:s1], [sflag:$0x8] =	stream.indirect.gather [spmem:s3], $0x10, s15, s18, $0xb8;
	[tilespmem:$0x10680] =	vst v63  }
0x128: {  	_ =	swait.ge [sflag:s13], $0x800  }
0x129: {  	[sflag:s13] =	ssyncset.done $0x0  }
0x12a: {  	s4 =	simm.s32 $0x2800;
	[sflag:s13] =	ssyncadd.s32 $0xFFFFF800  }
0x12b: {  	[spmem:s2] =	stream.indirect.scatter.add.f32 [tilespmem:s19], [sflag:$0x9], $0x10, s4, s18, $0xb8;
	[tilespmem:$0x10680] =	vst v63  }
0x12c: {  	_ =	swait.ge [sflag:s17], $0x800  }
0x12d: {  	[sflag:s17] =	ssyncset.done $0x0  }
0x12e: {  	s14 =	simm.s32 $0x2880;
	[sflag:s17] =	ssyncadd.s32 $0xFFFFF800  }
0x12f: {  	[spmem:s2] =	stream.indirect.scatter.add.f32 [tilespmem:s20], [sflag:$0xA], $0x10, s14, s18, $0xb8;
	[tilespmem:$0x10680] =	vst v63  }
0x130: {  	_ =	swait.ge [sflag:s21], $0x800  }
0x131: {  	[sflag:s21] =	ssyncset.done $0x0  }
0x132: {  	s15 =	simm.s32 $0x2900;
	[sflag:s21] =	ssyncadd.s32 $0xFFFFF800  }
0x133: {  	[spmem:s2] =	stream.indirect.scatter.add.f32 [tilespmem:s22], [sflag:$0xB], $0x10, s15, s18, $0xb8;
	[tilespmem:$0x10680] =	vst v63  }
0x134: {  	_ =	swait.ge [sflag:s23], $0x800  }
0x135: {  	[sflag:s23] =	ssyncset.done $0x0  }
0x136: {  	s4 =	simm.s32 $0x2980;
	[sflag:s23] =	ssyncadd.s32 $0xFFFFF800  }
0x137: {  	[spmem:s2] =	stream.indirect.scatter.add.f32 [tilespmem:s24], [sflag:$0xC], $0x10, s4, s18, $0xb8;
	[tilespmem:$0x10680] =	vst v63  }
0x138: {  	_ =	swait.ge [sflag:s25], $0x800  }
0x139: {  	[sflag:s25] =	ssyncset.done $0x0  }
0x13a: {  	s14 =	simm.s32 $0x2A00;
	[sflag:s25] =	ssyncadd.s32 $0xFFFFF800  }
0x13b: {  	[spmem:s2] =	stream.indirect.scatter.add.f32 [tilespmem:s26], [sflag:$0xD], $0x10, s14, s18, $0xb8;
	[tilespmem:$0x10680] =	vst v63  }
0x13c: {  	_ =	swait.ge [sflag:s7], $0x800  }
0x13d: {  	[sflag:s7] =	ssyncset.done $0x0  }
0x13e: {  	s15 =	simm.s32 $0x2A80;
	[sflag:s7] =	ssyncadd.s32 $0xFFFFF800  }
0x13f: {  	[spmem:s2] =	stream.indirect.scatter.add.f32 [tilespmem:s29], [sflag:$0xE], $0x10, s15, s18, $0xb8;
	[tilespmem:$0x10680] =	vst v63  }
0x140: {  	_ =	swait.ge [sflag:s8], $0x800  }
0x141: {  	[sflag:s8] =	ssyncset.done $0x0  }
0x142: {  	s4 =	simm.s32 $0x2B00;
	[sflag:s8] =	ssyncadd.s32 $0xFFFFF800  }
0x143: {  	[spmem:s2] =	stream.indirect.scatter.add.f32 [tilespmem:s31], [sflag:$0xF], $0x10, s4, s18, $0xb8;
	[tilespmem:$0x10680] =	vst v63  }
0x144: {  	_ =	swait.ge [sflag:s28], $0x800  }
0x145: {  	[sflag:s28] =	ssyncset.done $0x0  }
0x146: {  	s14 =	simm.s32 $0x2B80;
	[sflag:s28] =	ssyncadd.s32 $0xFFFFF800  }
0x147: {  	[spmem:s2] =	stream.indirect.scatter.add.f32 [tilespmem:s1], [sflag:$0x10], $0x10, s14, s18, $0xb8;
	[tilespmem:$0x10680] =	vst v63  }
0x148: {  	_ =	swait.ge [sflag:s9], $0x800  }
0x149: {  	[sflag:s9] =	ssyncset.done $0x0  }
0x14a: {  	s15 =	simm.s32 $0x400;
	[sflag:s9] =	ssyncadd.s32 $0xFFFFF800  }
0x14b: {  	[tilespmem:s19], [sflag:$0x1] =	stream.indirect.gather [spmem:s3], $0x10, s15, s18, $0xb8;
	[tilespmem:$0x10680] =	vst v63  }
0x14c: {  	_ =	swait.ge [sflag:s10], $0x800  }
0x14d: {  	[sflag:s10] =	ssyncset.done $0x0  }
0x14e: {  	s4 =	simm.s32 $0x480;
	[sflag:s10] =	ssyncadd.s32 $0xFFFFF800  }
0x14f: {  	[tilespmem:s20], [sflag:$0x2] =	stream.indirect.gather [spmem:s3], $0x10, s4, s18, $0xb8;
	[tilespmem:$0x10680] =	vst v63  }
0x150: {  	_ =	swait.ge [sflag:s30], $0x800  }
0x151: {  	[sflag:s30] =	ssyncset.done $0x0  }
0x152: {  	s14 =	simm.s32 $0x500;
	[sflag:s30] =	ssyncadd.s32 $0xFFFFF800  }
0x153: {  	[tilespmem:s22], [sflag:$0x3] =	stream.indirect.gather [spmem:s3], $0x10, s14, s18, $0xb8;
	[tilespmem:$0x10680] =	vst v63  }
0x154: {  	_ =	swait.ge [sflag:s0], $0x800  }
0x155: {  	[sflag:s0] =	ssyncset.done $0x0  }
0x156: {  	s15 =	simm.s32 $0x580;
	[sflag:s0] =	ssyncadd.s32 $0xFFFFF800  }
0x157: {  	[tilespmem:s24], [sflag:$0x4] =	stream.indirect.gather [spmem:s3], $0x10, s15, s18, $0xb8;
	[tilespmem:$0x10680] =	vst v63  }
0x158: {  	_ =	swait.ge [sflag:s6], $0x800  }
0x159: {  	[sflag:s6] =	ssyncset.done $0x0  }
0x15a: {  	s4 =	simm.s32 $0x600;
	[sflag:s6] =	ssyncadd.s32 $0xFFFFF800  }
0x15b: {  	[tilespmem:s26], [sflag:$0x5] =	stream.indirect.gather [spmem:s3], $0x10, s4, s18, $0xb8;
	[tilespmem:$0x10680] =	vst v63  }
0x15c: {  	_ =	swait.ge [sflag:s11], $0x800  }
0x15d: {  	[sflag:s11] =	ssyncset.done $0x0  }
0x15e: {  	s14 =	simm.s32 $0x680;
	[sflag:s11] =	ssyncadd.s32 $0xFFFFF800  }
0x15f: {  	[tilespmem:s29], [sflag:$0x6] =	stream.indirect.gather [spmem:s3], $0x10, s14, s18, $0xb8;
	[tilespmem:$0x10680] =	vst v63  }
0x160: {  	_ =	swait.ge [sflag:s12], $0x800  }
0x161: {  	[sflag:s12] =	ssyncset.done $0x0  }
0x162: {  	s15 =	simm.s32 $0x700;
	[sflag:s12] =	ssyncadd.s32 $0xFFFFF800  }
0x163: {  	[tilespmem:s31], [sflag:$0x7] =	stream.indirect.gather [spmem:s3], $0x10, s15, s18, $0xb8;
	[tilespmem:$0x10680] =	vst v63  }
0x164: {  	_ =	swait.ge [sflag:s16], $0x800  }
0x165: {  	[sflag:s16] =	ssyncset.done $0x0  }
0x166: {  	s5 =	simm.s32 $0x1000;
	s15 =	simm.s32 $0x780;
	[sflag:s16] =	ssyncadd.s32 $0xFFFFF800  }
.LBB2_5:
0x167: {  	[tilespmem:s1], [sflag:$0x8] =	stream.indirect.gather [spmem:s3], $0x10, s15, s18, $0xb8;
	[tilespmem:$0x10680] =	vst v63  }
0x168: {  	s15 =	smov.u32 s5  }
0x169: {  	p1 =	seq.s32 s5, $0x8000;
	s5 =	sadd.s32 $0x1000, s5;
	_ =	swait.ge [sflag:s13], $0x800  }
0x16a: {  	s15 =	sshra.s32 s15, $0x2;
	[sflag:s13] =	ssyncset.done $0x0  }
0x16b: {  	s4 =	sadd.s32 $0x2800, s15;
	[sflag:s13] =	ssyncadd.s32 $0xFFFFF800  }
0x16c: {  	[spmem:s2] =	stream.indirect.scatter.add.f32 [tilespmem:s19], [sflag:$0x9], $0x10, s4, s18, $0xb8;
	[tilespmem:$0x10680] =	vst v63  }
0x16d: {  	_ =	swait.ge [sflag:s17], $0x800  }
0x16e: {  	[sflag:s17] =	ssyncset.done $0x0  }
0x16f: {  	s4 =	sadd.s32 $0x2880, s15;
	[sflag:s17] =	ssyncadd.s32 $0xFFFFF800  }
0x170: {  	[spmem:s2] =	stream.indirect.scatter.add.f32 [tilespmem:s20], [sflag:$0xA], $0x10, s4, s18, $0xb8;
	[tilespmem:$0x10680] =	vst v63  }
0x171: {  	_ =	swait.ge [sflag:s21], $0x800  }
0x172: {  	[sflag:s21] =	ssyncset.done $0x0  }
0x173: {  	s4 =	sadd.s32 $0x2900, s15;
	[sflag:s21] =	ssyncadd.s32 $0xFFFFF800  }
0x174: {  	[spmem:s2] =	stream.indirect.scatter.add.f32 [tilespmem:s22], [sflag:$0xB], $0x10, s4, s18, $0xb8;
	[tilespmem:$0x10680] =	vst v63  }
0x175: {  	_ =	swait.ge [sflag:s23], $0x800  }
0x176: {  	[sflag:s23] =	ssyncset.done $0x0  }
0x177: {  	s4 =	sadd.s32 $0x2980, s15;
	[sflag:s23] =	ssyncadd.s32 $0xFFFFF800  }
0x178: {  	[spmem:s2] =	stream.indirect.scatter.add.f32 [tilespmem:s24], [sflag:$0xC], $0x10, s4, s18, $0xb8;
	[tilespmem:$0x10680] =	vst v63  }
0x179: {  	_ =	swait.ge [sflag:s25], $0x800  }
0x17a: {  	[sflag:s25] =	ssyncset.done $0x0  }
0x17b: {  	s4 =	sadd.s32 $0x2A00, s15;
	[sflag:s25] =	ssyncadd.s32 $0xFFFFF800  }
0x17c: {  	[spmem:s2] =	stream.indirect.scatter.add.f32 [tilespmem:s26], [sflag:$0xD], $0x10, s4, s18, $0xb8;
	[tilespmem:$0x10680] =	vst v63  }
0x17d: {  	_ =	swait.ge [sflag:s7], $0x800  }
0x17e: {  	[sflag:s7] =	ssyncset.done $0x0  }
0x17f: {  	s4 =	sadd.s32 $0x2A80, s15;
	[sflag:s7] =	ssyncadd.s32 $0xFFFFF800  }
0x180: {  	[spmem:s2] =	stream.indirect.scatter.add.f32 [tilespmem:s29], [sflag:$0xE], $0x10, s4, s18, $0xb8;
	[tilespmem:$0x10680] =	vst v63  }
0x181: {  	_ =	swait.ge [sflag:s8], $0x800  }
0x182: {  	[sflag:s8] =	ssyncset.done $0x0  }
0x183: {  	s4 =	sadd.s32 $0x2B00, s15;
	[sflag:s8] =	ssyncadd.s32 $0xFFFFF800  }
0x184: {  	[spmem:s2] =	stream.indirect.scatter.add.f32 [tilespmem:s31], [sflag:$0xF], $0x10, s4, s18, $0xb8;
	[tilespmem:$0x10680] =	vst v63  }
0x185: {  	_ =	swait.ge [sflag:s28], $0x800  }
0x186: {  	[sflag:s28] =	ssyncset.done $0x0  }
0x187: {  	s4 =	sadd.s32 $0x2B80, s15;
	[sflag:s28] =	ssyncadd.s32 $0xFFFFF800  }
0x188: {  	[spmem:s2] =	stream.indirect.scatter.add.f32 [tilespmem:s1], [sflag:$0x10], $0x10, s4, s18, $0xb8;
	[tilespmem:$0x10680] =	vst v63  }
0x189: {  	_ =	swait.ge [sflag:s9], $0x800  }
0x18a: {  	[sflag:s9] =	ssyncset.done $0x0  }
0x18b: {  	s4 =	sadd.s32 $0x400, s15;
	[sflag:s9] =	ssyncadd.s32 $0xFFFFF800  }
0x18c: {  	[tilespmem:s19], [sflag:$0x1] =	stream.indirect.gather [spmem:s3], $0x10, s4, s18, $0xb8;
	[tilespmem:$0x10680] =	vst v63  }
0x18d: {  	_ =	swait.ge [sflag:s10], $0x800  }
0x18e: {  	[sflag:s10] =	ssyncset.done $0x0  }
0x18f: {  	s4 =	sadd.s32 $0x480, s15;
	[sflag:s10] =	ssyncadd.s32 $0xFFFFF800  }
0x190: {  	[tilespmem:s20], [sflag:$0x2] =	stream.indirect.gather [spmem:s3], $0x10, s4, s18, $0xb8;
	[tilespmem:$0x10680] =	vst v63  }
0x191: {  	_ =	swait.ge [sflag:s30], $0x800  }
0x192: {  	[sflag:s30] =	ssyncset.done $0x0  }
0x193: {  	s4 =	sadd.s32 $0x500, s15;
	[sflag:s30] =	ssyncadd.s32 $0xFFFFF800  }
0x194: {  	[tilespmem:s22], [sflag:$0x3] =	stream.indirect.gather [spmem:s3], $0x10, s4, s18, $0xb8;
	[tilespmem:$0x10680] =	vst v63  }
0x195: {  	_ =	swait.ge [sflag:s0], $0x800  }
0x196: {  	[sflag:s0] =	ssyncset.done $0x0  }
0x197: {  	s4 =	sadd.s32 $0x580, s15;
	[sflag:s0] =	ssyncadd.s32 $0xFFFFF800  }
0x198: {  	[tilespmem:s24], [sflag:$0x4] =	stream.indirect.gather [spmem:s3], $0x10, s4, s18, $0xb8;
	[tilespmem:$0x10680] =	vst v63  }
0x199: {  	_ =	swait.ge [sflag:s6], $0x800  }
0x19a: {  	[sflag:s6] =	ssyncset.done $0x0  }
0x19b: {  	s4 =	sadd.s32 $0x600, s15;
	[sflag:s6] =	ssyncadd.s32 $0xFFFFF800  }
0x19c: {  	[tilespmem:s26], [sflag:$0x5] =	stream.indirect.gather [spmem:s3], $0x10, s4, s18, $0xb8;
	[tilespmem:$0x10680] =	vst v63  }
0x19d: {  	_ =	swait.ge [sflag:s11], $0x800  }
0x19e: {  	[sflag:s11] =	ssyncset.done $0x0  }
0x19f: {  	s4 =	sadd.s32 $0x680, s15;
	[sflag:s11] =	ssyncadd.s32 $0xFFFFF800  }
0x1a0: {  	[tilespmem:s29], [sflag:$0x6] =	stream.indirect.gather [spmem:s3], $0x10, s4, s18, $0xb8;
	[tilespmem:$0x10680] =	vst v63  }
0x1a1: {  	_ =	swait.ge [sflag:s12], $0x800  }
0x1a2: {  	[sflag:s12] =	ssyncset.done $0x0  }
.Ltmp6:
0x1a3: {  	s4 =	sadd.s32 $0x700, s15;
	[sflag:s12] =	ssyncadd.s32 $0xFFFFF800;
	(pc) =	sbr.rel @!p1 .LBB2_5-.Ltmp6, $4  }
0x1a4: {  	[tilespmem:s31], [sflag:$0x7] =	stream.indirect.gather [spmem:s3], $0x10, s4, s18, $0xb8;
	[tilespmem:$0x10680] =	vst v63  }
0x1a5: {  	_ =	swait.ge [sflag:s16], $0x800  }
0x1a6: {  	[sflag:s16] =	ssyncset.done $0x0  }
0x1a7: {  	s15 =	sadd.s32 $0x780, s15;
	[sflag:s16] =	ssyncadd.s32 $0xFFFFF800  }
.Ltmp7:
0x1a8: {  	_ = 	snop;
	(pc) =	sbr.rel .LBB2_6-.Ltmp7, $1  }
0x1a9: {  	_ =	sdelay $0x3  }
.LBB2_11:
0x1aa: {  	_ =	sfence.sel $0x180000  }
0x1ab: {  	[bflag:$0x0] =	sbarrier.arrive $0xFFFF  }
0x1ac: {  	_ =	strace $0x9000004D  }
0x1ad: {  	s0 =	stileid.u32;
	[bflag:$0x2] =	sbarrier.arrive $0xFFFF  }
0x1ae: {  	p0 =	sne.s32 s0, $0x0;
	s0 =	rddreg [dreg:$0x4]  }
0x1af: {  	s0 =	sadd.s32 @!p0 $0x100000, s0  }
0x1b0: {  	[sflag:s0] =	ssyncadd.tile.s32 @!p0 $0x1;
	_ =	shalt  }
.Lfunc_end2:
_tile_overlayer_lowered:
.L_overlay_start_2:
0x1b1: {  	(tag) =	ssettag $0x2  }
0x1b2: {  	s0 =	rddreg [dreg:$0x0];
	s2 =	stileid.u32  }
0x1b3: {  	s1 =	rddreg [dreg:$0x1];
	p0 =	sne.s32 s2, $0x0  }
0x1b4: {  	s3 =	rddreg [dreg:$0x2];
	[bflag:$0x3] =	sbarrier.arrive $0xFFFF;
	s2 =	simm.s32 @!p0 $0x1C11  }
0x1b5: {  	[timem:s3], [sflag:s2] =	dma.local @!p0 [hbm:s0], s1  }
0x1b6: {  	s0 =	simm.s32 @!p0 $0x11  }
0x1b7: {  	_ =	swait.ge @!p0 [sflag:s0], s1  }
0x1b8: {  	s1 =	ssub.s32 @!p0 $0x0, s1;
	[sflag:s0] =	ssyncset.done @!p0 $0x0  }
0x1b9: {  	[sflag:s0] =	ssyncadd.s32 @!p0 s1  }
0x1ba: {  	[bflag:$0x3] =	sbarrier.arrive $0xFFFF  }
0x1bb: {  	_ =	shalt  }

// kernel: kernel.9.cloned.1.call-start
scs
__scs_entry_jumppad:
0x0: {  	(pc) =	sbr.rel $0x88, $3  }
0x1: {  	(tag) =	ssettag $0x0;
	lr =	simm.s32 $0x1  }
0x2: {  	[smem:$0x3F9B] =	sst lr;
	_ =	strace $0xD0000000  }
0x3: {  	_ = 	snop  }
0x4: {  	_ = 	snop  }
0x5: {  	_ = 	snop  }
0x6: {  	_ = 	snop  }
0x7: {  	_ = 	snop  }
__scs_overlays_trampoline_lowered:
0x8: {  	[smem:$0x3FAA] =	sst s0  }
0x9: {  	[smem:$0x3FAB] =	sst s1  }
0xa: {  	[smem:$0x3FAC] =	sst s2  }
0xb: {  	[smem:$0x3FAD] =	sst s3  }
0xc: {  	[smem:$0x3FAE] =	sst s4  }
0xd: {  	[smem:$0x3FAF] =	sst s5  }
0xe: {  	[smem:$0x3FB0] =	sst s6  }
0xf: {  	[smem:$0x3FB1] =	sst s7  }
0x10: {  	[smem:$0x3FB2] =	sst s8  }
0x11: {  	[smem:$0x3FB3] =	sst s9;
	s0 =	simm.s32 @!p0 $0x0  }
0x12: {  	s1 =	sld [smem:$0x3F99];
	s0 =	simm.s32 @p0 $0x1  }
0x13: {  	[smem:$0x3FB4] =	sst s0;
	s0 =	simm.s32 @!p1 $0x0  }
0x14: {  	s2 =	sld [smem:$0x3F98];
	s0 =	simm.s32 @p1 $0x1  }
0x15: {  	[smem:$0x3FB5] =	sst s0;
	s0 =	simm.s32 @!p2 $0x0  }
0x16: {  	s3 =	sld [smem:$0x3FDB];
	s0 =	simm.s32 @p2 $0x1  }
0x17: {  	s4 =	simm.s32 $0x1BF5;
	[smem:$0x3FB7] =	sst s0  }
0x18: {  	s0 =	sld [smem:$0x3F9A];
	_ =	swait.ge [sflag:s4], $0x0  }
0x19: {  	s7 =	sld [smem:$0x3F9B]  }
0x1a: {  	s8 =	sadd.s32 $0xFFFFE003, lr  }
0x1b: {  	s9 =	sadd.s32 $0xFFFFFEF7, lr;
	s5 =	simm.s32 $0xFFFFFFFF;
	p2 =	slt.u32 s8, $0xFFFFF086  }
0x1c: {  	p1 =	slt.u32 s9, $0xF7A;
	s5 =	simm.s32 @!p2 $0x0  }
0x1d: {  	s5 =	simm.s32 @p1 $0x1;
	p0 =	seq.s32 s7, s2  }
0x1e: {  	s7 =	smul.u32 @!p0 $0xF7A, s2;
	p2 =	seq.s32 @!p0 s5, $0x0  }
0x1f: {  	s9 =	smul.u32 $0xF7A, s1;
	s8 =	simm.s32 @!p0 $0x1BF5;
	p2 =	por !p2, p0  }
0x20: {  	[sflag:s8] =	ssyncset.s32 @!p0 $0xFFFFF086;
	s6 =	sadd.s32 @!p0 s3, s7;
	s7 =	simm.s32 @!p0 $0x108  }
0x21: {  	s3 =	sadd.s32 s3, s9;
	s6 =	sadd.s32 @!p0 $0x88, s6;
	s7 =	simm.s32 @p2 $0x1082  }
0x22: {  	[simem:s7], [sflag:s8] =	dma.local @!p0 [hbm:s6], $0xF7A  }
0x23: {  	s9 =	sor.u32 $0xD0000000, s2;
	s6 =	simm.s32 $0x108;
	_ =	swait.ge @!p0 [sflag:s8], $0x0  }
0x24: {  	s3 =	sadd.s32 $0x88, s3;
	s6 =	simm.s32 @!p1 $0x1082;
	[sflag:s4] =	ssyncset.s32 $0xFFFFF086  }
0x25: {  	[simem:s6], [sflag:s4] =	dma.local [hbm:s3], $0xF7A  }
0x26: {  	[smem:$0x3F9B] =	sst s1;
	(tag) =	ssettag s2;
	_ =	strace s9  }
0x27: {  	s1 =	sld [smem:$0x3FAB]  }
0x28: {  	s2 =	sld [smem:$0x3FAC]  }
0x29: {  	s4 =	sld [smem:$0x3FAE]  }
0x2a: {  	p0 =	seq.s32 s5, $0x0;
	s5 =	sld [smem:$0x3FAF]  }
0x2b: {  	s6 =	sld [smem:$0x3FB0]  }
0x2c: {  	s7 =	sld [smem:$0x3FB1]  }
0x2d: {  	s3 =	simm.s32 $0x108;
	s8 =	sld [smem:$0x3FB2]  }
0x2e: {  	s3 =	simm.s32 @!p0 $0x1082;
	s9 =	sld [smem:$0x3FB3]  }
0x2f: {  	lr =	sadd.s32 s0, s3;
	s0 =	sld [smem:$0x3FAA]  }
0x30: {  	s3 =	sld [smem:$0x3FAD]  }
0x31: {  	[smem:$0x3FB6] =	sst s10  }
0x32: {  	s10 =	sld [smem:$0x3FB4];
	_ =	sdelay $0x3  }
0x33: {  	p0 =	seq.s32 s10, $0x1;
	s10 =	sld [smem:$0x3FB6];
	_ =	sdelay $0x3  }
0x34: {  	[smem:$0x3FB6] =	sst s10  }
0x35: {  	s10 =	sld [smem:$0x3FB5];
	_ =	sdelay $0x3  }
0x36: {  	p1 =	seq.s32 s10, $0x1;
	s10 =	sld [smem:$0x3FB6];
	_ =	sdelay $0x3  }
0x37: {  	[smem:$0x3FB6] =	sst s10  }
0x38: {  	s10 =	sld [smem:$0x3FB7]  }
0x39: {  	_ = 	snop;
	(pc) =	sbr.ind lr, $3  }
0x3a: {  	_ = 	snop  }
0x3b: {  	_ = 	snop  }
0x3c: {  	p2 =	seq.s32 s10, $0x1;
	s10 =	sld [smem:$0x3FB6]  }
0x3d: {  	_ =	shalt  }
0x3e: {  	_ =	shalt  }
0x3f: {  	_ =	shalt  }
0x40: {  	_ =	shalt  }
0x41: {  	_ =	shalt  }
0x42: {  	_ =	shalt  }
0x43: {  	_ =	shalt  }
0x44: {  	_ =	shalt  }
0x45: {  	_ =	shalt  }
0x46: {  	_ =	shalt  }
0x47: {  	_ =	shalt  }
0x48: {  	_ =	shalt  }
0x49: {  	_ =	shalt  }
0x4a: {  	_ =	shalt  }
0x4b: {  	_ =	shalt  }
0x4c: {  	_ =	shalt  }
0x4d: {  	_ =	shalt  }
0x4e: {  	_ =	shalt  }
0x4f: {  	_ =	shalt  }
0x50: {  	_ =	shalt  }
0x51: {  	_ =	shalt  }
0x52: {  	_ =	shalt  }
0x53: {  	_ =	shalt  }
0x54: {  	_ =	shalt  }
0x55: {  	_ =	shalt  }
0x56: {  	_ =	shalt  }
0x57: {  	_ =	shalt  }
0x58: {  	_ =	shalt  }
0x59: {  	_ =	shalt  }
0x5a: {  	_ =	shalt  }
0x5b: {  	_ =	shalt  }
0x5c: {  	_ =	shalt  }
0x5d: {  	_ =	shalt  }
0x5e: {  	_ =	shalt  }
0x5f: {  	_ =	shalt  }
0x60: {  	_ =	shalt  }
0x61: {  	_ =	shalt  }
0x62: {  	_ =	shalt  }
0x63: {  	_ =	shalt  }
0x64: {  	_ =	shalt  }
0x65: {  	_ =	shalt  }
0x66: {  	_ =	shalt  }
0x67: {  	_ =	shalt  }
0x68: {  	_ =	shalt  }
0x69: {  	_ =	shalt  }
0x6a: {  	_ =	shalt  }
0x6b: {  	_ =	shalt  }
0x6c: {  	_ =	shalt  }
0x6d: {  	_ =	shalt  }
0x6e: {  	_ =	shalt  }
0x6f: {  	_ =	shalt  }
0x70: {  	_ =	shalt  }
0x71: {  	_ =	shalt  }
0x72: {  	_ =	shalt  }
0x73: {  	_ =	shalt  }
0x74: {  	_ =	shalt  }
0x75: {  	_ =	shalt  }
0x76: {  	_ =	shalt  }
0x77: {  	_ =	shalt  }
0x78: {  	_ =	shalt  }
0x79: {  	_ =	shalt  }
0x7a: {  	_ =	shalt  }
0x7b: {  	_ =	shalt  }
0x7c: {  	_ =	shalt  }
0x7d: {  	_ =	shalt  }
0x7e: {  	_ =	shalt  }
0x7f: {  	_ =	shalt  }
0x80: {  	_ =	shalt  }
0x81: {  	_ =	shalt  }
0x82: {  	_ =	shalt  }
0x83: {  	_ =	shalt  }
0x84: {  	_ =	shalt  }
0x85: {  	_ =	shalt  }
0x86: {  	_ =	shalt  }
0x87: {  	_ =	shalt  }
.Lfunc_end0:
.L_simem_size_0:
called_computation_lowered:
.L_overlay_start_0:
0x88: {  	s2 =	sld [smem:$0x3FD9]  }
0x89: {  	s3 =	sld [smem:$0x3FFE];
	_ =	sdelay $0x1  }
0x8a: {  	s1 =	srdreg.scid  }
0x8b: {  	s0 =	sand.u32 $0x1, s1  }
0x8c: {  	s16 =	sshll.u32 s0, $0xA;
	s2 =	sadd.s32 s3, s2  }
0x8d: {  	s2 =	sadd.s32 s2, s16  }
0x8e: {  	[smem:$0x3FC2] =	sst s2  }
0x8f: {  	_ = 	snop  }
0x90: {  	(tm) =	ssettm $0x1  }
0x91: {  	s17 =	sld [smem:$0x3FFB];
	_ =	sdelay $0x3  }
0x92: {  	_ =	strace s17  }
0x93: {  	s2 =	sld [smem:$0x3FFC];
	_ =	sdelay $0x3  }
0x94: {  	_ =	strace s2  }
0x95: {  	s2 =	sld [smem:$0x3FFD];
	_ =	sdelay $0x3  }
0x96: {  	_ =	strace s2  }
0x97: {  	_ =	strace $0x8FFFFFFF  }
0x98: {  	s18 =	sld [smem:$0x3FDB];
	_ =	sdelay $0x1  }
0x99: {  	s19 =	simm.s32 $_scs_section_size  }
0x9a: {  	s4 =	simm.s32 $_size__tile_overlayer_lowered;
	s5 =	simm.s32 $_tile_overlayer_lowered  }
0x9b: {  	s22 =	simm.s32 $0x1BFF;
	s21 =	sshll.u32 s5, $0x1;
	s2 =	sadd.s32 s19, s18  }
0x9c: {  	s6 =	simm.s32 $0x0;
	s20 =	sshll.u32 s4, $0x1;
	s4 =	sadd.s32 s21, s2  }
0x9d: {  	[timem:s6], [sflag:s22] =	dma.local [hbm:s4], s20  }
0x9e: {  	_ =	swait.ge [sflag:s22], s20  }
0x9f: {  	s3 =	ssub.s32 $0x0, s20;
	[sflag:s22] =	ssyncset.done $0x0  }
0xa0: {  	[sflag:s22] =	ssyncadd.s32 s3;
	_ =	sdelay $0x1  }
0xa1: {  	s23 =	simm.s32 $0x1B8B  }
0xa2: {  	_ =	swait.ge [sflag:s23], $0x1  }
0xa3: {  	[sflag:s23] =	ssyncset.done $0x0  }
0xa4: {  	s25 =	simm.s32 $0x1B8E;
	s24 =	sld [smem:$0x3FFE];
	[sflag:s23] =	ssyncadd.s32 $0xFFFFFFFF  }
0xa5: {  	s26 =	simm.s32 $execute0_lowered;
	[smem:$0x3FD2] =	sst s25  }
0xa6: {  	s4 =	sshll.u32 s26, $0x1;
	_ =	strace $0x80000046;
	[dreg:$0x1] =	wrdreg $0xFFFFFFFF  }
0xa7: {  	s28 =	simm.s32 $_size_execute0_lowered;
	s2 =	sadd.s32 s2, s4;
	[dreg:$0x0] =	wrdreg $0x0  }
0xa8: {  	s4 =	sshll.u32 s28, $0x1;
	[dreg:$0x2] =	wrdreg s2  }
0xa9: {  	[dreg:$0x3] =	wrdreg s4  }
0xaa: {  	[dreg:$0x4] =	wrdreg $0xC0  }
0xab: {  	_ =	task [dreg:s6], $0x5FFFF  }
0xac: {  	[dreg:$0x1] =	wrdreg $0xFFFFFFFF  }
0xad: {  	[dreg:$0x0] =	wrdreg $0x60  }
0xae: {  	[dreg:$0x2] =	wrdreg s24  }
0xaf: {  	[dreg:$0x3] =	wrdreg $0x57800  }
0xb0: {  	[dreg:$0x4] =	wrdreg $0x9  }
0xb1: {  	_ =	task.clear_ibuf [dreg:s6], $0x5FFFF;
	_ =	strace $0x90000046  }
0xb2: {  	s29 =	simm.s32 $0x9;
	_ =	strace $0x80000048  }
0xb3: {  	_ =	swait.ge [sflag:s29], $0x1  }
0xb4: {  	[sflag:s29] =	ssyncadd.s32 $0xFFFFFFFF  }
0xb5: {  	_ =	strace $0x90000048  }
0xb6: {  	_ =	sfence  }
0xb7: {  	s30 =	sld [smem:$0x0];
	_ =	sdelay $0x2  }
0xb8: {  	s31 =	sshll.u32 s1, $0xD;
	s1 =	sshrl.u32 s1, $0x2  }
0xb9: {  	s3 =	sand.u32 $0x4000, s31;
	s1 =	sadd.s32 s1, s30  }
0xba: {  	s0 =	sor.u32 s3, s0;
	s1 =	sshll.u32 s1, $0x11  }
0xbb: {  	s0 =	sor.u32 s1, s0  }
0xbc: {  	s0 =	sadd.s32 $0x8F2B, s0  }
0xbd: {  	[sflag:s0] =	ssyncadd.remote.s32 $0x1  }
0xbe: {  	_ =	sfence.sel $0xFFFF  }
0xbf: {  	[dreg:$0x0] =	wrdreg $0xFFFFFFFF;
	(pc) =	sbr.abs _section_cstart, $3  }
0xc0: {  	[dreg:$0x1] =	wrdreg $0xFFFFFFFF  }
0xc1: {  	_ =	task.clear_ibuf [dreg:s6], $0x2FFFF;
	_ =	strace $0x9FFFFFFF  }
0xc2: {  	(tm) =	ssettm $0x7FFFFFFF  }
0xc3: {  	_ =	shalt  }
tec
execute0_lowered:
.L_overlay_start_1:
0x0: {  	(tag) =	ssettag $0x1  }
0x1: {  	s4 =	rddreg [dreg:$0x0]  }
0x2: {  	s2 =	rddreg [dreg:$0x1];
	s1 =	stileid.u32  }
0x3: {  	s0 =	rddreg [dreg:$0x2];
	s3 =	simm.s32 $0x0;
	s25 =	smul.u32 $0x4F0, s1  }
0x4: {  	s5 =	srdreg.scid;
	s14 =	simm.s32 $0x1;
	s9 =	smul.u32 $0x2700, s1  }
0x5: {  	[smem:$0x7FF] =	sst s3;
	s10 =	sand.u32 $0x1, s5;
	s11 =	smul.u32 $0x9E00, s1  }
0x6: {  	s7 =	sadd.s32 $0x2600, s4;
	s31 =	smul.u32 $0x2780, s1;
	p1 =	slt.u32 s1, $0x4  }
0x7: {  	p2 =	sgt.u32 s1, $0x3;
	_ =	strace $0x80000047;
	s8 =	ssub.s32 $0x2, s10  }
0x8: {  	s6 =	smul.u32 $0x4F00, s10;
	p0 =	seq.s32 s10, $0x1;
	s26 =	sshrl.u32 s8, $0x1  }
0x9: {  	s28 =	sshrl.u32 s9, $0x3;
	s29 =	sshrl.u32 s11, $0x2;
	p1 =	por !p1, !p0  }
0xa: {  	p2 =	por !p2, !p0;
	s11 =	simm.s32 $0x2;
	s5 =	sadd.s32 s25, s6  }
0xb: {  	s13 =	ssub.s32 s8, s26;
	s30 =	sadd.s32 s7, s28;
	s6 =	sshrl.u32 s31, $0x3  }
.Ltmp0:
0xc: {  	p0 =	por !p1, !p1;
	p1 =	por !p2, !p2;
	(pc) =	sbr.rel .LBB2_1-.Ltmp0, $4  }
0xd: {  	p2 =	sne.s32 s10, $0x0;
	s10 =	simm.s32 $0x3000;
	s12 =	sadd.s32 s5, s4  }
0xe: {  	s4 =	sadd.s32 s29, s2;
	s5 =	sadd.s32 $0x9C40, s30;
	s6 =	sadd.s32 s7, s6  }
0xf: {  	s7 =	sadd.s32 $0xEA80, s30;
	s9 =	smax.u32 s13, $0x1;
	s13 =	simm.s32 $0x2800  }
0x10: {  	v0 =	vimm.f32 $0.0e+00;
	v1 =	vimm.f32 $1.000000000e+00;
	s6 =	sadd.s32 $0xEA40, s6;
	s8 =	sadd.s32 $0x16000, s12;
	s12 =	simm.s32 $0x80  }
.LBB2_22:
0x11: {  	[sflag:s14] =	ssyncadd.s32 $0xFFFFF800  }
.LBB2_23:
0x12: {  	s3 =	sadd.s32 $0x1, s3  }
0x13: {  	s15 =	sshll.u32 s1, $0x6;
	[bflag:$0x0] =	sbarrier.arrive $0xFFFF;
	p3 =	sne.s32 s3, s9  }
.Ltmp1:
0x14: {  	s16 =	sshrl.u32 s4, $0x3;
	s15 =	sor.u32 $0x1C02, s15;
	(pc) =	sbr.rel @!p3 .LBB2_24-.Ltmp1, $4  }
0x15: {  	[hbm:s8], [sflag:s15] =	dma.local [spmem:s16], $0x4F0  }
0x16: {  	_ =	swait.ge [sflag:s11], $0x4F0  }
0x17: {  	[sflag:s11] =	ssyncset.done $0x0  }
0x18: {  	[sflag:s11] =	ssyncadd.s32 $0xFFFFFB10  }
.LBB2_1:
0x19: {  	s15 =	simm.s32 $0x0  }
.LBB2_2:
0x1a: {  	p3 =	sne.s32 s15, $0x9DC0  }
.Ltmp2:
0x1b: {  	_ = 	snop;
	(pc) =	sbr.rel @p3 .LBB2_2-.Ltmp2, $3  }
0x1c: {  	_ =	sdelay $0x1  }
0x1d: {  	s16 =	sshra.s32 s15, $0x2  }
0x1e: {  	s15 =	sadd.s32 $0x40, s15;
	[tilespmem:s16+$0x3000] =	vst v0  }
0x1f: {  	s15 =	simm.s32 $0x40;
	s16 =	simm.s32 $0x0  }
.LBB2_4:
0x20: {  	p3 =	sne.s32 s15, $0x1FC0;
	[tilespmem:s16+$0x2800] =	vst v1;
	s16 =	smov.u32 s15;
	s15 =	sadd.s32 $0x40, s15  }
.Ltmp3:
0x21: {  	(pc) =	sbr.rel @p3 .LBB2_4-.Ltmp3, $2  }
0x22: {  	_ =	sdelay $0x2  }
0x23: {  	s16 =	sshra.s32 s16, $0x2  }
0x24: {  	[tilespmem:s16+$0x2800] =	vst v1  }
0x25: {  	[spmem:s4] =	stream.linear.scatter [tilespmem:s10], [sflag:$0x2], $0x2780, $0x38;
	[tilespmem:$0x7F00] =	vst v63  }
.Ltmp4:
0x26: {  	_ =	swait.ge [sflag:s11], $0x2780;
	(pc) =	sbr.rel @p2 .LBB2_11-.Ltmp4, $3  }
0x27: {  	[sflag:s11] =	ssyncset.done $0x0  }
0x28: {  	[sflag:s11] =	ssyncadd.s32 $0xFFFFD880  }
0x29: {  	[bflag:$0x0] =	sbarrier.arrive $0xFFFF;
	_ =	sdelay $0x1  }
0x2a: {  	s15 =	simm.s32 $0x0  }
0x2b: {  	[tilespmem:s15], [sflag:$0x2] =	stream.linear.gather [hbm4b:s5+s15], $0x2700, $0x38;
	[tilespmem:$0x7F00] =	vst v63  }
0x2c: {  	_ =	swait.ge [sflag:s11], $0x2700  }
0x2d: {  	[sflag:s11] =	ssyncset.done $0x0  }
0x2e: {  	[sflag:s11] =	ssyncadd.s32 $0xFFFFD900  }
.LBB2_7:
0x2f: {  	p3 =	sne.s32 s15, $0x9A00  }
.Ltmp5:
0x30: {  	_ = 	snop;
	(pc) =	sbr.rel @p3 .LBB2_7-.Ltmp5, $3  }
0x31: {  	_ =	sdelay $0x1  }
0x32: {  	s16 =	sshra.s32 s15, $0x2;
	s15 =	sadd.s32 $0x200, s15  }
0x33: {  	[spmem:s2] =	stream.indirect.scatter.add.f32 [tilespmem:s13], [sflag:$0x1], $0x10, s16, s12, $0xb8;
	[tilespmem:$0x7F00] =	vst v63  }
0x34: {  	_ =	swait.ge [sflag:s14], $0x800  }
0x35: {  	s15 =	simm.s32 $0x4D;
	[sflag:s14] =	ssyncset.done $0x0  }
.LBB2_9:
0x36: {  	p3 =	sne.s32 s15, $0x1;
	s15 =	sadd.s32 $0xFFFFFFFF, s15;
	[sflag:s14] =	ssyncadd.s32 $0xFFFFF800  }
.Ltmp6:
0x37: {  	(pc) =	sbr.rel @p3 .LBB2_9-.Ltmp6, $3  }
0x38: {  	_ =	sdelay $0x1  }
0x39: {  	_ =	swait.ge [sflag:s14], $0x800  }
0x3a: {  	[sflag:s14] =	ssyncset.done $0x0  }
0x3b: {  	[sflag:s14] =	ssyncadd.s32 $0xFFFFF800  }
.LBB2_11:
.Ltmp7:
0x3c: {  	(pc) =	sbr.rel @!p0 .LBB2_17-.Ltmp7, $1  }
0x3d: {  	_ =	sdelay $0x3  }
0x3e: {  	s15 =	simm.s32 $0x0  }
0x3f: {  	[tilespmem:s15], [sflag:$0x2] =	stream.linear.gather [hbm4b:s6+s15], $0x2780, $0x38;
	[tilespmem:$0x7F00] =	vst v63  }
0x40: {  	_ =	swait.ge [sflag:s11], $0x2780  }
0x41: {  	[sflag:s11] =	ssyncset.done $0x0  }
0x42: {  	[sflag:s11] =	ssyncadd.s32 $0xFFFFD880  }
.LBB2_13:
0x43: {  	p3 =	sne.s32 s15, $0x9C00  }
.Ltmp8:
0x44: {  	_ = 	snop;
	(pc) =	sbr.rel @p3 .LBB2_13-.Ltmp8, $3  }
0x45: {  	_ =	sdelay $0x1  }
0x46: {  	s16 =	sshra.s32 s15, $0x2;
	s15 =	sadd.s32 $0x200, s15  }
0x47: {  	[spmem:s2] =	stream.indirect.scatter.add.f32 [tilespmem:s13], [sflag:$0x1], $0x10, s16, s12, $0xb8;
	[tilespmem:$0x7F00] =	vst v63  }
0x48: {  	_ =	swait.ge [sflag:s14], $0x800  }
0x49: {  	s15 =	simm.s32 $0x4E;
	[sflag:s14] =	ssyncset.done $0x0  }
.LBB2_15:
0x4a: {  	p3 =	sne.s32 s15, $0x1;
	s15 =	sadd.s32 $0xFFFFFFFF, s15;
	[sflag:s14] =	ssyncadd.s32 $0xFFFFF800  }
.Ltmp9:
0x4b: {  	(pc) =	sbr.rel @p3 .LBB2_15-.Ltmp9, $3  }
0x4c: {  	_ =	sdelay $0x1  }
0x4d: {  	_ =	swait.ge [sflag:s14], $0x800  }
0x4e: {  	[sflag:s14] =	ssyncset.done $0x0  }
0x4f: {  	[sflag:s14] =	ssyncadd.s32 $0xFFFFF800  }
.LBB2_17:
.Ltmp10:
0x50: {  	(pc) =	sbr.rel @!p1 .LBB2_23-.Ltmp10, $1  }
0x51: {  	_ =	sdelay $0x3  }
0x52: {  	s15 =	simm.s32 $0x0  }
0x53: {  	[tilespmem:s15], [sflag:$0x2] =	stream.linear.gather [hbm4b:s7+s15], $0x2700, $0x38;
	[tilespmem:$0x7F00] =	vst v63  }
0x54: {  	_ =	swait.ge [sflag:s11], $0x2700  }
0x55: {  	[sflag:s11] =	ssyncset.done $0x0  }
0x56: {  	[sflag:s11] =	ssyncadd.s32 $0xFFFFD900  }
.LBB2_19:
0x57: {  	p3 =	sne.s32 s15, $0x9A00  }
.Ltmp11:
0x58: {  	_ = 	snop;
	(pc) =	sbr.rel @p3 .LBB2_19-.Ltmp11, $3  }
0x59: {  	_ =	sdelay $0x1  }
0x5a: {  	s16 =	sshra.s32 s15, $0x2;
	s15 =	sadd.s32 $0x200, s15  }
0x5b: {  	[spmem:s2] =	stream.indirect.scatter.add.f32 [tilespmem:s13], [sflag:$0x1], $0x10, s16, s12, $0xb8;
	[tilespmem:$0x7F00] =	vst v63  }
0x5c: {  	_ =	swait.ge [sflag:s14], $0x800  }
0x5d: {  	s15 =	simm.s32 $0x4D;
	[sflag:s14] =	ssyncset.done $0x0  }
.LBB2_21:
0x5e: {  	p3 =	sne.s32 s15, $0x1;
	s15 =	sadd.s32 $0xFFFFFFFF, s15;
	[sflag:s14] =	ssyncadd.s32 $0xFFFFF800  }
.Ltmp12:
0x5f: {  	(pc) =	sbr.rel @p3 .LBB2_21-.Ltmp12, $3  }
0x60: {  	_ =	sdelay $0x1  }
0x61: {  	_ =	swait.ge [sflag:s14], $0x800  }
0x62: {  	[sflag:s14] =	ssyncset.done $0x0  }
.Ltmp13:
0x63: {  	_ = 	snop;
	(pc) =	sbr.rel .LBB2_22-.Ltmp13, $1  }
0x64: {  	_ =	sdelay $0x3  }
.LBB2_24:
0x65: {  	_ =	sfence.sel $0x180000  }
0x66: {  	[bflag:$0x0] =	sbarrier.arrive $0xFFFF  }
0x67: {  	p0 =	sne.s32 s1, $0x0;
	_ =	strace $0x90000047  }
0x68: {  	s0 =	sadd.s32 @!p0 $0x100000, s0;
	[bflag:$0x2] =	sbarrier.arrive $0xFFFF  }
0x69: {  	[sflag:s0] =	ssyncadd.tile.s32 @!p0 $0x1;
	_ =	shalt  }
.Lfunc_end2:
_tile_overlayer_lowered:
.L_overlay_start_2:
0x6a: {  	(tag) =	ssettag $0x2  }
0x6b: {  	s0 =	rddreg [dreg:$0x0];
	s2 =	stileid.u32  }
0x6c: {  	s1 =	rddreg [dreg:$0x1];
	p0 =	sne.s32 s2, $0x0  }
0x6d: {  	s3 =	rddreg [dreg:$0x2];
	[bflag:$0x3] =	sbarrier.arrive $0xFFFF;
	s2 =	simm.s32 @!p0 $0x1C02  }
0x6e: {  	[timem:s3], [sflag:s2] =	dma.local @!p0 [hbm:s0], s1  }
0x6f: {  	s0 =	simm.s32 @!p0 $0x2  }
0x70: {  	_ =	swait.ge @!p0 [sflag:s0], s1  }
0x71: {  	s1 =	ssub.s32 @!p0 $0x0, s1;
	[sflag:s0] =	ssyncset.done @!p0 $0x0  }
0x72: {  	[sflag:s0] =	ssyncadd.s32 @!p0 s1  }
0x73: {  	[bflag:$0x3] =	sbarrier.arrive $0xFFFF  }
0x74: {  	_ =	shalt  }

</sc_bundles>
